<compile_context>
chip_gen: v7x
topology: tpu7x:2x2x1
jax: 0.10.2.dev20260603
libtpu: 0.0.44.dev20260713+nightly
codegen_flags: <defaults>
</compile_context>

<pallas_src>
import functools

import jax
import jax.numpy as jnp
from jax import lax
from jax.experimental import pallas as pl
from jax.experimental.pallas import tpu as pltpu
from jax.experimental.pallas import tpu_sc as plsc

T = 2048
E = 8
H = 2048
I = 4096
K = 2
B = 576
NT = 14
NSLOT = NT * B
BI = 512
NI = I // BI

NWORK = 32
PAIRS_PER_W = (K * T) // NWORK
CHUNK = 16
NCHUNK = PAIRS_PER_W // CHUNK
TOK_PER_W = T // NWORK


def _route_body(logits_ref, slot_ref, w_ref, te_ref):
    lg = logits_ref[...]
    ids = lax.broadcasted_iota(jnp.int32, (T, E), 1)
    m1 = jnp.max(lg, axis=1, keepdims=True)
    id1 = jnp.min(jnp.where(lg == m1, ids, E), axis=1)
    masked = jnp.where(ids == id1[:, None], -jnp.inf, lg)
    m2 = jnp.max(masked, axis=1, keepdims=True)
    id2 = jnp.min(jnp.where(masked == m2, ids, E), axis=1)
    d = m1[:, 0] - m2[:, 0]
    w1 = 1.0 / (1.0 + jnp.exp(-d))
    w2 = 1.0 / (1.0 + jnp.exp(d))
    w_ref[...] = jnp.stack([w1, w2], axis=0)

    e1 = (ids == id1[:, None]).astype(jnp.float32)
    e2 = (ids == id2[:, None]).astype(jnp.float32)
    ecat = jnp.concatenate([e1, e2], axis=0)
    csum = ecat
    sh = 1
    while sh < K * T:
        csum = csum + jnp.concatenate(
            [jnp.zeros((sh, E), jnp.float32), csum[: K * T - sh]], axis=0)
        sh *= 2
    counts = csum[K * T - 1 : K * T, :]
    ntiles = jnp.ceil(counts * (1.0 / B))
    tcum = ntiles
    for sh in (1, 2, 4):
        tcum = tcum + jnp.concatenate(
            [jnp.zeros((1, sh), jnp.float32), tcum[:, : E - sh]], axis=1)
    tstart = tcum - ntiles
    segstart = tstart * B
    slotf = jnp.sum(ecat * (segstart + csum - 1.0), axis=1)
    slot_ref[...] = slotf.reshape(K, T).astype(jnp.int32)

    tl = lax.broadcasted_iota(jnp.int32, (1, 128), 1).astype(jnp.float32)
    te = -jnp.ones((1, 128), jnp.float32)
    for e in range(E):
        te = te + (tl >= tstart[0, e]).astype(jnp.float32)
    te = jnp.clip(te, 0.0, E - 1)
    total = tcum[0, E - 1]
    e_last = jnp.sum(jnp.where(tl == total - 1.0, te, 0.0))
    phant = (tl >= total).astype(jnp.float32)
    te = jnp.where(phant > 0.0, e_last, te)
    tmap = jnp.minimum(tl, total - 1.0)
    te_ref[...] = jnp.concatenate([te, phant, tmap], axis=0).astype(jnp.int32)


_route = pl.pallas_call(
    _route_body,
    out_shape=(
        jax.ShapeDtypeStruct((K, T), jnp.int32),
        jax.ShapeDtypeStruct((K, T), jnp.float32),
        jax.ShapeDtypeStruct((3, 128), jnp.int32),
    ),
)


def _dispatch_body(x_hbm, slot_hbm, xs_hbm, idx2d, r0, r1,
                   sl0, sl1, ss0, ss1):
    wid = lax.axis_index("s") * 2 + lax.axis_index("c")
    base = wid * PAIRS_PER_W
    khalf = base // T
    t0 = base - khalf * T
    pltpu.sync_copy(slot_hbm.at[pl.ds(wid * NCHUNK, NCHUNK)], idx2d)

    rows = (r0, r1)
    lsem = (sl0, sl1)
    ssem = (ss0, ss1)
    pend = [None, None]
    for c in range(NCHUNK):
        b = c & 1
        if pend[b] is not None:
            pend[b].wait()
        ld = pltpu.async_copy(
            x_hbm.at[pl.ds(t0 + c * CHUNK, CHUNK)], rows[b], lsem[b])
        ld.wait()
        pend[b] = pltpu.async_copy(rows[b], xs_hbm.at[idx2d.at[c]], ssem[b])
    for b in (0, 1):
        if pend[b] is not None:
            pend[b].wait()


def _ffn_body(te_ref, xs_ref, wg_ref, wu_ref, w2_ref, ys_ref):
    t = pl.program_id(0)
    i = pl.program_id(1)

    @pl.when(te_ref[1, t] == 0)
    def _():
        x = xs_ref[...].astype(jnp.bfloat16)
        dn = (((1,), (1,)), ((), ()))
        g = lax.dot_general(x, wg_ref[0].astype(jnp.bfloat16), dn,
                            preferred_element_type=jnp.float32)
        u = lax.dot_general(x, wu_ref[0].astype(jnp.bfloat16), dn,
                            preferred_element_type=jnp.float32)
        h = (g * lax.logistic(g) * u).astype(jnp.bfloat16)
        o = lax.dot_general(h, w2_ref[0].astype(jnp.bfloat16), dn,
                            preferred_element_type=jnp.float32)

        @pl.when(i == 0)
        def _():
            ys_ref[...] = o

        @pl.when(i > 0)
        def _():
            ys_ref[...] += o


def _wi(i, te, t):
    return jnp.where(te[1, t] == 1, NI - 1, i)


_ffn = pl.pallas_call(
    _ffn_body,
    grid_spec=pltpu.PrefetchScalarGridSpec(
        num_scalar_prefetch=1,
        grid=(NT, NI),
        in_specs=[
            pl.BlockSpec((B, H), lambda t, i, te: (te[2, t], 0)),
            pl.BlockSpec((1, BI, H), lambda t, i, te: (te[0, t], _wi(i, te, t), 0)),
            pl.BlockSpec((1, BI, H), lambda t, i, te: (te[0, t], _wi(i, te, t) + NI, 0)),
            pl.BlockSpec((1, H, BI), lambda t, i, te: (te[0, t], 0, _wi(i, te, t))),
        ],
        out_specs=pl.BlockSpec((B, H), lambda t, i, te: (te[2, t], 0)),
    ),
    out_shape=jax.ShapeDtypeStruct((NSLOT, H), jnp.float32),
    compiler_params=pltpu.CompilerParams(
        dimension_semantics=("arbitrary", "arbitrary"),
        vmem_limit_bytes=128 * 1024 * 1024,
    ),
)


CC = 8
NCC = TOK_PER_W // CC


def _combine_body(ys_hbm, slot_hbm, w_hbm, out_hbm,
                  idx1, idx2, wv, b1a, b1b, b2a, b2b,
                  g1a, g1b, g2a, g2b, so0, so1):
    wid = lax.axis_index("s") * 2 + lax.axis_index("c")
    t0 = wid * TOK_PER_W
    pltpu.sync_copy(slot_hbm.at[0, pl.ds(wid * NCC, NCC)], idx1)
    pltpu.sync_copy(slot_hbm.at[1, pl.ds(wid * NCC, NCC)], idx2)
    pltpu.sync_copy(w_hbm.at[:, pl.ds(wid * (TOK_PER_W // 16), 4)], wv)

    b1 = (b1a, b1b)
    b2 = (b2a, b2b)
    g1s = (g1a, g1b)
    g2s = (g2a, g2b)
    osem = (so0, so1)

    def gather(c, b):
        return (pltpu.async_copy(ys_hbm.at[idx1.at[c]], b1[b], g1s[b]),
                pltpu.async_copy(ys_hbm.at[idx2.at[c]], b2[b], g2s[b]))

    pend_out = [None, None]
    g = [gather(0, 0), None]
    for c in range(NCC):
        b = c & 1
        nb = (c + 1) & 1
        if c + 1 < NCC:
            if pend_out[nb] is not None:
                pend_out[nb].wait()
                pend_out[nb] = None
            g[nb] = gather(c + 1, nb)
        g[b][0].wait()
        g[b][1].wait()
        w1x = wv[0, (c * CC) // 16, pl.ds(0, 16)]
        w2x = wv[1, (c * CC) // 16, pl.ds(0, 16)]
        roff = (c * CC) % 16

        def col(v, inner):
            for r in range(CC):
                a = b1[b][r, pl.ds(v * 16, 16)]
                d = b2[b][r, pl.ds(v * 16, 16)]
                b1[b][r, pl.ds(v * 16, 16)] = (
                    w1x[roff + r] * a + w2x[roff + r] * d)
            return inner

        lax.fori_loop(0, H // 16, col, 0)
        pend_out[b] = pltpu.async_copy(
            b1[b], out_hbm.at[pl.ds(t0 + c * CC, CC)], osem[b])
    for b in (0, 1):
        if pend_out[b] is not None:
            pend_out[b].wait()


@functools.lru_cache(maxsize=1)
def _sc_kernels():
    mesh = plsc.VectorSubcoreMesh(core_axis_name="c", subcore_axis_name="s")
    dispatch = pl.kernel(
        _dispatch_body,
        mesh=mesh,
        out_type=jax.ShapeDtypeStruct((NSLOT, H), jnp.float32),
        scratch_types=[
            pltpu.VMEM((NCHUNK, CHUNK), jnp.int32),
            pltpu.VMEM((CHUNK, H), jnp.float32),
            pltpu.VMEM((CHUNK, H), jnp.float32),
            pltpu.SemaphoreType.DMA,
            pltpu.SemaphoreType.DMA,
            pltpu.SemaphoreType.DMA,
            pltpu.SemaphoreType.DMA,
        ],
    )
    combine = pl.kernel(
        _combine_body,
        mesh=mesh,
        out_type=jax.ShapeDtypeStruct((T, H), jnp.float32),
        scratch_types=[
            pltpu.VMEM((NCC, CC), jnp.int32),
            pltpu.VMEM((NCC, CC), jnp.int32),
            pltpu.VMEM((2, TOK_PER_W // 16, 16), jnp.float32),
            pltpu.VMEM((CC, H), jnp.float32),
            pltpu.VMEM((CC, H), jnp.float32),
            pltpu.VMEM((CC, H), jnp.float32),
            pltpu.VMEM((CC, H), jnp.float32),
            pltpu.SemaphoreType.DMA,
            pltpu.SemaphoreType.DMA,
            pltpu.SemaphoreType.DMA,
            pltpu.SemaphoreType.DMA,
            pltpu.SemaphoreType.DMA,
            pltpu.SemaphoreType.DMA,
        ],
    )
    return dispatch, combine


def kernel(hidden_states, router_logits, w13_weight, w2_weight):
    dispatch, combine = _sc_kernels()
    slot, w, te = _route(router_logits)
    xs = dispatch(hidden_states, slot.reshape(K * T // CHUNK, CHUNK))
    ys = _ffn(te, xs, w13_weight, w13_weight, w2_weight)
    return combine(ys, slot.reshape(K, T // CC, CC),
                   w.reshape(K, T // 16, 16))

# --- scband reference (transcript-rebuilt; emitter-appended) ---
"""Pipeline reference for scband-fused-mo-e-88141318848692 (READ-ONLY COPY).

The authoritative reference and input builder live on the scoring server;
editing this copy changes nothing except your own understanding.
"""

import jax, jax.numpy as jnp
import numpy as np

NUM_EXPERTS = 8
TOP_K = 2
HIDDEN = 2048
INTER = 4096
TOKENS = 2048


def setup_inputs(seed: int = 0) -> dict:
    key = jax.random.key(seed)
    k1, k2, k3, k4 = jax.random.split(key, 4)
    x = jax.random.normal(k1, (TOKENS, HIDDEN), dtype=jnp.float32)
    router_logits = jax.random.normal(k2, (TOKENS, NUM_EXPERTS), dtype=jnp.float32)
    w13_weight = jax.random.normal(k3, (NUM_EXPERTS, 2 * INTER, HIDDEN), dtype=jnp.float32) * (1.0 / np.sqrt(HIDDEN))
    w2_weight = jax.random.normal(k4, (NUM_EXPERTS, HIDDEN, INTER), dtype=jnp.float32) * (1.0 / np.sqrt(INTER))
    return {"hidden_states": x, "router_logits": router_logits, "w13_weight": w13_weight, "w2_weight": w2_weight}


def reference(hidden_states, router_logits, w13_weight, w2_weight):
    # select_experts: softmax -> top_k -> renormalize (use_grouped_topk=False path)
    x = hidden_states
    probs = jax.nn.softmax(router_logits.astype(jnp.float32), axis=-1)
    topk_w, topk_ids = jax.lax.top_k(probs, TOP_K)
    topk_w = topk_w / jnp.sum(topk_w, axis=-1, keepdims=True)
    topk_w = topk_w.astype(x.dtype)
    out = jnp.zeros_like(x)
    # fused_experts: per-expert dense masked gate_up matmul -> silu*up -> down matmul -> weighted combine
    for e in range(NUM_EXPERTS):
        m = topk_ids == e  # [T, K]
        w_tok = jnp.where(m, topk_w, 0.0).sum(axis=-1)  # [T]
        gu = x @ w13_weight[e].T  # [T, 2*INTER]
        gate = gu[:, :INTER]
        up = gu[:, INTER:]
        h = jax.nn.silu(gate) * up
        oe = h @ w2_weight[e].T  # [T, HIDDEN]
        out = out + oe * w_tok[:, None]
    return out

if __name__ == "__main__":
    import jax
    _d = setup_inputs()
    print(jax.jit(kernel)(*tuple(_d.values())))

</pallas_src>

<mosaic_0001>
#map = affine_map<(d0, d1) -> (0, 0)>
module attributes {stable_mosaic.version = 14 : i64} {
  func.func @_dispatch_body(%arg0: i32, %arg1: i32, %arg2: memref<2048x2048xf32, #tpu.memory_space<hbm>>, %arg3: memref<256x16xi32, #tpu.memory_space<hbm>>, %arg4: memref<8064x2048xf32, #tpu.memory_space<hbm>>, %arg5: memref<8x16xi32, #tpu.memory_space<vmem>>, %arg6: memref<16x2048xf32, #tpu.memory_space<vmem>>, %arg7: memref<16x2048xf32, #tpu.memory_space<vmem>>, %arg8: memref<!tpu.dma_semaphore, #tpu.memory_space<semaphore_mem>>, %arg9: memref<!tpu.dma_semaphore, #tpu.memory_space<semaphore_mem>>, %arg10: memref<!tpu.dma_semaphore, #tpu.memory_space<semaphore_mem>>, %arg11: memref<!tpu.dma_semaphore, #tpu.memory_space<semaphore_mem>>) attributes {dimension_semantics = [#tpu.dimension_semantics<core_parallel>, #tpu.dimension_semantics<subcore_parallel>], iteration_bounds = array<i64: 2, 16>, scalar_prefetch = 0 : i64, scratch_operands = 7 : i64, tpu.core_type = #tpu.core_type<sc_vector_subcore>, window_params = [{transform_indices = #map}, {transform_indices = #map}, {transform_indices = #map}]} {
    %mul3A = arith.constant 2 : i32
    %mul3A_0 = arith.muli %arg1, %mul3A : i32
    %add3A = arith.addi %mul3A_0, %arg0 : i32
    %mul3A_1 = arith.constant 128 : i32
    %mul3A_2 = arith.muli %add3A, %mul3A_1 : i32
    %jit3A = arith.constant 2048 : i32
    %div3A = arith.divsi %mul3A_2, %jit3A : i32
    %sign3A = arith.constant 0 : i32
    %sign3A_3 = arith.cmpi sgt, %mul3A_2, %sign3A : i32
    %sign3A_4 = arith.extui %sign3A_3 : i1 to i32
    %sign3A_5 = arith.constant 0 : i32
    %sign3A_6 = arith.cmpi slt, %mul3A_2, %sign3A_5 : i32
    %sign3A_7 = arith.extui %sign3A_6 : i1 to i32
    %sign3A_8 = arith.subi %sign3A_4, %sign3A_7 : i32
    %sign3A_9 = arith.constant 0 : i32
    %sign3A_10 = arith.cmpi sgt, %jit3A, %sign3A_9 : i32
    %sign3A_11 = arith.extui %sign3A_10 : i1 to i32
    %sign3A_12 = arith.constant 0 : i32
    %sign3A_13 = arith.cmpi slt, %jit3A, %sign3A_12 : i32
    %sign3A_14 = arith.extui %sign3A_13 : i1 to i32
    %sign3A_15 = arith.subi %sign3A_11, %sign3A_14 : i32
    %ne3A = arith.cmpi ne, %sign3A_8, %sign3A_15 : i32
    %rem3A = arith.remsi %mul3A_2, %jit3A : i32
    %ne3A_16 = arith.constant 0 : i32
    %ne3A_17 = arith.cmpi ne, %rem3A, %ne3A_16 : i32
    %and3A = arith.andi %ne3A, %ne3A_17 : i1
    %sub3A = arith.constant 1 : i32
    %sub3A_18 = arith.subi %div3A, %sub3A : i32
    %select_n3A = arith.select %and3A, %sub3A_18, %div3A : i32
    %mul3A_19 = arith.constant 2048 : i32
    %mul3A_20 = arith.muli %select_n3A, %mul3A_19 : i32
    %sub3A_21 = arith.subi %mul3A_2, %mul3A_20 : i32
    %mul3A_22 = arith.constant 8 : i32
    %mul3A_23 = arith.muli %add3A, %mul3A_22 : i32
    "tpu.region"() ({
      %run_scoped3A = tpu.sem_alloc : memref<!tpu.dma_semaphore, #tpu.memory_space<semaphore_mem>>
      %dma_start3A_214 = arith.constant 0 : i32
      %dma_start3A_215 = tpu.memref_slice %arg3[%mul3A_23, %dma_start3A_214] : memref<256x16xi32, #tpu.memory_space<hbm>> -> memref<8x16xi32, #tpu.memory_space<hbm>>
      %dma_start3A_216 = arith.constant 0 : i32
      %dma_start3A_217 = tpu.memref_slice %arg3[%mul3A_23, %dma_start3A_216] : memref<256x16xi32, #tpu.memory_space<hbm>> -> memref<8x16xi32, #tpu.memory_space<hbm>>
      tpu.enqueue_dma source(%dma_start3A_217 : memref<8x16xi32, #tpu.memory_space<hbm>>) target(%arg5 : memref<8x16xi32, #tpu.memory_space<vmem>>) target_semaphore(%run_scoped3A : memref<!tpu.dma_semaphore, #tpu.memory_space<semaphore_mem>>)
      %dma_wait3A_218 = arith.constant 0 : i32
      %dma_wait3A_219 = tpu.memref_slice %arg3[%mul3A_23, %dma_wait3A_218] : memref<256x16xi32, #tpu.memory_space<hbm>> -> memref<8x16xi32, #tpu.memory_space<hbm>>
      %dma_wait3A_220 = arith.constant 0 : i32
      %dma_wait3A_221 = tpu.memref_slice %arg3[%mul3A_23, %dma_wait3A_220] : memref<256x16xi32, #tpu.memory_space<hbm>> -> memref<8x16xi32, #tpu.memory_space<hbm>>
      tpu.wait_dma2 semaphore(%run_scoped3A : memref<!tpu.dma_semaphore, #tpu.memory_space<semaphore_mem>>) src(%dma_wait3A_221 : memref<8x16xi32, #tpu.memory_space<hbm>>) dst(%arg5 : memref<8x16xi32, #tpu.memory_space<vmem>>)
      tpu.yield
    }) : () -> ()
    %add3A_24 = arith.constant 0 : i32
    %add3A_25 = arith.addi %sub3A_21, %add3A_24 : i32
    %dma_start3A = arith.constant 0 : i32
    %dma_start3A_26 = tpu.memref_slice %arg2[%add3A_25, %dma_start3A] : memref<2048x2048xf32, #tpu.memory_space<hbm>> -> memref<16x2048xf32, #tpu.memory_space<hbm>>
    %dma_start3A_27 = arith.constant 0 : i32
    %dma_start3A_28 = tpu.memref_slice %arg2[%add3A_25, %dma_start3A_27] : memref<2048x2048xf32, #tpu.memory_space<hbm>> -> memref<16x2048xf32, #tpu.memory_space<hbm>>
    tpu.enqueue_dma source(%dma_start3A_28 : memref<16x2048xf32, #tpu.memory_space<hbm>>) target(%arg6 : memref<16x2048xf32, #tpu.memory_space<vmem>>) target_semaphore(%arg8 : memref<!tpu.dma_semaphore, #tpu.memory_space<semaphore_mem>>)
    %dma_wait3A = arith.constant 0 : i32
    %dma_wait3A_29 = tpu.memref_slice %arg2[%add3A_25, %dma_wait3A] : memref<2048x2048xf32, #tpu.memory_space<hbm>> -> memref<16x2048xf32, #tpu.memory_space<hbm>>
    %dma_wait3A_30 = arith.constant 0 : i32
    %dma_wait3A_31 = tpu.memref_slice %arg2[%add3A_25, %dma_wait3A_30] : memref<2048x2048xf32, #tpu.memory_space<hbm>> -> memref<16x2048xf32, #tpu.memory_space<hbm>>
    tpu.wait_dma2 semaphore(%arg8 : memref<!tpu.dma_semaphore, #tpu.memory_space<semaphore_mem>>) src(%dma_wait3A_31 : memref<16x2048xf32, #tpu.memory_space<hbm>>) dst(%arg6 : memref<16x2048xf32, #tpu.memory_space<vmem>>)
    %dma_start3A_32 = arith.constant 0 : i32
    %dma_start3A_33 = arith.constant 0 : i32
    %dma_start3A_34 = tpu.memref_slice %arg5[%dma_start3A_32, %dma_start3A_33] : memref<8x16xi32, #tpu.memory_space<vmem>> -> memref<1x16xi32, #tpu.memory_space<vmem>>
    %dma_start3A_35 = tpu.memref_squeeze %dma_start3A_34 : memref<1x16xi32, #tpu.memory_space<vmem>> -> memref<16xi32, #tpu.memory_space<vmem>>
    %dma_start3A_36 = arith.constant 0 : i32
    %dma_start3A_37 = arith.constant 0 : i32
    %dma_start3A_38 = tpu.memref_slice %arg4[%dma_start3A_36, %dma_start3A_37] : memref<8064x2048xf32, #tpu.memory_space<hbm>> -> memref<8064x2048xf32, #tpu.memory_space<hbm>>
    tpu.enqueue_indirect_dma source(%arg6 : memref<16x2048xf32, #tpu.memory_space<vmem>>) target(%dma_start3A_38 : memref<8064x2048xf32, #tpu.memory_space<hbm>>) offsets(%dma_start3A_35 : memref<16xi32, #tpu.memory_space<vmem>>) semaphore(%arg10 : memref<!tpu.dma_semaphore, #tpu.memory_space<semaphore_mem>>)
    %add3A_39 = arith.constant 16 : i32
    %add3A_40 = arith.addi %sub3A_21, %add3A_39 : i32
    %dma_start3A_41 = arith.constant 0 : i32
    %dma_start3A_42 = tpu.memref_slice %arg2[%add3A_40, %dma_start3A_41] : memref<2048x2048xf32, #tpu.memory_space<hbm>> -> memref<16x2048xf32, #tpu.memory_space<hbm>>
    %dma_start3A_43 = arith.constant 0 : i32
    %dma_start3A_44 = tpu.memref_slice %arg2[%add3A_40, %dma_start3A_43] : memref<2048x2048xf32, #tpu.memory_space<hbm>> -> memref<16x2048xf32, #tpu.memory_space<hbm>>
    tpu.enqueue_dma source(%dma_start3A_44 : memref<16x2048xf32, #tpu.memory_space<hbm>>) target(%arg7 : memref<16x2048xf32, #tpu.memory_space<vmem>>) target_semaphore(%arg9 : memref<!tpu.dma_semaphore, #tpu.memory_space<semaphore_mem>>)
    %dma_wait3A_45 = arith.constant 0 : i32
    %dma_wait3A_46 = tpu.memref_slice %arg2[%add3A_40, %dma_wait3A_45] : memref<2048x2048xf32, #tpu.memory_space<hbm>> -> memref<16x2048xf32, #tpu.memory_space<hbm>>
    %dma_wait3A_47 = arith.constant 0 : i32
    %dma_wait3A_48 = tpu.memref_slice %arg2[%add3A_40, %dma_wait3A_47] : memref<2048x2048xf32, #tpu.memory_space<hbm>> -> memref<16x2048xf32, #tpu.memory_space<hbm>>
    tpu.wait_dma2 semaphore(%arg9 : memref<!tpu.dma_semaphore, #tpu.memory_space<semaphore_mem>>) src(%dma_wait3A_48 : memref<16x2048xf32, #tpu.memory_space<hbm>>) dst(%arg7 : memref<16x2048xf32, #tpu.memory_space<vmem>>)
    %dma_start3A_49 = arith.constant 1 : i32
    %dma_start3A_50 = arith.constant 0 : i32
    %dma_start3A_51 = tpu.memref_slice %arg5[%dma_start3A_49, %dma_start3A_50] : memref<8x16xi32, #tpu.memory_space<vmem>> -> memref<1x16xi32, #tpu.memory_space<vmem>>
    %dma_start3A_52 = tpu.memref_squeeze %dma_start3A_51 : memref<1x16xi32, #tpu.memory_space<vmem>> -> memref<16xi32, #tpu.memory_space<vmem>>
    %dma_start3A_53 = arith.constant 0 : i32
    %dma_start3A_54 = arith.constant 0 : i32
    %dma_start3A_55 = tpu.memref_slice %arg4[%dma_start3A_53, %dma_start3A_54] : memref<8064x2048xf32, #tpu.memory_space<hbm>> -> memref<8064x2048xf32, #tpu.memory_space<hbm>>
    tpu.enqueue_indirect_dma source(%arg7 : memref<16x2048xf32, #tpu.memory_space<vmem>>) target(%dma_start3A_55 : memref<8064x2048xf32, #tpu.memory_space<hbm>>) offsets(%dma_start3A_52 : memref<16xi32, #tpu.memory_space<vmem>>) semaphore(%arg11 : memref<!tpu.dma_semaphore, #tpu.memory_space<semaphore_mem>>)
    %dma_wait3A_56 = arith.constant 0 : i32
    %dma_wait3A_57 = arith.constant 0 : i32
    %dma_wait3A_58 = tpu.memref_slice %arg5[%dma_wait3A_56, %dma_wait3A_57] : memref<8x16xi32, #tpu.memory_space<vmem>> -> memref<1x16xi32, #tpu.memory_space<vmem>>
    %dma_wait3A_59 = tpu.memref_squeeze %dma_wait3A_58 : memref<1x16xi32, #tpu.memory_space<vmem>> -> memref<16xi32, #tpu.memory_space<vmem>>
    %dma_wait3A_60 = arith.constant 0 : i32
    %dma_wait3A_61 = arith.constant 0 : i32
    %dma_wait3A_62 = tpu.memref_slice %arg4[%dma_wait3A_60, %dma_wait3A_61] : memref<8064x2048xf32, #tpu.memory_space<hbm>> -> memref<8064x2048xf32, #tpu.memory_space<hbm>>
    tpu.wait_indirect_dma semaphore(%arg10 : memref<!tpu.dma_semaphore, #tpu.memory_space<semaphore_mem>>) src(%arg6 : memref<16x2048xf32, #tpu.memory_space<vmem>>) dst(%dma_wait3A_62 : memref<8064x2048xf32, #tpu.memory_space<hbm>>)
    %add3A_63 = arith.constant 32 : i32
    %add3A_64 = arith.addi %sub3A_21, %add3A_63 : i32
    %dma_start3A_65 = arith.constant 0 : i32
    %dma_start3A_66 = tpu.memref_slice %arg2[%add3A_64, %dma_start3A_65] : memref<2048x2048xf32, #tpu.memory_space<hbm>> -> memref<16x2048xf32, #tpu.memory_space<hbm>>
    %dma_start3A_67 = arith.constant 0 : i32
    %dma_start3A_68 = tpu.memref_slice %arg2[%add3A_64, %dma_start3A_67] : memref<2048x2048xf32, #tpu.memory_space<hbm>> -> memref<16x2048xf32, #tpu.memory_space<hbm>>
    tpu.enqueue_dma source(%dma_start3A_68 : memref<16x2048xf32, #tpu.memory_space<hbm>>) target(%arg6 : memref<16x2048xf32, #tpu.memory_space<vmem>>) target_semaphore(%arg8 : memref<!tpu.dma_semaphore, #tpu.memory_space<semaphore_mem>>)
    %dma_wait3A_69 = arith.constant 0 : i32
    %dma_wait3A_70 = tpu.memref_slice %arg2[%add3A_64, %dma_wait3A_69] : memref<2048x2048xf32, #tpu.memory_space<hbm>> -> memref<16x2048xf32, #tpu.memory_space<hbm>>
    %dma_wait3A_71 = arith.constant 0 : i32
    %dma_wait3A_72 = tpu.memref_slice %arg2[%add3A_64, %dma_wait3A_71] : memref<2048x2048xf32, #tpu.memory_space<hbm>> -> memref<16x2048xf32, #tpu.memory_space<hbm>>
    tpu.wait_dma2 semaphore(%arg8 : memref<!tpu.dma_semaphore, #tpu.memory_space<semaphore_mem>>) src(%dma_wait3A_72 : memref<16x2048xf32, #tpu.memory_space<hbm>>) dst(%arg6 : memref<16x2048xf32, #tpu.memory_space<vmem>>)
    %dma_start3A_73 = arith.constant 2 : i32
    %dma_start3A_74 = arith.constant 0 : i32
    %dma_start3A_75 = tpu.memref_slice %arg5[%dma_start3A_73, %dma_start3A_74] : memref<8x16xi32, #tpu.memory_space<vmem>> -> memref<1x16xi32, #tpu.memory_space<vmem>>
    %dma_start3A_76 = tpu.memref_squeeze %dma_start3A_75 : memref<1x16xi32, #tpu.memory_space<vmem>> -> memref<16xi32, #tpu.memory_space<vmem>>
    %dma_start3A_77 = arith.constant 0 : i32
    %dma_start3A_78 = arith.constant 0 : i32
    %dma_start3A_79 = tpu.memref_slice %arg4[%dma_start3A_77, %dma_start3A_78] : memref<8064x2048xf32, #tpu.memory_space<hbm>> -> memref<8064x2048xf32, #tpu.memory_space<hbm>>
    tpu.enqueue_indirect_dma source(%arg6 : memref<16x2048xf32, #tpu.memory_space<vmem>>) target(%dma_start3A_79 : memref<8064x2048xf32, #tpu.memory_space<hbm>>) offsets(%dma_start3A_76 : memref<16xi32, #tpu.memory_space<vmem>>) semaphore(%arg10 : memref<!tpu.dma_semaphore, #tpu.memory_space<semaphore_mem>>)
    %dma_wait3A_80 = arith.constant 1 : i32
    %dma_wait3A_81 = arith.constant 0 : i32
    %dma_wait3A_82 = tpu.memref_slice %arg5[%dma_wait3A_80, %dma_wait3A_81] : memref<8x16xi32, #tpu.memory_space<vmem>> -> memref<1x16xi32, #tpu.memory_space<vmem>>
    %dma_wait3A_83 = tpu.memref_squeeze %dma_wait3A_82 : memref<1x16xi32, #tpu.memory_space<vmem>> -> memref<16xi32, #tpu.memory_space<vmem>>
    %dma_wait3A_84 = arith.constant 0 : i32
    %dma_wait3A_85 = arith.constant 0 : i32
    %dma_wait3A_86 = tpu.memref_slice %arg4[%dma_wait3A_84, %dma_wait3A_85] : memref<8064x2048xf32, #tpu.memory_space<hbm>> -> memref<8064x2048xf32, #tpu.memory_space<hbm>>
    tpu.wait_indirect_dma semaphore(%arg11 : memref<!tpu.dma_semaphore, #tpu.memory_space<semaphore_mem>>) src(%arg7 : memref<16x2048xf32, #tpu.memory_space<vmem>>) dst(%dma_wait3A_86 : memref<8064x2048xf32, #tpu.memory_space<hbm>>)
    %add3A_87 = arith.constant 48 : i32
    %add3A_88 = arith.addi %sub3A_21, %add3A_87 : i32
    %dma_start3A_89 = arith.constant 0 : i32
    %dma_start3A_90 = tpu.memref_slice %arg2[%add3A_88, %dma_start3A_89] : memref<2048x2048xf32, #tpu.memory_space<hbm>> -> memref<16x2048xf32, #tpu.memory_space<hbm>>
    %dma_start3A_91 = arith.constant 0 : i32
    %dma_start3A_92 = tpu.memref_slice %arg2[%add3A_88, %dma_start3A_91] : memref<2048x2048xf32, #tpu.memory_space<hbm>> -> memref<16x2048xf32, #tpu.memory_space<hbm>>
    tpu.enqueue_dma source(%dma_start3A_92 : memref<16x2048xf32, #tpu.memory_space<hbm>>) target(%arg7 : memref<16x2048xf32, #tpu.memory_space<vmem>>) target_semaphore(%arg9 : memref<!tpu.dma_semaphore, #tpu.memory_space<semaphore_mem>>)
    %dma_wait3A_93 = arith.constant 0 : i32
    %dma_wait3A_94 = tpu.memref_slice %arg2[%add3A_88, %dma_wait3A_93] : memref<2048x2048xf32, #tpu.memory_space<hbm>> -> memref<16x2048xf32, #tpu.memory_space<hbm>>
    %dma_wait3A_95 = arith.constant 0 : i32
    %dma_wait3A_96 = tpu.memref_slice %arg2[%add3A_88, %dma_wait3A_95] : memref<2048x2048xf32, #tpu.memory_space<hbm>> -> memref<16x2048xf32, #tpu.memory_space<hbm>>
    tpu.wait_dma2 semaphore(%arg9 : memref<!tpu.dma_semaphore, #tpu.memory_space<semaphore_mem>>) src(%dma_wait3A_96 : memref<16x2048xf32, #tpu.memory_space<hbm>>) dst(%arg7 : memref<16x2048xf32, #tpu.memory_space<vmem>>)
    %dma_start3A_97 = arith.constant 3 : i32
    %dma_start3A_98 = arith.constant 0 : i32
    %dma_start3A_99 = tpu.memref_slice %arg5[%dma_start3A_97, %dma_start3A_98] : memref<8x16xi32, #tpu.memory_space<vmem>> -> memref<1x16xi32, #tpu.memory_space<vmem>>
    %dma_start3A_100 = tpu.memref_squeeze %dma_start3A_99 : memref<1x16xi32, #tpu.memory_space<vmem>> -> memref<16xi32, #tpu.memory_space<vmem>>
    %dma_start3A_101 = arith.constant 0 : i32
    %dma_start3A_102 = arith.constant 0 : i32
    %dma_start3A_103 = tpu.memref_slice %arg4[%dma_start3A_101, %dma_start3A_102] : memref<8064x2048xf32, #tpu.memory_space<hbm>> -> memref<8064x2048xf32, #tpu.memory_space<hbm>>
    tpu.enqueue_indirect_dma source(%arg7 : memref<16x2048xf32, #tpu.memory_space<vmem>>) target(%dma_start3A_103 : memref<8064x2048xf32, #tpu.memory_space<hbm>>) offsets(%dma_start3A_100 : memref<16xi32, #tpu.memory_space<vmem>>) semaphore(%arg11 : memref<!tpu.dma_semaphore, #tpu.memory_space<semaphore_mem>>)
    %dma_wait3A_104 = arith.constant 2 : i32
    %dma_wait3A_105 = arith.constant 0 : i32
    %dma_wait3A_106 = tpu.memref_slice %arg5[%dma_wait3A_104, %dma_wait3A_105] : memref<8x16xi32, #tpu.memory_space<vmem>> -> memref<1x16xi32, #tpu.memory_space<vmem>>
    %dma_wait3A_107 = tpu.memref_squeeze %dma_wait3A_106 : memref<1x16xi32, #tpu.memory_space<vmem>> -> memref<16xi32, #tpu.memory_space<vmem>>
    %dma_wait3A_108 = arith.constant 0 : i32
    %dma_wait3A_109 = arith.constant 0 : i32
    %dma_wait3A_110 = tpu.memref_slice %arg4[%dma_wait3A_108, %dma_wait3A_109] : memref<8064x2048xf32, #tpu.memory_space<hbm>> -> memref<8064x2048xf32, #tpu.memory_space<hbm>>
    tpu.wait_indirect_dma semaphore(%arg10 : memref<!tpu.dma_semaphore, #tpu.memory_space<semaphore_mem>>) src(%arg6 : memref<16x2048xf32, #tpu.memory_space<vmem>>) dst(%dma_wait3A_110 : memref<8064x2048xf32, #tpu.memory_space<hbm>>)
    %add3A_111 = arith.constant 64 : i32
    %add3A_112 = arith.addi %sub3A_21, %add3A_111 : i32
    %dma_start3A_113 = arith.constant 0 : i32
    %dma_start3A_114 = tpu.memref_slice %arg2[%add3A_112, %dma_start3A_113] : memref<2048x2048xf32, #tpu.memory_space<hbm>> -> memref<16x2048xf32, #tpu.memory_space<hbm>>
    %dma_start3A_115 = arith.constant 0 : i32
    %dma_start3A_116 = tpu.memref_slice %arg2[%add3A_112, %dma_start3A_115] : memref<2048x2048xf32, #tpu.memory_space<hbm>> -> memref<16x2048xf32, #tpu.memory_space<hbm>>
    tpu.enqueue_dma source(%dma_start3A_116 : memref<16x2048xf32, #tpu.memory_space<hbm>>) target(%arg6 : memref<16x2048xf32, #tpu.memory_space<vmem>>) target_semaphore(%arg8 : memref<!tpu.dma_semaphore, #tpu.memory_space<semaphore_mem>>)
    %dma_wait3A_117 = arith.constant 0 : i32
    %dma_wait3A_118 = tpu.memref_slice %arg2[%add3A_112, %dma_wait3A_117] : memref<2048x2048xf32, #tpu.memory_space<hbm>> -> memref<16x2048xf32, #tpu.memory_space<hbm>>
    %dma_wait3A_119 = arith.constant 0 : i32
    %dma_wait3A_120 = tpu.memref_slice %arg2[%add3A_112, %dma_wait3A_119] : memref<2048x2048xf32, #tpu.memory_space<hbm>> -> memref<16x2048xf32, #tpu.memory_space<hbm>>
    tpu.wait_dma2 semaphore(%arg8 : memref<!tpu.dma_semaphore, #tpu.memory_space<semaphore_mem>>) src(%dma_wait3A_120 : memref<16x2048xf32, #tpu.memory_space<hbm>>) dst(%arg6 : memref<16x2048xf32, #tpu.memory_space<vmem>>)
    %dma_start3A_121 = arith.constant 4 : i32
    %dma_start3A_122 = arith.constant 0 : i32
    %dma_start3A_123 = tpu.memref_slice %arg5[%dma_start3A_121, %dma_start3A_122] : memref<8x16xi32, #tpu.memory_space<vmem>> -> memref<1x16xi32, #tpu.memory_space<vmem>>
    %dma_start3A_124 = tpu.memref_squeeze %dma_start3A_123 : memref<1x16xi32, #tpu.memory_space<vmem>> -> memref<16xi32, #tpu.memory_space<vmem>>
    %dma_start3A_125 = arith.constant 0 : i32
    %dma_start3A_126 = arith.constant 0 : i32
    %dma_start3A_127 = tpu.memref_slice %arg4[%dma_start3A_125, %dma_start3A_126] : memref<8064x2048xf32, #tpu.memory_space<hbm>> -> memref<8064x2048xf32, #tpu.memory_space<hbm>>
    tpu.enqueue_indirect_dma source(%arg6 : memref<16x2048xf32, #tpu.memory_space<vmem>>) target(%dma_start3A_127 : memref<8064x2048xf32, #tpu.memory_space<hbm>>) offsets(%dma_start3A_124 : memref<16xi32, #tpu.memory_space<vmem>>) semaphore(%arg10 : memref<!tpu.dma_semaphore, #tpu.memory_space<semaphore_mem>>)
    %dma_wait3A_128 = arith.constant 3 : i32
    %dma_wait3A_129 = arith.constant 0 : i32
    %dma_wait3A_130 = tpu.memref_slice %arg5[%dma_wait3A_128, %dma_wait3A_129] : memref<8x16xi32, #tpu.memory_space<vmem>> -> memref<1x16xi32, #tpu.memory_space<vmem>>
    %dma_wait3A_131 = tpu.memref_squeeze %dma_wait3A_130 : memref<1x16xi32, #tpu.memory_space<vmem>> -> memref<16xi32, #tpu.memory_space<vmem>>
    %dma_wait3A_132 = arith.constant 0 : i32
    %dma_wait3A_133 = arith.constant 0 : i32
    %dma_wait3A_134 = tpu.memref_slice %arg4[%dma_wait3A_132, %dma_wait3A_133] : memref<8064x2048xf32, #tpu.memory_space<hbm>> -> memref<8064x2048xf32, #tpu.memory_space<hbm>>
    tpu.wait_indirect_dma semaphore(%arg11 : memref<!tpu.dma_semaphore, #tpu.memory_space<semaphore_mem>>) src(%arg7 : memref<16x2048xf32, #tpu.memory_space<vmem>>) dst(%dma_wait3A_134 : memref<8064x2048xf32, #tpu.memory_space<hbm>>)
    %add3A_135 = arith.constant 80 : i32
    %add3A_136 = arith.addi %sub3A_21, %add3A_135 : i32
    %dma_start3A_137 = arith.constant 0 : i32
    %dma_start3A_138 = tpu.memref_slice %arg2[%add3A_136, %dma_start3A_137] : memref<2048x2048xf32, #tpu.memory_space<hbm>> -> memref<16x2048xf32, #tpu.memory_space<hbm>>
    %dma_start3A_139 = arith.constant 0 : i32
    %dma_start3A_140 = tpu.memref_slice %arg2[%add3A_136, %dma_start3A_139] : memref<2048x2048xf32, #tpu.memory_space<hbm>> -> memref<16x2048xf32, #tpu.memory_space<hbm>>
    tpu.enqueue_dma source(%dma_start3A_140 : memref<16x2048xf32, #tpu.memory_space<hbm>>) target(%arg7 : memref<16x2048xf32, #tpu.memory_space<vmem>>) target_semaphore(%arg9 : memref<!tpu.dma_semaphore, #tpu.memory_space<semaphore_mem>>)
    %dma_wait3A_141 = arith.constant 0 : i32
    %dma_wait3A_142 = tpu.memref_slice %arg2[%add3A_136, %dma_wait3A_141] : memref<2048x2048xf32, #tpu.memory_space<hbm>> -> memref<16x2048xf32, #tpu.memory_space<hbm>>
    %dma_wait3A_143 = arith.constant 0 : i32
    %dma_wait3A_144 = tpu.memref_slice %arg2[%add3A_136, %dma_wait3A_143] : memref<2048x2048xf32, #tpu.memory_space<hbm>> -> memref<16x2048xf32, #tpu.memory_space<hbm>>
    tpu.wait_dma2 semaphore(%arg9 : memref<!tpu.dma_semaphore, #tpu.memory_space<semaphore_mem>>) src(%dma_wait3A_144 : memref<16x2048xf32, #tpu.memory_space<hbm>>) dst(%arg7 : memref<16x2048xf32, #tpu.memory_space<vmem>>)
    %dma_start3A_145 = arith.constant 5 : i32
    %dma_start3A_146 = arith.constant 0 : i32
    %dma_start3A_147 = tpu.memref_slice %arg5[%dma_start3A_145, %dma_start3A_146] : memref<8x16xi32, #tpu.memory_space<vmem>> -> memref<1x16xi32, #tpu.memory_space<vmem>>
    %dma_start3A_148 = tpu.memref_squeeze %dma_start3A_147 : memref<1x16xi32, #tpu.memory_space<vmem>> -> memref<16xi32, #tpu.memory_space<vmem>>
    %dma_start3A_149 = arith.constant 0 : i32
    %dma_start3A_150 = arith.constant 0 : i32
    %dma_start3A_151 = tpu.memref_slice %arg4[%dma_start3A_149, %dma_start3A_150] : memref<8064x2048xf32, #tpu.memory_space<hbm>> -> memref<8064x2048xf32, #tpu.memory_space<hbm>>
    tpu.enqueue_indirect_dma source(%arg7 : memref<16x2048xf32, #tpu.memory_space<vmem>>) target(%dma_start3A_151 : memref<8064x2048xf32, #tpu.memory_space<hbm>>) offsets(%dma_start3A_148 : memref<16xi32, #tpu.memory_space<vmem>>) semaphore(%arg11 : memref<!tpu.dma_semaphore, #tpu.memory_space<semaphore_mem>>)
    %dma_wait3A_152 = arith.constant 4 : i32
    %dma_wait3A_153 = arith.constant 0 : i32
    %dma_wait3A_154 = tpu.memref_slice %arg5[%dma_wait3A_152, %dma_wait3A_153] : memref<8x16xi32, #tpu.memory_space<vmem>> -> memref<1x16xi32, #tpu.memory_space<vmem>>
    %dma_wait3A_155 = tpu.memref_squeeze %dma_wait3A_154 : memref<1x16xi32, #tpu.memory_space<vmem>> -> memref<16xi32, #tpu.memory_space<vmem>>
    %dma_wait3A_156 = arith.constant 0 : i32
    %dma_wait3A_157 = arith.constant 0 : i32
    %dma_wait3A_158 = tpu.memref_slice %arg4[%dma_wait3A_156, %dma_wait3A_157] : memref<8064x2048xf32, #tpu.memory_space<hbm>> -> memref<8064x2048xf32, #tpu.memory_space<hbm>>
    tpu.wait_indirect_dma semaphore(%arg10 : memref<!tpu.dma_semaphore, #tpu.memory_space<semaphore_mem>>) src(%arg6 : memref<16x2048xf32, #tpu.memory_space<vmem>>) dst(%dma_wait3A_158 : memref<8064x2048xf32, #tpu.memory_space<hbm>>)
    %add3A_159 = arith.constant 96 : i32
    %add3A_160 = arith.addi %sub3A_21, %add3A_159 : i32
    %dma_start3A_161 = arith.constant 0 : i32
    %dma_start3A_162 = tpu.memref_slice %arg2[%add3A_160, %dma_start3A_161] : memref<2048x2048xf32, #tpu.memory_space<hbm>> -> memref<16x2048xf32, #tpu.memory_space<hbm>>
    %dma_start3A_163 = arith.constant 0 : i32
    %dma_start3A_164 = tpu.memref_slice %arg2[%add3A_160, %dma_start3A_163] : memref<2048x2048xf32, #tpu.memory_space<hbm>> -> memref<16x2048xf32, #tpu.memory_space<hbm>>
    tpu.enqueue_dma source(%dma_start3A_164 : memref<16x2048xf32, #tpu.memory_space<hbm>>) target(%arg6 : memref<16x2048xf32, #tpu.memory_space<vmem>>) target_semaphore(%arg8 : memref<!tpu.dma_semaphore, #tpu.memory_space<semaphore_mem>>)
    %dma_wait3A_165 = arith.constant 0 : i32
    %dma_wait3A_166 = tpu.memref_slice %arg2[%add3A_160, %dma_wait3A_165] : memref<2048x2048xf32, #tpu.memory_space<hbm>> -> memref<16x2048xf32, #tpu.memory_space<hbm>>
    %dma_wait3A_167 = arith.constant 0 : i32
    %dma_wait3A_168 = tpu.memref_slice %arg2[%add3A_160, %dma_wait3A_167] : memref<2048x2048xf32, #tpu.memory_space<hbm>> -> memref<16x2048xf32, #tpu.memory_space<hbm>>
    tpu.wait_dma2 semaphore(%arg8 : memref<!tpu.dma_semaphore, #tpu.memory_space<semaphore_mem>>) src(%dma_wait3A_168 : memref<16x2048xf32, #tpu.memory_space<hbm>>) dst(%arg6 : memref<16x2048xf32, #tpu.memory_space<vmem>>)
    %dma_start3A_169 = arith.constant 6 : i32
    %dma_start3A_170 = arith.constant 0 : i32
    %dma_start3A_171 = tpu.memref_slice %arg5[%dma_start3A_169, %dma_start3A_170] : memref<8x16xi32, #tpu.memory_space<vmem>> -> memref<1x16xi32, #tpu.memory_space<vmem>>
    %dma_start3A_172 = tpu.memref_squeeze %dma_start3A_171 : memref<1x16xi32, #tpu.memory_space<vmem>> -> memref<16xi32, #tpu.memory_space<vmem>>
    %dma_start3A_173 = arith.constant 0 : i32
    %dma_start3A_174 = arith.constant 0 : i32
    %dma_start3A_175 = tpu.memref_slice %arg4[%dma_start3A_173, %dma_start3A_174] : memref<8064x2048xf32, #tpu.memory_space<hbm>> -> memref<8064x2048xf32, #tpu.memory_space<hbm>>
    tpu.enqueue_indirect_dma source(%arg6 : memref<16x2048xf32, #tpu.memory_space<vmem>>) target(%dma_start3A_175 : memref<8064x2048xf32, #tpu.memory_space<hbm>>) offsets(%dma_start3A_172 : memref<16xi32, #tpu.memory_space<vmem>>) semaphore(%arg10 : memref<!tpu.dma_semaphore, #tpu.memory_space<semaphore_mem>>)
    %dma_wait3A_176 = arith.constant 5 : i32
    %dma_wait3A_177 = arith.constant 0 : i32
    %dma_wait3A_178 = tpu.memref_slice %arg5[%dma_wait3A_176, %dma_wait3A_177] : memref<8x16xi32, #tpu.memory_space<vmem>> -> memref<1x16xi32, #tpu.memory_space<vmem>>
    %dma_wait3A_179 = tpu.memref_squeeze %dma_wait3A_178 : memref<1x16xi32, #tpu.memory_space<vmem>> -> memref<16xi32, #tpu.memory_space<vmem>>
    %dma_wait3A_180 = arith.constant 0 : i32
    %dma_wait3A_181 = arith.constant 0 : i32
    %dma_wait3A_182 = tpu.memref_slice %arg4[%dma_wait3A_180, %dma_wait3A_181] : memref<8064x2048xf32, #tpu.memory_space<hbm>> -> memref<8064x2048xf32, #tpu.memory_space<hbm>>
    tpu.wait_indirect_dma semaphore(%arg11 : memref<!tpu.dma_semaphore, #tpu.memory_space<semaphore_mem>>) src(%arg7 : memref<16x2048xf32, #tpu.memory_space<vmem>>) dst(%dma_wait3A_182 : memref<8064x2048xf32, #tpu.memory_space<hbm>>)
    %add3A_183 = arith.constant 112 : i32
    %add3A_184 = arith.addi %sub3A_21, %add3A_183 : i32
    %dma_start3A_185 = arith.constant 0 : i32
    %dma_start3A_186 = tpu.memref_slice %arg2[%add3A_184, %dma_start3A_185] : memref<2048x2048xf32, #tpu.memory_space<hbm>> -> memref<16x2048xf32, #tpu.memory_space<hbm>>
    %dma_start3A_187 = arith.constant 0 : i32
    %dma_start3A_188 = tpu.memref_slice %arg2[%add3A_184, %dma_start3A_187] : memref<2048x2048xf32, #tpu.memory_space<hbm>> -> memref<16x2048xf32, #tpu.memory_space<hbm>>
    tpu.enqueue_dma source(%dma_start3A_188 : memref<16x2048xf32, #tpu.memory_space<hbm>>) target(%arg7 : memref<16x2048xf32, #tpu.memory_space<vmem>>) target_semaphore(%arg9 : memref<!tpu.dma_semaphore, #tpu.memory_space<semaphore_mem>>)
    %dma_wait3A_189 = arith.constant 0 : i32
    %dma_wait3A_190 = tpu.memref_slice %arg2[%add3A_184, %dma_wait3A_189] : memref<2048x2048xf32, #tpu.memory_space<hbm>> -> memref<16x2048xf32, #tpu.memory_space<hbm>>
    %dma_wait3A_191 = arith.constant 0 : i32
    %dma_wait3A_192 = tpu.memref_slice %arg2[%add3A_184, %dma_wait3A_191] : memref<2048x2048xf32, #tpu.memory_space<hbm>> -> memref<16x2048xf32, #tpu.memory_space<hbm>>
    tpu.wait_dma2 semaphore(%arg9 : memref<!tpu.dma_semaphore, #tpu.memory_space<semaphore_mem>>) src(%dma_wait3A_192 : memref<16x2048xf32, #tpu.memory_space<hbm>>) dst(%arg7 : memref<16x2048xf32, #tpu.memory_space<vmem>>)
    %dma_start3A_193 = arith.constant 7 : i32
    %dma_start3A_194 = arith.constant 0 : i32
    %dma_start3A_195 = tpu.memref_slice %arg5[%dma_start3A_193, %dma_start3A_194] : memref<8x16xi32, #tpu.memory_space<vmem>> -> memref<1x16xi32, #tpu.memory_space<vmem>>
    %dma_start3A_196 = tpu.memref_squeeze %dma_start3A_195 : memref<1x16xi32, #tpu.memory_space<vmem>> -> memref<16xi32, #tpu.memory_space<vmem>>
    %dma_start3A_197 = arith.constant 0 : i32
    %dma_start3A_198 = arith.constant 0 : i32
    %dma_start3A_199 = tpu.memref_slice %arg4[%dma_start3A_197, %dma_start3A_198] : memref<8064x2048xf32, #tpu.memory_space<hbm>> -> memref<8064x2048xf32, #tpu.memory_space<hbm>>
    tpu.enqueue_indirect_dma source(%arg7 : memref<16x2048xf32, #tpu.memory_space<vmem>>) target(%dma_start3A_199 : memref<8064x2048xf32, #tpu.memory_space<hbm>>) offsets(%dma_start3A_196 : memref<16xi32, #tpu.memory_space<vmem>>) semaphore(%arg11 : memref<!tpu.dma_semaphore, #tpu.memory_space<semaphore_mem>>)
    %dma_wait3A_200 = arith.constant 6 : i32
    %dma_wait3A_201 = arith.constant 0 : i32
    %dma_wait3A_202 = tpu.memref_slice %arg5[%dma_wait3A_200, %dma_wait3A_201] : memref<8x16xi32, #tpu.memory_space<vmem>> -> memref<1x16xi32, #tpu.memory_space<vmem>>
    %dma_wait3A_203 = tpu.memref_squeeze %dma_wait3A_202 : memref<1x16xi32, #tpu.memory_space<vmem>> -> memref<16xi32, #tpu.memory_space<vmem>>
    %dma_wait3A_204 = arith.constant 0 : i32
    %dma_wait3A_205 = arith.constant 0 : i32
    %dma_wait3A_206 = tpu.memref_slice %arg4[%dma_wait3A_204, %dma_wait3A_205] : memref<8064x2048xf32, #tpu.memory_space<hbm>> -> memref<8064x2048xf32, #tpu.memory_space<hbm>>
    tpu.wait_indirect_dma semaphore(%arg10 : memref<!tpu.dma_semaphore, #tpu.memory_space<semaphore_mem>>) src(%arg6 : memref<16x2048xf32, #tpu.memory_space<vmem>>) dst(%dma_wait3A_206 : memref<8064x2048xf32, #tpu.memory_space<hbm>>)
    %dma_wait3A_207 = arith.constant 7 : i32
    %dma_wait3A_208 = arith.constant 0 : i32
    %dma_wait3A_209 = tpu.memref_slice %arg5[%dma_wait3A_207, %dma_wait3A_208] : memref<8x16xi32, #tpu.memory_space<vmem>> -> memref<1x16xi32, #tpu.memory_space<vmem>>
    %dma_wait3A_210 = tpu.memref_squeeze %dma_wait3A_209 : memref<1x16xi32, #tpu.memory_space<vmem>> -> memref<16xi32, #tpu.memory_space<vmem>>
    %dma_wait3A_211 = arith.constant 0 : i32
    %dma_wait3A_212 = arith.constant 0 : i32
    %dma_wait3A_213 = tpu.memref_slice %arg4[%dma_wait3A_211, %dma_wait3A_212] : memref<8064x2048xf32, #tpu.memory_space<hbm>> -> memref<8064x2048xf32, #tpu.memory_space<hbm>>
    tpu.wait_indirect_dma semaphore(%arg11 : memref<!tpu.dma_semaphore, #tpu.memory_space<semaphore_mem>>) src(%arg7 : memref<16x2048xf32, #tpu.memory_space<vmem>>) dst(%dma_wait3A_213 : memref<8064x2048xf32, #tpu.memory_space<hbm>>)
    return
  }
}

#map = affine_map<(d0, d1) -> (0, 0)>
#map1 = affine_map<(d0, d1) -> (0, 0, 0)>
module attributes {stable_mosaic.version = 14 : i64} {
  func.func @_combine_body(%arg0: i32, %arg1: i32, %arg2: memref<8064x2048xf32, #tpu.memory_space<hbm>>, %arg3: memref<2x256x8xi32, #tpu.memory_space<hbm>>, %arg4: memref<2x128x16xf32, #tpu.memory_space<hbm>>, %arg5: memref<2048x2048xf32, #tpu.memory_space<hbm>>, %arg6: memref<8x8xi32, #tpu.memory_space<vmem>>, %arg7: memref<8x8xi32, #tpu.memory_space<vmem>>, %arg8: memref<2x4x16xf32, #tpu.memory_space<vmem>>, %arg9: memref<8x2048xf32, #tpu.memory_space<vmem>>, %arg10: memref<8x2048xf32, #tpu.memory_space<vmem>>, %arg11: memref<8x2048xf32, #tpu.memory_space<vmem>>, %arg12: memref<8x2048xf32, #tpu.memory_space<vmem>>, %arg13: memref<!tpu.dma_semaphore, #tpu.memory_space<semaphore_mem>>, %arg14: memref<!tpu.dma_semaphore, #tpu.memory_space<semaphore_mem>>, %arg15: memref<!tpu.dma_semaphore, #tpu.memory_space<semaphore_mem>>, %arg16: memref<!tpu.dma_semaphore, #tpu.memory_space<semaphore_mem>>, %arg17: memref<!tpu.dma_semaphore, #tpu.memory_space<semaphore_mem>>, %arg18: memref<!tpu.dma_semaphore, #tpu.memory_space<semaphore_mem>>) attributes {dimension_semantics = [#tpu.dimension_semantics<core_parallel>, #tpu.dimension_semantics<subcore_parallel>], iteration_bounds = array<i64: 2, 16>, scalar_prefetch = 0 : i64, scratch_operands = 13 : i64, tpu.core_type = #tpu.core_type<sc_vector_subcore>, window_params = [{transform_indices = #map}, {transform_indices = #map1}, {transform_indices = #map1}, {transform_indices = #map}]} {
    %mul3A = arith.constant 2 : i32
    %mul3A_0 = arith.muli %arg1, %mul3A : i32
    %add3A = arith.addi %mul3A_0, %arg0 : i32
    %mul3A_1 = arith.constant 64 : i32
    %mul3A_2 = arith.muli %add3A, %mul3A_1 : i32
    %mul3A_3 = arith.constant 8 : i32
    %mul3A_4 = arith.muli %add3A, %mul3A_3 : i32
    %run_scoped3A = arith.constant 0 : i32
    "tpu.region"() ({
      %run_scoped3A_470 = tpu.sem_alloc : memref<!tpu.dma_semaphore, #tpu.memory_space<semaphore_mem>>
      %dma_start3A_471 = arith.constant 0 : i32
      %dma_start3A_472 = tpu.memref_slice %arg3[%run_scoped3A, %mul3A_4, %dma_start3A_471] : memref<2x256x8xi32, #tpu.memory_space<hbm>> -> memref<1x8x8xi32, #tpu.memory_space<hbm>>
      %dma_start3A_473 = tpu.memref_squeeze %dma_start3A_472 : memref<1x8x8xi32, #tpu.memory_space<hbm>> -> memref<8x8xi32, #tpu.memory_space<hbm>>
      %dma_start3A_474 = arith.constant 0 : i32
      %dma_start3A_475 = tpu.memref_slice %arg3[%run_scoped3A, %mul3A_4, %dma_start3A_474] : memref<2x256x8xi32, #tpu.memory_space<hbm>> -> memref<1x8x8xi32, #tpu.memory_space<hbm>>
      %dma_start3A_476 = tpu.memref_squeeze %dma_start3A_475 : memref<1x8x8xi32, #tpu.memory_space<hbm>> -> memref<8x8xi32, #tpu.memory_space<hbm>>
      tpu.enqueue_dma source(%dma_start3A_476 : memref<8x8xi32, #tpu.memory_space<hbm>>) target(%arg6 : memref<8x8xi32, #tpu.memory_space<vmem>>) target_semaphore(%run_scoped3A_470 : memref<!tpu.dma_semaphore, #tpu.memory_space<semaphore_mem>>)
      %dma_wait3A_477 = arith.constant 0 : i32
      %dma_wait3A_478 = tpu.memref_slice %arg3[%run_scoped3A, %mul3A_4, %dma_wait3A_477] : memref<2x256x8xi32, #tpu.memory_space<hbm>> -> memref<1x8x8xi32, #tpu.memory_space<hbm>>
      %dma_wait3A_479 = tpu.memref_squeeze %dma_wait3A_478 : memref<1x8x8xi32, #tpu.memory_space<hbm>> -> memref<8x8xi32, #tpu.memory_space<hbm>>
      %dma_wait3A_480 = arith.constant 0 : i32
      %dma_wait3A_481 = tpu.memref_slice %arg3[%run_scoped3A, %mul3A_4, %dma_wait3A_480] : memref<2x256x8xi32, #tpu.memory_space<hbm>> -> memref<1x8x8xi32, #tpu.memory_space<hbm>>
      %dma_wait3A_482 = tpu.memref_squeeze %dma_wait3A_481 : memref<1x8x8xi32, #tpu.memory_space<hbm>> -> memref<8x8xi32, #tpu.memory_space<hbm>>
      tpu.wait_dma2 semaphore(%run_scoped3A_470 : memref<!tpu.dma_semaphore, #tpu.memory_space<semaphore_mem>>) src(%dma_wait3A_482 : memref<8x8xi32, #tpu.memory_space<hbm>>) dst(%arg6 : memref<8x8xi32, #tpu.memory_space<vmem>>)
      tpu.yield
    }) : () -> ()
    %mul3A_5 = arith.constant 8 : i32
    %mul3A_6 = arith.muli %add3A, %mul3A_5 : i32
    %run_scoped3A_7 = arith.constant 1 : i32
    "tpu.region"() ({
      %run_scoped3A_470 = tpu.sem_alloc : memref<!tpu.dma_semaphore, #tpu.memory_space<semaphore_mem>>
      %dma_start3A_471 = arith.constant 0 : i32
      %dma_start3A_472 = tpu.memref_slice %arg3[%run_scoped3A_7, %mul3A_6, %dma_start3A_471] : memref<2x256x8xi32, #tpu.memory_space<hbm>> -> memref<1x8x8xi32, #tpu.memory_space<hbm>>
      %dma_start3A_473 = tpu.memref_squeeze %dma_start3A_472 : memref<1x8x8xi32, #tpu.memory_space<hbm>> -> memref<8x8xi32, #tpu.memory_space<hbm>>
      %dma_start3A_474 = arith.constant 0 : i32
      %dma_start3A_475 = tpu.memref_slice %arg3[%run_scoped3A_7, %mul3A_6, %dma_start3A_474] : memref<2x256x8xi32, #tpu.memory_space<hbm>> -> memref<1x8x8xi32, #tpu.memory_space<hbm>>
      %dma_start3A_476 = tpu.memref_squeeze %dma_start3A_475 : memref<1x8x8xi32, #tpu.memory_space<hbm>> -> memref<8x8xi32, #tpu.memory_space<hbm>>
      tpu.enqueue_dma source(%dma_start3A_476 : memref<8x8xi32, #tpu.memory_space<hbm>>) target(%arg7 : memref<8x8xi32, #tpu.memory_space<vmem>>) target_semaphore(%run_scoped3A_470 : memref<!tpu.dma_semaphore, #tpu.memory_space<semaphore_mem>>)
      %dma_wait3A_477 = arith.constant 0 : i32
      %dma_wait3A_478 = tpu.memref_slice %arg3[%run_scoped3A_7, %mul3A_6, %dma_wait3A_477] : memref<2x256x8xi32, #tpu.memory_space<hbm>> -> memref<1x8x8xi32, #tpu.memory_space<hbm>>
      %dma_wait3A_479 = tpu.memref_squeeze %dma_wait3A_478 : memref<1x8x8xi32, #tpu.memory_space<hbm>> -> memref<8x8xi32, #tpu.memory_space<hbm>>
      %dma_wait3A_480 = arith.constant 0 : i32
      %dma_wait3A_481 = tpu.memref_slice %arg3[%run_scoped3A_7, %mul3A_6, %dma_wait3A_480] : memref<2x256x8xi32, #tpu.memory_space<hbm>> -> memref<1x8x8xi32, #tpu.memory_space<hbm>>
      %dma_wait3A_482 = tpu.memref_squeeze %dma_wait3A_481 : memref<1x8x8xi32, #tpu.memory_space<hbm>> -> memref<8x8xi32, #tpu.memory_space<hbm>>
      tpu.wait_dma2 semaphore(%run_scoped3A_470 : memref<!tpu.dma_semaphore, #tpu.memory_space<semaphore_mem>>) src(%dma_wait3A_482 : memref<8x8xi32, #tpu.memory_space<hbm>>) dst(%arg7 : memref<8x8xi32, #tpu.memory_space<vmem>>)
      tpu.yield
    }) : () -> ()
    %mul3A_8 = arith.constant 4 : i32
    %mul3A_9 = arith.muli %add3A, %mul3A_8 : i32
    "tpu.region"() ({
      %run_scoped3A_470 = tpu.sem_alloc : memref<!tpu.dma_semaphore, #tpu.memory_space<semaphore_mem>>
      %dma_start3A_471 = arith.constant 0 : i32
      %dma_start3A_472 = arith.constant 0 : i32
      %dma_start3A_473 = tpu.memref_slice %arg4[%dma_start3A_471, %mul3A_9, %dma_start3A_472] : memref<2x128x16xf32, #tpu.memory_space<hbm>> -> memref<2x4x16xf32, #tpu.memory_space<hbm>>
      %dma_start3A_474 = arith.constant 0 : i32
      %dma_start3A_475 = arith.constant 0 : i32
      %dma_start3A_476 = tpu.memref_slice %arg4[%dma_start3A_474, %mul3A_9, %dma_start3A_475] : memref<2x128x16xf32, #tpu.memory_space<hbm>> -> memref<2x4x16xf32, #tpu.memory_space<hbm>>
      tpu.enqueue_dma source(%dma_start3A_476 : memref<2x4x16xf32, #tpu.memory_space<hbm>>) target(%arg8 : memref<2x4x16xf32, #tpu.memory_space<vmem>>) target_semaphore(%run_scoped3A_470 : memref<!tpu.dma_semaphore, #tpu.memory_space<semaphore_mem>>)
      %dma_wait3A_477 = arith.constant 0 : i32
      %dma_wait3A_478 = arith.constant 0 : i32
      %dma_wait3A_479 = tpu.memref_slice %arg4[%dma_wait3A_477, %mul3A_9, %dma_wait3A_478] : memref<2x128x16xf32, #tpu.memory_space<hbm>> -> memref<2x4x16xf32, #tpu.memory_space<hbm>>
      %dma_wait3A_480 = arith.constant 0 : i32
      %dma_wait3A_481 = arith.constant 0 : i32
      %dma_wait3A_482 = tpu.memref_slice %arg4[%dma_wait3A_480, %mul3A_9, %dma_wait3A_481] : memref<2x128x16xf32, #tpu.memory_space<hbm>> -> memref<2x4x16xf32, #tpu.memory_space<hbm>>
      tpu.wait_dma2 semaphore(%run_scoped3A_470 : memref<!tpu.dma_semaphore, #tpu.memory_space<semaphore_mem>>) src(%dma_wait3A_482 : memref<2x4x16xf32, #tpu.memory_space<hbm>>) dst(%arg8 : memref<2x4x16xf32, #tpu.memory_space<vmem>>)
      tpu.yield
    }) : () -> ()
    %dma_start3A = arith.constant 0 : i32
    %dma_start3A_10 = arith.constant 0 : i32
    %dma_start3A_11 = tpu.memref_slice %arg6[%dma_start3A, %dma_start3A_10] : memref<8x8xi32, #tpu.memory_space<vmem>> -> memref<1x8xi32, #tpu.memory_space<vmem>>
    %dma_start3A_12 = tpu.memref_squeeze %dma_start3A_11 : memref<1x8xi32, #tpu.memory_space<vmem>> -> memref<8xi32, #tpu.memory_space<vmem>>
    %dma_start3A_13 = arith.constant 0 : i32
    %dma_start3A_14 = arith.constant 0 : i32
    %dma_start3A_15 = tpu.memref_slice %arg2[%dma_start3A_13, %dma_start3A_14] : memref<8064x2048xf32, #tpu.memory_space<hbm>> -> memref<8064x2048xf32, #tpu.memory_space<hbm>>
    tpu.enqueue_indirect_dma source(%dma_start3A_15 : memref<8064x2048xf32, #tpu.memory_space<hbm>>) target(%arg9 : memref<8x2048xf32, #tpu.memory_space<vmem>>) offsets(%dma_start3A_12 : memref<8xi32, #tpu.memory_space<vmem>>) semaphore(%arg13 : memref<!tpu.dma_semaphore, #tpu.memory_space<semaphore_mem>>)
    %dma_start3A_16 = arith.constant 0 : i32
    %dma_start3A_17 = arith.constant 0 : i32
    %dma_start3A_18 = tpu.memref_slice %arg7[%dma_start3A_16, %dma_start3A_17] : memref<8x8xi32, #tpu.memory_space<vmem>> -> memref<1x8xi32, #tpu.memory_space<vmem>>
    %dma_start3A_19 = tpu.memref_squeeze %dma_start3A_18 : memref<1x8xi32, #tpu.memory_space<vmem>> -> memref<8xi32, #tpu.memory_space<vmem>>
    %dma_start3A_20 = arith.constant 0 : i32
    %dma_start3A_21 = arith.constant 0 : i32
    %dma_start3A_22 = tpu.memref_slice %arg2[%dma_start3A_20, %dma_start3A_21] : memref<8064x2048xf32, #tpu.memory_space<hbm>> -> memref<8064x2048xf32, #tpu.memory_space<hbm>>
    tpu.enqueue_indirect_dma source(%dma_start3A_22 : memref<8064x2048xf32, #tpu.memory_space<hbm>>) target(%arg11 : memref<8x2048xf32, #tpu.memory_space<vmem>>) offsets(%dma_start3A_19 : memref<8xi32, #tpu.memory_space<vmem>>) semaphore(%arg15 : memref<!tpu.dma_semaphore, #tpu.memory_space<semaphore_mem>>)
    %dma_start3A_23 = arith.constant 1 : i32
    %dma_start3A_24 = arith.constant 0 : i32
    %dma_start3A_25 = tpu.memref_slice %arg6[%dma_start3A_23, %dma_start3A_24] : memref<8x8xi32, #tpu.memory_space<vmem>> -> memref<1x8xi32, #tpu.memory_space<vmem>>
    %dma_start3A_26 = tpu.memref_squeeze %dma_start3A_25 : memref<1x8xi32, #tpu.memory_space<vmem>> -> memref<8xi32, #tpu.memory_space<vmem>>
    %dma_start3A_27 = arith.constant 0 : i32
    %dma_start3A_28 = arith.constant 0 : i32
    %dma_start3A_29 = tpu.memref_slice %arg2[%dma_start3A_27, %dma_start3A_28] : memref<8064x2048xf32, #tpu.memory_space<hbm>> -> memref<8064x2048xf32, #tpu.memory_space<hbm>>
    tpu.enqueue_indirect_dma source(%dma_start3A_29 : memref<8064x2048xf32, #tpu.memory_space<hbm>>) target(%arg10 : memref<8x2048xf32, #tpu.memory_space<vmem>>) offsets(%dma_start3A_26 : memref<8xi32, #tpu.memory_space<vmem>>) semaphore(%arg14 : memref<!tpu.dma_semaphore, #tpu.memory_space<semaphore_mem>>)
    %dma_start3A_30 = arith.constant 1 : i32
    %dma_start3A_31 = arith.constant 0 : i32
    %dma_start3A_32 = tpu.memref_slice %arg7[%dma_start3A_30, %dma_start3A_31] : memref<8x8xi32, #tpu.memory_space<vmem>> -> memref<1x8xi32, #tpu.memory_space<vmem>>
    %dma_start3A_33 = tpu.memref_squeeze %dma_start3A_32 : memref<1x8xi32, #tpu.memory_space<vmem>> -> memref<8xi32, #tpu.memory_space<vmem>>
    %dma_start3A_34 = arith.constant 0 : i32
    %dma_start3A_35 = arith.constant 0 : i32
    %dma_start3A_36 = tpu.memref_slice %arg2[%dma_start3A_34, %dma_start3A_35] : memref<8064x2048xf32, #tpu.memory_space<hbm>> -> memref<8064x2048xf32, #tpu.memory_space<hbm>>
    tpu.enqueue_indirect_dma source(%dma_start3A_36 : memref<8064x2048xf32, #tpu.memory_space<hbm>>) target(%arg12 : memref<8x2048xf32, #tpu.memory_space<vmem>>) offsets(%dma_start3A_33 : memref<8xi32, #tpu.memory_space<vmem>>) semaphore(%arg16 : memref<!tpu.dma_semaphore, #tpu.memory_space<semaphore_mem>>)
    %dma_wait3A = arith.constant 0 : i32
    %dma_wait3A_37 = arith.constant 0 : i32
    %dma_wait3A_38 = tpu.memref_slice %arg6[%dma_wait3A, %dma_wait3A_37] : memref<8x8xi32, #tpu.memory_space<vmem>> -> memref<1x8xi32, #tpu.memory_space<vmem>>
    %dma_wait3A_39 = tpu.memref_squeeze %dma_wait3A_38 : memref<1x8xi32, #tpu.memory_space<vmem>> -> memref<8xi32, #tpu.memory_space<vmem>>
    %dma_wait3A_40 = arith.constant 0 : i32
    %dma_wait3A_41 = arith.constant 0 : i32
    %dma_wait3A_42 = tpu.memref_slice %arg2[%dma_wait3A_40, %dma_wait3A_41] : memref<8064x2048xf32, #tpu.memory_space<hbm>> -> memref<8064x2048xf32, #tpu.memory_space<hbm>>
    tpu.wait_indirect_dma semaphore(%arg13 : memref<!tpu.dma_semaphore, #tpu.memory_space<semaphore_mem>>) src(%dma_wait3A_42 : memref<8064x2048xf32, #tpu.memory_space<hbm>>) dst(%arg9 : memref<8x2048xf32, #tpu.memory_space<vmem>>)
    %dma_wait3A_43 = arith.constant 0 : i32
    %dma_wait3A_44 = arith.constant 0 : i32
    %dma_wait3A_45 = tpu.memref_slice %arg7[%dma_wait3A_43, %dma_wait3A_44] : memref<8x8xi32, #tpu.memory_space<vmem>> -> memref<1x8xi32, #tpu.memory_space<vmem>>
    %dma_wait3A_46 = tpu.memref_squeeze %dma_wait3A_45 : memref<1x8xi32, #tpu.memory_space<vmem>> -> memref<8xi32, #tpu.memory_space<vmem>>
    %dma_wait3A_47 = arith.constant 0 : i32
    %dma_wait3A_48 = arith.constant 0 : i32
    %dma_wait3A_49 = tpu.memref_slice %arg2[%dma_wait3A_47, %dma_wait3A_48] : memref<8064x2048xf32, #tpu.memory_space<hbm>> -> memref<8064x2048xf32, #tpu.memory_space<hbm>>
    tpu.wait_indirect_dma semaphore(%arg15 : memref<!tpu.dma_semaphore, #tpu.memory_space<semaphore_mem>>) src(%dma_wait3A_49 : memref<8064x2048xf32, #tpu.memory_space<hbm>>) dst(%arg11 : memref<8x2048xf32, #tpu.memory_space<vmem>>)
    %get3A = arith.constant 0 : i32
    %get3A_50 = arith.constant 0 : i32
    %get3A_51 = arith.index_cast %get3A : i32 to index
    %get3A_52 = arith.index_cast %get3A_50 : i32 to index
    %get3A_53 = arith.constant 0 : index
    %get3A_54 = tpu.vector_load %arg8[%get3A_51, %get3A_52, %get3A_53] {strides = array<i32>} : memref<2x4x16xf32, #tpu.memory_space<vmem>>, vector<1x1x16xf32>,
    %get3A_55 = vector.shape_cast %get3A_54 : vector<1x1x16xf32> to vector<16xf32>
    %get3A_56 = arith.constant 1 : i32
    %get3A_57 = arith.constant 0 : i32
    %get3A_58 = arith.index_cast %get3A_56 : i32 to index
    %get3A_59 = arith.index_cast %get3A_57 : i32 to index
    %get3A_60 = arith.constant 0 : index
    %get3A_61 = tpu.vector_load %arg8[%get3A_58, %get3A_59, %get3A_60] {strides = array<i32>} : memref<2x4x16xf32, #tpu.memory_space<vmem>>, vector<1x1x16xf32>,
    %get3A_62 = vector.shape_cast %get3A_61 : vector<1x1x16xf32> to vector<16xf32>
    %scan3A = arith.constant 0 : i32
    %scan3A_63 = arith.constant 0 : i32
    %scan3A_64 = arith.constant 128 : i32
    %scan3A_65 = arith.addi %scan3A_63, %scan3A_64 : i32
    %scan3A_66 = arith.constant 1 : i32
    scf.for %scan3A_470 = %scan3A_63 to %scan3A_65 step %scan3A_66  : i32 {
      %mul3A_471 = arith.constant 16 : i32
      %mul3A_472 = arith.muli %scan3A_470, %mul3A_471 : i32
      %get3A_473 = arith.constant 0 : i32
      %get3A_474 = arith.index_cast %get3A_473 : i32 to index
      %get3A_475 = arith.index_cast %mul3A_472 : i32 to index
      %get3A_476 = tpu.vector_load %arg9[%get3A_474, %get3A_475] {strides = array<i32>} : memref<8x2048xf32, #tpu.memory_space<vmem>>, vector<1x16xf32>,
      %get3A_477 = vector.shape_cast %get3A_476 : vector<1x16xf32> to vector<16xf32>
      %mul3A_478 = arith.constant 16 : i32
      %mul3A_479 = arith.muli %scan3A_470, %mul3A_478 : i32
      %get3A_480 = arith.constant 0 : i32
      %get3A_481 = arith.index_cast %get3A_480 : i32 to index
      %get3A_482 = arith.index_cast %mul3A_479 : i32 to index
      %get3A_483 = tpu.vector_load %arg11[%get3A_481, %get3A_482] {strides = array<i32>} : memref<8x2048xf32, #tpu.memory_space<vmem>>, vector<1x16xf32>,
      %get3A_484 = vector.shape_cast %get3A_483 : vector<1x16xf32> to vector<16xf32>
      %slice3A = vector.extract_strided_slice %get3A_55 {offsets = [0], sizes = [1], strides = [1]} : vector<16xf32> to vector<1xf32>
      %squeeze3A = vector.extract %slice3A[0] : f32 from vector<1xf32>
      %mul3A_485 = vector.broadcast %squeeze3A : f32 to vector<16xf32>
      %mul3A_486 = arith.mulf %mul3A_485, %get3A_477 : vector<16xf32>
      %slice3A_487 = vector.extract_strided_slice %get3A_62 {offsets = [0], sizes = [1], strides = [1]} : vector<16xf32> to vector<1xf32>
      %squeeze3A_488 = vector.extract %slice3A_487[0] : f32 from vector<1xf32>
      %mul3A_489 = vector.broadcast %squeeze3A_488 : f32 to vector<16xf32>
      %mul3A_490 = arith.mulf %mul3A_489, %get3A_484 : vector<16xf32>
      %add3A_491 = arith.addf %mul3A_486, %mul3A_490 : vector<16xf32>
      %mul3A_492 = arith.constant 16 : i32
      %mul3A_493 = arith.muli %scan3A_470, %mul3A_492 : i32
      %swap3A = arith.constant 0 : i32
      %swap3A_494 = arith.index_cast %swap3A : i32 to index
      %swap3A_495 = arith.index_cast %mul3A_493 : i32 to index
      %swap3A_496 = tpu.vector_load %arg9[%swap3A_494, %swap3A_495] {strides = array<i32>} : memref<8x2048xf32, #tpu.memory_space<vmem>>, vector<1x16xf32>,
      %swap3A_497 = vector.shape_cast %swap3A_496 : vector<1x16xf32> to vector<16xf32>
      %swap3A_498 = vector.shape_cast %add3A_491 : vector<16xf32> to vector<1x16xf32>
      tpu.vector_store %arg9[%swap3A_494, %swap3A_495], %swap3A_498 {strides = array<i32>} : memref<8x2048xf32, #tpu.memory_space<vmem>>, vector<1x16xf32>,
      %mul3A_499 = arith.constant 16 : i32
      %mul3A_500 = arith.muli %scan3A_470, %mul3A_499 : i32
      %get3A_501 = arith.constant 1 : i32
      %get3A_502 = arith.index_cast %get3A_501 : i32 to index
      %get3A_503 = arith.index_cast %mul3A_500 : i32 to index
      %get3A_504 = tpu.vector_load %arg9[%get3A_502, %get3A_503] {strides = array<i32>} : memref<8x2048xf32, #tpu.memory_space<vmem>>, vector<1x16xf32>,
      %get3A_505 = vector.shape_cast %get3A_504 : vector<1x16xf32> to vector<16xf32>
      %mul3A_506 = arith.constant 16 : i32
      %mul3A_507 = arith.muli %scan3A_470, %mul3A_506 : i32
      %get3A_508 = arith.constant 1 : i32
      %get3A_509 = arith.index_cast %get3A_508 : i32 to index
      %get3A_510 = arith.index_cast %mul3A_507 : i32 to index
      %get3A_511 = tpu.vector_load %arg11[%get3A_509, %get3A_510] {strides = array<i32>} : memref<8x2048xf32, #tpu.memory_space<vmem>>, vector<1x16xf32>,
      %get3A_512 = vector.shape_cast %get3A_511 : vector<1x16xf32> to vector<16xf32>
      %slice3A_513 = vector.extract_strided_slice %get3A_55 {offsets = [1], sizes = [1], strides = [1]} : vector<16xf32> to vector<1xf32>
      %squeeze3A_514 = vector.extract %slice3A_513[0] : f32 from vector<1xf32>
      %mul3A_515 = vector.broadcast %squeeze3A_514 : f32 to vector<16xf32>
      %mul3A_516 = arith.mulf %mul3A_515, %get3A_505 : vector<16xf32>
      %slice3A_517 = vector.extract_strided_slice %get3A_62 {offsets = [1], sizes = [1], strides = [1]} : vector<16xf32> to vector<1xf32>
      %squeeze3A_518 = vector.extract %slice3A_517[0] : f32 from vector<1xf32>
      %mul3A_519 = vector.broadcast %squeeze3A_518 : f32 to vector<16xf32>
      %mul3A_520 = arith.mulf %mul3A_519, %get3A_512 : vector<16xf32>
      %add3A_521 = arith.addf %mul3A_516, %mul3A_520 : vector<16xf32>
      %mul3A_522 = arith.constant 16 : i32
      %mul3A_523 = arith.muli %scan3A_470, %mul3A_522 : i32
      %swap3A_524 = arith.constant 1 : i32
      %swap3A_525 = arith.index_cast %swap3A_524 : i32 to index
      %swap3A_526 = arith.index_cast %mul3A_523 : i32 to index
      %swap3A_527 = tpu.vector_load %arg9[%swap3A_525, %swap3A_526] {strides = array<i32>} : memref<8x2048xf32, #tpu.memory_space<vmem>>, vector<1x16xf32>,
      %swap3A_528 = vector.shape_cast %swap3A_527 : vector<1x16xf32> to vector<16xf32>
      %swap3A_529 = vector.shape_cast %add3A_521 : vector<16xf32> to vector<1x16xf32>
      tpu.vector_store %arg9[%swap3A_525, %swap3A_526], %swap3A_529 {strides = array<i32>} : memref<8x2048xf32, #tpu.memory_space<vmem>>, vector<1x16xf32>,
      %mul3A_530 = arith.constant 16 : i32
      %mul3A_531 = arith.muli %scan3A_470, %mul3A_530 : i32
      %get3A_532 = arith.constant 2 : i32
      %get3A_533 = arith.index_cast %get3A_532 : i32 to index
      %get3A_534 = arith.index_cast %mul3A_531 : i32 to index
      %get3A_535 = tpu.vector_load %arg9[%get3A_533, %get3A_534] {strides = array<i32>} : memref<8x2048xf32, #tpu.memory_space<vmem>>, vector<1x16xf32>,
      %get3A_536 = vector.shape_cast %get3A_535 : vector<1x16xf32> to vector<16xf32>
      %mul3A_537 = arith.constant 16 : i32
      %mul3A_538 = arith.muli %scan3A_470, %mul3A_537 : i32
      %get3A_539 = arith.constant 2 : i32
      %get3A_540 = arith.index_cast %get3A_539 : i32 to index
      %get3A_541 = arith.index_cast %mul3A_538 : i32 to index
      %get3A_542 = tpu.vector_load %arg11[%get3A_540, %get3A_541] {strides = array<i32>} : memref<8x2048xf32, #tpu.memory_space<vmem>>, vector<1x16xf32>,
      %get3A_543 = vector.shape_cast %get3A_542 : vector<1x16xf32> to vector<16xf32>
      %slice3A_544 = vector.extract_strided_slice %get3A_55 {offsets = [2], sizes = [1], strides = [1]} : vector<16xf32> to vector<1xf32>
      %squeeze3A_545 = vector.extract %slice3A_544[0] : f32 from vector<1xf32>
      %mul3A_546 = vector.broadcast %squeeze3A_545 : f32 to vector<16xf32>
      %mul3A_547 = arith.mulf %mul3A_546, %get3A_536 : vector<16xf32>
      %slice3A_548 = vector.extract_strided_slice %get3A_62 {offsets = [2], sizes = [1], strides = [1]} : vector<16xf32> to vector<1xf32>
      %squeeze3A_549 = vector.extract %slice3A_548[0] : f32 from vector<1xf32>
      %mul3A_550 = vector.broadcast %squeeze3A_549 : f32 to vector<16xf32>
      %mul3A_551 = arith.mulf %mul3A_550, %get3A_543 : vector<16xf32>
      %add3A_552 = arith.addf %mul3A_547, %mul3A_551 : vector<16xf32>
      %mul3A_553 = arith.constant 16 : i32
      %mul3A_554 = arith.muli %scan3A_470, %mul3A_553 : i32
      %swap3A_555 = arith.constant 2 : i32
      %swap3A_556 = arith.index_cast %swap3A_555 : i32 to index
      %swap3A_557 = arith.index_cast %mul3A_554 : i32 to index
      %swap3A_558 = tpu.vector_load %arg9[%swap3A_556, %swap3A_557] {strides = array<i32>} : memref<8x2048xf32, #tpu.memory_space<vmem>>, vector<1x16xf32>,
      %swap3A_559 = vector.shape_cast %swap3A_558 : vector<1x16xf32> to vector<16xf32>
      %swap3A_560 = vector.shape_cast %add3A_552 : vector<16xf32> to vector<1x16xf32>
      tpu.vector_store %arg9[%swap3A_556, %swap3A_557], %swap3A_560 {strides = array<i32>} : memref<8x2048xf32, #tpu.memory_space<vmem>>, vector<1x16xf32>,
      %mul3A_561 = arith.constant 16 : i32
      %mul3A_562 = arith.muli %scan3A_470, %mul3A_561 : i32
      %get3A_563 = arith.constant 3 : i32
      %get3A_564 = arith.index_cast %get3A_563 : i32 to index
      %get3A_565 = arith.index_cast %mul3A_562 : i32 to index
      %get3A_566 = tpu.vector_load %arg9[%get3A_564, %get3A_565] {strides = array<i32>} : memref<8x2048xf32, #tpu.memory_space<vmem>>, vector<1x16xf32>,
      %get3A_567 = vector.shape_cast %get3A_566 : vector<1x16xf32> to vector<16xf32>
      %mul3A_568 = arith.constant 16 : i32
      %mul3A_569 = arith.muli %scan3A_470, %mul3A_568 : i32
      %get3A_570 = arith.constant 3 : i32
      %get3A_571 = arith.index_cast %get3A_570 : i32 to index
      %get3A_572 = arith.index_cast %mul3A_569 : i32 to index
      %get3A_573 = tpu.vector_load %arg11[%get3A_571, %get3A_572] {strides = array<i32>} : memref<8x2048xf32, #tpu.memory_space<vmem>>, vector<1x16xf32>,
      %get3A_574 = vector.shape_cast %get3A_573 : vector<1x16xf32> to vector<16xf32>
      %slice3A_575 = vector.extract_strided_slice %get3A_55 {offsets = [3], sizes = [1], strides = [1]} : vector<16xf32> to vector<1xf32>
      %squeeze3A_576 = vector.extract %slice3A_575[0] : f32 from vector<1xf32>
      %mul3A_577 = vector.broadcast %squeeze3A_576 : f32 to vector<16xf32>
      %mul3A_578 = arith.mulf %mul3A_577, %get3A_567 : vector<16xf32>
      %slice3A_579 = vector.extract_strided_slice %get3A_62 {offsets = [3], sizes = [1], strides = [1]} : vector<16xf32> to vector<1xf32>
      %squeeze3A_580 = vector.extract %slice3A_579[0] : f32 from vector<1xf32>
      %mul3A_581 = vector.broadcast %squeeze3A_580 : f32 to vector<16xf32>
      %mul3A_582 = arith.mulf %mul3A_581, %get3A_574 : vector<16xf32>
      %add3A_583 = arith.addf %mul3A_578, %mul3A_582 : vector<16xf32>
      %mul3A_584 = arith.constant 16 : i32
      %mul3A_585 = arith.muli %scan3A_470, %mul3A_584 : i32
      %swap3A_586 = arith.constant 3 : i32
      %swap3A_587 = arith.index_cast %swap3A_586 : i32 to index
      %swap3A_588 = arith.index_cast %mul3A_585 : i32 to index
      %swap3A_589 = tpu.vector_load %arg9[%swap3A_587, %swap3A_588] {strides = array<i32>} : memref<8x2048xf32, #tpu.memory_space<vmem>>, vector<1x16xf32>,
      %swap3A_590 = vector.shape_cast %swap3A_589 : vector<1x16xf32> to vector<16xf32>
      %swap3A_591 = vector.shape_cast %add3A_583 : vector<16xf32> to vector<1x16xf32>
      tpu.vector_store %arg9[%swap3A_587, %swap3A_588], %swap3A_591 {strides = array<i32>} : memref<8x2048xf32, #tpu.memory_space<vmem>>, vector<1x16xf32>,
      %mul3A_592 = arith.constant 16 : i32
      %mul3A_593 = arith.muli %scan3A_470, %mul3A_592 : i32
      %get3A_594 = arith.constant 4 : i32
      %get3A_595 = arith.index_cast %get3A_594 : i32 to index
      %get3A_596 = arith.index_cast %mul3A_593 : i32 to index
      %get3A_597 = tpu.vector_load %arg9[%get3A_595, %get3A_596] {strides = array<i32>} : memref<8x2048xf32, #tpu.memory_space<vmem>>, vector<1x16xf32>,
      %get3A_598 = vector.shape_cast %get3A_597 : vector<1x16xf32> to vector<16xf32>
      %mul3A_599 = arith.constant 16 : i32
      %mul3A_600 = arith.muli %scan3A_470, %mul3A_599 : i32
      %get3A_601 = arith.constant 4 : i32
      %get3A_602 = arith.index_cast %get3A_601 : i32 to index
      %get3A_603 = arith.index_cast %mul3A_600 : i32 to index
      %get3A_604 = tpu.vector_load %arg11[%get3A_602, %get3A_603] {strides = array<i32>} : memref<8x2048xf32, #tpu.memory_space<vmem>>, vector<1x16xf32>,
      %get3A_605 = vector.shape_cast %get3A_604 : vector<1x16xf32> to vector<16xf32>
      %slice3A_606 = vector.extract_strided_slice %get3A_55 {offsets = [4], sizes = [1], strides = [1]} : vector<16xf32> to vector<1xf32>
      %squeeze3A_607 = vector.extract %slice3A_606[0] : f32 from vector<1xf32>
      %mul3A_608 = vector.broadcast %squeeze3A_607 : f32 to vector<16xf32>
      %mul3A_609 = arith.mulf %mul3A_608, %get3A_598 : vector<16xf32>
      %slice3A_610 = vector.extract_strided_slice %get3A_62 {offsets = [4], sizes = [1], strides = [1]} : vector<16xf32> to vector<1xf32>
      %squeeze3A_611 = vector.extract %slice3A_610[0] : f32 from vector<1xf32>
      %mul3A_612 = vector.broadcast %squeeze3A_611 : f32 to vector<16xf32>
      %mul3A_613 = arith.mulf %mul3A_612, %get3A_605 : vector<16xf32>
      %add3A_614 = arith.addf %mul3A_609, %mul3A_613 : vector<16xf32>
      %mul3A_615 = arith.constant 16 : i32
      %mul3A_616 = arith.muli %scan3A_470, %mul3A_615 : i32
      %swap3A_617 = arith.constant 4 : i32
      %swap3A_618 = arith.index_cast %swap3A_617 : i32 to index
      %swap3A_619 = arith.index_cast %mul3A_616 : i32 to index
      %swap3A_620 = tpu.vector_load %arg9[%swap3A_618, %swap3A_619] {strides = array<i32>} : memref<8x2048xf32, #tpu.memory_space<vmem>>, vector<1x16xf32>,
      %swap3A_621 = vector.shape_cast %swap3A_620 : vector<1x16xf32> to vector<16xf32>
      %swap3A_622 = vector.shape_cast %add3A_614 : vector<16xf32> to vector<1x16xf32>
      tpu.vector_store %arg9[%swap3A_618, %swap3A_619], %swap3A_622 {strides = array<i32>} : memref<8x2048xf32, #tpu.memory_space<vmem>>, vector<1x16xf32>,
      %mul3A_623 = arith.constant 16 : i32
      %mul3A_624 = arith.muli %scan3A_470, %mul3A_623 : i32
      %get3A_625 = arith.constant 5 : i32
      %get3A_626 = arith.index_cast %get3A_625 : i32 to index
      %get3A_627 = arith.index_cast %mul3A_624 : i32 to index
      %get3A_628 = tpu.vector_load %arg9[%get3A_626, %get3A_627] {strides = array<i32>} : memref<8x2048xf32, #tpu.memory_space<vmem>>, vector<1x16xf32>,
      %get3A_629 = vector.shape_cast %get3A_628 : vector<1x16xf32> to vector<16xf32>
      %mul3A_630 = arith.constant 16 : i32
      %mul3A_631 = arith.muli %scan3A_470, %mul3A_630 : i32
      %get3A_632 = arith.constant 5 : i32
      %get3A_633 = arith.index_cast %get3A_632 : i32 to index
      %get3A_634 = arith.index_cast %mul3A_631 : i32 to index
      %get3A_635 = tpu.vector_load %arg11[%get3A_633, %get3A_634] {strides = array<i32>} : memref<8x2048xf32, #tpu.memory_space<vmem>>, vector<1x16xf32>,
      %get3A_636 = vector.shape_cast %get3A_635 : vector<1x16xf32> to vector<16xf32>
      %slice3A_637 = vector.extract_strided_slice %get3A_55 {offsets = [5], sizes = [1], strides = [1]} : vector<16xf32> to vector<1xf32>
      %squeeze3A_638 = vector.extract %slice3A_637[0] : f32 from vector<1xf32>
      %mul3A_639 = vector.broadcast %squeeze3A_638 : f32 to vector<16xf32>
      %mul3A_640 = arith.mulf %mul3A_639, %get3A_629 : vector<16xf32>
      %slice3A_641 = vector.extract_strided_slice %get3A_62 {offsets = [5], sizes = [1], strides = [1]} : vector<16xf32> to vector<1xf32>
      %squeeze3A_642 = vector.extract %slice3A_641[0] : f32 from vector<1xf32>
      %mul3A_643 = vector.broadcast %squeeze3A_642 : f32 to vector<16xf32>
      %mul3A_644 = arith.mulf %mul3A_643, %get3A_636 : vector<16xf32>
      %add3A_645 = arith.addf %mul3A_640, %mul3A_644 : vector<16xf32>
      %mul3A_646 = arith.constant 16 : i32
      %mul3A_647 = arith.muli %scan3A_470, %mul3A_646 : i32
      %swap3A_648 = arith.constant 5 : i32
      %swap3A_649 = arith.index_cast %swap3A_648 : i32 to index
      %swap3A_650 = arith.index_cast %mul3A_647 : i32 to index
      %swap3A_651 = tpu.vector_load %arg9[%swap3A_649, %swap3A_650] {strides = array<i32>} : memref<8x2048xf32, #tpu.memory_space<vmem>>, vector<1x16xf32>,
      %swap3A_652 = vector.shape_cast %swap3A_651 : vector<1x16xf32> to vector<16xf32>
      %swap3A_653 = vector.shape_cast %add3A_645 : vector<16xf32> to vector<1x16xf32>
      tpu.vector_store %arg9[%swap3A_649, %swap3A_650], %swap3A_653 {strides = array<i32>} : memref<8x2048xf32, #tpu.memory_space<vmem>>, vector<1x16xf32>,
      %mul3A_654 = arith.constant 16 : i32
      %mul3A_655 = arith.muli %scan3A_470, %mul3A_654 : i32
      %get3A_656 = arith.constant 6 : i32
      %get3A_657 = arith.index_cast %get3A_656 : i32 to index
      %get3A_658 = arith.index_cast %mul3A_655 : i32 to index
      %get3A_659 = tpu.vector_load %arg9[%get3A_657, %get3A_658] {strides = array<i32>} : memref<8x2048xf32, #tpu.memory_space<vmem>>, vector<1x16xf32>,
      %get3A_660 = vector.shape_cast %get3A_659 : vector<1x16xf32> to vector<16xf32>
      %mul3A_661 = arith.constant 16 : i32
      %mul3A_662 = arith.muli %scan3A_470, %mul3A_661 : i32
      %get3A_663 = arith.constant 6 : i32
      %get3A_664 = arith.index_cast %get3A_663 : i32 to index
      %get3A_665 = arith.index_cast %mul3A_662 : i32 to index
      %get3A_666 = tpu.vector_load %arg11[%get3A_664, %get3A_665] {strides = array<i32>} : memref<8x2048xf32, #tpu.memory_space<vmem>>, vector<1x16xf32>,
      %get3A_667 = vector.shape_cast %get3A_666 : vector<1x16xf32> to vector<16xf32>
      %slice3A_668 = vector.extract_strided_slice %get3A_55 {offsets = [6], sizes = [1], strides = [1]} : vector<16xf32> to vector<1xf32>
      %squeeze3A_669 = vector.extract %slice3A_668[0] : f32 from vector<1xf32>
      %mul3A_670 = vector.broadcast %squeeze3A_669 : f32 to vector<16xf32>
      %mul3A_671 = arith.mulf %mul3A_670, %get3A_660 : vector<16xf32>
      %slice3A_672 = vector.extract_strided_slice %get3A_62 {offsets = [6], sizes = [1], strides = [1]} : vector<16xf32> to vector<1xf32>
      %squeeze3A_673 = vector.extract %slice3A_672[0] : f32 from vector<1xf32>
      %mul3A_674 = vector.broadcast %squeeze3A_673 : f32 to vector<16xf32>
      %mul3A_675 = arith.mulf %mul3A_674, %get3A_667 : vector<16xf32>
      %add3A_676 = arith.addf %mul3A_671, %mul3A_675 : vector<16xf32>
      %mul3A_677 = arith.constant 16 : i32
      %mul3A_678 = arith.muli %scan3A_470, %mul3A_677 : i32
      %swap3A_679 = arith.constant 6 : i32
      %swap3A_680 = arith.index_cast %swap3A_679 : i32 to index
      %swap3A_681 = arith.index_cast %mul3A_678 : i32 to index
      %swap3A_682 = tpu.vector_load %arg9[%swap3A_680, %swap3A_681] {strides = array<i32>} : memref<8x2048xf32, #tpu.memory_space<vmem>>, vector<1x16xf32>,
      %swap3A_683 = vector.shape_cast %swap3A_682 : vector<1x16xf32> to vector<16xf32>
      %swap3A_684 = vector.shape_cast %add3A_676 : vector<16xf32> to vector<1x16xf32>
      tpu.vector_store %arg9[%swap3A_680, %swap3A_681], %swap3A_684 {strides = array<i32>} : memref<8x2048xf32, #tpu.memory_space<vmem>>, vector<1x16xf32>,
      %mul3A_685 = arith.constant 16 : i32
      %mul3A_686 = arith.muli %scan3A_470, %mul3A_685 : i32
      %get3A_687 = arith.constant 7 : i32
      %get3A_688 = arith.index_cast %get3A_687 : i32 to index
      %get3A_689 = arith.index_cast %mul3A_686 : i32 to index
      %get3A_690 = tpu.vector_load %arg9[%get3A_688, %get3A_689] {strides = array<i32>} : memref<8x2048xf32, #tpu.memory_space<vmem>>, vector<1x16xf32>,
      %get3A_691 = vector.shape_cast %get3A_690 : vector<1x16xf32> to vector<16xf32>
      %mul3A_692 = arith.constant 16 : i32
      %mul3A_693 = arith.muli %scan3A_470, %mul3A_692 : i32
      %get3A_694 = arith.constant 7 : i32
      %get3A_695 = arith.index_cast %get3A_694 : i32 to index
      %get3A_696 = arith.index_cast %mul3A_693 : i32 to index
      %get3A_697 = tpu.vector_load %arg11[%get3A_695, %get3A_696] {strides = array<i32>} : memref<8x2048xf32, #tpu.memory_space<vmem>>, vector<1x16xf32>,
      %get3A_698 = vector.shape_cast %get3A_697 : vector<1x16xf32> to vector<16xf32>
      %slice3A_699 = vector.extract_strided_slice %get3A_55 {offsets = [7], sizes = [1], strides = [1]} : vector<16xf32> to vector<1xf32>
      %squeeze3A_700 = vector.extract %slice3A_699[0] : f32 from vector<1xf32>
      %mul3A_701 = vector.broadcast %squeeze3A_700 : f32 to vector<16xf32>
      %mul3A_702 = arith.mulf %mul3A_701, %get3A_691 : vector<16xf32>
      %slice3A_703 = vector.extract_strided_slice %get3A_62 {offsets = [7], sizes = [1], strides = [1]} : vector<16xf32> to vector<1xf32>
      %squeeze3A_704 = vector.extract %slice3A_703[0] : f32 from vector<1xf32>
      %mul3A_705 = vector.broadcast %squeeze3A_704 : f32 to vector<16xf32>
      %mul3A_706 = arith.mulf %mul3A_705, %get3A_698 : vector<16xf32>
      %add3A_707 = arith.addf %mul3A_702, %mul3A_706 : vector<16xf32>
      %mul3A_708 = arith.constant 16 : i32
      %mul3A_709 = arith.muli %scan3A_470, %mul3A_708 : i32
      %swap3A_710 = arith.constant 7 : i32
      %swap3A_711 = arith.index_cast %swap3A_710 : i32 to index
      %swap3A_712 = arith.index_cast %mul3A_709 : i32 to index
      %swap3A_713 = tpu.vector_load %arg9[%swap3A_711, %swap3A_712] {strides = array<i32>} : memref<8x2048xf32, #tpu.memory_space<vmem>>, vector<1x16xf32>,
      %swap3A_714 = vector.shape_cast %swap3A_713 : vector<1x16xf32> to vector<16xf32>
      %swap3A_715 = vector.shape_cast %add3A_707 : vector<16xf32> to vector<1x16xf32>
      tpu.vector_store %arg9[%swap3A_711, %swap3A_712], %swap3A_715 {strides = array<i32>} : memref<8x2048xf32, #tpu.memory_space<vmem>>, vector<1x16xf32>,
    }
    %scan3A_67 = arith.constant 128 : i32
    %add3A_68 = arith.constant 0 : i32
    %add3A_69 = arith.addi %mul3A_2, %add3A_68 : i32
    %dma_start3A_70 = arith.constant 0 : i32
    %dma_start3A_71 = tpu.memref_slice %arg5[%add3A_69, %dma_start3A_70] : memref<2048x2048xf32, #tpu.memory_space<hbm>> -> memref<8x2048xf32, #tpu.memory_space<hbm>>
    %dma_start3A_72 = arith.constant 0 : i32
    %dma_start3A_73 = tpu.memref_slice %arg5[%add3A_69, %dma_start3A_72] : memref<2048x2048xf32, #tpu.memory_space<hbm>> -> memref<8x2048xf32, #tpu.memory_space<hbm>>
    tpu.enqueue_dma source(%arg9 : memref<8x2048xf32, #tpu.memory_space<vmem>>) target(%dma_start3A_73 : memref<8x2048xf32, #tpu.memory_space<hbm>>) target_semaphore(%arg17 : memref<!tpu.dma_semaphore, #tpu.memory_space<semaphore_mem>>)
    %dma_wait3A_74 = arith.constant 0 : i32
    %dma_wait3A_75 = tpu.memref_slice %arg5[%add3A_69, %dma_wait3A_74] : memref<2048x2048xf32, #tpu.memory_space<hbm>> -> memref<8x2048xf32, #tpu.memory_space<hbm>>
    %dma_wait3A_76 = arith.constant 0 : i32
    %dma_wait3A_77 = tpu.memref_slice %arg5[%add3A_69, %dma_wait3A_76] : memref<2048x2048xf32, #tpu.memory_space<hbm>> -> memref<8x2048xf32, #tpu.memory_space<hbm>>
    tpu.wait_dma2 semaphore(%arg17 : memref<!tpu.dma_semaphore, #tpu.memory_space<semaphore_mem>>) src(%arg9 : memref<8x2048xf32, #tpu.memory_space<vmem>>) dst(%dma_wait3A_77 : memref<8x2048xf32, #tpu.memory_space<hbm>>)
    %dma_start3A_78 = arith.constant 2 : i32
    %dma_start3A_79 = arith.constant 0 : i32
    %dma_start3A_80 = tpu.memref_slice %arg6[%dma_start3A_78, %dma_start3A_79] : memref<8x8xi32, #tpu.memory_space<vmem>> -> memref<1x8xi32, #tpu.memory_space<vmem>>
    %dma_start3A_81 = tpu.memref_squeeze %dma_start3A_80 : memref<1x8xi32, #tpu.memory_space<vmem>> -> memref<8xi32, #tpu.memory_space<vmem>>
    %dma_start3A_82 = arith.constant 0 : i32
    %dma_start3A_83 = arith.constant 0 : i32
    %dma_start3A_84 = tpu.memref_slice %arg2[%dma_start3A_82, %dma_start3A_83] : memref<8064x2048xf32, #tpu.memory_space<hbm>> -> memref<8064x2048xf32, #tpu.memory_space<hbm>>
    tpu.enqueue_indirect_dma source(%dma_start3A_84 : memref<8064x2048xf32, #tpu.memory_space<hbm>>) target(%arg9 : memref<8x2048xf32, #tpu.memory_space<vmem>>) offsets(%dma_start3A_81 : memref<8xi32, #tpu.memory_space<vmem>>) semaphore(%arg13 : memref<!tpu.dma_semaphore, #tpu.memory_space<semaphore_mem>>)
    %dma_start3A_85 = arith.constant 2 : i32
    %dma_start3A_86 = arith.constant 0 : i32
    %dma_start3A_87 = tpu.memref_slice %arg7[%dma_start3A_85, %dma_start3A_86] : memref<8x8xi32, #tpu.memory_space<vmem>> -> memref<1x8xi32, #tpu.memory_space<vmem>>
    %dma_start3A_88 = tpu.memref_squeeze %dma_start3A_87 : memref<1x8xi32, #tpu.memory_space<vmem>> -> memref<8xi32, #tpu.memory_space<vmem>>
    %dma_start3A_89 = arith.constant 0 : i32
    %dma_start3A_90 = arith.constant 0 : i32
    %dma_start3A_91 = tpu.memref_slice %arg2[%dma_start3A_89, %dma_start3A_90] : memref<8064x2048xf32, #tpu.memory_space<hbm>> -> memref<8064x2048xf32, #tpu.memory_space<hbm>>
    tpu.enqueue_indirect_dma source(%dma_start3A_91 : memref<8064x2048xf32, #tpu.memory_space<hbm>>) target(%arg11 : memref<8x2048xf32, #tpu.memory_space<vmem>>) offsets(%dma_start3A_88 : memref<8xi32, #tpu.memory_space<vmem>>) semaphore(%arg15 : memref<!tpu.dma_semaphore, #tpu.memory_space<semaphore_mem>>)
    %dma_wait3A_92 = arith.constant 1 : i32
    %dma_wait3A_93 = arith.constant 0 : i32
    %dma_wait3A_94 = tpu.memref_slice %arg6[%dma_wait3A_92, %dma_wait3A_93] : memref<8x8xi32, #tpu.memory_space<vmem>> -> memref<1x8xi32, #tpu.memory_space<vmem>>
    %dma_wait3A_95 = tpu.memref_squeeze %dma_wait3A_94 : memref<1x8xi32, #tpu.memory_space<vmem>> -> memref<8xi32, #tpu.memory_space<vmem>>
    %dma_wait3A_96 = arith.constant 0 : i32
    %dma_wait3A_97 = arith.constant 0 : i32
    %dma_wait3A_98 = tpu.memref_slice %arg2[%dma_wait3A_96, %dma_wait3A_97] : memref<8064x2048xf32, #tpu.memory_space<hbm>> -> memref<8064x2048xf32, #tpu.memory_space<hbm>>
    tpu.wait_indirect_dma semaphore(%arg14 : memref<!tpu.dma_semaphore, #tpu.memory_space<semaphore_mem>>) src(%dma_wait3A_98 : memref<8064x2048xf32, #tpu.memory_space<hbm>>) dst(%arg10 : memref<8x2048xf32, #tpu.memory_space<vmem>>)
    %dma_wait3A_99 = arith.constant 1 : i32
    %dma_wait3A_100 = arith.constant 0 : i32
    %dma_wait3A_101 = tpu.memref_slice %arg7[%dma_wait3A_99, %dma_wait3A_100] : memref<8x8xi32, #tpu.memory_space<vmem>> -> memref<1x8xi32, #tpu.memory_space<vmem>>
    %dma_wait3A_102 = tpu.memref_squeeze %dma_wait3A_101 : memref<1x8xi32, #tpu.memory_space<vmem>> -> memref<8xi32, #tpu.memory_space<vmem>>
    %dma_wait3A_103 = arith.constant 0 : i32
    %dma_wait3A_104 = arith.constant 0 : i32
    %dma_wait3A_105 = tpu.memref_slice %arg2[%dma_wait3A_103, %dma_wait3A_104] : memref<8064x2048xf32, #tpu.memory_space<hbm>> -> memref<8064x2048xf32, #tpu.memory_space<hbm>>
    tpu.wait_indirect_dma semaphore(%arg16 : memref<!tpu.dma_semaphore, #tpu.memory_space<semaphore_mem>>) src(%dma_wait3A_105 : memref<8064x2048xf32, #tpu.memory_space<hbm>>) dst(%arg12 : memref<8x2048xf32, #tpu.memory_space<vmem>>)
    %get3A_106 = arith.constant 0 : i32
    %get3A_107 = arith.constant 0 : i32
    %get3A_108 = arith.index_cast %get3A_106 : i32 to index
    %get3A_109 = arith.index_cast %get3A_107 : i32 to index
    %get3A_110 = arith.constant 0 : index
    %get3A_111 = tpu.vector_load %arg8[%get3A_108, %get3A_109, %get3A_110] {strides = array<i32>} : memref<2x4x16xf32, #tpu.memory_space<vmem>>, vector<1x1x16xf32>,
    %get3A_112 = vector.shape_cast %get3A_111 : vector<1x1x16xf32> to vector<16xf32>
    %get3A_113 = arith.constant 1 : i32
    %get3A_114 = arith.constant 0 : i32
    %get3A_115 = arith.index_cast %get3A_113 : i32 to index
    %get3A_116 = arith.index_cast %get3A_114 : i32 to index
    %get3A_117 = arith.constant 0 : index
    %get3A_118 = tpu.vector_load %arg8[%get3A_115, %get3A_116, %get3A_117] {strides = array<i32>} : memref<2x4x16xf32, #tpu.memory_space<vmem>>, vector<1x1x16xf32>,
    %get3A_119 = vector.shape_cast %get3A_118 : vector<1x1x16xf32> to vector<16xf32>
    %scan3A_120 = arith.constant 0 : i32
    %scan3A_121 = arith.constant 0 : i32
    %scan3A_122 = arith.constant 128 : i32
    %scan3A_123 = arith.addi %scan3A_121, %scan3A_122 : i32
    %scan3A_124 = arith.constant 1 : i32
    scf.for %scan3A_470 = %scan3A_121 to %scan3A_123 step %scan3A_124  : i32 {
      %mul3A_471 = arith.constant 16 : i32
      %mul3A_472 = arith.muli %scan3A_470, %mul3A_471 : i32
      %get3A_473 = arith.constant 0 : i32
      %get3A_474 = arith.index_cast %get3A_473 : i32 to index
      %get3A_475 = arith.index_cast %mul3A_472 : i32 to index
      %get3A_476 = tpu.vector_load %arg10[%get3A_474, %get3A_475] {strides = array<i32>} : memref<8x2048xf32, #tpu.memory_space<vmem>>, vector<1x16xf32>,
      %get3A_477 = vector.shape_cast %get3A_476 : vector<1x16xf32> to vector<16xf32>
      %mul3A_478 = arith.constant 16 : i32
      %mul3A_479 = arith.muli %scan3A_470, %mul3A_478 : i32
      %get3A_480 = arith.constant 0 : i32
      %get3A_481 = arith.index_cast %get3A_480 : i32 to index
      %get3A_482 = arith.index_cast %mul3A_479 : i32 to index
      %get3A_483 = tpu.vector_load %arg12[%get3A_481, %get3A_482] {strides = array<i32>} : memref<8x2048xf32, #tpu.memory_space<vmem>>, vector<1x16xf32>,
      %get3A_484 = vector.shape_cast %get3A_483 : vector<1x16xf32> to vector<16xf32>
      %slice3A = vector.extract_strided_slice %get3A_112 {offsets = [8], sizes = [1], strides = [1]} : vector<16xf32> to vector<1xf32>
      %squeeze3A = vector.extract %slice3A[0] : f32 from vector<1xf32>
      %mul3A_485 = vector.broadcast %squeeze3A : f32 to vector<16xf32>
      %mul3A_486 = arith.mulf %mul3A_485, %get3A_477 : vector<16xf32>
      %slice3A_487 = vector.extract_strided_slice %get3A_119 {offsets = [8], sizes = [1], strides = [1]} : vector<16xf32> to vector<1xf32>
      %squeeze3A_488 = vector.extract %slice3A_487[0] : f32 from vector<1xf32>
      %mul3A_489 = vector.broadcast %squeeze3A_488 : f32 to vector<16xf32>
      %mul3A_490 = arith.mulf %mul3A_489, %get3A_484 : vector<16xf32>
      %add3A_491 = arith.addf %mul3A_486, %mul3A_490 : vector<16xf32>
      %mul3A_492 = arith.constant 16 : i32
      %mul3A_493 = arith.muli %scan3A_470, %mul3A_492 : i32
      %swap3A = arith.constant 0 : i32
      %swap3A_494 = arith.index_cast %swap3A : i32 to index
      %swap3A_495 = arith.index_cast %mul3A_493 : i32 to index
      %swap3A_496 = tpu.vector_load %arg10[%swap3A_494, %swap3A_495] {strides = array<i32>} : memref<8x2048xf32, #tpu.memory_space<vmem>>, vector<1x16xf32>,
      %swap3A_497 = vector.shape_cast %swap3A_496 : vector<1x16xf32> to vector<16xf32>
      %swap3A_498 = vector.shape_cast %add3A_491 : vector<16xf32> to vector<1x16xf32>
      tpu.vector_store %arg10[%swap3A_494, %swap3A_495], %swap3A_498 {strides = array<i32>} : memref<8x2048xf32, #tpu.memory_space<vmem>>, vector<1x16xf32>,
      %mul3A_499 = arith.constant 16 : i32
      %mul3A_500 = arith.muli %scan3A_470, %mul3A_499 : i32
      %get3A_501 = arith.constant 1 : i32
      %get3A_502 = arith.index_cast %get3A_501 : i32 to index
      %get3A_503 = arith.index_cast %mul3A_500 : i32 to index
      %get3A_504 = tpu.vector_load %arg10[%get3A_502, %get3A_503] {strides = array<i32>} : memref<8x2048xf32, #tpu.memory_space<vmem>>, vector<1x16xf32>,
      %get3A_505 = vector.shape_cast %get3A_504 : vector<1x16xf32> to vector<16xf32>
      %mul3A_506 = arith.constant 16 : i32
      %mul3A_507 = arith.muli %scan3A_470, %mul3A_506 : i32
      %get3A_508 = arith.constant 1 : i32
      %get3A_509 = arith.index_cast %get3A_508 : i32 to index
      %get3A_510 = arith.index_cast %mul3A_507 : i32 to index
      %get3A_511 = tpu.vector_load %arg12[%get3A_509, %get3A_510] {strides = array<i32>} : memref<8x2048xf32, #tpu.memory_space<vmem>>, vector<1x16xf32>,
      %get3A_512 = vector.shape_cast %get3A_511 : vector<1x16xf32> to vector<16xf32>
      %slice3A_513 = vector.extract_strided_slice %get3A_112 {offsets = [9], sizes = [1], strides = [1]} : vector<16xf32> to vector<1xf32>
      %squeeze3A_514 = vector.extract %slice3A_513[0] : f32 from vector<1xf32>
      %mul3A_515 = vector.broadcast %squeeze3A_514 : f32 to vector<16xf32>
      %mul3A_516 = arith.mulf %mul3A_515, %get3A_505 : vector<16xf32>
      %slice3A_517 = vector.extract_strided_slice %get3A_119 {offsets = [9], sizes = [1], strides = [1]} : vector<16xf32> to vector<1xf32>
      %squeeze3A_518 = vector.extract %slice3A_517[0] : f32 from vector<1xf32>
      %mul3A_519 = vector.broadcast %squeeze3A_518 : f32 to vector<16xf32>
      %mul3A_520 = arith.mulf %mul3A_519, %get3A_512 : vector<16xf32>
      %add3A_521 = arith.addf %mul3A_516, %mul3A_520 : vector<16xf32>
      %mul3A_522 = arith.constant 16 : i32
      %mul3A_523 = arith.muli %scan3A_470, %mul3A_522 : i32
      %swap3A_524 = arith.constant 1 : i32
      %swap3A_525 = arith.index_cast %swap3A_524 : i32 to index
      %swap3A_526 = arith.index_cast %mul3A_523 : i32 to index
      %swap3A_527 = tpu.vector_load %arg10[%swap3A_525, %swap3A_526] {strides = array<i32>} : memref<8x2048xf32, #tpu.memory_space<vmem>>, vector<1x16xf32>,
      %swap3A_528 = vector.shape_cast %swap3A_527 : vector<1x16xf32> to vector<16xf32>
      %swap3A_529 = vector.shape_cast %add3A_521 : vector<16xf32> to vector<1x16xf32>
      tpu.vector_store %arg10[%swap3A_525, %swap3A_526], %swap3A_529 {strides = array<i32>} : memref<8x2048xf32, #tpu.memory_space<vmem>>, vector<1x16xf32>,
      %mul3A_530 = arith.constant 16 : i32
      %mul3A_531 = arith.muli %scan3A_470, %mul3A_530 : i32
      %get3A_532 = arith.constant 2 : i32
      %get3A_533 = arith.index_cast %get3A_532 : i32 to index
      %get3A_534 = arith.index_cast %mul3A_531 : i32 to index
      %get3A_535 = tpu.vector_load %arg10[%get3A_533, %get3A_534] {strides = array<i32>} : memref<8x2048xf32, #tpu.memory_space<vmem>>, vector<1x16xf32>,
      %get3A_536 = vector.shape_cast %get3A_535 : vector<1x16xf32> to vector<16xf32>
      %mul3A_537 = arith.constant 16 : i32
      %mul3A_538 = arith.muli %scan3A_470, %mul3A_537 : i32
      %get3A_539 = arith.constant 2 : i32
      %get3A_540 = arith.index_cast %get3A_539 : i32 to index
      %get3A_541 = arith.index_cast %mul3A_538 : i32 to index
      %get3A_542 = tpu.vector_load %arg12[%get3A_540, %get3A_541] {strides = array<i32>} : memref<8x2048xf32, #tpu.memory_space<vmem>>, vector<1x16xf32>,
      %get3A_543 = vector.shape_cast %get3A_542 : vector<1x16xf32> to vector<16xf32>
      %slice3A_544 = vector.extract_strided_slice %get3A_112 {offsets = [10], sizes = [1], strides = [1]} : vector<16xf32> to vector<1xf32>
      %squeeze3A_545 = vector.extract %slice3A_544[0] : f32 from vector<1xf32>
      %mul3A_546 = vector.broadcast %squeeze3A_545 : f32 to vector<16xf32>
      %mul3A_547 = arith.mulf %mul3A_546, %get3A_536 : vector<16xf32>
      %slice3A_548 = vector.extract_strided_slice %get3A_119 {offsets = [10], sizes = [1], strides = [1]} : vector<16xf32> to vector<1xf32>
      %squeeze3A_549 = vector.extract %slice3A_548[0] : f32 from vector<1xf32>
      %mul3A_550 = vector.broadcast %squeeze3A_549 : f32 to vector<16xf32>
      %mul3A_551 = arith.mulf %mul3A_550, %get3A_543 : vector<16xf32>
      %add3A_552 = arith.addf %mul3A_547, %mul3A_551 : vector<16xf32>
      %mul3A_553 = arith.constant 16 : i32
      %mul3A_554 = arith.muli %scan3A_470, %mul3A_553 : i32
      %swap3A_555 = arith.constant 2 : i32
      %swap3A_556 = arith.index_cast %swap3A_555 : i32 to index
      %swap3A_557 = arith.index_cast %mul3A_554 : i32 to index
      %swap3A_558 = tpu.vector_load %arg10[%swap3A_556, %swap3A_557] {strides = array<i32>} : memref<8x2048xf32, #tpu.memory_space<vmem>>, vector<1x16xf32>,
      %swap3A_559 = vector.shape_cast %swap3A_558 : vector<1x16xf32> to vector<16xf32>
      %swap3A_560 = vector.shape_cast %add3A_552 : vector<16xf32> to vector<1x16xf32>
      tpu.vector_store %arg10[%swap3A_556, %swap3A_557], %swap3A_560 {strides = array<i32>} : memref<8x2048xf32, #tpu.memory_space<vmem>>, vector<1x16xf32>,
      %mul3A_561 = arith.constant 16 : i32
      %mul3A_562 = arith.muli %scan3A_470, %mul3A_561 : i32
      %get3A_563 = arith.constant 3 : i32
      %get3A_564 = arith.index_cast %get3A_563 : i32 to index
      %get3A_565 = arith.index_cast %mul3A_562 : i32 to index
      %get3A_566 = tpu.vector_load %arg10[%get3A_564, %get3A_565] {strides = array<i32>} : memref<8x2048xf32, #tpu.memory_space<vmem>>, vector<1x16xf32>,
      %get3A_567 = vector.shape_cast %get3A_566 : vector<1x16xf32> to vector<16xf32>
      %mul3A_568 = arith.constant 16 : i32
      %mul3A_569 = arith.muli %scan3A_470, %mul3A_568 : i32
      %get3A_570 = arith.constant 3 : i32
      %get3A_571 = arith.index_cast %get3A_570 : i32 to index
      %get3A_572 = arith.index_cast %mul3A_569 : i32 to index
      %get3A_573 = tpu.vector_load %arg12[%get3A_571, %get3A_572] {strides = array<i32>} : memref<8x2048xf32, #tpu.memory_space<vmem>>, vector<1x16xf32>,
      %get3A_574 = vector.shape_cast %get3A_573 : vector<1x16xf32> to vector<16xf32>
      %slice3A_575 = vector.extract_strided_slice %get3A_112 {offsets = [11], sizes = [1], strides = [1]} : vector<16xf32> to vector<1xf32>
      %squeeze3A_576 = vector.extract %slice3A_575[0] : f32 from vector<1xf32>
      %mul3A_577 = vector.broadcast %squeeze3A_576 : f32 to vector<16xf32>
      %mul3A_578 = arith.mulf %mul3A_577, %get3A_567 : vector<16xf32>
      %slice3A_579 = vector.extract_strided_slice %get3A_119 {offsets = [11], sizes = [1], strides = [1]} : vector<16xf32> to vector<1xf32>
      %squeeze3A_580 = vector.extract %slice3A_579[0] : f32 from vector<1xf32>
      %mul3A_581 = vector.broadcast %squeeze3A_580 : f32 to vector<16xf32>
      %mul3A_582 = arith.mulf %mul3A_581, %get3A_574 : vector<16xf32>
      %add3A_583 = arith.addf %mul3A_578, %mul3A_582 : vector<16xf32>
      %mul3A_584 = arith.constant 16 : i32
      %mul3A_585 = arith.muli %scan3A_470, %mul3A_584 : i32
      %swap3A_586 = arith.constant 3 : i32
      %swap3A_587 = arith.index_cast %swap3A_586 : i32 to index
      %swap3A_588 = arith.index_cast %mul3A_585 : i32 to index
      %swap3A_589 = tpu.vector_load %arg10[%swap3A_587, %swap3A_588] {strides = array<i32>} : memref<8x2048xf32, #tpu.memory_space<vmem>>, vector<1x16xf32>,
      %swap3A_590 = vector.shape_cast %swap3A_589 : vector<1x16xf32> to vector<16xf32>
      %swap3A_591 = vector.shape_cast %add3A_583 : vector<16xf32> to vector<1x16xf32>
      tpu.vector_store %arg10[%swap3A_587, %swap3A_588], %swap3A_591 {strides = array<i32>} : memref<8x2048xf32, #tpu.memory_space<vmem>>, vector<1x16xf32>,
      %mul3A_592 = arith.constant 16 : i32
      %mul3A_593 = arith.muli %scan3A_470, %mul3A_592 : i32
      %get3A_594 = arith.constant 4 : i32
      %get3A_595 = arith.index_cast %get3A_594 : i32 to index
      %get3A_596 = arith.index_cast %mul3A_593 : i32 to index
      %get3A_597 = tpu.vector_load %arg10[%get3A_595, %get3A_596] {strides = array<i32>} : memref<8x2048xf32, #tpu.memory_space<vmem>>, vector<1x16xf32>,
      %get3A_598 = vector.shape_cast %get3A_597 : vector<1x16xf32> to vector<16xf32>
      %mul3A_599 = arith.constant 16 : i32
      %mul3A_600 = arith.muli %scan3A_470, %mul3A_599 : i32
      %get3A_601 = arith.constant 4 : i32
      %get3A_602 = arith.index_cast %get3A_601 : i32 to index
      %get3A_603 = arith.index_cast %mul3A_600 : i32 to index
      %get3A_604 = tpu.vector_load %arg12[%get3A_602, %get3A_603] {strides = array<i32>} : memref<8x2048xf32, #tpu.memory_space<vmem>>, vector<1x16xf32>,
      %get3A_605 = vector.shape_cast %get3A_604 : vector<1x16xf32> to vector<16xf32>
      %slice3A_606 = vector.extract_strided_slice %get3A_112 {offsets = [12], sizes = [1], strides = [1]} : vector<16xf32> to vector<1xf32>
      %squeeze3A_607 = vector.extract %slice3A_606[0] : f32 from vector<1xf32>
      %mul3A_608 = vector.broadcast %squeeze3A_607 : f32 to vector<16xf32>
      %mul3A_609 = arith.mulf %mul3A_608, %get3A_598 : vector<16xf32>
      %slice3A_610 = vector.extract_strided_slice %get3A_119 {offsets = [12], sizes = [1], strides = [1]} : vector<16xf32> to vector<1xf32>
      %squeeze3A_611 = vector.extract %slice3A_610[0] : f32 from vector<1xf32>
      %mul3A_612 = vector.broadcast %squeeze3A_611 : f32 to vector<16xf32>
      %mul3A_613 = arith.mulf %mul3A_612, %get3A_605 : vector<16xf32>
      %add3A_614 = arith.addf %mul3A_609, %mul3A_613 : vector<16xf32>
      %mul3A_615 = arith.constant 16 : i32
      %mul3A_616 = arith.muli %scan3A_470, %mul3A_615 : i32
      %swap3A_617 = arith.constant 4 : i32
      %swap3A_618 = arith.index_cast %swap3A_617 : i32 to index
      %swap3A_619 = arith.index_cast %mul3A_616 : i32 to index
      %swap3A_620 = tpu.vector_load %arg10[%swap3A_618, %swap3A_619] {strides = array<i32>} : memref<8x2048xf32, #tpu.memory_space<vmem>>, vector<1x16xf32>,
      %swap3A_621 = vector.shape_cast %swap3A_620 : vector<1x16xf32> to vector<16xf32>
      %swap3A_622 = vector.shape_cast %add3A_614 : vector<16xf32> to vector<1x16xf32>
      tpu.vector_store %arg10[%swap3A_618, %swap3A_619], %swap3A_622 {strides = array<i32>} : memref<8x2048xf32, #tpu.memory_space<vmem>>, vector<1x16xf32>,
      %mul3A_623 = arith.constant 16 : i32
      %mul3A_624 = arith.muli %scan3A_470, %mul3A_623 : i32
      %get3A_625 = arith.constant 5 : i32
      %get3A_626 = arith.index_cast %get3A_625 : i32 to index
      %get3A_627 = arith.index_cast %mul3A_624 : i32 to index
      %get3A_628 = tpu.vector_load %arg10[%get3A_626, %get3A_627] {strides = array<i32>} : memref<8x2048xf32, #tpu.memory_space<vmem>>, vector<1x16xf32>,
      %get3A_629 = vector.shape_cast %get3A_628 : vector<1x16xf32> to vector<16xf32>
      %mul3A_630 = arith.constant 16 : i32
      %mul3A_631 = arith.muli %scan3A_470, %mul3A_630 : i32
      %get3A_632 = arith.constant 5 : i32
      %get3A_633 = arith.index_cast %get3A_632 : i32 to index
      %get3A_634 = arith.index_cast %mul3A_631 : i32 to index
      %get3A_635 = tpu.vector_load %arg12[%get3A_633, %get3A_634] {strides = array<i32>} : memref<8x2048xf32, #tpu.memory_space<vmem>>, vector<1x16xf32>,
      %get3A_636 = vector.shape_cast %get3A_635 : vector<1x16xf32> to vector<16xf32>
      %slice3A_637 = vector.extract_strided_slice %get3A_112 {offsets = [13], sizes = [1], strides = [1]} : vector<16xf32> to vector<1xf32>
      %squeeze3A_638 = vector.extract %slice3A_637[0] : f32 from vector<1xf32>
      %mul3A_639 = vector.broadcast %squeeze3A_638 : f32 to vector<16xf32>
      %mul3A_640 = arith.mulf %mul3A_639, %get3A_629 : vector<16xf32>
      %slice3A_641 = vector.extract_strided_slice %get3A_119 {offsets = [13], sizes = [1], strides = [1]} : vector<16xf32> to vector<1xf32>
      %squeeze3A_642 = vector.extract %slice3A_641[0] : f32 from vector<1xf32>
      %mul3A_643 = vector.broadcast %squeeze3A_642 : f32 to vector<16xf32>
      %mul3A_644 = arith.mulf %mul3A_643, %get3A_636 : vector<16xf32>
      %add3A_645 = arith.addf %mul3A_640, %mul3A_644 : vector<16xf32>
      %mul3A_646 = arith.constant 16 : i32
      %mul3A_647 = arith.muli %scan3A_470, %mul3A_646 : i32
      %swap3A_648 = arith.constant 5 : i32
      %swap3A_649 = arith.index_cast %swap3A_648 : i32 to index
      %swap3A_650 = arith.index_cast %mul3A_647 : i32 to index
      %swap3A_651 = tpu.vector_load %arg10[%swap3A_649, %swap3A_650] {strides = array<i32>} : memref<8x2048xf32, #tpu.memory_space<vmem>>, vector<1x16xf32>,
      %swap3A_652 = vector.shape_cast %swap3A_651 : vector<1x16xf32> to vector<16xf32>
      %swap3A_653 = vector.shape_cast %add3A_645 : vector<16xf32> to vector<1x16xf32>
      tpu.vector_store %arg10[%swap3A_649, %swap3A_650], %swap3A_653 {strides = array<i32>} : memref<8x2048xf32, #tpu.memory_space<vmem>>, vector<1x16xf32>,
      %mul3A_654 = arith.constant 16 : i32
      %mul3A_655 = arith.muli %scan3A_470, %mul3A_654 : i32
      %get3A_656 = arith.constant 6 : i32
      %get3A_657 = arith.index_cast %get3A_656 : i32 to index
      %get3A_658 = arith.index_cast %mul3A_655 : i32 to index
      %get3A_659 = tpu.vector_load %arg10[%get3A_657, %get3A_658] {strides = array<i32>} : memref<8x2048xf32, #tpu.memory_space<vmem>>, vector<1x16xf32>,
      %get3A_660 = vector.shape_cast %get3A_659 : vector<1x16xf32> to vector<16xf32>
      %mul3A_661 = arith.constant 16 : i32
      %mul3A_662 = arith.muli %scan3A_470, %mul3A_661 : i32
      %get3A_663 = arith.constant 6 : i32
      %get3A_664 = arith.index_cast %get3A_663 : i32 to index
      %get3A_665 = arith.index_cast %mul3A_662 : i32 to index
      %get3A_666 = tpu.vector_load %arg12[%get3A_664, %get3A_665] {strides = array<i32>} : memref<8x2048xf32, #tpu.memory_space<vmem>>, vector<1x16xf32>,
      %get3A_667 = vector.shape_cast %get3A_666 : vector<1x16xf32> to vector<16xf32>
      %slice3A_668 = vector.extract_strided_slice %get3A_112 {offsets = [14], sizes = [1], strides = [1]} : vector<16xf32> to vector<1xf32>
      %squeeze3A_669 = vector.extract %slice3A_668[0] : f32 from vector<1xf32>
      %mul3A_670 = vector.broadcast %squeeze3A_669 : f32 to vector<16xf32>
      %mul3A_671 = arith.mulf %mul3A_670, %get3A_660 : vector<16xf32>
      %slice3A_672 = vector.extract_strided_slice %get3A_119 {offsets = [14], sizes = [1], strides = [1]} : vector<16xf32> to vector<1xf32>
      %squeeze3A_673 = vector.extract %slice3A_672[0] : f32 from vector<1xf32>
      %mul3A_674 = vector.broadcast %squeeze3A_673 : f32 to vector<16xf32>
      %mul3A_675 = arith.mulf %mul3A_674, %get3A_667 : vector<16xf32>
      %add3A_676 = arith.addf %mul3A_671, %mul3A_675 : vector<16xf32>
      %mul3A_677 = arith.constant 16 : i32
      %mul3A_678 = arith.muli %scan3A_470, %mul3A_677 : i32
      %swap3A_679 = arith.constant 6 : i32
      %swap3A_680 = arith.index_cast %swap3A_679 : i32 to index
      %swap3A_681 = arith.index_cast %mul3A_678 : i32 to index
      %swap3A_682 = tpu.vector_load %arg10[%swap3A_680, %swap3A_681] {strides = array<i32>} : memref<8x2048xf32, #tpu.memory_space<vmem>>, vector<1x16xf32>,
      %swap3A_683 = vector.shape_cast %swap3A_682 : vector<1x16xf32> to vector<16xf32>
      %swap3A_684 = vector.shape_cast %add3A_676 : vector<16xf32> to vector<1x16xf32>
      tpu.vector_store %arg10[%swap3A_680, %swap3A_681], %swap3A_684 {strides = array<i32>} : memref<8x2048xf32, #tpu.memory_space<vmem>>, vector<1x16xf32>,
      %mul3A_685 = arith.constant 16 : i32
      %mul3A_686 = arith.muli %scan3A_470, %mul3A_685 : i32
      %get3A_687 = arith.constant 7 : i32
      %get3A_688 = arith.index_cast %get3A_687 : i32 to index
      %get3A_689 = arith.index_cast %mul3A_686 : i32 to index
      %get3A_690 = tpu.vector_load %arg10[%get3A_688, %get3A_689] {strides = array<i32>} : memref<8x2048xf32, #tpu.memory_space<vmem>>, vector<1x16xf32>,
      %get3A_691 = vector.shape_cast %get3A_690 : vector<1x16xf32> to vector<16xf32>
      %mul3A_692 = arith.constant 16 : i32
      %mul3A_693 = arith.muli %scan3A_470, %mul3A_692 : i32
      %get3A_694 = arith.constant 7 : i32
      %get3A_695 = arith.index_cast %get3A_694 : i32 to index
      %get3A_696 = arith.index_cast %mul3A_693 : i32 to index
      %get3A_697 = tpu.vector_load %arg12[%get3A_695, %get3A_696] {strides = array<i32>} : memref<8x2048xf32, #tpu.memory_space<vmem>>, vector<1x16xf32>,
      %get3A_698 = vector.shape_cast %get3A_697 : vector<1x16xf32> to vector<16xf32>
      %slice3A_699 = vector.extract_strided_slice %get3A_112 {offsets = [15], sizes = [1], strides = [1]} : vector<16xf32> to vector<1xf32>
      %squeeze3A_700 = vector.extract %slice3A_699[0] : f32 from vector<1xf32>
      %mul3A_701 = vector.broadcast %squeeze3A_700 : f32 to vector<16xf32>
      %mul3A_702 = arith.mulf %mul3A_701, %get3A_691 : vector<16xf32>
      %slice3A_703 = vector.extract_strided_slice %get3A_119 {offsets = [15], sizes = [1], strides = [1]} : vector<16xf32> to vector<1xf32>
      %squeeze3A_704 = vector.extract %slice3A_703[0] : f32 from vector<1xf32>
      %mul3A_705 = vector.broadcast %squeeze3A_704 : f32 to vector<16xf32>
      %mul3A_706 = arith.mulf %mul3A_705, %get3A_698 : vector<16xf32>
      %add3A_707 = arith.addf %mul3A_702, %mul3A_706 : vector<16xf32>
      %mul3A_708 = arith.constant 16 : i32
      %mul3A_709 = arith.muli %scan3A_470, %mul3A_708 : i32
      %swap3A_710 = arith.constant 7 : i32
      %swap3A_711 = arith.index_cast %swap3A_710 : i32 to index
      %swap3A_712 = arith.index_cast %mul3A_709 : i32 to index
      %swap3A_713 = tpu.vector_load %arg10[%swap3A_711, %swap3A_712] {strides = array<i32>} : memref<8x2048xf32, #tpu.memory_space<vmem>>, vector<1x16xf32>,
      %swap3A_714 = vector.shape_cast %swap3A_713 : vector<1x16xf32> to vector<16xf32>
      %swap3A_715 = vector.shape_cast %add3A_707 : vector<16xf32> to vector<1x16xf32>
      tpu.vector_store %arg10[%swap3A_711, %swap3A_712], %swap3A_715 {strides = array<i32>} : memref<8x2048xf32, #tpu.memory_space<vmem>>, vector<1x16xf32>,
    }
    %scan3A_125 = arith.constant 128 : i32
    %add3A_126 = arith.constant 8 : i32
    %add3A_127 = arith.addi %mul3A_2, %add3A_126 : i32
    %dma_start3A_128 = arith.constant 0 : i32
    %dma_start3A_129 = tpu.memref_slice %arg5[%add3A_127, %dma_start3A_128] : memref<2048x2048xf32, #tpu.memory_space<hbm>> -> memref<8x2048xf32, #tpu.memory_space<hbm>>
    %dma_start3A_130 = arith.constant 0 : i32
    %dma_start3A_131 = tpu.memref_slice %arg5[%add3A_127, %dma_start3A_130] : memref<2048x2048xf32, #tpu.memory_space<hbm>> -> memref<8x2048xf32, #tpu.memory_space<hbm>>
    tpu.enqueue_dma source(%arg10 : memref<8x2048xf32, #tpu.memory_space<vmem>>) target(%dma_start3A_131 : memref<8x2048xf32, #tpu.memory_space<hbm>>) target_semaphore(%arg18 : memref<!tpu.dma_semaphore, #tpu.memory_space<semaphore_mem>>)
    %dma_wait3A_132 = arith.constant 0 : i32
    %dma_wait3A_133 = tpu.memref_slice %arg5[%add3A_127, %dma_wait3A_132] : memref<2048x2048xf32, #tpu.memory_space<hbm>> -> memref<8x2048xf32, #tpu.memory_space<hbm>>
    %dma_wait3A_134 = arith.constant 0 : i32
    %dma_wait3A_135 = tpu.memref_slice %arg5[%add3A_127, %dma_wait3A_134] : memref<2048x2048xf32, #tpu.memory_space<hbm>> -> memref<8x2048xf32, #tpu.memory_space<hbm>>
    tpu.wait_dma2 semaphore(%arg18 : memref<!tpu.dma_semaphore, #tpu.memory_space<semaphore_mem>>) src(%arg10 : memref<8x2048xf32, #tpu.memory_space<vmem>>) dst(%dma_wait3A_135 : memref<8x2048xf32, #tpu.memory_space<hbm>>)
    %dma_start3A_136 = arith.constant 3 : i32
    %dma_start3A_137 = arith.constant 0 : i32
    %dma_start3A_138 = tpu.memref_slice %arg6[%dma_start3A_136, %dma_start3A_137] : memref<8x8xi32, #tpu.memory_space<vmem>> -> memref<1x8xi32, #tpu.memory_space<vmem>>
    %dma_start3A_139 = tpu.memref_squeeze %dma_start3A_138 : memref<1x8xi32, #tpu.memory_space<vmem>> -> memref<8xi32, #tpu.memory_space<vmem>>
    %dma_start3A_140 = arith.constant 0 : i32
    %dma_start3A_141 = arith.constant 0 : i32
    %dma_start3A_142 = tpu.memref_slice %arg2[%dma_start3A_140, %dma_start3A_141] : memref<8064x2048xf32, #tpu.memory_space<hbm>> -> memref<8064x2048xf32, #tpu.memory_space<hbm>>
    tpu.enqueue_indirect_dma source(%dma_start3A_142 : memref<8064x2048xf32, #tpu.memory_space<hbm>>) target(%arg10 : memref<8x2048xf32, #tpu.memory_space<vmem>>) offsets(%dma_start3A_139 : memref<8xi32, #tpu.memory_space<vmem>>) semaphore(%arg14 : memref<!tpu.dma_semaphore, #tpu.memory_space<semaphore_mem>>)
    %dma_start3A_143 = arith.constant 3 : i32
    %dma_start3A_144 = arith.constant 0 : i32
    %dma_start3A_145 = tpu.memref_slice %arg7[%dma_start3A_143, %dma_start3A_144] : memref<8x8xi32, #tpu.memory_space<vmem>> -> memref<1x8xi32, #tpu.memory_space<vmem>>
    %dma_start3A_146 = tpu.memref_squeeze %dma_start3A_145 : memref<1x8xi32, #tpu.memory_space<vmem>> -> memref<8xi32, #tpu.memory_space<vmem>>
    %dma_start3A_147 = arith.constant 0 : i32
    %dma_start3A_148 = arith.constant 0 : i32
    %dma_start3A_149 = tpu.memref_slice %arg2[%dma_start3A_147, %dma_start3A_148] : memref<8064x2048xf32, #tpu.memory_space<hbm>> -> memref<8064x2048xf32, #tpu.memory_space<hbm>>
    tpu.enqueue_indirect_dma source(%dma_start3A_149 : memref<8064x2048xf32, #tpu.memory_space<hbm>>) target(%arg12 : memref<8x2048xf32, #tpu.memory_space<vmem>>) offsets(%dma_start3A_146 : memref<8xi32, #tpu.memory_space<vmem>>) semaphore(%arg16 : memref<!tpu.dma_semaphore, #tpu.memory_space<semaphore_mem>>)
    %dma_wait3A_150 = arith.constant 2 : i32
    %dma_wait3A_151 = arith.constant 0 : i32
    %dma_wait3A_152 = tpu.memref_slice %arg6[%dma_wait3A_150, %dma_wait3A_151] : memref<8x8xi32, #tpu.memory_space<vmem>> -> memref<1x8xi32, #tpu.memory_space<vmem>>
    %dma_wait3A_153 = tpu.memref_squeeze %dma_wait3A_152 : memref<1x8xi32, #tpu.memory_space<vmem>> -> memref<8xi32, #tpu.memory_space<vmem>>
    %dma_wait3A_154 = arith.constant 0 : i32
    %dma_wait3A_155 = arith.constant 0 : i32
    %dma_wait3A_156 = tpu.memref_slice %arg2[%dma_wait3A_154, %dma_wait3A_155] : memref<8064x2048xf32, #tpu.memory_space<hbm>> -> memref<8064x2048xf32, #tpu.memory_space<hbm>>
    tpu.wait_indirect_dma semaphore(%arg13 : memref<!tpu.dma_semaphore, #tpu.memory_space<semaphore_mem>>) src(%dma_wait3A_156 : memref<8064x2048xf32, #tpu.memory_space<hbm>>) dst(%arg9 : memref<8x2048xf32, #tpu.memory_space<vmem>>)
    %dma_wait3A_157 = arith.constant 2 : i32
    %dma_wait3A_158 = arith.constant 0 : i32
    %dma_wait3A_159 = tpu.memref_slice %arg7[%dma_wait3A_157, %dma_wait3A_158] : memref<8x8xi32, #tpu.memory_space<vmem>> -> memref<1x8xi32, #tpu.memory_space<vmem>>
    %dma_wait3A_160 = tpu.memref_squeeze %dma_wait3A_159 : memref<1x8xi32, #tpu.memory_space<vmem>> -> memref<8xi32, #tpu.memory_space<vmem>>
    %dma_wait3A_161 = arith.constant 0 : i32
    %dma_wait3A_162 = arith.constant 0 : i32
    %dma_wait3A_163 = tpu.memref_slice %arg2[%dma_wait3A_161, %dma_wait3A_162] : memref<8064x2048xf32, #tpu.memory_space<hbm>> -> memref<8064x2048xf32, #tpu.memory_space<hbm>>
    tpu.wait_indirect_dma semaphore(%arg15 : memref<!tpu.dma_semaphore, #tpu.memory_space<semaphore_mem>>) src(%dma_wait3A_163 : memref<8064x2048xf32, #tpu.memory_space<hbm>>) dst(%arg11 : memref<8x2048xf32, #tpu.memory_space<vmem>>)
    %get3A_164 = arith.constant 0 : i32
    %get3A_165 = arith.constant 1 : i32
    %get3A_166 = arith.index_cast %get3A_164 : i32 to index
    %get3A_167 = arith.index_cast %get3A_165 : i32 to index
    %get3A_168 = arith.constant 0 : index
    %get3A_169 = tpu.vector_load %arg8[%get3A_166, %get3A_167, %get3A_168] {strides = array<i32>} : memref<2x4x16xf32, #tpu.memory_space<vmem>>, vector<1x1x16xf32>,
    %get3A_170 = vector.shape_cast %get3A_169 : vector<1x1x16xf32> to vector<16xf32>
    %get3A_171 = arith.constant 1 : i32
    %get3A_172 = arith.constant 1 : i32
    %get3A_173 = arith.index_cast %get3A_171 : i32 to index
    %get3A_174 = arith.index_cast %get3A_172 : i32 to index
    %get3A_175 = arith.constant 0 : index
    %get3A_176 = tpu.vector_load %arg8[%get3A_173, %get3A_174, %get3A_175] {strides = array<i32>} : memref<2x4x16xf32, #tpu.memory_space<vmem>>, vector<1x1x16xf32>,
    %get3A_177 = vector.shape_cast %get3A_176 : vector<1x1x16xf32> to vector<16xf32>
    %scan3A_178 = arith.constant 0 : i32
    %scan3A_179 = arith.constant 0 : i32
    %scan3A_180 = arith.constant 128 : i32
    %scan3A_181 = arith.addi %scan3A_179, %scan3A_180 : i32
    %scan3A_182 = arith.constant 1 : i32
    scf.for %scan3A_470 = %scan3A_179 to %scan3A_181 step %scan3A_182  : i32 {
      %mul3A_471 = arith.constant 16 : i32
      %mul3A_472 = arith.muli %scan3A_470, %mul3A_471 : i32
      %get3A_473 = arith.constant 0 : i32
      %get3A_474 = arith.index_cast %get3A_473 : i32 to index
      %get3A_475 = arith.index_cast %mul3A_472 : i32 to index
      %get3A_476 = tpu.vector_load %arg9[%get3A_474, %get3A_475] {strides = array<i32>} : memref<8x2048xf32, #tpu.memory_space<vmem>>, vector<1x16xf32>,
      %get3A_477 = vector.shape_cast %get3A_476 : vector<1x16xf32> to vector<16xf32>
      %mul3A_478 = arith.constant 16 : i32
      %mul3A_479 = arith.muli %scan3A_470, %mul3A_478 : i32
      %get3A_480 = arith.constant 0 : i32
      %get3A_481 = arith.index_cast %get3A_480 : i32 to index
      %get3A_482 = arith.index_cast %mul3A_479 : i32 to index
      %get3A_483 = tpu.vector_load %arg11[%get3A_481, %get3A_482] {strides = array<i32>} : memref<8x2048xf32, #tpu.memory_space<vmem>>, vector<1x16xf32>,
      %get3A_484 = vector.shape_cast %get3A_483 : vector<1x16xf32> to vector<16xf32>
      %slice3A = vector.extract_strided_slice %get3A_170 {offsets = [0], sizes = [1], strides = [1]} : vector<16xf32> to vector<1xf32>
      %squeeze3A = vector.extract %slice3A[0] : f32 from vector<1xf32>
      %mul3A_485 = vector.broadcast %squeeze3A : f32 to vector<16xf32>
      %mul3A_486 = arith.mulf %mul3A_485, %get3A_477 : vector<16xf32>
      %slice3A_487 = vector.extract_strided_slice %get3A_177 {offsets = [0], sizes = [1], strides = [1]} : vector<16xf32> to vector<1xf32>
      %squeeze3A_488 = vector.extract %slice3A_487[0] : f32 from vector<1xf32>
      %mul3A_489 = vector.broadcast %squeeze3A_488 : f32 to vector<16xf32>
      %mul3A_490 = arith.mulf %mul3A_489, %get3A_484 : vector<16xf32>
      %add3A_491 = arith.addf %mul3A_486, %mul3A_490 : vector<16xf32>
      %mul3A_492 = arith.constant 16 : i32
      %mul3A_493 = arith.muli %scan3A_470, %mul3A_492 : i32
      %swap3A = arith.constant 0 : i32
      %swap3A_494 = arith.index_cast %swap3A : i32 to index
      %swap3A_495 = arith.index_cast %mul3A_493 : i32 to index
      %swap3A_496 = tpu.vector_load %arg9[%swap3A_494, %swap3A_495] {strides = array<i32>} : memref<8x2048xf32, #tpu.memory_space<vmem>>, vector<1x16xf32>,
      %swap3A_497 = vector.shape_cast %swap3A_496 : vector<1x16xf32> to vector<16xf32>
      %swap3A_498 = vector.shape_cast %add3A_491 : vector<16xf32> to vector<1x16xf32>
      tpu.vector_store %arg9[%swap3A_494, %swap3A_495], %swap3A_498 {strides = array<i32>} : memref<8x2048xf32, #tpu.memory_space<vmem>>, vector<1x16xf32>,
      %mul3A_499 = arith.constant 16 : i32
      %mul3A_500 = arith.muli %scan3A_470, %mul3A_499 : i32
      %get3A_501 = arith.constant 1 : i32
      %get3A_502 = arith.index_cast %get3A_501 : i32 to index
      %get3A_503 = arith.index_cast %mul3A_500 : i32 to index
      %get3A_504 = tpu.vector_load %arg9[%get3A_502, %get3A_503] {strides = array<i32>} : memref<8x2048xf32, #tpu.memory_space<vmem>>, vector<1x16xf32>,
      %get3A_505 = vector.shape_cast %get3A_504 : vector<1x16xf32> to vector<16xf32>
      %mul3A_506 = arith.constant 16 : i32
      %mul3A_507 = arith.muli %scan3A_470, %mul3A_506 : i32
      %get3A_508 = arith.constant 1 : i32
      %get3A_509 = arith.index_cast %get3A_508 : i32 to index
      %get3A_510 = arith.index_cast %mul3A_507 : i32 to index
      %get3A_511 = tpu.vector_load %arg11[%get3A_509, %get3A_510] {strides = array<i32>} : memref<8x2048xf32, #tpu.memory_space<vmem>>, vector<1x16xf32>,
      %get3A_512 = vector.shape_cast %get3A_511 : vector<1x16xf32> to vector<16xf32>
      %slice3A_513 = vector.extract_strided_slice %get3A_170 {offsets = [1], sizes = [1], strides = [1]} : vector<16xf32> to vector<1xf32>
      %squeeze3A_514 = vector.extract %slice3A_513[0] : f32 from vector<1xf32>
      %mul3A_515 = vector.broadcast %squeeze3A_514 : f32 to vector<16xf32>
      %mul3A_516 = arith.mulf %mul3A_515, %get3A_505 : vector<16xf32>
      %slice3A_517 = vector.extract_strided_slice %get3A_177 {offsets = [1], sizes = [1], strides = [1]} : vector<16xf32> to vector<1xf32>
      %squeeze3A_518 = vector.extract %slice3A_517[0] : f32 from vector<1xf32>
      %mul3A_519 = vector.broadcast %squeeze3A_518 : f32 to vector<16xf32>
      %mul3A_520 = arith.mulf %mul3A_519, %get3A_512 : vector<16xf32>
      %add3A_521 = arith.addf %mul3A_516, %mul3A_520 : vector<16xf32>
      %mul3A_522 = arith.constant 16 : i32
      %mul3A_523 = arith.muli %scan3A_470, %mul3A_522 : i32
      %swap3A_524 = arith.constant 1 : i32
      %swap3A_525 = arith.index_cast %swap3A_524 : i32 to index
      %swap3A_526 = arith.index_cast %mul3A_523 : i32 to index
      %swap3A_527 = tpu.vector_load %arg9[%swap3A_525, %swap3A_526] {strides = array<i32>} : memref<8x2048xf32, #tpu.memory_space<vmem>>, vector<1x16xf32>,
      %swap3A_528 = vector.shape_cast %swap3A_527 : vector<1x16xf32> to vector<16xf32>
      %swap3A_529 = vector.shape_cast %add3A_521 : vector<16xf32> to vector<1x16xf32>
      tpu.vector_store %arg9[%swap3A_525, %swap3A_526], %swap3A_529 {strides = array<i32>} : memref<8x2048xf32, #tpu.memory_space<vmem>>, vector<1x16xf32>,
      %mul3A_530 = arith.constant 16 : i32
      %mul3A_531 = arith.muli %scan3A_470, %mul3A_530 : i32
      %get3A_532 = arith.constant 2 : i32
      %get3A_533 = arith.index_cast %get3A_532 : i32 to index
      %get3A_534 = arith.index_cast %mul3A_531 : i32 to index
      %get3A_535 = tpu.vector_load %arg9[%get3A_533, %get3A_534] {strides = array<i32>} : memref<8x2048xf32, #tpu.memory_space<vmem>>, vector<1x16xf32>,
      %get3A_536 = vector.shape_cast %get3A_535 : vector<1x16xf32> to vector<16xf32>
      %mul3A_537 = arith.constant 16 : i32
      %mul3A_538 = arith.muli %scan3A_470, %mul3A_537 : i32
      %get3A_539 = arith.constant 2 : i32
      %get3A_540 = arith.index_cast %get3A_539 : i32 to index
      %get3A_541 = arith.index_cast %mul3A_538 : i32 to index
      %get3A_542 = tpu.vector_load %arg11[%get3A_540, %get3A_541] {strides = array<i32>} : memref<8x2048xf32, #tpu.memory_space<vmem>>, vector<1x16xf32>,
      %get3A_543 = vector.shape_cast %get3A_542 : vector<1x16xf32> to vector<16xf32>
      %slice3A_544 = vector.extract_strided_slice %get3A_170 {offsets = [2], sizes = [1], strides = [1]} : vector<16xf32> to vector<1xf32>
      %squeeze3A_545 = vector.extract %slice3A_544[0] : f32 from vector<1xf32>
      %mul3A_546 = vector.broadcast %squeeze3A_545 : f32 to vector<16xf32>
      %mul3A_547 = arith.mulf %mul3A_546, %get3A_536 : vector<16xf32>
      %slice3A_548 = vector.extract_strided_slice %get3A_177 {offsets = [2], sizes = [1], strides = [1]} : vector<16xf32> to vector<1xf32>
      %squeeze3A_549 = vector.extract %slice3A_548[0] : f32 from vector<1xf32>
      %mul3A_550 = vector.broadcast %squeeze3A_549 : f32 to vector<16xf32>
      %mul3A_551 = arith.mulf %mul3A_550, %get3A_543 : vector<16xf32>
      %add3A_552 = arith.addf %mul3A_547, %mul3A_551 : vector<16xf32>
      %mul3A_553 = arith.constant 16 : i32
      %mul3A_554 = arith.muli %scan3A_470, %mul3A_553 : i32
      %swap3A_555 = arith.constant 2 : i32
      %swap3A_556 = arith.index_cast %swap3A_555 : i32 to index
      %swap3A_557 = arith.index_cast %mul3A_554 : i32 to index
      %swap3A_558 = tpu.vector_load %arg9[%swap3A_556, %swap3A_557] {strides = array<i32>} : memref<8x2048xf32, #tpu.memory_space<vmem>>, vector<1x16xf32>,
      %swap3A_559 = vector.shape_cast %swap3A_558 : vector<1x16xf32> to vector<16xf32>
      %swap3A_560 = vector.shape_cast %add3A_552 : vector<16xf32> to vector<1x16xf32>
      tpu.vector_store %arg9[%swap3A_556, %swap3A_557], %swap3A_560 {strides = array<i32>} : memref<8x2048xf32, #tpu.memory_space<vmem>>, vector<1x16xf32>,
      %mul3A_561 = arith.constant 16 : i32
      %mul3A_562 = arith.muli %scan3A_470, %mul3A_561 : i32
      %get3A_563 = arith.constant 3 : i32
      %get3A_564 = arith.index_cast %get3A_563 : i32 to index
      %get3A_565 = arith.index_cast %mul3A_562 : i32 to index
      %get3A_566 = tpu.vector_load %arg9[%get3A_564, %get3A_565] {strides = array<i32>} : memref<8x2048xf32, #tpu.memory_space<vmem>>, vector<1x16xf32>,
      %get3A_567 = vector.shape_cast %get3A_566 : vector<1x16xf32> to vector<16xf32>
      %mul3A_568 = arith.constant 16 : i32
      %mul3A_569 = arith.muli %scan3A_470, %mul3A_568 : i32
      %get3A_570 = arith.constant 3 : i32
      %get3A_571 = arith.index_cast %get3A_570 : i32 to index
      %get3A_572 = arith.index_cast %mul3A_569 : i32 to index
      %get3A_573 = tpu.vector_load %arg11[%get3A_571, %get3A_572] {strides = array<i32>} : memref<8x2048xf32, #tpu.memory_space<vmem>>, vector<1x16xf32>,
      %get3A_574 = vector.shape_cast %get3A_573 : vector<1x16xf32> to vector<16xf32>
      %slice3A_575 = vector.extract_strided_slice %get3A_170 {offsets = [3], sizes = [1], strides = [1]} : vector<16xf32> to vector<1xf32>
      %squeeze3A_576 = vector.extract %slice3A_575[0] : f32 from vector<1xf32>
      %mul3A_577 = vector.broadcast %squeeze3A_576 : f32 to vector<16xf32>
      %mul3A_578 = arith.mulf %mul3A_577, %get3A_567 : vector<16xf32>
      %slice3A_579 = vector.extract_strided_slice %get3A_177 {offsets = [3], sizes = [1], strides = [1]} : vector<16xf32> to vector<1xf32>
      %squeeze3A_580 = vector.extract %slice3A_579[0] : f32 from vector<1xf32>
      %mul3A_581 = vector.broadcast %squeeze3A_580 : f32 to vector<16xf32>
      %mul3A_582 = arith.mulf %mul3A_581, %get3A_574 : vector<16xf32>
      %add3A_583 = arith.addf %mul3A_578, %mul3A_582 : vector<16xf32>
      %mul3A_584 = arith.constant 16 : i32
      %mul3A_585 = arith.muli %scan3A_470, %mul3A_584 : i32
      %swap3A_586 = arith.constant 3 : i32
      %swap3A_587 = arith.index_cast %swap3A_586 : i32 to index
      %swap3A_588 = arith.index_cast %mul3A_585 : i32 to index
      %swap3A_589 = tpu.vector_load %arg9[%swap3A_587, %swap3A_588] {strides = array<i32>} : memref<8x2048xf32, #tpu.memory_space<vmem>>, vector<1x16xf32>,
      %swap3A_590 = vector.shape_cast %swap3A_589 : vector<1x16xf32> to vector<16xf32>
      %swap3A_591 = vector.shape_cast %add3A_583 : vector<16xf32> to vector<1x16xf32>
      tpu.vector_store %arg9[%swap3A_587, %swap3A_588], %swap3A_591 {strides = array<i32>} : memref<8x2048xf32, #tpu.memory_space<vmem>>, vector<1x16xf32>,
      %mul3A_592 = arith.constant 16 : i32
      %mul3A_593 = arith.muli %scan3A_470, %mul3A_592 : i32
      %get3A_594 = arith.constant 4 : i32
      %get3A_595 = arith.index_cast %get3A_594 : i32 to index
      %get3A_596 = arith.index_cast %mul3A_593 : i32 to index
      %get3A_597 = tpu.vector_load %arg9[%get3A_595, %get3A_596] {strides = array<i32>} : memref<8x2048xf32, #tpu.memory_space<vmem>>, vector<1x16xf32>,
      %get3A_598 = vector.shape_cast %get3A_597 : vector<1x16xf32> to vector<16xf32>
      %mul3A_599 = arith.constant 16 : i32
      %mul3A_600 = arith.muli %scan3A_470, %mul3A_599 : i32
      %get3A_601 = arith.constant 4 : i32
      %get3A_602 = arith.index_cast %get3A_601 : i32 to index
      %get3A_603 = arith.index_cast %mul3A_600 : i32 to index
      %get3A_604 = tpu.vector_load %arg11[%get3A_602, %get3A_603] {strides = array<i32>} : memref<8x2048xf32, #tpu.memory_space<vmem>>, vector<1x16xf32>,
      %get3A_605 = vector.shape_cast %get3A_604 : vector<1x16xf32> to vector<16xf32>
      %slice3A_606 = vector.extract_strided_slice %get3A_170 {offsets = [4], sizes = [1], strides = [1]} : vector<16xf32> to vector<1xf32>
      %squeeze3A_607 = vector.extract %slice3A_606[0] : f32 from vector<1xf32>
      %mul3A_608 = vector.broadcast %squeeze3A_607 : f32 to vector<16xf32>
      %mul3A_609 = arith.mulf %mul3A_608, %get3A_598 : vector<16xf32>
      %slice3A_610 = vector.extract_strided_slice %get3A_177 {offsets = [4], sizes = [1], strides = [1]} : vector<16xf32> to vector<1xf32>
      %squeeze3A_611 = vector.extract %slice3A_610[0] : f32 from vector<1xf32>
      %mul3A_612 = vector.broadcast %squeeze3A_611 : f32 to vector<16xf32>
      %mul3A_613 = arith.mulf %mul3A_612, %get3A_605 : vector<16xf32>
      %add3A_614 = arith.addf %mul3A_609, %mul3A_613 : vector<16xf32>
      %mul3A_615 = arith.constant 16 : i32
      %mul3A_616 = arith.muli %scan3A_470, %mul3A_615 : i32
      %swap3A_617 = arith.constant 4 : i32
      %swap3A_618 = arith.index_cast %swap3A_617 : i32 to index
      %swap3A_619 = arith.index_cast %mul3A_616 : i32 to index
      %swap3A_620 = tpu.vector_load %arg9[%swap3A_618, %swap3A_619] {strides = array<i32>} : memref<8x2048xf32, #tpu.memory_space<vmem>>, vector<1x16xf32>,
      %swap3A_621 = vector.shape_cast %swap3A_620 : vector<1x16xf32> to vector<16xf32>
      %swap3A_622 = vector.shape_cast %add3A_614 : vector<16xf32> to vector<1x16xf32>
      tpu.vector_store %arg9[%swap3A_618, %swap3A_619], %swap3A_622 {strides = array<i32>} : memref<8x2048xf32, #tpu.memory_space<vmem>>, vector<1x16xf32>,
      %mul3A_623 = arith.constant 16 : i32
      %mul3A_624 = arith.muli %scan3A_470, %mul3A_623 : i32
      %get3A_625 = arith.constant 5 : i32
      %get3A_626 = arith.index_cast %get3A_625 : i32 to index
      %get3A_627 = arith.index_cast %mul3A_624 : i32 to index
      %get3A_628 = tpu.vector_load %arg9[%get3A_626, %get3A_627] {strides = array<i32>} : memref<8x2048xf32, #tpu.memory_space<vmem>>, vector<1x16xf32>,
      %get3A_629 = vector.shape_cast %get3A_628 : vector<1x16xf32> to vector<16xf32>
      %mul3A_630 = arith.constant 16 : i32
      %mul3A_631 = arith.muli %scan3A_470, %mul3A_630 : i32
      %get3A_632 = arith.constant 5 : i32
      %get3A_633 = arith.index_cast %get3A_632 : i32 to index
      %get3A_634 = arith.index_cast %mul3A_631 : i32 to index
      %get3A_635 = tpu.vector_load %arg11[%get3A_633, %get3A_634] {strides = array<i32>} : memref<8x2048xf32, #tpu.memory_space<vmem>>, vector<1x16xf32>,
      %get3A_636 = vector.shape_cast %get3A_635 : vector<1x16xf32> to vector<16xf32>
      %slice3A_637 = vector.extract_strided_slice %get3A_170 {offsets = [5], sizes = [1], strides = [1]} : vector<16xf32> to vector<1xf32>
      %squeeze3A_638 = vector.extract %slice3A_637[0] : f32 from vector<1xf32>
      %mul3A_639 = vector.broadcast %squeeze3A_638 : f32 to vector<16xf32>
      %mul3A_640 = arith.mulf %mul3A_639, %get3A_629 : vector<16xf32>
      %slice3A_641 = vector.extract_strided_slice %get3A_177 {offsets = [5], sizes = [1], strides = [1]} : vector<16xf32> to vector<1xf32>
      %squeeze3A_642 = vector.extract %slice3A_641[0] : f32 from vector<1xf32>
      %mul3A_643 = vector.broadcast %squeeze3A_642 : f32 to vector<16xf32>
      %mul3A_644 = arith.mulf %mul3A_643, %get3A_636 : vector<16xf32>
      %add3A_645 = arith.addf %mul3A_640, %mul3A_644 : vector<16xf32>
      %mul3A_646 = arith.constant 16 : i32
      %mul3A_647 = arith.muli %scan3A_470, %mul3A_646 : i32
      %swap3A_648 = arith.constant 5 : i32
      %swap3A_649 = arith.index_cast %swap3A_648 : i32 to index
      %swap3A_650 = arith.index_cast %mul3A_647 : i32 to index
      %swap3A_651 = tpu.vector_load %arg9[%swap3A_649, %swap3A_650] {strides = array<i32>} : memref<8x2048xf32, #tpu.memory_space<vmem>>, vector<1x16xf32>,
      %swap3A_652 = vector.shape_cast %swap3A_651 : vector<1x16xf32> to vector<16xf32>
      %swap3A_653 = vector.shape_cast %add3A_645 : vector<16xf32> to vector<1x16xf32>
      tpu.vector_store %arg9[%swap3A_649, %swap3A_650], %swap3A_653 {strides = array<i32>} : memref<8x2048xf32, #tpu.memory_space<vmem>>, vector<1x16xf32>,
      %mul3A_654 = arith.constant 16 : i32
      %mul3A_655 = arith.muli %scan3A_470, %mul3A_654 : i32
      %get3A_656 = arith.constant 6 : i32
      %get3A_657 = arith.index_cast %get3A_656 : i32 to index
      %get3A_658 = arith.index_cast %mul3A_655 : i32 to index
      %get3A_659 = tpu.vector_load %arg9[%get3A_657, %get3A_658] {strides = array<i32>} : memref<8x2048xf32, #tpu.memory_space<vmem>>, vector<1x16xf32>,
      %get3A_660 = vector.shape_cast %get3A_659 : vector<1x16xf32> to vector<16xf32>
      %mul3A_661 = arith.constant 16 : i32
      %mul3A_662 = arith.muli %scan3A_470, %mul3A_661 : i32
      %get3A_663 = arith.constant 6 : i32
      %get3A_664 = arith.index_cast %get3A_663 : i32 to index
      %get3A_665 = arith.index_cast %mul3A_662 : i32 to index
      %get3A_666 = tpu.vector_load %arg11[%get3A_664, %get3A_665] {strides = array<i32>} : memref<8x2048xf32, #tpu.memory_space<vmem>>, vector<1x16xf32>,
      %get3A_667 = vector.shape_cast %get3A_666 : vector<1x16xf32> to vector<16xf32>
      %slice3A_668 = vector.extract_strided_slice %get3A_170 {offsets = [6], sizes = [1], strides = [1]} : vector<16xf32> to vector<1xf32>
      %squeeze3A_669 = vector.extract %slice3A_668[0] : f32 from vector<1xf32>
      %mul3A_670 = vector.broadcast %squeeze3A_669 : f32 to vector<16xf32>
      %mul3A_671 = arith.mulf %mul3A_670, %get3A_660 : vector<16xf32>
      %slice3A_672 = vector.extract_strided_slice %get3A_177 {offsets = [6], sizes = [1], strides = [1]} : vector<16xf32> to vector<1xf32>
      %squeeze3A_673 = vector.extract %slice3A_672[0] : f32 from vector<1xf32>
      %mul3A_674 = vector.broadcast %squeeze3A_673 : f32 to vector<16xf32>
      %mul3A_675 = arith.mulf %mul3A_674, %get3A_667 : vector<16xf32>
      %add3A_676 = arith.addf %mul3A_671, %mul3A_675 : vector<16xf32>
      %mul3A_677 = arith.constant 16 : i32
      %mul3A_678 = arith.muli %scan3A_470, %mul3A_677 : i32
      %swap3A_679 = arith.constant 6 : i32
      %swap3A_680 = arith.index_cast %swap3A_679 : i32 to index
      %swap3A_681 = arith.index_cast %mul3A_678 : i32 to index
      %swap3A_682 = tpu.vector_load %arg9[%swap3A_680, %swap3A_681] {strides = array<i32>} : memref<8x2048xf32, #tpu.memory_space<vmem>>, vector<1x16xf32>,
      %swap3A_683 = vector.shape_cast %swap3A_682 : vector<1x16xf32> to vector<16xf32>
      %swap3A_684 = vector.shape_cast %add3A_676 : vector<16xf32> to vector<1x16xf32>
      tpu.vector_store %arg9[%swap3A_680, %swap3A_681], %swap3A_684 {strides = array<i32>} : memref<8x2048xf32, #tpu.memory_space<vmem>>, vector<1x16xf32>,
      %mul3A_685 = arith.constant 16 : i32
      %mul3A_686 = arith.muli %scan3A_470, %mul3A_685 : i32
      %get3A_687 = arith.constant 7 : i32
      %get3A_688 = arith.index_cast %get3A_687 : i32 to index
      %get3A_689 = arith.index_cast %mul3A_686 : i32 to index
      %get3A_690 = tpu.vector_load %arg9[%get3A_688, %get3A_689] {strides = array<i32>} : memref<8x2048xf32, #tpu.memory_space<vmem>>, vector<1x16xf32>,
      %get3A_691 = vector.shape_cast %get3A_690 : vector<1x16xf32> to vector<16xf32>
      %mul3A_692 = arith.constant 16 : i32
      %mul3A_693 = arith.muli %scan3A_470, %mul3A_692 : i32
      %get3A_694 = arith.constant 7 : i32
      %get3A_695 = arith.index_cast %get3A_694 : i32 to index
      %get3A_696 = arith.index_cast %mul3A_693 : i32 to index
      %get3A_697 = tpu.vector_load %arg11[%get3A_695, %get3A_696] {strides = array<i32>} : memref<8x2048xf32, #tpu.memory_space<vmem>>, vector<1x16xf32>,
      %get3A_698 = vector.shape_cast %get3A_697 : vector<1x16xf32> to vector<16xf32>
      %slice3A_699 = vector.extract_strided_slice %get3A_170 {offsets = [7], sizes = [1], strides = [1]} : vector<16xf32> to vector<1xf32>
      %squeeze3A_700 = vector.extract %slice3A_699[0] : f32 from vector<1xf32>
      %mul3A_701 = vector.broadcast %squeeze3A_700 : f32 to vector<16xf32>
      %mul3A_702 = arith.mulf %mul3A_701, %get3A_691 : vector<16xf32>
      %slice3A_703 = vector.extract_strided_slice %get3A_177 {offsets = [7], sizes = [1], strides = [1]} : vector<16xf32> to vector<1xf32>
      %squeeze3A_704 = vector.extract %slice3A_703[0] : f32 from vector<1xf32>
      %mul3A_705 = vector.broadcast %squeeze3A_704 : f32 to vector<16xf32>
      %mul3A_706 = arith.mulf %mul3A_705, %get3A_698 : vector<16xf32>
      %add3A_707 = arith.addf %mul3A_702, %mul3A_706 : vector<16xf32>
      %mul3A_708 = arith.constant 16 : i32
      %mul3A_709 = arith.muli %scan3A_470, %mul3A_708 : i32
      %swap3A_710 = arith.constant 7 : i32
      %swap3A_711 = arith.index_cast %swap3A_710 : i32 to index
      %swap3A_712 = arith.index_cast %mul3A_709 : i32 to index
      %swap3A_713 = tpu.vector_load %arg9[%swap3A_711, %swap3A_712] {strides = array<i32>} : memref<8x2048xf32, #tpu.memory_space<vmem>>, vector<1x16xf32>,
      %swap3A_714 = vector.shape_cast %swap3A_713 : vector<1x16xf32> to vector<16xf32>
      %swap3A_715 = vector.shape_cast %add3A_707 : vector<16xf32> to vector<1x16xf32>
      tpu.vector_store %arg9[%swap3A_711, %swap3A_712], %swap3A_715 {strides = array<i32>} : memref<8x2048xf32, #tpu.memory_space<vmem>>, vector<1x16xf32>,
    }
    %scan3A_183 = arith.constant 128 : i32
    %add3A_184 = arith.constant 16 : i32
    %add3A_185 = arith.addi %mul3A_2, %add3A_184 : i32
    %dma_start3A_186 = arith.constant 0 : i32
    %dma_start3A_187 = tpu.memref_slice %arg5[%add3A_185, %dma_start3A_186] : memref<2048x2048xf32, #tpu.memory_space<hbm>> -> memref<8x2048xf32, #tpu.memory_space<hbm>>
    %dma_start3A_188 = arith.constant 0 : i32
    %dma_start3A_189 = tpu.memref_slice %arg5[%add3A_185, %dma_start3A_188] : memref<2048x2048xf32, #tpu.memory_space<hbm>> -> memref<8x2048xf32, #tpu.memory_space<hbm>>
    tpu.enqueue_dma source(%arg9 : memref<8x2048xf32, #tpu.memory_space<vmem>>) target(%dma_start3A_189 : memref<8x2048xf32, #tpu.memory_space<hbm>>) target_semaphore(%arg17 : memref<!tpu.dma_semaphore, #tpu.memory_space<semaphore_mem>>)
    %dma_wait3A_190 = arith.constant 0 : i32
    %dma_wait3A_191 = tpu.memref_slice %arg5[%add3A_185, %dma_wait3A_190] : memref<2048x2048xf32, #tpu.memory_space<hbm>> -> memref<8x2048xf32, #tpu.memory_space<hbm>>
    %dma_wait3A_192 = arith.constant 0 : i32
    %dma_wait3A_193 = tpu.memref_slice %arg5[%add3A_185, %dma_wait3A_192] : memref<2048x2048xf32, #tpu.memory_space<hbm>> -> memref<8x2048xf32, #tpu.memory_space<hbm>>
    tpu.wait_dma2 semaphore(%arg17 : memref<!tpu.dma_semaphore, #tpu.memory_space<semaphore_mem>>) src(%arg9 : memref<8x2048xf32, #tpu.memory_space<vmem>>) dst(%dma_wait3A_193 : memref<8x2048xf32, #tpu.memory_space<hbm>>)
    %dma_start3A_194 = arith.constant 4 : i32
    %dma_start3A_195 = arith.constant 0 : i32
    %dma_start3A_196 = tpu.memref_slice %arg6[%dma_start3A_194, %dma_start3A_195] : memref<8x8xi32, #tpu.memory_space<vmem>> -> memref<1x8xi32, #tpu.memory_space<vmem>>
    %dma_start3A_197 = tpu.memref_squeeze %dma_start3A_196 : memref<1x8xi32, #tpu.memory_space<vmem>> -> memref<8xi32, #tpu.memory_space<vmem>>
    %dma_start3A_198 = arith.constant 0 : i32
    %dma_start3A_199 = arith.constant 0 : i32
    %dma_start3A_200 = tpu.memref_slice %arg2[%dma_start3A_198, %dma_start3A_199] : memref<8064x2048xf32, #tpu.memory_space<hbm>> -> memref<8064x2048xf32, #tpu.memory_space<hbm>>
    tpu.enqueue_indirect_dma source(%dma_start3A_200 : memref<8064x2048xf32, #tpu.memory_space<hbm>>) target(%arg9 : memref<8x2048xf32, #tpu.memory_space<vmem>>) offsets(%dma_start3A_197 : memref<8xi32, #tpu.memory_space<vmem>>) semaphore(%arg13 : memref<!tpu.dma_semaphore, #tpu.memory_space<semaphore_mem>>)
    %dma_start3A_201 = arith.constant 4 : i32
    %dma_start3A_202 = arith.constant 0 : i32
    %dma_start3A_203 = tpu.memref_slice %arg7[%dma_start3A_201, %dma_start3A_202] : memref<8x8xi32, #tpu.memory_space<vmem>> -> memref<1x8xi32, #tpu.memory_space<vmem>>
    %dma_start3A_204 = tpu.memref_squeeze %dma_start3A_203 : memref<1x8xi32, #tpu.memory_space<vmem>> -> memref<8xi32, #tpu.memory_space<vmem>>
    %dma_start3A_205 = arith.constant 0 : i32
    %dma_start3A_206 = arith.constant 0 : i32
    %dma_start3A_207 = tpu.memref_slice %arg2[%dma_start3A_205, %dma_start3A_206] : memref<8064x2048xf32, #tpu.memory_space<hbm>> -> memref<8064x2048xf32, #tpu.memory_space<hbm>>
    tpu.enqueue_indirect_dma source(%dma_start3A_207 : memref<8064x2048xf32, #tpu.memory_space<hbm>>) target(%arg11 : memref<8x2048xf32, #tpu.memory_space<vmem>>) offsets(%dma_start3A_204 : memref<8xi32, #tpu.memory_space<vmem>>) semaphore(%arg15 : memref<!tpu.dma_semaphore, #tpu.memory_space<semaphore_mem>>)
    %dma_wait3A_208 = arith.constant 3 : i32
    %dma_wait3A_209 = arith.constant 0 : i32
    %dma_wait3A_210 = tpu.memref_slice %arg6[%dma_wait3A_208, %dma_wait3A_209] : memref<8x8xi32, #tpu.memory_space<vmem>> -> memref<1x8xi32, #tpu.memory_space<vmem>>
    %dma_wait3A_211 = tpu.memref_squeeze %dma_wait3A_210 : memref<1x8xi32, #tpu.memory_space<vmem>> -> memref<8xi32, #tpu.memory_space<vmem>>
    %dma_wait3A_212 = arith.constant 0 : i32
    %dma_wait3A_213 = arith.constant 0 : i32
    %dma_wait3A_214 = tpu.memref_slice %arg2[%dma_wait3A_212, %dma_wait3A_213] : memref<8064x2048xf32, #tpu.memory_space<hbm>> -> memref<8064x2048xf32, #tpu.memory_space<hbm>>
    tpu.wait_indirect_dma semaphore(%arg14 : memref<!tpu.dma_semaphore, #tpu.memory_space<semaphore_mem>>) src(%dma_wait3A_214 : memref<8064x2048xf32, #tpu.memory_space<hbm>>) dst(%arg10 : memref<8x2048xf32, #tpu.memory_space<vmem>>)
    %dma_wait3A_215 = arith.constant 3 : i32
    %dma_wait3A_216 = arith.constant 0 : i32
    %dma_wait3A_217 = tpu.memref_slice %arg7[%dma_wait3A_215, %dma_wait3A_216] : memref<8x8xi32, #tpu.memory_space<vmem>> -> memref<1x8xi32, #tpu.memory_space<vmem>>
    %dma_wait3A_218 = tpu.memref_squeeze %dma_wait3A_217 : memref<1x8xi32, #tpu.memory_space<vmem>> -> memref<8xi32, #tpu.memory_space<vmem>>
    %dma_wait3A_219 = arith.constant 0 : i32
    %dma_wait3A_220 = arith.constant 0 : i32
    %dma_wait3A_221 = tpu.memref_slice %arg2[%dma_wait3A_219, %dma_wait3A_220] : memref<8064x2048xf32, #tpu.memory_space<hbm>> -> memref<8064x2048xf32, #tpu.memory_space<hbm>>
    tpu.wait_indirect_dma semaphore(%arg16 : memref<!tpu.dma_semaphore, #tpu.memory_space<semaphore_mem>>) src(%dma_wait3A_221 : memref<8064x2048xf32, #tpu.memory_space<hbm>>) dst(%arg12 : memref<8x2048xf32, #tpu.memory_space<vmem>>)
    %get3A_222 = arith.constant 0 : i32
    %get3A_223 = arith.constant 1 : i32
    %get3A_224 = arith.index_cast %get3A_222 : i32 to index
    %get3A_225 = arith.index_cast %get3A_223 : i32 to index
    %get3A_226 = arith.constant 0 : index
    %get3A_227 = tpu.vector_load %arg8[%get3A_224, %get3A_225, %get3A_226] {strides = array<i32>} : memref<2x4x16xf32, #tpu.memory_space<vmem>>, vector<1x1x16xf32>,
    %get3A_228 = vector.shape_cast %get3A_227 : vector<1x1x16xf32> to vector<16xf32>
    %get3A_229 = arith.constant 1 : i32
    %get3A_230 = arith.constant 1 : i32
    %get3A_231 = arith.index_cast %get3A_229 : i32 to index
    %get3A_232 = arith.index_cast %get3A_230 : i32 to index
    %get3A_233 = arith.constant 0 : index
    %get3A_234 = tpu.vector_load %arg8[%get3A_231, %get3A_232, %get3A_233] {strides = array<i32>} : memref<2x4x16xf32, #tpu.memory_space<vmem>>, vector<1x1x16xf32>,
    %get3A_235 = vector.shape_cast %get3A_234 : vector<1x1x16xf32> to vector<16xf32>
    %scan3A_236 = arith.constant 0 : i32
    %scan3A_237 = arith.constant 0 : i32
    %scan3A_238 = arith.constant 128 : i32
    %scan3A_239 = arith.addi %scan3A_237, %scan3A_238 : i32
    %scan3A_240 = arith.constant 1 : i32
    scf.for %scan3A_470 = %scan3A_237 to %scan3A_239 step %scan3A_240  : i32 {
      %mul3A_471 = arith.constant 16 : i32
      %mul3A_472 = arith.muli %scan3A_470, %mul3A_471 : i32
      %get3A_473 = arith.constant 0 : i32
      %get3A_474 = arith.index_cast %get3A_473 : i32 to index
      %get3A_475 = arith.index_cast %mul3A_472 : i32 to index
      %get3A_476 = tpu.vector_load %arg10[%get3A_474, %get3A_475] {strides = array<i32>} : memref<8x2048xf32, #tpu.memory_space<vmem>>, vector<1x16xf32>,
      %get3A_477 = vector.shape_cast %get3A_476 : vector<1x16xf32> to vector<16xf32>
      %mul3A_478 = arith.constant 16 : i32
      %mul3A_479 = arith.muli %scan3A_470, %mul3A_478 : i32
      %get3A_480 = arith.constant 0 : i32
      %get3A_481 = arith.index_cast %get3A_480 : i32 to index
      %get3A_482 = arith.index_cast %mul3A_479 : i32 to index
      %get3A_483 = tpu.vector_load %arg12[%get3A_481, %get3A_482] {strides = array<i32>} : memref<8x2048xf32, #tpu.memory_space<vmem>>, vector<1x16xf32>,
      %get3A_484 = vector.shape_cast %get3A_483 : vector<1x16xf32> to vector<16xf32>
      %slice3A = vector.extract_strided_slice %get3A_228 {offsets = [8], sizes = [1], strides = [1]} : vector<16xf32> to vector<1xf32>
      %squeeze3A = vector.extract %slice3A[0] : f32 from vector<1xf32>
      %mul3A_485 = vector.broadcast %squeeze3A : f32 to vector<16xf32>
      %mul3A_486 = arith.mulf %mul3A_485, %get3A_477 : vector<16xf32>
      %slice3A_487 = vector.extract_strided_slice %get3A_235 {offsets = [8], sizes = [1], strides = [1]} : vector<16xf32> to vector<1xf32>
      %squeeze3A_488 = vector.extract %slice3A_487[0] : f32 from vector<1xf32>
      %mul3A_489 = vector.broadcast %squeeze3A_488 : f32 to vector<16xf32>
      %mul3A_490 = arith.mulf %mul3A_489, %get3A_484 : vector<16xf32>
      %add3A_491 = arith.addf %mul3A_486, %mul3A_490 : vector<16xf32>
      %mul3A_492 = arith.constant 16 : i32
      %mul3A_493 = arith.muli %scan3A_470, %mul3A_492 : i32
      %swap3A = arith.constant 0 : i32
      %swap3A_494 = arith.index_cast %swap3A : i32 to index
      %swap3A_495 = arith.index_cast %mul3A_493 : i32 to index
      %swap3A_496 = tpu.vector_load %arg10[%swap3A_494, %swap3A_495] {strides = array<i32>} : memref<8x2048xf32, #tpu.memory_space<vmem>>, vector<1x16xf32>,
      %swap3A_497 = vector.shape_cast %swap3A_496 : vector<1x16xf32> to vector<16xf32>
      %swap3A_498 = vector.shape_cast %add3A_491 : vector<16xf32> to vector<1x16xf32>
      tpu.vector_store %arg10[%swap3A_494, %swap3A_495], %swap3A_498 {strides = array<i32>} : memref<8x2048xf32, #tpu.memory_space<vmem>>, vector<1x16xf32>,
      %mul3A_499 = arith.constant 16 : i32
      %mul3A_500 = arith.muli %scan3A_470, %mul3A_499 : i32
      %get3A_501 = arith.constant 1 : i32
      %get3A_502 = arith.index_cast %get3A_501 : i32 to index
      %get3A_503 = arith.index_cast %mul3A_500 : i32 to index
      %get3A_504 = tpu.vector_load %arg10[%get3A_502, %get3A_503] {strides = array<i32>} : memref<8x2048xf32, #tpu.memory_space<vmem>>, vector<1x16xf32>,
      %get3A_505 = vector.shape_cast %get3A_504 : vector<1x16xf32> to vector<16xf32>
      %mul3A_506 = arith.constant 16 : i32
      %mul3A_507 = arith.muli %scan3A_470, %mul3A_506 : i32
      %get3A_508 = arith.constant 1 : i32
      %get3A_509 = arith.index_cast %get3A_508 : i32 to index
      %get3A_510 = arith.index_cast %mul3A_507 : i32 to index
      %get3A_511 = tpu.vector_load %arg12[%get3A_509, %get3A_510] {strides = array<i32>} : memref<8x2048xf32, #tpu.memory_space<vmem>>, vector<1x16xf32>,
      %get3A_512 = vector.shape_cast %get3A_511 : vector<1x16xf32> to vector<16xf32>
      %slice3A_513 = vector.extract_strided_slice %get3A_228 {offsets = [9], sizes = [1], strides = [1]} : vector<16xf32> to vector<1xf32>
      %squeeze3A_514 = vector.extract %slice3A_513[0] : f32 from vector<1xf32>
      %mul3A_515 = vector.broadcast %squeeze3A_514 : f32 to vector<16xf32>
      %mul3A_516 = arith.mulf %mul3A_515, %get3A_505 : vector<16xf32>
      %slice3A_517 = vector.extract_strided_slice %get3A_235 {offsets = [9], sizes = [1], strides = [1]} : vector<16xf32> to vector<1xf32>
      %squeeze3A_518 = vector.extract %slice3A_517[0] : f32 from vector<1xf32>
      %mul3A_519 = vector.broadcast %squeeze3A_518 : f32 to vector<16xf32>
      %mul3A_520 = arith.mulf %mul3A_519, %get3A_512 : vector<16xf32>
      %add3A_521 = arith.addf %mul3A_516, %mul3A_520 : vector<16xf32>
      %mul3A_522 = arith.constant 16 : i32
      %mul3A_523 = arith.muli %scan3A_470, %mul3A_522 : i32
      %swap3A_524 = arith.constant 1 : i32
      %swap3A_525 = arith.index_cast %swap3A_524 : i32 to index
      %swap3A_526 = arith.index_cast %mul3A_523 : i32 to index
      %swap3A_527 = tpu.vector_load %arg10[%swap3A_525, %swap3A_526] {strides = array<i32>} : memref<8x2048xf32, #tpu.memory_space<vmem>>, vector<1x16xf32>,
      %swap3A_528 = vector.shape_cast %swap3A_527 : vector<1x16xf32> to vector<16xf32>
      %swap3A_529 = vector.shape_cast %add3A_521 : vector<16xf32> to vector<1x16xf32>
      tpu.vector_store %arg10[%swap3A_525, %swap3A_526], %swap3A_529 {strides = array<i32>} : memref<8x2048xf32, #tpu.memory_space<vmem>>, vector<1x16xf32>,
      %mul3A_530 = arith.constant 16 : i32
      %mul3A_531 = arith.muli %scan3A_470, %mul3A_530 : i32
      %get3A_532 = arith.constant 2 : i32
      %get3A_533 = arith.index_cast %get3A_532 : i32 to index
      %get3A_534 = arith.index_cast %mul3A_531 : i32 to index
      %get3A_535 = tpu.vector_load %arg10[%get3A_533, %get3A_534] {strides = array<i32>} : memref<8x2048xf32, #tpu.memory_space<vmem>>, vector<1x16xf32>,
      %get3A_536 = vector.shape_cast %get3A_535 : vector<1x16xf32> to vector<16xf32>
      %mul3A_537 = arith.constant 16 : i32
      %mul3A_538 = arith.muli %scan3A_470, %mul3A_537 : i32
      %get3A_539 = arith.constant 2 : i32
      %get3A_540 = arith.index_cast %get3A_539 : i32 to index
      %get3A_541 = arith.index_cast %mul3A_538 : i32 to index
      %get3A_542 = tpu.vector_load %arg12[%get3A_540, %get3A_541] {strides = array<i32>} : memref<8x2048xf32, #tpu.memory_space<vmem>>, vector<1x16xf32>,
      %get3A_543 = vector.shape_cast %get3A_542 : vector<1x16xf32> to vector<16xf32>
      %slice3A_544 = vector.extract_strided_slice %get3A_228 {offsets = [10], sizes = [1], strides = [1]} : vector<16xf32> to vector<1xf32>
      %squeeze3A_545 = vector.extract %slice3A_544[0] : f32 from vector<1xf32>
      %mul3A_546 = vector.broadcast %squeeze3A_545 : f32 to vector<16xf32>
      %mul3A_547 = arith.mulf %mul3A_546, %get3A_536 : vector<16xf32>
      %slice3A_548 = vector.extract_strided_slice %get3A_235 {offsets = [10], sizes = [1], strides = [1]} : vector<16xf32> to vector<1xf32>
      %squeeze3A_549 = vector.extract %slice3A_548[0] : f32 from vector<1xf32>
      %mul3A_550 = vector.broadcast %squeeze3A_549 : f32 to vector<16xf32>
      %mul3A_551 = arith.mulf %mul3A_550, %get3A_543 : vector<16xf32>
      %add3A_552 = arith.addf %mul3A_547, %mul3A_551 : vector<16xf32>
      %mul3A_553 = arith.constant 16 : i32
      %mul3A_554 = arith.muli %scan3A_470, %mul3A_553 : i32
      %swap3A_555 = arith.constant 2 : i32
      %swap3A_556 = arith.index_cast %swap3A_555 : i32 to index
      %swap3A_557 = arith.index_cast %mul3A_554 : i32 to index
      %swap3A_558 = tpu.vector_load %arg10[%swap3A_556, %swap3A_557] {strides = array<i32>} : memref<8x2048xf32, #tpu.memory_space<vmem>>, vector<1x16xf32>,
      %swap3A_559 = vector.shape_cast %swap3A_558 : vector<1x16xf32> to vector<16xf32>
      %swap3A_560 = vector.shape_cast %add3A_552 : vector<16xf32> to vector<1x16xf32>
      tpu.vector_store %arg10[%swap3A_556, %swap3A_557], %swap3A_560 {strides = array<i32>} : memref<8x2048xf32, #tpu.memory_space<vmem>>, vector<1x16xf32>,
      %mul3A_561 = arith.constant 16 : i32
      %mul3A_562 = arith.muli %scan3A_470, %mul3A_561 : i32
      %get3A_563 = arith.constant 3 : i32
      %get3A_564 = arith.index_cast %get3A_563 : i32 to index
      %get3A_565 = arith.index_cast %mul3A_562 : i32 to index
      %get3A_566 = tpu.vector_load %arg10[%get3A_564, %get3A_565] {strides = array<i32>} : memref<8x2048xf32, #tpu.memory_space<vmem>>, vector<1x16xf32>,
      %get3A_567 = vector.shape_cast %get3A_566 : vector<1x16xf32> to vector<16xf32>
      %mul3A_568 = arith.constant 16 : i32
      %mul3A_569 = arith.muli %scan3A_470, %mul3A_568 : i32
      %get3A_570 = arith.constant 3 : i32
      %get3A_571 = arith.index_cast %get3A_570 : i32 to index
      %get3A_572 = arith.index_cast %mul3A_569 : i32 to index
      %get3A_573 = tpu.vector_load %arg12[%get3A_571, %get3A_572] {strides = array<i32>} : memref<8x2048xf32, #tpu.memory_space<vmem>>, vector<1x16xf32>,
      %get3A_574 = vector.shape_cast %get3A_573 : vector<1x16xf32> to vector<16xf32>
      %slice3A_575 = vector.extract_strided_slice %get3A_228 {offsets = [11], sizes = [1], strides = [1]} : vector<16xf32> to vector<1xf32>
      %squeeze3A_576 = vector.extract %slice3A_575[0] : f32 from vector<1xf32>
      %mul3A_577 = vector.broadcast %squeeze3A_576 : f32 to vector<16xf32>
      %mul3A_578 = arith.mulf %mul3A_577, %get3A_567 : vector<16xf32>
      %slice3A_579 = vector.extract_strided_slice %get3A_235 {offsets = [11], sizes = [1], strides = [1]} : vector<16xf32> to vector<1xf32>
      %squeeze3A_580 = vector.extract %slice3A_579[0] : f32 from vector<1xf32>
      %mul3A_581 = vector.broadcast %squeeze3A_580 : f32 to vector<16xf32>
      %mul3A_582 = arith.mulf %mul3A_581, %get3A_574 : vector<16xf32>
      %add3A_583 = arith.addf %mul3A_578, %mul3A_582 : vector<16xf32>
      %mul3A_584 = arith.constant 16 : i32
      %mul3A_585 = arith.muli %scan3A_470, %mul3A_584 : i32
      %swap3A_586 = arith.constant 3 : i32
      %swap3A_587 = arith.index_cast %swap3A_586 : i32 to index
      %swap3A_588 = arith.index_cast %mul3A_585 : i32 to index
      %swap3A_589 = tpu.vector_load %arg10[%swap3A_587, %swap3A_588] {strides = array<i32>} : memref<8x2048xf32, #tpu.memory_space<vmem>>, vector<1x16xf32>,
      %swap3A_590 = vector.shape_cast %swap3A_589 : vector<1x16xf32> to vector<16xf32>
      %swap3A_591 = vector.shape_cast %add3A_583 : vector<16xf32> to vector<1x16xf32>
      tpu.vector_store %arg10[%swap3A_587, %swap3A_588], %swap3A_591 {strides = array<i32>} : memref<8x2048xf32, #tpu.memory_space<vmem>>, vector<1x16xf32>,
      %mul3A_592 = arith.constant 16 : i32
      %mul3A_593 = arith.muli %scan3A_470, %mul3A_592 : i32
      %get3A_594 = arith.constant 4 : i32
      %get3A_595 = arith.index_cast %get3A_594 : i32 to index
      %get3A_596 = arith.index_cast %mul3A_593 : i32 to index
      %get3A_597 = tpu.vector_load %arg10[%get3A_595, %get3A_596] {strides = array<i32>} : memref<8x2048xf32, #tpu.memory_space<vmem>>, vector<1x16xf32>,
      %get3A_598 = vector.shape_cast %get3A_597 : vector<1x16xf32> to vector<16xf32>
      %mul3A_599 = arith.constant 16 : i32
      %mul3A_600 = arith.muli %scan3A_470, %mul3A_599 : i32
      %get3A_601 = arith.constant 4 : i32
      %get3A_602 = arith.index_cast %get3A_601 : i32 to index
      %get3A_603 = arith.index_cast %mul3A_600 : i32 to index
      %get3A_604 = tpu.vector_load %arg12[%get3A_602, %get3A_603] {strides = array<i32>} : memref<8x2048xf32, #tpu.memory_space<vmem>>, vector<1x16xf32>,
      %get3A_605 = vector.shape_cast %get3A_604 : vector<1x16xf32> to vector<16xf32>
      %slice3A_606 = vector.extract_strided_slice %get3A_228 {offsets = [12], sizes = [1], strides = [1]} : vector<16xf32> to vector<1xf32>
      %squeeze3A_607 = vector.extract %slice3A_606[0] : f32 from vector<1xf32>
      %mul3A_608 = vector.broadcast %squeeze3A_607 : f32 to vector<16xf32>
      %mul3A_609 = arith.mulf %mul3A_608, %get3A_598 : vector<16xf32>
      %slice3A_610 = vector.extract_strided_slice %get3A_235 {offsets = [12], sizes = [1], strides = [1]} : vector<16xf32> to vector<1xf32>
      %squeeze3A_611 = vector.extract %slice3A_610[0] : f32 from vector<1xf32>
      %mul3A_612 = vector.broadcast %squeeze3A_611 : f32 to vector<16xf32>
      %mul3A_613 = arith.mulf %mul3A_612, %get3A_605 : vector<16xf32>
      %add3A_614 = arith.addf %mul3A_609, %mul3A_613 : vector<16xf32>
      %mul3A_615 = arith.constant 16 : i32
      %mul3A_616 = arith.muli %scan3A_470, %mul3A_615 : i32
      %swap3A_617 = arith.constant 4 : i32
      %swap3A_618 = arith.index_cast %swap3A_617 : i32 to index
      %swap3A_619 = arith.index_cast %mul3A_616 : i32 to index
      %swap3A_620 = tpu.vector_load %arg10[%swap3A_618, %swap3A_619] {strides = array<i32>} : memref<8x2048xf32, #tpu.memory_space<vmem>>, vector<1x16xf32>,
      %swap3A_621 = vector.shape_cast %swap3A_620 : vector<1x16xf32> to vector<16xf32>
      %swap3A_622 = vector.shape_cast %add3A_614 : vector<16xf32> to vector<1x16xf32>
      tpu.vector_store %arg10[%swap3A_618, %swap3A_619], %swap3A_622 {strides = array<i32>} : memref<8x2048xf32, #tpu.memory_space<vmem>>, vector<1x16xf32>,
      %mul3A_623 = arith.constant 16 : i32
      %mul3A_624 = arith.muli %scan3A_470, %mul3A_623 : i32
      %get3A_625 = arith.constant 5 : i32
      %get3A_626 = arith.index_cast %get3A_625 : i32 to index
      %get3A_627 = arith.index_cast %mul3A_624 : i32 to index
      %get3A_628 = tpu.vector_load %arg10[%get3A_626, %get3A_627] {strides = array<i32>} : memref<8x2048xf32, #tpu.memory_space<vmem>>, vector<1x16xf32>,
      %get3A_629 = vector.shape_cast %get3A_628 : vector<1x16xf32> to vector<16xf32>
      %mul3A_630 = arith.constant 16 : i32
      %mul3A_631 = arith.muli %scan3A_470, %mul3A_630 : i32
      %get3A_632 = arith.constant 5 : i32
      %get3A_633 = arith.index_cast %get3A_632 : i32 to index
      %get3A_634 = arith.index_cast %mul3A_631 : i32 to index
      %get3A_635 = tpu.vector_load %arg12[%get3A_633, %get3A_634] {strides = array<i32>} : memref<8x2048xf32, #tpu.memory_space<vmem>>, vector<1x16xf32>,
      %get3A_636 = vector.shape_cast %get3A_635 : vector<1x16xf32> to vector<16xf32>
      %slice3A_637 = vector.extract_strided_slice %get3A_228 {offsets = [13], sizes = [1], strides = [1]} : vector<16xf32> to vector<1xf32>
      %squeeze3A_638 = vector.extract %slice3A_637[0] : f32 from vector<1xf32>
      %mul3A_639 = vector.broadcast %squeeze3A_638 : f32 to vector<16xf32>
      %mul3A_640 = arith.mulf %mul3A_639, %get3A_629 : vector<16xf32>
      %slice3A_641 = vector.extract_strided_slice %get3A_235 {offsets = [13], sizes = [1], strides = [1]} : vector<16xf32> to vector<1xf32>
      %squeeze3A_642 = vector.extract %slice3A_641[0] : f32 from vector<1xf32>
      %mul3A_643 = vector.broadcast %squeeze3A_642 : f32 to vector<16xf32>
      %mul3A_644 = arith.mulf %mul3A_643, %get3A_636 : vector<16xf32>
      %add3A_645 = arith.addf %mul3A_640, %mul3A_644 : vector<16xf32>
      %mul3A_646 = arith.constant 16 : i32
      %mul3A_647 = arith.muli %scan3A_470, %mul3A_646 : i32
      %swap3A_648 = arith.constant 5 : i32
      %swap3A_649 = arith.index_cast %swap3A_648 : i32 to index
      %swap3A_650 = arith.index_cast %mul3A_647 : i32 to index
      %swap3A_651 = tpu.vector_load %arg10[%swap3A_649, %swap3A_650] {strides = array<i32>} : memref<8x2048xf32, #tpu.memory_space<vmem>>, vector<1x16xf32>,
      %swap3A_652 = vector.shape_cast %swap3A_651 : vector<1x16xf32> to vector<16xf32>
      %swap3A_653 = vector.shape_cast %add3A_645 : vector<16xf32> to vector<1x16xf32>
      tpu.vector_store %arg10[%swap3A_649, %swap3A_650], %swap3A_653 {strides = array<i32>} : memref<8x2048xf32, #tpu.memory_space<vmem>>, vector<1x16xf32>,
      %mul3A_654 = arith.constant 16 : i32
      %mul3A_655 = arith.muli %scan3A_470, %mul3A_654 : i32
      %get3A_656 = arith.constant 6 : i32
      %get3A_657 = arith.index_cast %get3A_656 : i32 to index
      %get3A_658 = arith.index_cast %mul3A_655 : i32 to index
      %get3A_659 = tpu.vector_load %arg10[%get3A_657, %get3A_658] {strides = array<i32>} : memref<8x2048xf32, #tpu.memory_space<vmem>>, vector<1x16xf32>,
      %get3A_660 = vector.shape_cast %get3A_659 : vector<1x16xf32> to vector<16xf32>
      %mul3A_661 = arith.constant 16 : i32
      %mul3A_662 = arith.muli %scan3A_470, %mul3A_661 : i32
      %get3A_663 = arith.constant 6 : i32
      %get3A_664 = arith.index_cast %get3A_663 : i32 to index
      %get3A_665 = arith.index_cast %mul3A_662 : i32 to index
      %get3A_666 = tpu.vector_load %arg12[%get3A_664, %get3A_665] {strides = array<i32>} : memref<8x2048xf32, #tpu.memory_space<vmem>>, vector<1x16xf32>,
      %get3A_667 = vector.shape_cast %get3A_666 : vector<1x16xf32> to vector<16xf32>
      %slice3A_668 = vector.extract_strided_slice %get3A_228 {offsets = [14], sizes = [1], strides = [1]} : vector<16xf32> to vector<1xf32>
      %squeeze3A_669 = vector.extract %slice3A_668[0] : f32 from vector<1xf32>
      %mul3A_670 = vector.broadcast %squeeze3A_669 : f32 to vector<16xf32>
      %mul3A_671 = arith.mulf %mul3A_670, %get3A_660 : vector<16xf32>
      %slice3A_672 = vector.extract_strided_slice %get3A_235 {offsets = [14], sizes = [1], strides = [1]} : vector<16xf32> to vector<1xf32>
      %squeeze3A_673 = vector.extract %slice3A_672[0] : f32 from vector<1xf32>
      %mul3A_674 = vector.broadcast %squeeze3A_673 : f32 to vector<16xf32>
      %mul3A_675 = arith.mulf %mul3A_674, %get3A_667 : vector<16xf32>
      %add3A_676 = arith.addf %mul3A_671, %mul3A_675 : vector<16xf32>
      %mul3A_677 = arith.constant 16 : i32
      %mul3A_678 = arith.muli %scan3A_470, %mul3A_677 : i32
      %swap3A_679 = arith.constant 6 : i32
      %swap3A_680 = arith.index_cast %swap3A_679 : i32 to index
      %swap3A_681 = arith.index_cast %mul3A_678 : i32 to index
      %swap3A_682 = tpu.vector_load %arg10[%swap3A_680, %swap3A_681] {strides = array<i32>} : memref<8x2048xf32, #tpu.memory_space<vmem>>, vector<1x16xf32>,
      %swap3A_683 = vector.shape_cast %swap3A_682 : vector<1x16xf32> to vector<16xf32>
      %swap3A_684 = vector.shape_cast %add3A_676 : vector<16xf32> to vector<1x16xf32>
      tpu.vector_store %arg10[%swap3A_680, %swap3A_681], %swap3A_684 {strides = array<i32>} : memref<8x2048xf32, #tpu.memory_space<vmem>>, vector<1x16xf32>,
      %mul3A_685 = arith.constant 16 : i32
      %mul3A_686 = arith.muli %scan3A_470, %mul3A_685 : i32
      %get3A_687 = arith.constant 7 : i32
      %get3A_688 = arith.index_cast %get3A_687 : i32 to index
      %get3A_689 = arith.index_cast %mul3A_686 : i32 to index
      %get3A_690 = tpu.vector_load %arg10[%get3A_688, %get3A_689] {strides = array<i32>} : memref<8x2048xf32, #tpu.memory_space<vmem>>, vector<1x16xf32>,
      %get3A_691 = vector.shape_cast %get3A_690 : vector<1x16xf32> to vector<16xf32>
      %mul3A_692 = arith.constant 16 : i32
      %mul3A_693 = arith.muli %scan3A_470, %mul3A_692 : i32
      %get3A_694 = arith.constant 7 : i32
      %get3A_695 = arith.index_cast %get3A_694 : i32 to index
      %get3A_696 = arith.index_cast %mul3A_693 : i32 to index
      %get3A_697 = tpu.vector_load %arg12[%get3A_695, %get3A_696] {strides = array<i32>} : memref<8x2048xf32, #tpu.memory_space<vmem>>, vector<1x16xf32>,
      %get3A_698 = vector.shape_cast %get3A_697 : vector<1x16xf32> to vector<16xf32>
      %slice3A_699 = vector.extract_strided_slice %get3A_228 {offsets = [15], sizes = [1], strides = [1]} : vector<16xf32> to vector<1xf32>
      %squeeze3A_700 = vector.extract %slice3A_699[0] : f32 from vector<1xf32>
      %mul3A_701 = vector.broadcast %squeeze3A_700 : f32 to vector<16xf32>
      %mul3A_702 = arith.mulf %mul3A_701, %get3A_691 : vector<16xf32>
      %slice3A_703 = vector.extract_strided_slice %get3A_235 {offsets = [15], sizes = [1], strides = [1]} : vector<16xf32> to vector<1xf32>
      %squeeze3A_704 = vector.extract %slice3A_703[0] : f32 from vector<1xf32>
      %mul3A_705 = vector.broadcast %squeeze3A_704 : f32 to vector<16xf32>
      %mul3A_706 = arith.mulf %mul3A_705, %get3A_698 : vector<16xf32>
      %add3A_707 = arith.addf %mul3A_702, %mul3A_706 : vector<16xf32>
      %mul3A_708 = arith.constant 16 : i32
      %mul3A_709 = arith.muli %scan3A_470, %mul3A_708 : i32
      %swap3A_710 = arith.constant 7 : i32
      %swap3A_711 = arith.index_cast %swap3A_710 : i32 to index
      %swap3A_712 = arith.index_cast %mul3A_709 : i32 to index
      %swap3A_713 = tpu.vector_load %arg10[%swap3A_711, %swap3A_712] {strides = array<i32>} : memref<8x2048xf32, #tpu.memory_space<vmem>>, vector<1x16xf32>,
      %swap3A_714 = vector.shape_cast %swap3A_713 : vector<1x16xf32> to vector<16xf32>
      %swap3A_715 = vector.shape_cast %add3A_707 : vector<16xf32> to vector<1x16xf32>
      tpu.vector_store %arg10[%swap3A_711, %swap3A_712], %swap3A_715 {strides = array<i32>} : memref<8x2048xf32, #tpu.memory_space<vmem>>, vector<1x16xf32>,
    }
    %scan3A_241 = arith.constant 128 : i32
    %add3A_242 = arith.constant 24 : i32
    %add3A_243 = arith.addi %mul3A_2, %add3A_242 : i32
    %dma_start3A_244 = arith.constant 0 : i32
    %dma_start3A_245 = tpu.memref_slice %arg5[%add3A_243, %dma_start3A_244] : memref<2048x2048xf32, #tpu.memory_space<hbm>> -> memref<8x2048xf32, #tpu.memory_space<hbm>>
    %dma_start3A_246 = arith.constant 0 : i32
    %dma_start3A_247 = tpu.memref_slice %arg5[%add3A_243, %dma_start3A_246] : memref<2048x2048xf32, #tpu.memory_space<hbm>> -> memref<8x2048xf32, #tpu.memory_space<hbm>>
    tpu.enqueue_dma source(%arg10 : memref<8x2048xf32, #tpu.memory_space<vmem>>) target(%dma_start3A_247 : memref<8x2048xf32, #tpu.memory_space<hbm>>) target_semaphore(%arg18 : memref<!tpu.dma_semaphore, #tpu.memory_space<semaphore_mem>>)
    %dma_wait3A_248 = arith.constant 0 : i32
    %dma_wait3A_249 = tpu.memref_slice %arg5[%add3A_243, %dma_wait3A_248] : memref<2048x2048xf32, #tpu.memory_space<hbm>> -> memref<8x2048xf32, #tpu.memory_space<hbm>>
    %dma_wait3A_250 = arith.constant 0 : i32
    %dma_wait3A_251 = tpu.memref_slice %arg5[%add3A_243, %dma_wait3A_250] : memref<2048x2048xf32, #tpu.memory_space<hbm>> -> memref<8x2048xf32, #tpu.memory_space<hbm>>
    tpu.wait_dma2 semaphore(%arg18 : memref<!tpu.dma_semaphore, #tpu.memory_space<semaphore_mem>>) src(%arg10 : memref<8x2048xf32, #tpu.memory_space<vmem>>) dst(%dma_wait3A_251 : memref<8x2048xf32, #tpu.memory_space<hbm>>)
    %dma_start3A_252 = arith.constant 5 : i32
    %dma_start3A_253 = arith.constant 0 : i32
    %dma_start3A_254 = tpu.memref_slice %arg6[%dma_start3A_252, %dma_start3A_253] : memref<8x8xi32, #tpu.memory_space<vmem>> -> memref<1x8xi32, #tpu.memory_space<vmem>>
    %dma_start3A_255 = tpu.memref_squeeze %dma_start3A_254 : memref<1x8xi32, #tpu.memory_space<vmem>> -> memref<8xi32, #tpu.memory_space<vmem>>
    %dma_start3A_256 = arith.constant 0 : i32
    %dma_start3A_257 = arith.constant 0 : i32
    %dma_start3A_258 = tpu.memref_slice %arg2[%dma_start3A_256, %dma_start3A_257] : memref<8064x2048xf32, #tpu.memory_space<hbm>> -> memref<8064x2048xf32, #tpu.memory_space<hbm>>
    tpu.enqueue_indirect_dma source(%dma_start3A_258 : memref<8064x2048xf32, #tpu.memory_space<hbm>>) target(%arg10 : memref<8x2048xf32, #tpu.memory_space<vmem>>) offsets(%dma_start3A_255 : memref<8xi32, #tpu.memory_space<vmem>>) semaphore(%arg14 : memref<!tpu.dma_semaphore, #tpu.memory_space<semaphore_mem>>)
    %dma_start3A_259 = arith.constant 5 : i32
    %dma_start3A_260 = arith.constant 0 : i32
    %dma_start3A_261 = tpu.memref_slice %arg7[%dma_start3A_259, %dma_start3A_260] : memref<8x8xi32, #tpu.memory_space<vmem>> -> memref<1x8xi32, #tpu.memory_space<vmem>>
    %dma_start3A_262 = tpu.memref_squeeze %dma_start3A_261 : memref<1x8xi32, #tpu.memory_space<vmem>> -> memref<8xi32, #tpu.memory_space<vmem>>
    %dma_start3A_263 = arith.constant 0 : i32
    %dma_start3A_264 = arith.constant 0 : i32
    %dma_start3A_265 = tpu.memref_slice %arg2[%dma_start3A_263, %dma_start3A_264] : memref<8064x2048xf32, #tpu.memory_space<hbm>> -> memref<8064x2048xf32, #tpu.memory_space<hbm>>
    tpu.enqueue_indirect_dma source(%dma_start3A_265 : memref<8064x2048xf32, #tpu.memory_space<hbm>>) target(%arg12 : memref<8x2048xf32, #tpu.memory_space<vmem>>) offsets(%dma_start3A_262 : memref<8xi32, #tpu.memory_space<vmem>>) semaphore(%arg16 : memref<!tpu.dma_semaphore, #tpu.memory_space<semaphore_mem>>)
    %dma_wait3A_266 = arith.constant 4 : i32
    %dma_wait3A_267 = arith.constant 0 : i32
    %dma_wait3A_268 = tpu.memref_slice %arg6[%dma_wait3A_266, %dma_wait3A_267] : memref<8x8xi32, #tpu.memory_space<vmem>> -> memref<1x8xi32, #tpu.memory_space<vmem>>
    %dma_wait3A_269 = tpu.memref_squeeze %dma_wait3A_268 : memref<1x8xi32, #tpu.memory_space<vmem>> -> memref<8xi32, #tpu.memory_space<vmem>>
    %dma_wait3A_270 = arith.constant 0 : i32
    %dma_wait3A_271 = arith.constant 0 : i32
    %dma_wait3A_272 = tpu.memref_slice %arg2[%dma_wait3A_270, %dma_wait3A_271] : memref<8064x2048xf32, #tpu.memory_space<hbm>> -> memref<8064x2048xf32, #tpu.memory_space<hbm>>
    tpu.wait_indirect_dma semaphore(%arg13 : memref<!tpu.dma_semaphore, #tpu.memory_space<semaphore_mem>>) src(%dma_wait3A_272 : memref<8064x2048xf32, #tpu.memory_space<hbm>>) dst(%arg9 : memref<8x2048xf32, #tpu.memory_space<vmem>>)
    %dma_wait3A_273 = arith.constant 4 : i32
    %dma_wait3A_274 = arith.constant 0 : i32
    %dma_wait3A_275 = tpu.memref_slice %arg7[%dma_wait3A_273, %dma_wait3A_274] : memref<8x8xi32, #tpu.memory_space<vmem>> -> memref<1x8xi32, #tpu.memory_space<vmem>>
    %dma_wait3A_276 = tpu.memref_squeeze %dma_wait3A_275 : memref<1x8xi32, #tpu.memory_space<vmem>> -> memref<8xi32, #tpu.memory_space<vmem>>
    %dma_wait3A_277 = arith.constant 0 : i32
    %dma_wait3A_278 = arith.constant 0 : i32
    %dma_wait3A_279 = tpu.memref_slice %arg2[%dma_wait3A_277, %dma_wait3A_278] : memref<8064x2048xf32, #tpu.memory_space<hbm>> -> memref<8064x2048xf32, #tpu.memory_space<hbm>>
    tpu.wait_indirect_dma semaphore(%arg15 : memref<!tpu.dma_semaphore, #tpu.memory_space<semaphore_mem>>) src(%dma_wait3A_279 : memref<8064x2048xf32, #tpu.memory_space<hbm>>) dst(%arg11 : memref<8x2048xf32, #tpu.memory_space<vmem>>)
    %get3A_280 = arith.constant 0 : i32
    %get3A_281 = arith.constant 2 : i32
    %get3A_282 = arith.index_cast %get3A_280 : i32 to index
    %get3A_283 = arith.index_cast %get3A_281 : i32 to index
    %get3A_284 = arith.constant 0 : index
    %get3A_285 = tpu.vector_load %arg8[%get3A_282, %get3A_283, %get3A_284] {strides = array<i32>} : memref<2x4x16xf32, #tpu.memory_space<vmem>>, vector<1x1x16xf32>,
    %get3A_286 = vector.shape_cast %get3A_285 : vector<1x1x16xf32> to vector<16xf32>
    %get3A_287 = arith.constant 1 : i32
    %get3A_288 = arith.constant 2 : i32
    %get3A_289 = arith.index_cast %get3A_287 : i32 to index
    %get3A_290 = arith.index_cast %get3A_288 : i32 to index
    %get3A_291 = arith.constant 0 : index
    %get3A_292 = tpu.vector_load %arg8[%get3A_289, %get3A_290, %get3A_291] {strides = array<i32>} : memref<2x4x16xf32, #tpu.memory_space<vmem>>, vector<1x1x16xf32>,
    %get3A_293 = vector.shape_cast %get3A_292 : vector<1x1x16xf32> to vector<16xf32>
    %scan3A_294 = arith.constant 0 : i32
    %scan3A_295 = arith.constant 0 : i32
    %scan3A_296 = arith.constant 128 : i32
    %scan3A_297 = arith.addi %scan3A_295, %scan3A_296 : i32
    %scan3A_298 = arith.constant 1 : i32
    scf.for %scan3A_470 = %scan3A_295 to %scan3A_297 step %scan3A_298  : i32 {
      %mul3A_471 = arith.constant 16 : i32
      %mul3A_472 = arith.muli %scan3A_470, %mul3A_471 : i32
      %get3A_473 = arith.constant 0 : i32
      %get3A_474 = arith.index_cast %get3A_473 : i32 to index
      %get3A_475 = arith.index_cast %mul3A_472 : i32 to index
      %get3A_476 = tpu.vector_load %arg9[%get3A_474, %get3A_475] {strides = array<i32>} : memref<8x2048xf32, #tpu.memory_space<vmem>>, vector<1x16xf32>,
      %get3A_477 = vector.shape_cast %get3A_476 : vector<1x16xf32> to vector<16xf32>
      %mul3A_478 = arith.constant 16 : i32
      %mul3A_479 = arith.muli %scan3A_470, %mul3A_478 : i32
      %get3A_480 = arith.constant 0 : i32
      %get3A_481 = arith.index_cast %get3A_480 : i32 to index
      %get3A_482 = arith.index_cast %mul3A_479 : i32 to index
      %get3A_483 = tpu.vector_load %arg11[%get3A_481, %get3A_482] {strides = array<i32>} : memref<8x2048xf32, #tpu.memory_space<vmem>>, vector<1x16xf32>,
      %get3A_484 = vector.shape_cast %get3A_483 : vector<1x16xf32> to vector<16xf32>
      %slice3A = vector.extract_strided_slice %get3A_286 {offsets = [0], sizes = [1], strides = [1]} : vector<16xf32> to vector<1xf32>
      %squeeze3A = vector.extract %slice3A[0] : f32 from vector<1xf32>
      %mul3A_485 = vector.broadcast %squeeze3A : f32 to vector<16xf32>
      %mul3A_486 = arith.mulf %mul3A_485, %get3A_477 : vector<16xf32>
      %slice3A_487 = vector.extract_strided_slice %get3A_293 {offsets = [0], sizes = [1], strides = [1]} : vector<16xf32> to vector<1xf32>
      %squeeze3A_488 = vector.extract %slice3A_487[0] : f32 from vector<1xf32>
      %mul3A_489 = vector.broadcast %squeeze3A_488 : f32 to vector<16xf32>
      %mul3A_490 = arith.mulf %mul3A_489, %get3A_484 : vector<16xf32>
      %add3A_491 = arith.addf %mul3A_486, %mul3A_490 : vector<16xf32>
      %mul3A_492 = arith.constant 16 : i32
      %mul3A_493 = arith.muli %scan3A_470, %mul3A_492 : i32
      %swap3A = arith.constant 0 : i32
      %swap3A_494 = arith.index_cast %swap3A : i32 to index
      %swap3A_495 = arith.index_cast %mul3A_493 : i32 to index
      %swap3A_496 = tpu.vector_load %arg9[%swap3A_494, %swap3A_495] {strides = array<i32>} : memref<8x2048xf32, #tpu.memory_space<vmem>>, vector<1x16xf32>,
      %swap3A_497 = vector.shape_cast %swap3A_496 : vector<1x16xf32> to vector<16xf32>
      %swap3A_498 = vector.shape_cast %add3A_491 : vector<16xf32> to vector<1x16xf32>
      tpu.vector_store %arg9[%swap3A_494, %swap3A_495], %swap3A_498 {strides = array<i32>} : memref<8x2048xf32, #tpu.memory_space<vmem>>, vector<1x16xf32>,
      %mul3A_499 = arith.constant 16 : i32
      %mul3A_500 = arith.muli %scan3A_470, %mul3A_499 : i32
      %get3A_501 = arith.constant 1 : i32
      %get3A_502 = arith.index_cast %get3A_501 : i32 to index
      %get3A_503 = arith.index_cast %mul3A_500 : i32 to index
      %get3A_504 = tpu.vector_load %arg9[%get3A_502, %get3A_503] {strides = array<i32>} : memref<8x2048xf32, #tpu.memory_space<vmem>>, vector<1x16xf32>,
      %get3A_505 = vector.shape_cast %get3A_504 : vector<1x16xf32> to vector<16xf32>
      %mul3A_506 = arith.constant 16 : i32
      %mul3A_507 = arith.muli %scan3A_470, %mul3A_506 : i32
      %get3A_508 = arith.constant 1 : i32
      %get3A_509 = arith.index_cast %get3A_508 : i32 to index
      %get3A_510 = arith.index_cast %mul3A_507 : i32 to index
      %get3A_511 = tpu.vector_load %arg11[%get3A_509, %get3A_510] {strides = array<i32>} : memref<8x2048xf32, #tpu.memory_space<vmem>>, vector<1x16xf32>,
      %get3A_512 = vector.shape_cast %get3A_511 : vector<1x16xf32> to vector<16xf32>
      %slice3A_513 = vector.extract_strided_slice %get3A_286 {offsets = [1], sizes = [1], strides = [1]} : vector<16xf32> to vector<1xf32>
      %squeeze3A_514 = vector.extract %slice3A_513[0] : f32 from vector<1xf32>
      %mul3A_515 = vector.broadcast %squeeze3A_514 : f32 to vector<16xf32>
      %mul3A_516 = arith.mulf %mul3A_515, %get3A_505 : vector<16xf32>
      %slice3A_517 = vector.extract_strided_slice %get3A_293 {offsets = [1], sizes = [1], strides = [1]} : vector<16xf32> to vector<1xf32>
      %squeeze3A_518 = vector.extract %slice3A_517[0] : f32 from vector<1xf32>
      %mul3A_519 = vector.broadcast %squeeze3A_518 : f32 to vector<16xf32>
      %mul3A_520 = arith.mulf %mul3A_519, %get3A_512 : vector<16xf32>
      %add3A_521 = arith.addf %mul3A_516, %mul3A_520 : vector<16xf32>
      %mul3A_522 = arith.constant 16 : i32
      %mul3A_523 = arith.muli %scan3A_470, %mul3A_522 : i32
      %swap3A_524 = arith.constant 1 : i32
      %swap3A_525 = arith.index_cast %swap3A_524 : i32 to index
      %swap3A_526 = arith.index_cast %mul3A_523 : i32 to index
      %swap3A_527 = tpu.vector_load %arg9[%swap3A_525, %swap3A_526] {strides = array<i32>} : memref<8x2048xf32, #tpu.memory_space<vmem>>, vector<1x16xf32>,
      %swap3A_528 = vector.shape_cast %swap3A_527 : vector<1x16xf32> to vector<16xf32>
      %swap3A_529 = vector.shape_cast %add3A_521 : vector<16xf32> to vector<1x16xf32>
      tpu.vector_store %arg9[%swap3A_525, %swap3A_526], %swap3A_529 {strides = array<i32>} : memref<8x2048xf32, #tpu.memory_space<vmem>>, vector<1x16xf32>,
      %mul3A_530 = arith.constant 16 : i32
      %mul3A_531 = arith.muli %scan3A_470, %mul3A_530 : i32
      %get3A_532 = arith.constant 2 : i32
      %get3A_533 = arith.index_cast %get3A_532 : i32 to index
      %get3A_534 = arith.index_cast %mul3A_531 : i32 to index
      %get3A_535 = tpu.vector_load %arg9[%get3A_533, %get3A_534] {strides = array<i32>} : memref<8x2048xf32, #tpu.memory_space<vmem>>, vector<1x16xf32>,
      %get3A_536 = vector.shape_cast %get3A_535 : vector<1x16xf32> to vector<16xf32>
      %mul3A_537 = arith.constant 16 : i32
      %mul3A_538 = arith.muli %scan3A_470, %mul3A_537 : i32
      %get3A_539 = arith.constant 2 : i32
      %get3A_540 = arith.index_cast %get3A_539 : i32 to index
      %get3A_541 = arith.index_cast %mul3A_538 : i32 to index
      %get3A_542 = tpu.vector_load %arg11[%get3A_540, %get3A_541] {strides = array<i32>} : memref<8x2048xf32, #tpu.memory_space<vmem>>, vector<1x16xf32>,
      %get3A_543 = vector.shape_cast %get3A_542 : vector<1x16xf32> to vector<16xf32>
      %slice3A_544 = vector.extract_strided_slice %get3A_286 {offsets = [2], sizes = [1], strides = [1]} : vector<16xf32> to vector<1xf32>
      %squeeze3A_545 = vector.extract %slice3A_544[0] : f32 from vector<1xf32>
      %mul3A_546 = vector.broadcast %squeeze3A_545 : f32 to vector<16xf32>
      %mul3A_547 = arith.mulf %mul3A_546, %get3A_536 : vector<16xf32>
      %slice3A_548 = vector.extract_strided_slice %get3A_293 {offsets = [2], sizes = [1], strides = [1]} : vector<16xf32> to vector<1xf32>
      %squeeze3A_549 = vector.extract %slice3A_548[0] : f32 from vector<1xf32>
      %mul3A_550 = vector.broadcast %squeeze3A_549 : f32 to vector<16xf32>
      %mul3A_551 = arith.mulf %mul3A_550, %get3A_543 : vector<16xf32>
      %add3A_552 = arith.addf %mul3A_547, %mul3A_551 : vector<16xf32>
      %mul3A_553 = arith.constant 16 : i32
      %mul3A_554 = arith.muli %scan3A_470, %mul3A_553 : i32
      %swap3A_555 = arith.constant 2 : i32
      %swap3A_556 = arith.index_cast %swap3A_555 : i32 to index
      %swap3A_557 = arith.index_cast %mul3A_554 : i32 to index
      %swap3A_558 = tpu.vector_load %arg9[%swap3A_556, %swap3A_557] {strides = array<i32>} : memref<8x2048xf32, #tpu.memory_space<vmem>>, vector<1x16xf32>,
      %swap3A_559 = vector.shape_cast %swap3A_558 : vector<1x16xf32> to vector<16xf32>
      %swap3A_560 = vector.shape_cast %add3A_552 : vector<16xf32> to vector<1x16xf32>
      tpu.vector_store %arg9[%swap3A_556, %swap3A_557], %swap3A_560 {strides = array<i32>} : memref<8x2048xf32, #tpu.memory_space<vmem>>, vector<1x16xf32>,
      %mul3A_561 = arith.constant 16 : i32
      %mul3A_562 = arith.muli %scan3A_470, %mul3A_561 : i32
      %get3A_563 = arith.constant 3 : i32
      %get3A_564 = arith.index_cast %get3A_563 : i32 to index
      %get3A_565 = arith.index_cast %mul3A_562 : i32 to index
      %get3A_566 = tpu.vector_load %arg9[%get3A_564, %get3A_565] {strides = array<i32>} : memref<8x2048xf32, #tpu.memory_space<vmem>>, vector<1x16xf32>,
      %get3A_567 = vector.shape_cast %get3A_566 : vector<1x16xf32> to vector<16xf32>
      %mul3A_568 = arith.constant 16 : i32
      %mul3A_569 = arith.muli %scan3A_470, %mul3A_568 : i32
      %get3A_570 = arith.constant 3 : i32
      %get3A_571 = arith.index_cast %get3A_570 : i32 to index
      %get3A_572 = arith.index_cast %mul3A_569 : i32 to index
      %get3A_573 = tpu.vector_load %arg11[%get3A_571, %get3A_572] {strides = array<i32>} : memref<8x2048xf32, #tpu.memory_space<vmem>>, vector<1x16xf32>,
      %get3A_574 = vector.shape_cast %get3A_573 : vector<1x16xf32> to vector<16xf32>
      %slice3A_575 = vector.extract_strided_slice %get3A_286 {offsets = [3], sizes = [1], strides = [1]} : vector<16xf32> to vector<1xf32>
      %squeeze3A_576 = vector.extract %slice3A_575[0] : f32 from vector<1xf32>
      %mul3A_577 = vector.broadcast %squeeze3A_576 : f32 to vector<16xf32>
      %mul3A_578 = arith.mulf %mul3A_577, %get3A_567 : vector<16xf32>
      %slice3A_579 = vector.extract_strided_slice %get3A_293 {offsets = [3], sizes = [1], strides = [1]} : vector<16xf32> to vector<1xf32>
      %squeeze3A_580 = vector.extract %slice3A_579[0] : f32 from vector<1xf32>
      %mul3A_581 = vector.broadcast %squeeze3A_580 : f32 to vector<16xf32>
      %mul3A_582 = arith.mulf %mul3A_581, %get3A_574 : vector<16xf32>
      %add3A_583 = arith.addf %mul3A_578, %mul3A_582 : vector<16xf32>
      %mul3A_584 = arith.constant 16 : i32
      %mul3A_585 = arith.muli %scan3A_470, %mul3A_584 : i32
      %swap3A_586 = arith.constant 3 : i32
      %swap3A_587 = arith.index_cast %swap3A_586 : i32 to index
      %swap3A_588 = arith.index_cast %mul3A_585 : i32 to index
      %swap3A_589 = tpu.vector_load %arg9[%swap3A_587, %swap3A_588] {strides = array<i32>} : memref<8x2048xf32, #tpu.memory_space<vmem>>, vector<1x16xf32>,
      %swap3A_590 = vector.shape_cast %swap3A_589 : vector<1x16xf32> to vector<16xf32>
      %swap3A_591 = vector.shape_cast %add3A_583 : vector<16xf32> to vector<1x16xf32>
      tpu.vector_store %arg9[%swap3A_587, %swap3A_588], %swap3A_591 {strides = array<i32>} : memref<8x2048xf32, #tpu.memory_space<vmem>>, vector<1x16xf32>,
      %mul3A_592 = arith.constant 16 : i32
      %mul3A_593 = arith.muli %scan3A_470, %mul3A_592 : i32
      %get3A_594 = arith.constant 4 : i32
      %get3A_595 = arith.index_cast %get3A_594 : i32 to index
      %get3A_596 = arith.index_cast %mul3A_593 : i32 to index
      %get3A_597 = tpu.vector_load %arg9[%get3A_595, %get3A_596] {strides = array<i32>} : memref<8x2048xf32, #tpu.memory_space<vmem>>, vector<1x16xf32>,
      %get3A_598 = vector.shape_cast %get3A_597 : vector<1x16xf32> to vector<16xf32>
      %mul3A_599 = arith.constant 16 : i32
      %mul3A_600 = arith.muli %scan3A_470, %mul3A_599 : i32
      %get3A_601 = arith.constant 4 : i32
      %get3A_602 = arith.index_cast %get3A_601 : i32 to index
      %get3A_603 = arith.index_cast %mul3A_600 : i32 to index
      %get3A_604 = tpu.vector_load %arg11[%get3A_602, %get3A_603] {strides = array<i32>} : memref<8x2048xf32, #tpu.memory_space<vmem>>, vector<1x16xf32>,
      %get3A_605 = vector.shape_cast %get3A_604 : vector<1x16xf32> to vector<16xf32>
      %slice3A_606 = vector.extract_strided_slice %get3A_286 {offsets = [4], sizes = [1], strides = [1]} : vector<16xf32> to vector<1xf32>
      %squeeze3A_607 = vector.extract %slice3A_606[0] : f32 from vector<1xf32>
      %mul3A_608 = vector.broadcast %squeeze3A_607 : f32 to vector<16xf32>
      %mul3A_609 = arith.mulf %mul3A_608, %get3A_598 : vector<16xf32>
      %slice3A_610 = vector.extract_strided_slice %get3A_293 {offsets = [4], sizes = [1], strides = [1]} : vector<16xf32> to vector<1xf32>
      %squeeze3A_611 = vector.extract %slice3A_610[0] : f32 from vector<1xf32>
      %mul3A_612 = vector.broadcast %squeeze3A_611 : f32 to vector<16xf32>
      %mul3A_613 = arith.mulf %mul3A_612, %get3A_605 : vector<16xf32>
      %add3A_614 = arith.addf %mul3A_609, %mul3A_613 : vector<16xf32>
      %mul3A_615 = arith.constant 16 : i32
      %mul3A_616 = arith.muli %scan3A_470, %mul3A_615 : i32
      %swap3A_617 = arith.constant 4 : i32
      %swap3A_618 = arith.index_cast %swap3A_617 : i32 to index
      %swap3A_619 = arith.index_cast %mul3A_616 : i32 to index
      %swap3A_620 = tpu.vector_load %arg9[%swap3A_618, %swap3A_619] {strides = array<i32>} : memref<8x2048xf32, #tpu.memory_space<vmem>>, vector<1x16xf32>,
      %swap3A_621 = vector.shape_cast %swap3A_620 : vector<1x16xf32> to vector<16xf32>
      %swap3A_622 = vector.shape_cast %add3A_614 : vector<16xf32> to vector<1x16xf32>
      tpu.vector_store %arg9[%swap3A_618, %swap3A_619], %swap3A_622 {strides = array<i32>} : memref<8x2048xf32, #tpu.memory_space<vmem>>, vector<1x16xf32>,
      %mul3A_623 = arith.constant 16 : i32
      %mul3A_624 = arith.muli %scan3A_470, %mul3A_623 : i32
      %get3A_625 = arith.constant 5 : i32
      %get3A_626 = arith.index_cast %get3A_625 : i32 to index
      %get3A_627 = arith.index_cast %mul3A_624 : i32 to index
      %get3A_628 = tpu.vector_load %arg9[%get3A_626, %get3A_627] {strides = array<i32>} : memref<8x2048xf32, #tpu.memory_space<vmem>>, vector<1x16xf32>,
      %get3A_629 = vector.shape_cast %get3A_628 : vector<1x16xf32> to vector<16xf32>
      %mul3A_630 = arith.constant 16 : i32
      %mul3A_631 = arith.muli %scan3A_470, %mul3A_630 : i32
      %get3A_632 = arith.constant 5 : i32
      %get3A_633 = arith.index_cast %get3A_632 : i32 to index
      %get3A_634 = arith.index_cast %mul3A_631 : i32 to index
      %get3A_635 = tpu.vector_load %arg11[%get3A_633, %get3A_634] {strides = array<i32>} : memref<8x2048xf32, #tpu.memory_space<vmem>>, vector<1x16xf32>,
      %get3A_636 = vector.shape_cast %get3A_635 : vector<1x16xf32> to vector<16xf32>
      %slice3A_637 = vector.extract_strided_slice %get3A_286 {offsets = [5], sizes = [1], strides = [1]} : vector<16xf32> to vector<1xf32>
      %squeeze3A_638 = vector.extract %slice3A_637[0] : f32 from vector<1xf32>
      %mul3A_639 = vector.broadcast %squeeze3A_638 : f32 to vector<16xf32>
      %mul3A_640 = arith.mulf %mul3A_639, %get3A_629 : vector<16xf32>
      %slice3A_641 = vector.extract_strided_slice %get3A_293 {offsets = [5], sizes = [1], strides = [1]} : vector<16xf32> to vector<1xf32>
      %squeeze3A_642 = vector.extract %slice3A_641[0] : f32 from vector<1xf32>
      %mul3A_643 = vector.broadcast %squeeze3A_642 : f32 to vector<16xf32>
      %mul3A_644 = arith.mulf %mul3A_643, %get3A_636 : vector<16xf32>
      %add3A_645 = arith.addf %mul3A_640, %mul3A_644 : vector<16xf32>
      %mul3A_646 = arith.constant 16 : i32
      %mul3A_647 = arith.muli %scan3A_470, %mul3A_646 : i32
      %swap3A_648 = arith.constant 5 : i32
      %swap3A_649 = arith.index_cast %swap3A_648 : i32 to index
      %swap3A_650 = arith.index_cast %mul3A_647 : i32 to index
      %swap3A_651 = tpu.vector_load %arg9[%swap3A_649, %swap3A_650] {strides = array<i32>} : memref<8x2048xf32, #tpu.memory_space<vmem>>, vector<1x16xf32>,
      %swap3A_652 = vector.shape_cast %swap3A_651 : vector<1x16xf32> to vector<16xf32>
      %swap3A_653 = vector.shape_cast %add3A_645 : vector<16xf32> to vector<1x16xf32>
      tpu.vector_store %arg9[%swap3A_649, %swap3A_650], %swap3A_653 {strides = array<i32>} : memref<8x2048xf32, #tpu.memory_space<vmem>>, vector<1x16xf32>,
      %mul3A_654 = arith.constant 16 : i32
      %mul3A_655 = arith.muli %scan3A_470, %mul3A_654 : i32
      %get3A_656 = arith.constant 6 : i32
      %get3A_657 = arith.index_cast %get3A_656 : i32 to index
      %get3A_658 = arith.index_cast %mul3A_655 : i32 to index
      %get3A_659 = tpu.vector_load %arg9[%get3A_657, %get3A_658] {strides = array<i32>} : memref<8x2048xf32, #tpu.memory_space<vmem>>, vector<1x16xf32>,
      %get3A_660 = vector.shape_cast %get3A_659 : vector<1x16xf32> to vector<16xf32>
      %mul3A_661 = arith.constant 16 : i32
      %mul3A_662 = arith.muli %scan3A_470, %mul3A_661 : i32
      %get3A_663 = arith.constant 6 : i32
      %get3A_664 = arith.index_cast %get3A_663 : i32 to index
      %get3A_665 = arith.index_cast %mul3A_662 : i32 to index
      %get3A_666 = tpu.vector_load %arg11[%get3A_664, %get3A_665] {strides = array<i32>} : memref<8x2048xf32, #tpu.memory_space<vmem>>, vector<1x16xf32>,
      %get3A_667 = vector.shape_cast %get3A_666 : vector<1x16xf32> to vector<16xf32>
      %slice3A_668 = vector.extract_strided_slice %get3A_286 {offsets = [6], sizes = [1], strides = [1]} : vector<16xf32> to vector<1xf32>
      %squeeze3A_669 = vector.extract %slice3A_668[0] : f32 from vector<1xf32>
      %mul3A_670 = vector.broadcast %squeeze3A_669 : f32 to vector<16xf32>
      %mul3A_671 = arith.mulf %mul3A_670, %get3A_660 : vector<16xf32>
      %slice3A_672 = vector.extract_strided_slice %get3A_293 {offsets = [6], sizes = [1], strides = [1]} : vector<16xf32> to vector<1xf32>
      %squeeze3A_673 = vector.extract %slice3A_672[0] : f32 from vector<1xf32>
      %mul3A_674 = vector.broadcast %squeeze3A_673 : f32 to vector<16xf32>
      %mul3A_675 = arith.mulf %mul3A_674, %get3A_667 : vector<16xf32>
      %add3A_676 = arith.addf %mul3A_671, %mul3A_675 : vector<16xf32>
      %mul3A_677 = arith.constant 16 : i32
      %mul3A_678 = arith.muli %scan3A_470, %mul3A_677 : i32
      %swap3A_679 = arith.constant 6 : i32
      %swap3A_680 = arith.index_cast %swap3A_679 : i32 to index
      %swap3A_681 = arith.index_cast %mul3A_678 : i32 to index
      %swap3A_682 = tpu.vector_load %arg9[%swap3A_680, %swap3A_681] {strides = array<i32>} : memref<8x2048xf32, #tpu.memory_space<vmem>>, vector<1x16xf32>,
      %swap3A_683 = vector.shape_cast %swap3A_682 : vector<1x16xf32> to vector<16xf32>
      %swap3A_684 = vector.shape_cast %add3A_676 : vector<16xf32> to vector<1x16xf32>
      tpu.vector_store %arg9[%swap3A_680, %swap3A_681], %swap3A_684 {strides = array<i32>} : memref<8x2048xf32, #tpu.memory_space<vmem>>, vector<1x16xf32>,
      %mul3A_685 = arith.constant 16 : i32
      %mul3A_686 = arith.muli %scan3A_470, %mul3A_685 : i32
      %get3A_687 = arith.constant 7 : i32
      %get3A_688 = arith.index_cast %get3A_687 : i32 to index
      %get3A_689 = arith.index_cast %mul3A_686 : i32 to index
      %get3A_690 = tpu.vector_load %arg9[%get3A_688, %get3A_689] {strides = array<i32>} : memref<8x2048xf32, #tpu.memory_space<vmem>>, vector<1x16xf32>,
      %get3A_691 = vector.shape_cast %get3A_690 : vector<1x16xf32> to vector<16xf32>
      %mul3A_692 = arith.constant 16 : i32
      %mul3A_693 = arith.muli %scan3A_470, %mul3A_692 : i32
      %get3A_694 = arith.constant 7 : i32
      %get3A_695 = arith.index_cast %get3A_694 : i32 to index
      %get3A_696 = arith.index_cast %mul3A_693 : i32 to index
      %get3A_697 = tpu.vector_load %arg11[%get3A_695, %get3A_696] {strides = array<i32>} : memref<8x2048xf32, #tpu.memory_space<vmem>>, vector<1x16xf32>,
      %get3A_698 = vector.shape_cast %get3A_697 : vector<1x16xf32> to vector<16xf32>
      %slice3A_699 = vector.extract_strided_slice %get3A_286 {offsets = [7], sizes = [1], strides = [1]} : vector<16xf32> to vector<1xf32>
      %squeeze3A_700 = vector.extract %slice3A_699[0] : f32 from vector<1xf32>
      %mul3A_701 = vector.broadcast %squeeze3A_700 : f32 to vector<16xf32>
      %mul3A_702 = arith.mulf %mul3A_701, %get3A_691 : vector<16xf32>
      %slice3A_703 = vector.extract_strided_slice %get3A_293 {offsets = [7], sizes = [1], strides = [1]} : vector<16xf32> to vector<1xf32>
      %squeeze3A_704 = vector.extract %slice3A_703[0] : f32 from vector<1xf32>
      %mul3A_705 = vector.broadcast %squeeze3A_704 : f32 to vector<16xf32>
      %mul3A_706 = arith.mulf %mul3A_705, %get3A_698 : vector<16xf32>
      %add3A_707 = arith.addf %mul3A_702, %mul3A_706 : vector<16xf32>
      %mul3A_708 = arith.constant 16 : i32
      %mul3A_709 = arith.muli %scan3A_470, %mul3A_708 : i32
      %swap3A_710 = arith.constant 7 : i32
      %swap3A_711 = arith.index_cast %swap3A_710 : i32 to index
      %swap3A_712 = arith.index_cast %mul3A_709 : i32 to index
      %swap3A_713 = tpu.vector_load %arg9[%swap3A_711, %swap3A_712] {strides = array<i32>} : memref<8x2048xf32, #tpu.memory_space<vmem>>, vector<1x16xf32>,
      %swap3A_714 = vector.shape_cast %swap3A_713 : vector<1x16xf32> to vector<16xf32>
      %swap3A_715 = vector.shape_cast %add3A_707 : vector<16xf32> to vector<1x16xf32>
      tpu.vector_store %arg9[%swap3A_711, %swap3A_712], %swap3A_715 {strides = array<i32>} : memref<8x2048xf32, #tpu.memory_space<vmem>>, vector<1x16xf32>,
    }
    %scan3A_299 = arith.constant 128 : i32
    %add3A_300 = arith.constant 32 : i32
    %add3A_301 = arith.addi %mul3A_2, %add3A_300 : i32
    %dma_start3A_302 = arith.constant 0 : i32
    %dma_start3A_303 = tpu.memref_slice %arg5[%add3A_301, %dma_start3A_302] : memref<2048x2048xf32, #tpu.memory_space<hbm>> -> memref<8x2048xf32, #tpu.memory_space<hbm>>
    %dma_start3A_304 = arith.constant 0 : i32
    %dma_start3A_305 = tpu.memref_slice %arg5[%add3A_301, %dma_start3A_304] : memref<2048x2048xf32, #tpu.memory_space<hbm>> -> memref<8x2048xf32, #tpu.memory_space<hbm>>
    tpu.enqueue_dma source(%arg9 : memref<8x2048xf32, #tpu.memory_space<vmem>>) target(%dma_start3A_305 : memref<8x2048xf32, #tpu.memory_space<hbm>>) target_semaphore(%arg17 : memref<!tpu.dma_semaphore, #tpu.memory_space<semaphore_mem>>)
    %dma_wait3A_306 = arith.constant 0 : i32
    %dma_wait3A_307 = tpu.memref_slice %arg5[%add3A_301, %dma_wait3A_306] : memref<2048x2048xf32, #tpu.memory_space<hbm>> -> memref<8x2048xf32, #tpu.memory_space<hbm>>
    %dma_wait3A_308 = arith.constant 0 : i32
    %dma_wait3A_309 = tpu.memref_slice %arg5[%add3A_301, %dma_wait3A_308] : memref<2048x2048xf32, #tpu.memory_space<hbm>> -> memref<8x2048xf32, #tpu.memory_space<hbm>>
    tpu.wait_dma2 semaphore(%arg17 : memref<!tpu.dma_semaphore, #tpu.memory_space<semaphore_mem>>) src(%arg9 : memref<8x2048xf32, #tpu.memory_space<vmem>>) dst(%dma_wait3A_309 : memref<8x2048xf32, #tpu.memory_space<hbm>>)
    %dma_start3A_310 = arith.constant 6 : i32
    %dma_start3A_311 = arith.constant 0 : i32
    %dma_start3A_312 = tpu.memref_slice %arg6[%dma_start3A_310, %dma_start3A_311] : memref<8x8xi32, #tpu.memory_space<vmem>> -> memref<1x8xi32, #tpu.memory_space<vmem>>
    %dma_start3A_313 = tpu.memref_squeeze %dma_start3A_312 : memref<1x8xi32, #tpu.memory_space<vmem>> -> memref<8xi32, #tpu.memory_space<vmem>>
    %dma_start3A_314 = arith.constant 0 : i32
    %dma_start3A_315 = arith.constant 0 : i32
    %dma_start3A_316 = tpu.memref_slice %arg2[%dma_start3A_314, %dma_start3A_315] : memref<8064x2048xf32, #tpu.memory_space<hbm>> -> memref<8064x2048xf32, #tpu.memory_space<hbm>>
    tpu.enqueue_indirect_dma source(%dma_start3A_316 : memref<8064x2048xf32, #tpu.memory_space<hbm>>) target(%arg9 : memref<8x2048xf32, #tpu.memory_space<vmem>>) offsets(%dma_start3A_313 : memref<8xi32, #tpu.memory_space<vmem>>) semaphore(%arg13 : memref<!tpu.dma_semaphore, #tpu.memory_space<semaphore_mem>>)
    %dma_start3A_317 = arith.constant 6 : i32
    %dma_start3A_318 = arith.constant 0 : i32
    %dma_start3A_319 = tpu.memref_slice %arg7[%dma_start3A_317, %dma_start3A_318] : memref<8x8xi32, #tpu.memory_space<vmem>> -> memref<1x8xi32, #tpu.memory_space<vmem>>
    %dma_start3A_320 = tpu.memref_squeeze %dma_start3A_319 : memref<1x8xi32, #tpu.memory_space<vmem>> -> memref<8xi32, #tpu.memory_space<vmem>>
    %dma_start3A_321 = arith.constant 0 : i32
    %dma_start3A_322 = arith.constant 0 : i32
    %dma_start3A_323 = tpu.memref_slice %arg2[%dma_start3A_321, %dma_start3A_322] : memref<8064x2048xf32, #tpu.memory_space<hbm>> -> memref<8064x2048xf32, #tpu.memory_space<hbm>>
    tpu.enqueue_indirect_dma source(%dma_start3A_323 : memref<8064x2048xf32, #tpu.memory_space<hbm>>) target(%arg11 : memref<8x2048xf32, #tpu.memory_space<vmem>>) offsets(%dma_start3A_320 : memref<8xi32, #tpu.memory_space<vmem>>) semaphore(%arg15 : memref<!tpu.dma_semaphore, #tpu.memory_space<semaphore_mem>>)
    %dma_wait3A_324 = arith.constant 5 : i32
    %dma_wait3A_325 = arith.constant 0 : i32
    %dma_wait3A_326 = tpu.memref_slice %arg6[%dma_wait3A_324, %dma_wait3A_325] : memref<8x8xi32, #tpu.memory_space<vmem>> -> memref<1x8xi32, #tpu.memory_space<vmem>>
    %dma_wait3A_327 = tpu.memref_squeeze %dma_wait3A_326 : memref<1x8xi32, #tpu.memory_space<vmem>> -> memref<8xi32, #tpu.memory_space<vmem>>
    %dma_wait3A_328 = arith.constant 0 : i32
    %dma_wait3A_329 = arith.constant 0 : i32
    %dma_wait3A_330 = tpu.memref_slice %arg2[%dma_wait3A_328, %dma_wait3A_329] : memref<8064x2048xf32, #tpu.memory_space<hbm>> -> memref<8064x2048xf32, #tpu.memory_space<hbm>>
    tpu.wait_indirect_dma semaphore(%arg14 : memref<!tpu.dma_semaphore, #tpu.memory_space<semaphore_mem>>) src(%dma_wait3A_330 : memref<8064x2048xf32, #tpu.memory_space<hbm>>) dst(%arg10 : memref<8x2048xf32, #tpu.memory_space<vmem>>)
    %dma_wait3A_331 = arith.constant 5 : i32
    %dma_wait3A_332 = arith.constant 0 : i32
    %dma_wait3A_333 = tpu.memref_slice %arg7[%dma_wait3A_331, %dma_wait3A_332] : memref<8x8xi32, #tpu.memory_space<vmem>> -> memref<1x8xi32, #tpu.memory_space<vmem>>
    %dma_wait3A_334 = tpu.memref_squeeze %dma_wait3A_333 : memref<1x8xi32, #tpu.memory_space<vmem>> -> memref<8xi32, #tpu.memory_space<vmem>>
    %dma_wait3A_335 = arith.constant 0 : i32
    %dma_wait3A_336 = arith.constant 0 : i32
    %dma_wait3A_337 = tpu.memref_slice %arg2[%dma_wait3A_335, %dma_wait3A_336] : memref<8064x2048xf32, #tpu.memory_space<hbm>> -> memref<8064x2048xf32, #tpu.memory_space<hbm>>
    tpu.wait_indirect_dma semaphore(%arg16 : memref<!tpu.dma_semaphore, #tpu.memory_space<semaphore_mem>>) src(%dma_wait3A_337 : memref<8064x2048xf32, #tpu.memory_space<hbm>>) dst(%arg12 : memref<8x2048xf32, #tpu.memory_space<vmem>>)
    %get3A_338 = arith.constant 0 : i32
    %get3A_339 = arith.constant 2 : i32
    %get3A_340 = arith.index_cast %get3A_338 : i32 to index
    %get3A_341 = arith.index_cast %get3A_339 : i32 to index
    %get3A_342 = arith.constant 0 : index
    %get3A_343 = tpu.vector_load %arg8[%get3A_340, %get3A_341, %get3A_342] {strides = array<i32>} : memref<2x4x16xf32, #tpu.memory_space<vmem>>, vector<1x1x16xf32>,
    %get3A_344 = vector.shape_cast %get3A_343 : vector<1x1x16xf32> to vector<16xf32>
    %get3A_345 = arith.constant 1 : i32
    %get3A_346 = arith.constant 2 : i32
    %get3A_347 = arith.index_cast %get3A_345 : i32 to index
    %get3A_348 = arith.index_cast %get3A_346 : i32 to index
    %get3A_349 = arith.constant 0 : index
    %get3A_350 = tpu.vector_load %arg8[%get3A_347, %get3A_348, %get3A_349] {strides = array<i32>} : memref<2x4x16xf32, #tpu.memory_space<vmem>>, vector<1x1x16xf32>,
    %get3A_351 = vector.shape_cast %get3A_350 : vector<1x1x16xf32> to vector<16xf32>
    %scan3A_352 = arith.constant 0 : i32
    %scan3A_353 = arith.constant 0 : i32
    %scan3A_354 = arith.constant 128 : i32
    %scan3A_355 = arith.addi %scan3A_353, %scan3A_354 : i32
    %scan3A_356 = arith.constant 1 : i32
    scf.for %scan3A_470 = %scan3A_353 to %scan3A_355 step %scan3A_356  : i32 {
      %mul3A_471 = arith.constant 16 : i32
      %mul3A_472 = arith.muli %scan3A_470, %mul3A_471 : i32
      %get3A_473 = arith.constant 0 : i32
      %get3A_474 = arith.index_cast %get3A_473 : i32 to index
      %get3A_475 = arith.index_cast %mul3A_472 : i32 to index
      %get3A_476 = tpu.vector_load %arg10[%get3A_474, %get3A_475] {strides = array<i32>} : memref<8x2048xf32, #tpu.memory_space<vmem>>, vector<1x16xf32>,
      %get3A_477 = vector.shape_cast %get3A_476 : vector<1x16xf32> to vector<16xf32>
      %mul3A_478 = arith.constant 16 : i32
      %mul3A_479 = arith.muli %scan3A_470, %mul3A_478 : i32
      %get3A_480 = arith.constant 0 : i32
      %get3A_481 = arith.index_cast %get3A_480 : i32 to index
      %get3A_482 = arith.index_cast %mul3A_479 : i32 to index
      %get3A_483 = tpu.vector_load %arg12[%get3A_481, %get3A_482] {strides = array<i32>} : memref<8x2048xf32, #tpu.memory_space<vmem>>, vector<1x16xf32>,
      %get3A_484 = vector.shape_cast %get3A_483 : vector<1x16xf32> to vector<16xf32>
      %slice3A = vector.extract_strided_slice %get3A_344 {offsets = [8], sizes = [1], strides = [1]} : vector<16xf32> to vector<1xf32>
      %squeeze3A = vector.extract %slice3A[0] : f32 from vector<1xf32>
      %mul3A_485 = vector.broadcast %squeeze3A : f32 to vector<16xf32>
      %mul3A_486 = arith.mulf %mul3A_485, %get3A_477 : vector<16xf32>
      %slice3A_487 = vector.extract_strided_slice %get3A_351 {offsets = [8], sizes = [1], strides = [1]} : vector<16xf32> to vector<1xf32>
      %squeeze3A_488 = vector.extract %slice3A_487[0] : f32 from vector<1xf32>
      %mul3A_489 = vector.broadcast %squeeze3A_488 : f32 to vector<16xf32>
      %mul3A_490 = arith.mulf %mul3A_489, %get3A_484 : vector<16xf32>
      %add3A_491 = arith.addf %mul3A_486, %mul3A_490 : vector<16xf32>
      %mul3A_492 = arith.constant 16 : i32
      %mul3A_493 = arith.muli %scan3A_470, %mul3A_492 : i32
      %swap3A = arith.constant 0 : i32
      %swap3A_494 = arith.index_cast %swap3A : i32 to index
      %swap3A_495 = arith.index_cast %mul3A_493 : i32 to index
      %swap3A_496 = tpu.vector_load %arg10[%swap3A_494, %swap3A_495] {strides = array<i32>} : memref<8x2048xf32, #tpu.memory_space<vmem>>, vector<1x16xf32>,
      %swap3A_497 = vector.shape_cast %swap3A_496 : vector<1x16xf32> to vector<16xf32>
      %swap3A_498 = vector.shape_cast %add3A_491 : vector<16xf32> to vector<1x16xf32>
      tpu.vector_store %arg10[%swap3A_494, %swap3A_495], %swap3A_498 {strides = array<i32>} : memref<8x2048xf32, #tpu.memory_space<vmem>>, vector<1x16xf32>,
      %mul3A_499 = arith.constant 16 : i32
      %mul3A_500 = arith.muli %scan3A_470, %mul3A_499 : i32
      %get3A_501 = arith.constant 1 : i32
      %get3A_502 = arith.index_cast %get3A_501 : i32 to index
      %get3A_503 = arith.index_cast %mul3A_500 : i32 to index
      %get3A_504 = tpu.vector_load %arg10[%get3A_502, %get3A_503] {strides = array<i32>} : memref<8x2048xf32, #tpu.memory_space<vmem>>, vector<1x16xf32>,
      %get3A_505 = vector.shape_cast %get3A_504 : vector<1x16xf32> to vector<16xf32>
      %mul3A_506 = arith.constant 16 : i32
      %mul3A_507 = arith.muli %scan3A_470, %mul3A_506 : i32
      %get3A_508 = arith.constant 1 : i32
      %get3A_509 = arith.index_cast %get3A_508 : i32 to index
      %get3A_510 = arith.index_cast %mul3A_507 : i32 to index
      %get3A_511 = tpu.vector_load %arg12[%get3A_509, %get3A_510] {strides = array<i32>} : memref<8x2048xf32, #tpu.memory_space<vmem>>, vector<1x16xf32>,
      %get3A_512 = vector.shape_cast %get3A_511 : vector<1x16xf32> to vector<16xf32>
      %slice3A_513 = vector.extract_strided_slice %get3A_344 {offsets = [9], sizes = [1], strides = [1]} : vector<16xf32> to vector<1xf32>
      %squeeze3A_514 = vector.extract %slice3A_513[0] : f32 from vector<1xf32>
      %mul3A_515 = vector.broadcast %squeeze3A_514 : f32 to vector<16xf32>
      %mul3A_516 = arith.mulf %mul3A_515, %get3A_505 : vector<16xf32>
      %slice3A_517 = vector.extract_strided_slice %get3A_351 {offsets = [9], sizes = [1], strides = [1]} : vector<16xf32> to vector<1xf32>
      %squeeze3A_518 = vector.extract %slice3A_517[0] : f32 from vector<1xf32>
      %mul3A_519 = vector.broadcast %squeeze3A_518 : f32 to vector<16xf32>
      %mul3A_520 = arith.mulf %mul3A_519, %get3A_512 : vector<16xf32>
      %add3A_521 = arith.addf %mul3A_516, %mul3A_520 : vector<16xf32>
      %mul3A_522 = arith.constant 16 : i32
      %mul3A_523 = arith.muli %scan3A_470, %mul3A_522 : i32
      %swap3A_524 = arith.constant 1 : i32
      %swap3A_525 = arith.index_cast %swap3A_524 : i32 to index
      %swap3A_526 = arith.index_cast %mul3A_523 : i32 to index
      %swap3A_527 = tpu.vector_load %arg10[%swap3A_525, %swap3A_526] {strides = array<i32>} : memref<8x2048xf32, #tpu.memory_space<vmem>>, vector<1x16xf32>,
      %swap3A_528 = vector.shape_cast %swap3A_527 : vector<1x16xf32> to vector<16xf32>
      %swap3A_529 = vector.shape_cast %add3A_521 : vector<16xf32> to vector<1x16xf32>
      tpu.vector_store %arg10[%swap3A_525, %swap3A_526], %swap3A_529 {strides = array<i32>} : memref<8x2048xf32, #tpu.memory_space<vmem>>, vector<1x16xf32>,
      %mul3A_530 = arith.constant 16 : i32
      %mul3A_531 = arith.muli %scan3A_470, %mul3A_530 : i32
      %get3A_532 = arith.constant 2 : i32
      %get3A_533 = arith.index_cast %get3A_532 : i32 to index
      %get3A_534 = arith.index_cast %mul3A_531 : i32 to index
      %get3A_535 = tpu.vector_load %arg10[%get3A_533, %get3A_534] {strides = array<i32>} : memref<8x2048xf32, #tpu.memory_space<vmem>>, vector<1x16xf32>,
      %get3A_536 = vector.shape_cast %get3A_535 : vector<1x16xf32> to vector<16xf32>
      %mul3A_537 = arith.constant 16 : i32
      %mul3A_538 = arith.muli %scan3A_470, %mul3A_537 : i32
      %get3A_539 = arith.constant 2 : i32
      %get3A_540 = arith.index_cast %get3A_539 : i32 to index
      %get3A_541 = arith.index_cast %mul3A_538 : i32 to index
      %get3A_542 = tpu.vector_load %arg12[%get3A_540, %get3A_541] {strides = array<i32>} : memref<8x2048xf32, #tpu.memory_space<vmem>>, vector<1x16xf32>,
      %get3A_543 = vector.shape_cast %get3A_542 : vector<1x16xf32> to vector<16xf32>
      %slice3A_544 = vector.extract_strided_slice %get3A_344 {offsets = [10], sizes = [1], strides = [1]} : vector<16xf32> to vector<1xf32>
      %squeeze3A_545 = vector.extract %slice3A_544[0] : f32 from vector<1xf32>
      %mul3A_546 = vector.broadcast %squeeze3A_545 : f32 to vector<16xf32>
      %mul3A_547 = arith.mulf %mul3A_546, %get3A_536 : vector<16xf32>
      %slice3A_548 = vector.extract_strided_slice %get3A_351 {offsets = [10], sizes = [1], strides = [1]} : vector<16xf32> to vector<1xf32>
      %squeeze3A_549 = vector.extract %slice3A_548[0] : f32 from vector<1xf32>
      %mul3A_550 = vector.broadcast %squeeze3A_549 : f32 to vector<16xf32>
      %mul3A_551 = arith.mulf %mul3A_550, %get3A_543 : vector<16xf32>
      %add3A_552 = arith.addf %mul3A_547, %mul3A_551 : vector<16xf32>
      %mul3A_553 = arith.constant 16 : i32
      %mul3A_554 = arith.muli %scan3A_470, %mul3A_553 : i32
      %swap3A_555 = arith.constant 2 : i32
      %swap3A_556 = arith.index_cast %swap3A_555 : i32 to index
      %swap3A_557 = arith.index_cast %mul3A_554 : i32 to index
      %swap3A_558 = tpu.vector_load %arg10[%swap3A_556, %swap3A_557] {strides = array<i32>} : memref<8x2048xf32, #tpu.memory_space<vmem>>, vector<1x16xf32>,
      %swap3A_559 = vector.shape_cast %swap3A_558 : vector<1x16xf32> to vector<16xf32>
      %swap3A_560 = vector.shape_cast %add3A_552 : vector<16xf32> to vector<1x16xf32>
      tpu.vector_store %arg10[%swap3A_556, %swap3A_557], %swap3A_560 {strides = array<i32>} : memref<8x2048xf32, #tpu.memory_space<vmem>>, vector<1x16xf32>,
      %mul3A_561 = arith.constant 16 : i32
      %mul3A_562 = arith.muli %scan3A_470, %mul3A_561 : i32
      %get3A_563 = arith.constant 3 : i32
      %get3A_564 = arith.index_cast %get3A_563 : i32 to index
      %get3A_565 = arith.index_cast %mul3A_562 : i32 to index
      %get3A_566 = tpu.vector_load %arg10[%get3A_564, %get3A_565] {strides = array<i32>} : memref<8x2048xf32, #tpu.memory_space<vmem>>, vector<1x16xf32>,
      %get3A_567 = vector.shape_cast %get3A_566 : vector<1x16xf32> to vector<16xf32>
      %mul3A_568 = arith.constant 16 : i32
      %mul3A_569 = arith.muli %scan3A_470, %mul3A_568 : i32
      %get3A_570 = arith.constant 3 : i32
      %get3A_571 = arith.index_cast %get3A_570 : i32 to index
      %get3A_572 = arith.index_cast %mul3A_569 : i32 to index
      %get3A_573 = tpu.vector_load %arg12[%get3A_571, %get3A_572] {strides = array<i32>} : memref<8x2048xf32, #tpu.memory_space<vmem>>, vector<1x16xf32>,
      %get3A_574 = vector.shape_cast %get3A_573 : vector<1x16xf32> to vector<16xf32>
      %slice3A_575 = vector.extract_strided_slice %get3A_344 {offsets = [11], sizes = [1], strides = [1]} : vector<16xf32> to vector<1xf32>
      %squeeze3A_576 = vector.extract %slice3A_575[0] : f32 from vector<1xf32>
      %mul3A_577 = vector.broadcast %squeeze3A_576 : f32 to vector<16xf32>
      %mul3A_578 = arith.mulf %mul3A_577, %get3A_567 : vector<16xf32>
      %slice3A_579 = vector.extract_strided_slice %get3A_351 {offsets = [11], sizes = [1], strides = [1]} : vector<16xf32> to vector<1xf32>
      %squeeze3A_580 = vector.extract %slice3A_579[0] : f32 from vector<1xf32>
      %mul3A_581 = vector.broadcast %squeeze3A_580 : f32 to vector<16xf32>
      %mul3A_582 = arith.mulf %mul3A_581, %get3A_574 : vector<16xf32>
      %add3A_583 = arith.addf %mul3A_578, %mul3A_582 : vector<16xf32>
      %mul3A_584 = arith.constant 16 : i32
      %mul3A_585 = arith.muli %scan3A_470, %mul3A_584 : i32
      %swap3A_586 = arith.constant 3 : i32
      %swap3A_587 = arith.index_cast %swap3A_586 : i32 to index
      %swap3A_588 = arith.index_cast %mul3A_585 : i32 to index
      %swap3A_589 = tpu.vector_load %arg10[%swap3A_587, %swap3A_588] {strides = array<i32>} : memref<8x2048xf32, #tpu.memory_space<vmem>>, vector<1x16xf32>,
      %swap3A_590 = vector.shape_cast %swap3A_589 : vector<1x16xf32> to vector<16xf32>
      %swap3A_591 = vector.shape_cast %add3A_583 : vector<16xf32> to vector<1x16xf32>
      tpu.vector_store %arg10[%swap3A_587, %swap3A_588], %swap3A_591 {strides = array<i32>} : memref<8x2048xf32, #tpu.memory_space<vmem>>, vector<1x16xf32>,
      %mul3A_592 = arith.constant 16 : i32
      %mul3A_593 = arith.muli %scan3A_470, %mul3A_592 : i32
      %get3A_594 = arith.constant 4 : i32
      %get3A_595 = arith.index_cast %get3A_594 : i32 to index
      %get3A_596 = arith.index_cast %mul3A_593 : i32 to index
      %get3A_597 = tpu.vector_load %arg10[%get3A_595, %get3A_596] {strides = array<i32>} : memref<8x2048xf32, #tpu.memory_space<vmem>>, vector<1x16xf32>,
      %get3A_598 = vector.shape_cast %get3A_597 : vector<1x16xf32> to vector<16xf32>
      %mul3A_599 = arith.constant 16 : i32
      %mul3A_600 = arith.muli %scan3A_470, %mul3A_599 : i32
      %get3A_601 = arith.constant 4 : i32
      %get3A_602 = arith.index_cast %get3A_601 : i32 to index
      %get3A_603 = arith.index_cast %mul3A_600 : i32 to index
      %get3A_604 = tpu.vector_load %arg12[%get3A_602, %get3A_603] {strides = array<i32>} : memref<8x2048xf32, #tpu.memory_space<vmem>>, vector<1x16xf32>,
      %get3A_605 = vector.shape_cast %get3A_604 : vector<1x16xf32> to vector<16xf32>
      %slice3A_606 = vector.extract_strided_slice %get3A_344 {offsets = [12], sizes = [1], strides = [1]} : vector<16xf32> to vector<1xf32>
      %squeeze3A_607 = vector.extract %slice3A_606[0] : f32 from vector<1xf32>
      %mul3A_608 = vector.broadcast %squeeze3A_607 : f32 to vector<16xf32>
      %mul3A_609 = arith.mulf %mul3A_608, %get3A_598 : vector<16xf32>
      %slice3A_610 = vector.extract_strided_slice %get3A_351 {offsets = [12], sizes = [1], strides = [1]} : vector<16xf32> to vector<1xf32>
      %squeeze3A_611 = vector.extract %slice3A_610[0] : f32 from vector<1xf32>
      %mul3A_612 = vector.broadcast %squeeze3A_611 : f32 to vector<16xf32>
      %mul3A_613 = arith.mulf %mul3A_612, %get3A_605 : vector<16xf32>
      %add3A_614 = arith.addf %mul3A_609, %mul3A_613 : vector<16xf32>
      %mul3A_615 = arith.constant 16 : i32
      %mul3A_616 = arith.muli %scan3A_470, %mul3A_615 : i32
      %swap3A_617 = arith.constant 4 : i32
      %swap3A_618 = arith.index_cast %swap3A_617 : i32 to index
      %swap3A_619 = arith.index_cast %mul3A_616 : i32 to index
      %swap3A_620 = tpu.vector_load %arg10[%swap3A_618, %swap3A_619] {strides = array<i32>} : memref<8x2048xf32, #tpu.memory_space<vmem>>, vector<1x16xf32>,
      %swap3A_621 = vector.shape_cast %swap3A_620 : vector<1x16xf32> to vector<16xf32>
      %swap3A_622 = vector.shape_cast %add3A_614 : vector<16xf32> to vector<1x16xf32>
      tpu.vector_store %arg10[%swap3A_618, %swap3A_619], %swap3A_622 {strides = array<i32>} : memref<8x2048xf32, #tpu.memory_space<vmem>>, vector<1x16xf32>,
      %mul3A_623 = arith.constant 16 : i32
      %mul3A_624 = arith.muli %scan3A_470, %mul3A_623 : i32
      %get3A_625 = arith.constant 5 : i32
      %get3A_626 = arith.index_cast %get3A_625 : i32 to index
      %get3A_627 = arith.index_cast %mul3A_624 : i32 to index
      %get3A_628 = tpu.vector_load %arg10[%get3A_626, %get3A_627] {strides = array<i32>} : memref<8x2048xf32, #tpu.memory_space<vmem>>, vector<1x16xf32>,
      %get3A_629 = vector.shape_cast %get3A_628 : vector<1x16xf32> to vector<16xf32>
      %mul3A_630 = arith.constant 16 : i32
      %mul3A_631 = arith.muli %scan3A_470, %mul3A_630 : i32
      %get3A_632 = arith.constant 5 : i32
      %get3A_633 = arith.index_cast %get3A_632 : i32 to index
      %get3A_634 = arith.index_cast %mul3A_631 : i32 to index
      %get3A_635 = tpu.vector_load %arg12[%get3A_633, %get3A_634] {strides = array<i32>} : memref<8x2048xf32, #tpu.memory_space<vmem>>, vector<1x16xf32>,
      %get3A_636 = vector.shape_cast %get3A_635 : vector<1x16xf32> to vector<16xf32>
      %slice3A_637 = vector.extract_strided_slice %get3A_344 {offsets = [13], sizes = [1], strides = [1]} : vector<16xf32> to vector<1xf32>
      %squeeze3A_638 = vector.extract %slice3A_637[0] : f32 from vector<1xf32>
      %mul3A_639 = vector.broadcast %squeeze3A_638 : f32 to vector<16xf32>
      %mul3A_640 = arith.mulf %mul3A_639, %get3A_629 : vector<16xf32>
      %slice3A_641 = vector.extract_strided_slice %get3A_351 {offsets = [13], sizes = [1], strides = [1]} : vector<16xf32> to vector<1xf32>
      %squeeze3A_642 = vector.extract %slice3A_641[0] : f32 from vector<1xf32>
      %mul3A_643 = vector.broadcast %squeeze3A_642 : f32 to vector<16xf32>
      %mul3A_644 = arith.mulf %mul3A_643, %get3A_636 : vector<16xf32>
      %add3A_645 = arith.addf %mul3A_640, %mul3A_644 : vector<16xf32>
      %mul3A_646 = arith.constant 16 : i32
      %mul3A_647 = arith.muli %scan3A_470, %mul3A_646 : i32
      %swap3A_648 = arith.constant 5 : i32
      %swap3A_649 = arith.index_cast %swap3A_648 : i32 to index
      %swap3A_650 = arith.index_cast %mul3A_647 : i32 to index
      %swap3A_651 = tpu.vector_load %arg10[%swap3A_649, %swap3A_650] {strides = array<i32>} : memref<8x2048xf32, #tpu.memory_space<vmem>>, vector<1x16xf32>,
      %swap3A_652 = vector.shape_cast %swap3A_651 : vector<1x16xf32> to vector<16xf32>
      %swap3A_653 = vector.shape_cast %add3A_645 : vector<16xf32> to vector<1x16xf32>
      tpu.vector_store %arg10[%swap3A_649, %swap3A_650], %swap3A_653 {strides = array<i32>} : memref<8x2048xf32, #tpu.memory_space<vmem>>, vector<1x16xf32>,
      %mul3A_654 = arith.constant 16 : i32
      %mul3A_655 = arith.muli %scan3A_470, %mul3A_654 : i32
      %get3A_656 = arith.constant 6 : i32
      %get3A_657 = arith.index_cast %get3A_656 : i32 to index
      %get3A_658 = arith.index_cast %mul3A_655 : i32 to index
      %get3A_659 = tpu.vector_load %arg10[%get3A_657, %get3A_658] {strides = array<i32>} : memref<8x2048xf32, #tpu.memory_space<vmem>>, vector<1x16xf32>,
      %get3A_660 = vector.shape_cast %get3A_659 : vector<1x16xf32> to vector<16xf32>
      %mul3A_661 = arith.constant 16 : i32
      %mul3A_662 = arith.muli %scan3A_470, %mul3A_661 : i32
      %get3A_663 = arith.constant 6 : i32
      %get3A_664 = arith.index_cast %get3A_663 : i32 to index
      %get3A_665 = arith.index_cast %mul3A_662 : i32 to index
      %get3A_666 = tpu.vector_load %arg12[%get3A_664, %get3A_665] {strides = array<i32>} : memref<8x2048xf32, #tpu.memory_space<vmem>>, vector<1x16xf32>,
      %get3A_667 = vector.shape_cast %get3A_666 : vector<1x16xf32> to vector<16xf32>
      %slice3A_668 = vector.extract_strided_slice %get3A_344 {offsets = [14], sizes = [1], strides = [1]} : vector<16xf32> to vector<1xf32>
      %squeeze3A_669 = vector.extract %slice3A_668[0] : f32 from vector<1xf32>
      %mul3A_670 = vector.broadcast %squeeze3A_669 : f32 to vector<16xf32>
      %mul3A_671 = arith.mulf %mul3A_670, %get3A_660 : vector<16xf32>
      %slice3A_672 = vector.extract_strided_slice %get3A_351 {offsets = [14], sizes = [1], strides = [1]} : vector<16xf32> to vector<1xf32>
      %squeeze3A_673 = vector.extract %slice3A_672[0] : f32 from vector<1xf32>
      %mul3A_674 = vector.broadcast %squeeze3A_673 : f32 to vector<16xf32>
      %mul3A_675 = arith.mulf %mul3A_674, %get3A_667 : vector<16xf32>
      %add3A_676 = arith.addf %mul3A_671, %mul3A_675 : vector<16xf32>
      %mul3A_677 = arith.constant 16 : i32
      %mul3A_678 = arith.muli %scan3A_470, %mul3A_677 : i32
      %swap3A_679 = arith.constant 6 : i32
      %swap3A_680 = arith.index_cast %swap3A_679 : i32 to index
      %swap3A_681 = arith.index_cast %mul3A_678 : i32 to index
      %swap3A_682 = tpu.vector_load %arg10[%swap3A_680, %swap3A_681] {strides = array<i32>} : memref<8x2048xf32, #tpu.memory_space<vmem>>, vector<1x16xf32>,
      %swap3A_683 = vector.shape_cast %swap3A_682 : vector<1x16xf32> to vector<16xf32>
      %swap3A_684 = vector.shape_cast %add3A_676 : vector<16xf32> to vector<1x16xf32>
      tpu.vector_store %arg10[%swap3A_680, %swap3A_681], %swap3A_684 {strides = array<i32>} : memref<8x2048xf32, #tpu.memory_space<vmem>>, vector<1x16xf32>,
      %mul3A_685 = arith.constant 16 : i32
      %mul3A_686 = arith.muli %scan3A_470, %mul3A_685 : i32
      %get3A_687 = arith.constant 7 : i32
      %get3A_688 = arith.index_cast %get3A_687 : i32 to index
      %get3A_689 = arith.index_cast %mul3A_686 : i32 to index
      %get3A_690 = tpu.vector_load %arg10[%get3A_688, %get3A_689] {strides = array<i32>} : memref<8x2048xf32, #tpu.memory_space<vmem>>, vector<1x16xf32>,
      %get3A_691 = vector.shape_cast %get3A_690 : vector<1x16xf32> to vector<16xf32>
      %mul3A_692 = arith.constant 16 : i32
      %mul3A_693 = arith.muli %scan3A_470, %mul3A_692 : i32
      %get3A_694 = arith.constant 7 : i32
      %get3A_695 = arith.index_cast %get3A_694 : i32 to index
      %get3A_696 = arith.index_cast %mul3A_693 : i32 to index
      %get3A_697 = tpu.vector_load %arg12[%get3A_695, %get3A_696] {strides = array<i32>} : memref<8x2048xf32, #tpu.memory_space<vmem>>, vector<1x16xf32>,
      %get3A_698 = vector.shape_cast %get3A_697 : vector<1x16xf32> to vector<16xf32>
      %slice3A_699 = vector.extract_strided_slice %get3A_344 {offsets = [15], sizes = [1], strides = [1]} : vector<16xf32> to vector<1xf32>
      %squeeze3A_700 = vector.extract %slice3A_699[0] : f32 from vector<1xf32>
      %mul3A_701 = vector.broadcast %squeeze3A_700 : f32 to vector<16xf32>
      %mul3A_702 = arith.mulf %mul3A_701, %get3A_691 : vector<16xf32>
      %slice3A_703 = vector.extract_strided_slice %get3A_351 {offsets = [15], sizes = [1], strides = [1]} : vector<16xf32> to vector<1xf32>
      %squeeze3A_704 = vector.extract %slice3A_703[0] : f32 from vector<1xf32>
      %mul3A_705 = vector.broadcast %squeeze3A_704 : f32 to vector<16xf32>
      %mul3A_706 = arith.mulf %mul3A_705, %get3A_698 : vector<16xf32>
      %add3A_707 = arith.addf %mul3A_702, %mul3A_706 : vector<16xf32>
      %mul3A_708 = arith.constant 16 : i32
      %mul3A_709 = arith.muli %scan3A_470, %mul3A_708 : i32
      %swap3A_710 = arith.constant 7 : i32
      %swap3A_711 = arith.index_cast %swap3A_710 : i32 to index
      %swap3A_712 = arith.index_cast %mul3A_709 : i32 to index
      %swap3A_713 = tpu.vector_load %arg10[%swap3A_711, %swap3A_712] {strides = array<i32>} : memref<8x2048xf32, #tpu.memory_space<vmem>>, vector<1x16xf32>,
      %swap3A_714 = vector.shape_cast %swap3A_713 : vector<1x16xf32> to vector<16xf32>
      %swap3A_715 = vector.shape_cast %add3A_707 : vector<16xf32> to vector<1x16xf32>
      tpu.vector_store %arg10[%swap3A_711, %swap3A_712], %swap3A_715 {strides = array<i32>} : memref<8x2048xf32, #tpu.memory_space<vmem>>, vector<1x16xf32>,
    }
    %scan3A_357 = arith.constant 128 : i32
    %add3A_358 = arith.constant 40 : i32
    %add3A_359 = arith.addi %mul3A_2, %add3A_358 : i32
    %dma_start3A_360 = arith.constant 0 : i32
    %dma_start3A_361 = tpu.memref_slice %arg5[%add3A_359, %dma_start3A_360] : memref<2048x2048xf32, #tpu.memory_space<hbm>> -> memref<8x2048xf32, #tpu.memory_space<hbm>>
    %dma_start3A_362 = arith.constant 0 : i32
    %dma_start3A_363 = tpu.memref_slice %arg5[%add3A_359, %dma_start3A_362] : memref<2048x2048xf32, #tpu.memory_space<hbm>> -> memref<8x2048xf32, #tpu.memory_space<hbm>>
    tpu.enqueue_dma source(%arg10 : memref<8x2048xf32, #tpu.memory_space<vmem>>) target(%dma_start3A_363 : memref<8x2048xf32, #tpu.memory_space<hbm>>) target_semaphore(%arg18 : memref<!tpu.dma_semaphore, #tpu.memory_space<semaphore_mem>>)
    %dma_wait3A_364 = arith.constant 0 : i32
    %dma_wait3A_365 = tpu.memref_slice %arg5[%add3A_359, %dma_wait3A_364] : memref<2048x2048xf32, #tpu.memory_space<hbm>> -> memref<8x2048xf32, #tpu.memory_space<hbm>>
    %dma_wait3A_366 = arith.constant 0 : i32
    %dma_wait3A_367 = tpu.memref_slice %arg5[%add3A_359, %dma_wait3A_366] : memref<2048x2048xf32, #tpu.memory_space<hbm>> -> memref<8x2048xf32, #tpu.memory_space<hbm>>
    tpu.wait_dma2 semaphore(%arg18 : memref<!tpu.dma_semaphore, #tpu.memory_space<semaphore_mem>>) src(%arg10 : memref<8x2048xf32, #tpu.memory_space<vmem>>) dst(%dma_wait3A_367 : memref<8x2048xf32, #tpu.memory_space<hbm>>)
    %dma_start3A_368 = arith.constant 7 : i32
    %dma_start3A_369 = arith.constant 0 : i32
    %dma_start3A_370 = tpu.memref_slice %arg6[%dma_start3A_368, %dma_start3A_369] : memref<8x8xi32, #tpu.memory_space<vmem>> -> memref<1x8xi32, #tpu.memory_space<vmem>>
    %dma_start3A_371 = tpu.memref_squeeze %dma_start3A_370 : memref<1x8xi32, #tpu.memory_space<vmem>> -> memref<8xi32, #tpu.memory_space<vmem>>
    %dma_start3A_372 = arith.constant 0 : i32
    %dma_start3A_373 = arith.constant 0 : i32
    %dma_start3A_374 = tpu.memref_slice %arg2[%dma_start3A_372, %dma_start3A_373] : memref<8064x2048xf32, #tpu.memory_space<hbm>> -> memref<8064x2048xf32, #tpu.memory_space<hbm>>
    tpu.enqueue_indirect_dma source(%dma_start3A_374 : memref<8064x2048xf32, #tpu.memory_space<hbm>>) target(%arg10 : memref<8x2048xf32, #tpu.memory_space<vmem>>) offsets(%dma_start3A_371 : memref<8xi32, #tpu.memory_space<vmem>>) semaphore(%arg14 : memref<!tpu.dma_semaphore, #tpu.memory_space<semaphore_mem>>)
    %dma_start3A_375 = arith.constant 7 : i32
    %dma_start3A_376 = arith.constant 0 : i32
    %dma_start3A_377 = tpu.memref_slice %arg7[%dma_start3A_375, %dma_start3A_376] : memref<8x8xi32, #tpu.memory_space<vmem>> -> memref<1x8xi32, #tpu.memory_space<vmem>>
    %dma_start3A_378 = tpu.memref_squeeze %dma_start3A_377 : memref<1x8xi32, #tpu.memory_space<vmem>> -> memref<8xi32, #tpu.memory_space<vmem>>
    %dma_start3A_379 = arith.constant 0 : i32
    %dma_start3A_380 = arith.constant 0 : i32
    %dma_start3A_381 = tpu.memref_slice %arg2[%dma_start3A_379, %dma_start3A_380] : memref<8064x2048xf32, #tpu.memory_space<hbm>> -> memref<8064x2048xf32, #tpu.memory_space<hbm>>
    tpu.enqueue_indirect_dma source(%dma_start3A_381 : memref<8064x2048xf32, #tpu.memory_space<hbm>>) target(%arg12 : memref<8x2048xf32, #tpu.memory_space<vmem>>) offsets(%dma_start3A_378 : memref<8xi32, #tpu.memory_space<vmem>>) semaphore(%arg16 : memref<!tpu.dma_semaphore, #tpu.memory_space<semaphore_mem>>)
    %dma_wait3A_382 = arith.constant 6 : i32
    %dma_wait3A_383 = arith.constant 0 : i32
    %dma_wait3A_384 = tpu.memref_slice %arg6[%dma_wait3A_382, %dma_wait3A_383] : memref<8x8xi32, #tpu.memory_space<vmem>> -> memref<1x8xi32, #tpu.memory_space<vmem>>
    %dma_wait3A_385 = tpu.memref_squeeze %dma_wait3A_384 : memref<1x8xi32, #tpu.memory_space<vmem>> -> memref<8xi32, #tpu.memory_space<vmem>>
    %dma_wait3A_386 = arith.constant 0 : i32
    %dma_wait3A_387 = arith.constant 0 : i32
    %dma_wait3A_388 = tpu.memref_slice %arg2[%dma_wait3A_386, %dma_wait3A_387] : memref<8064x2048xf32, #tpu.memory_space<hbm>> -> memref<8064x2048xf32, #tpu.memory_space<hbm>>
    tpu.wait_indirect_dma semaphore(%arg13 : memref<!tpu.dma_semaphore, #tpu.memory_space<semaphore_mem>>) src(%dma_wait3A_388 : memref<8064x2048xf32, #tpu.memory_space<hbm>>) dst(%arg9 : memref<8x2048xf32, #tpu.memory_space<vmem>>)
    %dma_wait3A_389 = arith.constant 6 : i32
    %dma_wait3A_390 = arith.constant 0 : i32
    %dma_wait3A_391 = tpu.memref_slice %arg7[%dma_wait3A_389, %dma_wait3A_390] : memref<8x8xi32, #tpu.memory_space<vmem>> -> memref<1x8xi32, #tpu.memory_space<vmem>>
    %dma_wait3A_392 = tpu.memref_squeeze %dma_wait3A_391 : memref<1x8xi32, #tpu.memory_space<vmem>> -> memref<8xi32, #tpu.memory_space<vmem>>
    %dma_wait3A_393 = arith.constant 0 : i32
    %dma_wait3A_394 = arith.constant 0 : i32
    %dma_wait3A_395 = tpu.memref_slice %arg2[%dma_wait3A_393, %dma_wait3A_394] : memref<8064x2048xf32, #tpu.memory_space<hbm>> -> memref<8064x2048xf32, #tpu.memory_space<hbm>>
    tpu.wait_indirect_dma semaphore(%arg15 : memref<!tpu.dma_semaphore, #tpu.memory_space<semaphore_mem>>) src(%dma_wait3A_395 : memref<8064x2048xf32, #tpu.memory_space<hbm>>) dst(%arg11 : memref<8x2048xf32, #tpu.memory_space<vmem>>)
    %get3A_396 = arith.constant 0 : i32
    %get3A_397 = arith.constant 3 : i32
    %get3A_398 = arith.index_cast %get3A_396 : i32 to index
    %get3A_399 = arith.index_cast %get3A_397 : i32 to index
    %get3A_400 = arith.constant 0 : index
    %get3A_401 = tpu.vector_load %arg8[%get3A_398, %get3A_399, %get3A_400] {strides = array<i32>} : memref<2x4x16xf32, #tpu.memory_space<vmem>>, vector<1x1x16xf32>,
    %get3A_402 = vector.shape_cast %get3A_401 : vector<1x1x16xf32> to vector<16xf32>
    %get3A_403 = arith.constant 1 : i32
    %get3A_404 = arith.constant 3 : i32
    %get3A_405 = arith.index_cast %get3A_403 : i32 to index
    %get3A_406 = arith.index_cast %get3A_404 : i32 to index
    %get3A_407 = arith.constant 0 : index
    %get3A_408 = tpu.vector_load %arg8[%get3A_405, %get3A_406, %get3A_407] {strides = array<i32>} : memref<2x4x16xf32, #tpu.memory_space<vmem>>, vector<1x1x16xf32>,
    %get3A_409 = vector.shape_cast %get3A_408 : vector<1x1x16xf32> to vector<16xf32>
    %scan3A_410 = arith.constant 0 : i32
    %scan3A_411 = arith.constant 0 : i32
    %scan3A_412 = arith.constant 128 : i32
    %scan3A_413 = arith.addi %scan3A_411, %scan3A_412 : i32
    %scan3A_414 = arith.constant 1 : i32
    scf.for %scan3A_470 = %scan3A_411 to %scan3A_413 step %scan3A_414  : i32 {
      %mul3A_471 = arith.constant 16 : i32
      %mul3A_472 = arith.muli %scan3A_470, %mul3A_471 : i32
      %get3A_473 = arith.constant 0 : i32
      %get3A_474 = arith.index_cast %get3A_473 : i32 to index
      %get3A_475 = arith.index_cast %mul3A_472 : i32 to index
      %get3A_476 = tpu.vector_load %arg9[%get3A_474, %get3A_475] {strides = array<i32>} : memref<8x2048xf32, #tpu.memory_space<vmem>>, vector<1x16xf32>,
      %get3A_477 = vector.shape_cast %get3A_476 : vector<1x16xf32> to vector<16xf32>
      %mul3A_478 = arith.constant 16 : i32
      %mul3A_479 = arith.muli %scan3A_470, %mul3A_478 : i32
      %get3A_480 = arith.constant 0 : i32
      %get3A_481 = arith.index_cast %get3A_480 : i32 to index
      %get3A_482 = arith.index_cast %mul3A_479 : i32 to index
      %get3A_483 = tpu.vector_load %arg11[%get3A_481, %get3A_482] {strides = array<i32>} : memref<8x2048xf32, #tpu.memory_space<vmem>>, vector<1x16xf32>,
      %get3A_484 = vector.shape_cast %get3A_483 : vector<1x16xf32> to vector<16xf32>
      %slice3A = vector.extract_strided_slice %get3A_402 {offsets = [0], sizes = [1], strides = [1]} : vector<16xf32> to vector<1xf32>
      %squeeze3A = vector.extract %slice3A[0] : f32 from vector<1xf32>
      %mul3A_485 = vector.broadcast %squeeze3A : f32 to vector<16xf32>
      %mul3A_486 = arith.mulf %mul3A_485, %get3A_477 : vector<16xf32>
      %slice3A_487 = vector.extract_strided_slice %get3A_409 {offsets = [0], sizes = [1], strides = [1]} : vector<16xf32> to vector<1xf32>
      %squeeze3A_488 = vector.extract %slice3A_487[0] : f32 from vector<1xf32>
      %mul3A_489 = vector.broadcast %squeeze3A_488 : f32 to vector<16xf32>
      %mul3A_490 = arith.mulf %mul3A_489, %get3A_484 : vector<16xf32>
      %add3A_491 = arith.addf %mul3A_486, %mul3A_490 : vector<16xf32>
      %mul3A_492 = arith.constant 16 : i32
      %mul3A_493 = arith.muli %scan3A_470, %mul3A_492 : i32
      %swap3A = arith.constant 0 : i32
      %swap3A_494 = arith.index_cast %swap3A : i32 to index
      %swap3A_495 = arith.index_cast %mul3A_493 : i32 to index
      %swap3A_496 = tpu.vector_load %arg9[%swap3A_494, %swap3A_495] {strides = array<i32>} : memref<8x2048xf32, #tpu.memory_space<vmem>>, vector<1x16xf32>,
      %swap3A_497 = vector.shape_cast %swap3A_496 : vector<1x16xf32> to vector<16xf32>
      %swap3A_498 = vector.shape_cast %add3A_491 : vector<16xf32> to vector<1x16xf32>
      tpu.vector_store %arg9[%swap3A_494, %swap3A_495], %swap3A_498 {strides = array<i32>} : memref<8x2048xf32, #tpu.memory_space<vmem>>, vector<1x16xf32>,
      %mul3A_499 = arith.constant 16 : i32
      %mul3A_500 = arith.muli %scan3A_470, %mul3A_499 : i32
      %get3A_501 = arith.constant 1 : i32
      %get3A_502 = arith.index_cast %get3A_501 : i32 to index
      %get3A_503 = arith.index_cast %mul3A_500 : i32 to index
      %get3A_504 = tpu.vector_load %arg9[%get3A_502, %get3A_503] {strides = array<i32>} : memref<8x2048xf32, #tpu.memory_space<vmem>>, vector<1x16xf32>,
      %get3A_505 = vector.shape_cast %get3A_504 : vector<1x16xf32> to vector<16xf32>
      %mul3A_506 = arith.constant 16 : i32
      %mul3A_507 = arith.muli %scan3A_470, %mul3A_506 : i32
      %get3A_508 = arith.constant 1 : i32
      %get3A_509 = arith.index_cast %get3A_508 : i32 to index
      %get3A_510 = arith.index_cast %mul3A_507 : i32 to index
      %get3A_511 = tpu.vector_load %arg11[%get3A_509, %get3A_510] {strides = array<i32>} : memref<8x2048xf32, #tpu.memory_space<vmem>>, vector<1x16xf32>,
      %get3A_512 = vector.shape_cast %get3A_511 : vector<1x16xf32> to vector<16xf32>
      %slice3A_513 = vector.extract_strided_slice %get3A_402 {offsets = [1], sizes = [1], strides = [1]} : vector<16xf32> to vector<1xf32>
      %squeeze3A_514 = vector.extract %slice3A_513[0] : f32 from vector<1xf32>
      %mul3A_515 = vector.broadcast %squeeze3A_514 : f32 to vector<16xf32>
      %mul3A_516 = arith.mulf %mul3A_515, %get3A_505 : vector<16xf32>
      %slice3A_517 = vector.extract_strided_slice %get3A_409 {offsets = [1], sizes = [1], strides = [1]} : vector<16xf32> to vector<1xf32>
      %squeeze3A_518 = vector.extract %slice3A_517[0] : f32 from vector<1xf32>
      %mul3A_519 = vector.broadcast %squeeze3A_518 : f32 to vector<16xf32>
      %mul3A_520 = arith.mulf %mul3A_519, %get3A_512 : vector<16xf32>
      %add3A_521 = arith.addf %mul3A_516, %mul3A_520 : vector<16xf32>
      %mul3A_522 = arith.constant 16 : i32
      %mul3A_523 = arith.muli %scan3A_470, %mul3A_522 : i32
      %swap3A_524 = arith.constant 1 : i32
      %swap3A_525 = arith.index_cast %swap3A_524 : i32 to index
      %swap3A_526 = arith.index_cast %mul3A_523 : i32 to index
      %swap3A_527 = tpu.vector_load %arg9[%swap3A_525, %swap3A_526] {strides = array<i32>} : memref<8x2048xf32, #tpu.memory_space<vmem>>, vector<1x16xf32>,
      %swap3A_528 = vector.shape_cast %swap3A_527 : vector<1x16xf32> to vector<16xf32>
      %swap3A_529 = vector.shape_cast %add3A_521 : vector<16xf32> to vector<1x16xf32>
      tpu.vector_store %arg9[%swap3A_525, %swap3A_526], %swap3A_529 {strides = array<i32>} : memref<8x2048xf32, #tpu.memory_space<vmem>>, vector<1x16xf32>,
      %mul3A_530 = arith.constant 16 : i32
      %mul3A_531 = arith.muli %scan3A_470, %mul3A_530 : i32
      %get3A_532 = arith.constant 2 : i32
      %get3A_533 = arith.index_cast %get3A_532 : i32 to index
      %get3A_534 = arith.index_cast %mul3A_531 : i32 to index
      %get3A_535 = tpu.vector_load %arg9[%get3A_533, %get3A_534] {strides = array<i32>} : memref<8x2048xf32, #tpu.memory_space<vmem>>, vector<1x16xf32>,
      %get3A_536 = vector.shape_cast %get3A_535 : vector<1x16xf32> to vector<16xf32>
      %mul3A_537 = arith.constant 16 : i32
      %mul3A_538 = arith.muli %scan3A_470, %mul3A_537 : i32
      %get3A_539 = arith.constant 2 : i32
      %get3A_540 = arith.index_cast %get3A_539 : i32 to index
      %get3A_541 = arith.index_cast %mul3A_538 : i32 to index
      %get3A_542 = tpu.vector_load %arg11[%get3A_540, %get3A_541] {strides = array<i32>} : memref<8x2048xf32, #tpu.memory_space<vmem>>, vector<1x16xf32>,
      %get3A_543 = vector.shape_cast %get3A_542 : vector<1x16xf32> to vector<16xf32>
      %slice3A_544 = vector.extract_strided_slice %get3A_402 {offsets = [2], sizes = [1], strides = [1]} : vector<16xf32> to vector<1xf32>
      %squeeze3A_545 = vector.extract %slice3A_544[0] : f32 from vector<1xf32>
      %mul3A_546 = vector.broadcast %squeeze3A_545 : f32 to vector<16xf32>
      %mul3A_547 = arith.mulf %mul3A_546, %get3A_536 : vector<16xf32>
      %slice3A_548 = vector.extract_strided_slice %get3A_409 {offsets = [2], sizes = [1], strides = [1]} : vector<16xf32> to vector<1xf32>
      %squeeze3A_549 = vector.extract %slice3A_548[0] : f32 from vector<1xf32>
      %mul3A_550 = vector.broadcast %squeeze3A_549 : f32 to vector<16xf32>
      %mul3A_551 = arith.mulf %mul3A_550, %get3A_543 : vector<16xf32>
      %add3A_552 = arith.addf %mul3A_547, %mul3A_551 : vector<16xf32>
      %mul3A_553 = arith.constant 16 : i32
      %mul3A_554 = arith.muli %scan3A_470, %mul3A_553 : i32
      %swap3A_555 = arith.constant 2 : i32
      %swap3A_556 = arith.index_cast %swap3A_555 : i32 to index
      %swap3A_557 = arith.index_cast %mul3A_554 : i32 to index
      %swap3A_558 = tpu.vector_load %arg9[%swap3A_556, %swap3A_557] {strides = array<i32>} : memref<8x2048xf32, #tpu.memory_space<vmem>>, vector<1x16xf32>,
      %swap3A_559 = vector.shape_cast %swap3A_558 : vector<1x16xf32> to vector<16xf32>
      %swap3A_560 = vector.shape_cast %add3A_552 : vector<16xf32> to vector<1x16xf32>
      tpu.vector_store %arg9[%swap3A_556, %swap3A_557], %swap3A_560 {strides = array<i32>} : memref<8x2048xf32, #tpu.memory_space<vmem>>, vector<1x16xf32>,
      %mul3A_561 = arith.constant 16 : i32
      %mul3A_562 = arith.muli %scan3A_470, %mul3A_561 : i32
      %get3A_563 = arith.constant 3 : i32
      %get3A_564 = arith.index_cast %get3A_563 : i32 to index
      %get3A_565 = arith.index_cast %mul3A_562 : i32 to index
      %get3A_566 = tpu.vector_load %arg9[%get3A_564, %get3A_565] {strides = array<i32>} : memref<8x2048xf32, #tpu.memory_space<vmem>>, vector<1x16xf32>,
      %get3A_567 = vector.shape_cast %get3A_566 : vector<1x16xf32> to vector<16xf32>
      %mul3A_568 = arith.constant 16 : i32
      %mul3A_569 = arith.muli %scan3A_470, %mul3A_568 : i32
      %get3A_570 = arith.constant 3 : i32
      %get3A_571 = arith.index_cast %get3A_570 : i32 to index
      %get3A_572 = arith.index_cast %mul3A_569 : i32 to index
      %get3A_573 = tpu.vector_load %arg11[%get3A_571, %get3A_572] {strides = array<i32>} : memref<8x2048xf32, #tpu.memory_space<vmem>>, vector<1x16xf32>,
      %get3A_574 = vector.shape_cast %get3A_573 : vector<1x16xf32> to vector<16xf32>
      %slice3A_575 = vector.extract_strided_slice %get3A_402 {offsets = [3], sizes = [1], strides = [1]} : vector<16xf32> to vector<1xf32>
      %squeeze3A_576 = vector.extract %slice3A_575[0] : f32 from vector<1xf32>
      %mul3A_577 = vector.broadcast %squeeze3A_576 : f32 to vector<16xf32>
      %mul3A_578 = arith.mulf %mul3A_577, %get3A_567 : vector<16xf32>
      %slice3A_579 = vector.extract_strided_slice %get3A_409 {offsets = [3], sizes = [1], strides = [1]} : vector<16xf32> to vector<1xf32>
      %squeeze3A_580 = vector.extract %slice3A_579[0] : f32 from vector<1xf32>
      %mul3A_581 = vector.broadcast %squeeze3A_580 : f32 to vector<16xf32>
      %mul3A_582 = arith.mulf %mul3A_581, %get3A_574 : vector<16xf32>
      %add3A_583 = arith.addf %mul3A_578, %mul3A_582 : vector<16xf32>
      %mul3A_584 = arith.constant 16 : i32
      %mul3A_585 = arith.muli %scan3A_470, %mul3A_584 : i32
      %swap3A_586 = arith.constant 3 : i32
      %swap3A_587 = arith.index_cast %swap3A_586 : i32 to index
      %swap3A_588 = arith.index_cast %mul3A_585 : i32 to index
      %swap3A_589 = tpu.vector_load %arg9[%swap3A_587, %swap3A_588] {strides = array<i32>} : memref<8x2048xf32, #tpu.memory_space<vmem>>, vector<1x16xf32>,
      %swap3A_590 = vector.shape_cast %swap3A_589 : vector<1x16xf32> to vector<16xf32>
      %swap3A_591 = vector.shape_cast %add3A_583 : vector<16xf32> to vector<1x16xf32>
      tpu.vector_store %arg9[%swap3A_587, %swap3A_588], %swap3A_591 {strides = array<i32>} : memref<8x2048xf32, #tpu.memory_space<vmem>>, vector<1x16xf32>,
      %mul3A_592 = arith.constant 16 : i32
      %mul3A_593 = arith.muli %scan3A_470, %mul3A_592 : i32
      %get3A_594 = arith.constant 4 : i32
      %get3A_595 = arith.index_cast %get3A_594 : i32 to index
      %get3A_596 = arith.index_cast %mul3A_593 : i32 to index
      %get3A_597 = tpu.vector_load %arg9[%get3A_595, %get3A_596] {strides = array<i32>} : memref<8x2048xf32, #tpu.memory_space<vmem>>, vector<1x16xf32>,
      %get3A_598 = vector.shape_cast %get3A_597 : vector<1x16xf32> to vector<16xf32>
      %mul3A_599 = arith.constant 16 : i32
      %mul3A_600 = arith.muli %scan3A_470, %mul3A_599 : i32
      %get3A_601 = arith.constant 4 : i32
      %get3A_602 = arith.index_cast %get3A_601 : i32 to index
      %get3A_603 = arith.index_cast %mul3A_600 : i32 to index
      %get3A_604 = tpu.vector_load %arg11[%get3A_602, %get3A_603] {strides = array<i32>} : memref<8x2048xf32, #tpu.memory_space<vmem>>, vector<1x16xf32>,
      %get3A_605 = vector.shape_cast %get3A_604 : vector<1x16xf32> to vector<16xf32>
      %slice3A_606 = vector.extract_strided_slice %get3A_402 {offsets = [4], sizes = [1], strides = [1]} : vector<16xf32> to vector<1xf32>
      %squeeze3A_607 = vector.extract %slice3A_606[0] : f32 from vector<1xf32>
      %mul3A_608 = vector.broadcast %squeeze3A_607 : f32 to vector<16xf32>
      %mul3A_609 = arith.mulf %mul3A_608, %get3A_598 : vector<16xf32>
      %slice3A_610 = vector.extract_strided_slice %get3A_409 {offsets = [4], sizes = [1], strides = [1]} : vector<16xf32> to vector<1xf32>
      %squeeze3A_611 = vector.extract %slice3A_610[0] : f32 from vector<1xf32>
      %mul3A_612 = vector.broadcast %squeeze3A_611 : f32 to vector<16xf32>
      %mul3A_613 = arith.mulf %mul3A_612, %get3A_605 : vector<16xf32>
      %add3A_614 = arith.addf %mul3A_609, %mul3A_613 : vector<16xf32>
      %mul3A_615 = arith.constant 16 : i32
      %mul3A_616 = arith.muli %scan3A_470, %mul3A_615 : i32
      %swap3A_617 = arith.constant 4 : i32
      %swap3A_618 = arith.index_cast %swap3A_617 : i32 to index
      %swap3A_619 = arith.index_cast %mul3A_616 : i32 to index
      %swap3A_620 = tpu.vector_load %arg9[%swap3A_618, %swap3A_619] {strides = array<i32>} : memref<8x2048xf32, #tpu.memory_space<vmem>>, vector<1x16xf32>,
      %swap3A_621 = vector.shape_cast %swap3A_620 : vector<1x16xf32> to vector<16xf32>
      %swap3A_622 = vector.shape_cast %add3A_614 : vector<16xf32> to vector<1x16xf32>
      tpu.vector_store %arg9[%swap3A_618, %swap3A_619], %swap3A_622 {strides = array<i32>} : memref<8x2048xf32, #tpu.memory_space<vmem>>, vector<1x16xf32>,
      %mul3A_623 = arith.constant 16 : i32
      %mul3A_624 = arith.muli %scan3A_470, %mul3A_623 : i32
      %get3A_625 = arith.constant 5 : i32
      %get3A_626 = arith.index_cast %get3A_625 : i32 to index
      %get3A_627 = arith.index_cast %mul3A_624 : i32 to index
      %get3A_628 = tpu.vector_load %arg9[%get3A_626, %get3A_627] {strides = array<i32>} : memref<8x2048xf32, #tpu.memory_space<vmem>>, vector<1x16xf32>,
      %get3A_629 = vector.shape_cast %get3A_628 : vector<1x16xf32> to vector<16xf32>
      %mul3A_630 = arith.constant 16 : i32
      %mul3A_631 = arith.muli %scan3A_470, %mul3A_630 : i32
      %get3A_632 = arith.constant 5 : i32
      %get3A_633 = arith.index_cast %get3A_632 : i32 to index
      %get3A_634 = arith.index_cast %mul3A_631 : i32 to index
      %get3A_635 = tpu.vector_load %arg11[%get3A_633, %get3A_634] {strides = array<i32>} : memref<8x2048xf32, #tpu.memory_space<vmem>>, vector<1x16xf32>,
      %get3A_636 = vector.shape_cast %get3A_635 : vector<1x16xf32> to vector<16xf32>
      %slice3A_637 = vector.extract_strided_slice %get3A_402 {offsets = [5], sizes = [1], strides = [1]} : vector<16xf32> to vector<1xf32>
      %squeeze3A_638 = vector.extract %slice3A_637[0] : f32 from vector<1xf32>
      %mul3A_639 = vector.broadcast %squeeze3A_638 : f32 to vector<16xf32>
      %mul3A_640 = arith.mulf %mul3A_639, %get3A_629 : vector<16xf32>
      %slice3A_641 = vector.extract_strided_slice %get3A_409 {offsets = [5], sizes = [1], strides = [1]} : vector<16xf32> to vector<1xf32>
      %squeeze3A_642 = vector.extract %slice3A_641[0] : f32 from vector<1xf32>
      %mul3A_643 = vector.broadcast %squeeze3A_642 : f32 to vector<16xf32>
      %mul3A_644 = arith.mulf %mul3A_643, %get3A_636 : vector<16xf32>
      %add3A_645 = arith.addf %mul3A_640, %mul3A_644 : vector<16xf32>
      %mul3A_646 = arith.constant 16 : i32
      %mul3A_647 = arith.muli %scan3A_470, %mul3A_646 : i32
      %swap3A_648 = arith.constant 5 : i32
      %swap3A_649 = arith.index_cast %swap3A_648 : i32 to index
      %swap3A_650 = arith.index_cast %mul3A_647 : i32 to index
      %swap3A_651 = tpu.vector_load %arg9[%swap3A_649, %swap3A_650] {strides = array<i32>} : memref<8x2048xf32, #tpu.memory_space<vmem>>, vector<1x16xf32>,
      %swap3A_652 = vector.shape_cast %swap3A_651 : vector<1x16xf32> to vector<16xf32>
      %swap3A_653 = vector.shape_cast %add3A_645 : vector<16xf32> to vector<1x16xf32>
      tpu.vector_store %arg9[%swap3A_649, %swap3A_650], %swap3A_653 {strides = array<i32>} : memref<8x2048xf32, #tpu.memory_space<vmem>>, vector<1x16xf32>,
      %mul3A_654 = arith.constant 16 : i32
      %mul3A_655 = arith.muli %scan3A_470, %mul3A_654 : i32
      %get3A_656 = arith.constant 6 : i32
      %get3A_657 = arith.index_cast %get3A_656 : i32 to index
      %get3A_658 = arith.index_cast %mul3A_655 : i32 to index
      %get3A_659 = tpu.vector_load %arg9[%get3A_657, %get3A_658] {strides = array<i32>} : memref<8x2048xf32, #tpu.memory_space<vmem>>, vector<1x16xf32>,
      %get3A_660 = vector.shape_cast %get3A_659 : vector<1x16xf32> to vector<16xf32>
      %mul3A_661 = arith.constant 16 : i32
      %mul3A_662 = arith.muli %scan3A_470, %mul3A_661 : i32
      %get3A_663 = arith.constant 6 : i32
      %get3A_664 = arith.index_cast %get3A_663 : i32 to index
      %get3A_665 = arith.index_cast %mul3A_662 : i32 to index
      %get3A_666 = tpu.vector_load %arg11[%get3A_664, %get3A_665] {strides = array<i32>} : memref<8x2048xf32, #tpu.memory_space<vmem>>, vector<1x16xf32>,
      %get3A_667 = vector.shape_cast %get3A_666 : vector<1x16xf32> to vector<16xf32>
      %slice3A_668 = vector.extract_strided_slice %get3A_402 {offsets = [6], sizes = [1], strides = [1]} : vector<16xf32> to vector<1xf32>
      %squeeze3A_669 = vector.extract %slice3A_668[0] : f32 from vector<1xf32>
      %mul3A_670 = vector.broadcast %squeeze3A_669 : f32 to vector<16xf32>
      %mul3A_671 = arith.mulf %mul3A_670, %get3A_660 : vector<16xf32>
      %slice3A_672 = vector.extract_strided_slice %get3A_409 {offsets = [6], sizes = [1], strides = [1]} : vector<16xf32> to vector<1xf32>
      %squeeze3A_673 = vector.extract %slice3A_672[0] : f32 from vector<1xf32>
      %mul3A_674 = vector.broadcast %squeeze3A_673 : f32 to vector<16xf32>
      %mul3A_675 = arith.mulf %mul3A_674, %get3A_667 : vector<16xf32>
      %add3A_676 = arith.addf %mul3A_671, %mul3A_675 : vector<16xf32>
      %mul3A_677 = arith.constant 16 : i32
      %mul3A_678 = arith.muli %scan3A_470, %mul3A_677 : i32
      %swap3A_679 = arith.constant 6 : i32
      %swap3A_680 = arith.index_cast %swap3A_679 : i32 to index
      %swap3A_681 = arith.index_cast %mul3A_678 : i32 to index
      %swap3A_682 = tpu.vector_load %arg9[%swap3A_680, %swap3A_681] {strides = array<i32>} : memref<8x2048xf32, #tpu.memory_space<vmem>>, vector<1x16xf32>,
      %swap3A_683 = vector.shape_cast %swap3A_682 : vector<1x16xf32> to vector<16xf32>
      %swap3A_684 = vector.shape_cast %add3A_676 : vector<16xf32> to vector<1x16xf32>
      tpu.vector_store %arg9[%swap3A_680, %swap3A_681], %swap3A_684 {strides = array<i32>} : memref<8x2048xf32, #tpu.memory_space<vmem>>, vector<1x16xf32>,
      %mul3A_685 = arith.constant 16 : i32
      %mul3A_686 = arith.muli %scan3A_470, %mul3A_685 : i32
      %get3A_687 = arith.constant 7 : i32
      %get3A_688 = arith.index_cast %get3A_687 : i32 to index
      %get3A_689 = arith.index_cast %mul3A_686 : i32 to index
      %get3A_690 = tpu.vector_load %arg9[%get3A_688, %get3A_689] {strides = array<i32>} : memref<8x2048xf32, #tpu.memory_space<vmem>>, vector<1x16xf32>,
      %get3A_691 = vector.shape_cast %get3A_690 : vector<1x16xf32> to vector<16xf32>
      %mul3A_692 = arith.constant 16 : i32
      %mul3A_693 = arith.muli %scan3A_470, %mul3A_692 : i32
      %get3A_694 = arith.constant 7 : i32
      %get3A_695 = arith.index_cast %get3A_694 : i32 to index
      %get3A_696 = arith.index_cast %mul3A_693 : i32 to index
      %get3A_697 = tpu.vector_load %arg11[%get3A_695, %get3A_696] {strides = array<i32>} : memref<8x2048xf32, #tpu.memory_space<vmem>>, vector<1x16xf32>,
      %get3A_698 = vector.shape_cast %get3A_697 : vector<1x16xf32> to vector<16xf32>
      %slice3A_699 = vector.extract_strided_slice %get3A_402 {offsets = [7], sizes = [1], strides = [1]} : vector<16xf32> to vector<1xf32>
      %squeeze3A_700 = vector.extract %slice3A_699[0] : f32 from vector<1xf32>
      %mul3A_701 = vector.broadcast %squeeze3A_700 : f32 to vector<16xf32>
      %mul3A_702 = arith.mulf %mul3A_701, %get3A_691 : vector<16xf32>
      %slice3A_703 = vector.extract_strided_slice %get3A_409 {offsets = [7], sizes = [1], strides = [1]} : vector<16xf32> to vector<1xf32>
      %squeeze3A_704 = vector.extract %slice3A_703[0] : f32 from vector<1xf32>
      %mul3A_705 = vector.broadcast %squeeze3A_704 : f32 to vector<16xf32>
      %mul3A_706 = arith.mulf %mul3A_705, %get3A_698 : vector<16xf32>
      %add3A_707 = arith.addf %mul3A_702, %mul3A_706 : vector<16xf32>
      %mul3A_708 = arith.constant 16 : i32
      %mul3A_709 = arith.muli %scan3A_470, %mul3A_708 : i32
      %swap3A_710 = arith.constant 7 : i32
      %swap3A_711 = arith.index_cast %swap3A_710 : i32 to index
      %swap3A_712 = arith.index_cast %mul3A_709 : i32 to index
      %swap3A_713 = tpu.vector_load %arg9[%swap3A_711, %swap3A_712] {strides = array<i32>} : memref<8x2048xf32, #tpu.memory_space<vmem>>, vector<1x16xf32>,
      %swap3A_714 = vector.shape_cast %swap3A_713 : vector<1x16xf32> to vector<16xf32>
      %swap3A_715 = vector.shape_cast %add3A_707 : vector<16xf32> to vector<1x16xf32>
      tpu.vector_store %arg9[%swap3A_711, %swap3A_712], %swap3A_715 {strides = array<i32>} : memref<8x2048xf32, #tpu.memory_space<vmem>>, vector<1x16xf32>,
    }
    %scan3A_415 = arith.constant 128 : i32
    %add3A_416 = arith.constant 48 : i32
    %add3A_417 = arith.addi %mul3A_2, %add3A_416 : i32
    %dma_start3A_418 = arith.constant 0 : i32
    %dma_start3A_419 = tpu.memref_slice %arg5[%add3A_417, %dma_start3A_418] : memref<2048x2048xf32, #tpu.memory_space<hbm>> -> memref<8x2048xf32, #tpu.memory_space<hbm>>
    %dma_start3A_420 = arith.constant 0 : i32
    %dma_start3A_421 = tpu.memref_slice %arg5[%add3A_417, %dma_start3A_420] : memref<2048x2048xf32, #tpu.memory_space<hbm>> -> memref<8x2048xf32, #tpu.memory_space<hbm>>
    tpu.enqueue_dma source(%arg9 : memref<8x2048xf32, #tpu.memory_space<vmem>>) target(%dma_start3A_421 : memref<8x2048xf32, #tpu.memory_space<hbm>>) target_semaphore(%arg17 : memref<!tpu.dma_semaphore, #tpu.memory_space<semaphore_mem>>)
    %dma_wait3A_422 = arith.constant 7 : i32
    %dma_wait3A_423 = arith.constant 0 : i32
    %dma_wait3A_424 = tpu.memref_slice %arg6[%dma_wait3A_422, %dma_wait3A_423] : memref<8x8xi32, #tpu.memory_space<vmem>> -> memref<1x8xi32, #tpu.memory_space<vmem>>
    %dma_wait3A_425 = tpu.memref_squeeze %dma_wait3A_424 : memref<1x8xi32, #tpu.memory_space<vmem>> -> memref<8xi32, #tpu.memory_space<vmem>>
    %dma_wait3A_426 = arith.constant 0 : i32
    %dma_wait3A_427 = arith.constant 0 : i32
    %dma_wait3A_428 = tpu.memref_slice %arg2[%dma_wait3A_426, %dma_wait3A_427] : memref<8064x2048xf32, #tpu.memory_space<hbm>> -> memref<8064x2048xf32, #tpu.memory_space<hbm>>
    tpu.wait_indirect_dma semaphore(%arg14 : memref<!tpu.dma_semaphore, #tpu.memory_space<semaphore_mem>>) src(%dma_wait3A_428 : memref<8064x2048xf32, #tpu.memory_space<hbm>>) dst(%arg10 : memref<8x2048xf32, #tpu.memory_space<vmem>>)
    %dma_wait3A_429 = arith.constant 7 : i32
    %dma_wait3A_430 = arith.constant 0 : i32
    %dma_wait3A_431 = tpu.memref_slice %arg7[%dma_wait3A_429, %dma_wait3A_430] : memref<8x8xi32, #tpu.memory_space<vmem>> -> memref<1x8xi32, #tpu.memory_space<vmem>>
    %dma_wait3A_432 = tpu.memref_squeeze %dma_wait3A_431 : memref<1x8xi32, #tpu.memory_space<vmem>> -> memref<8xi32, #tpu.memory_space<vmem>>
    %dma_wait3A_433 = arith.constant 0 : i32
    %dma_wait3A_434 = arith.constant 0 : i32
    %dma_wait3A_435 = tpu.memref_slice %arg2[%dma_wait3A_433, %dma_wait3A_434] : memref<8064x2048xf32, #tpu.memory_space<hbm>> -> memref<8064x2048xf32, #tpu.memory_space<hbm>>
    tpu.wait_indirect_dma semaphore(%arg16 : memref<!tpu.dma_semaphore, #tpu.memory_space<semaphore_mem>>) src(%dma_wait3A_435 : memref<8064x2048xf32, #tpu.memory_space<hbm>>) dst(%arg12 : memref<8x2048xf32, #tpu.memory_space<vmem>>)
    %get3A_436 = arith.constant 0 : i32
    %get3A_437 = arith.constant 3 : i32
    %get3A_438 = arith.index_cast %get3A_436 : i32 to index
    %get3A_439 = arith.index_cast %get3A_437 : i32 to index
    %get3A_440 = arith.constant 0 : index
    %get3A_441 = tpu.vector_load %arg8[%get3A_438, %get3A_439, %get3A_440] {strides = array<i32>} : memref<2x4x16xf32, #tpu.memory_space<vmem>>, vector<1x1x16xf32>,
    %get3A_442 = vector.shape_cast %get3A_441 : vector<1x1x16xf32> to vector<16xf32>
    %get3A_443 = arith.constant 1 : i32
    %get3A_444 = arith.constant 3 : i32
    %get3A_445 = arith.index_cast %get3A_443 : i32 to index
    %get3A_446 = arith.index_cast %get3A_444 : i32 to index
    %get3A_447 = arith.constant 0 : index
    %get3A_448 = tpu.vector_load %arg8[%get3A_445, %get3A_446, %get3A_447] {strides = array<i32>} : memref<2x4x16xf32, #tpu.memory_space<vmem>>, vector<1x1x16xf32>,
    %get3A_449 = vector.shape_cast %get3A_448 : vector<1x1x16xf32> to vector<16xf32>
    %scan3A_450 = arith.constant 0 : i32
    %scan3A_451 = arith.constant 0 : i32
    %scan3A_452 = arith.constant 128 : i32
    %scan3A_453 = arith.addi %scan3A_451, %scan3A_452 : i32
    %scan3A_454 = arith.constant 1 : i32
    scf.for %scan3A_470 = %scan3A_451 to %scan3A_453 step %scan3A_454  : i32 {
      %mul3A_471 = arith.constant 16 : i32
      %mul3A_472 = arith.muli %scan3A_470, %mul3A_471 : i32
      %get3A_473 = arith.constant 0 : i32
      %get3A_474 = arith.index_cast %get3A_473 : i32 to index
      %get3A_475 = arith.index_cast %mul3A_472 : i32 to index
      %get3A_476 = tpu.vector_load %arg10[%get3A_474, %get3A_475] {strides = array<i32>} : memref<8x2048xf32, #tpu.memory_space<vmem>>, vector<1x16xf32>,
      %get3A_477 = vector.shape_cast %get3A_476 : vector<1x16xf32> to vector<16xf32>
      %mul3A_478 = arith.constant 16 : i32
      %mul3A_479 = arith.muli %scan3A_470, %mul3A_478 : i32
      %get3A_480 = arith.constant 0 : i32
      %get3A_481 = arith.index_cast %get3A_480 : i32 to index
      %get3A_482 = arith.index_cast %mul3A_479 : i32 to index
      %get3A_483 = tpu.vector_load %arg12[%get3A_481, %get3A_482] {strides = array<i32>} : memref<8x2048xf32, #tpu.memory_space<vmem>>, vector<1x16xf32>,
      %get3A_484 = vector.shape_cast %get3A_483 : vector<1x16xf32> to vector<16xf32>
      %slice3A = vector.extract_strided_slice %get3A_442 {offsets = [8], sizes = [1], strides = [1]} : vector<16xf32> to vector<1xf32>
      %squeeze3A = vector.extract %slice3A[0] : f32 from vector<1xf32>
      %mul3A_485 = vector.broadcast %squeeze3A : f32 to vector<16xf32>
      %mul3A_486 = arith.mulf %mul3A_485, %get3A_477 : vector<16xf32>
      %slice3A_487 = vector.extract_strided_slice %get3A_449 {offsets = [8], sizes = [1], strides = [1]} : vector<16xf32> to vector<1xf32>
      %squeeze3A_488 = vector.extract %slice3A_487[0] : f32 from vector<1xf32>
      %mul3A_489 = vector.broadcast %squeeze3A_488 : f32 to vector<16xf32>
      %mul3A_490 = arith.mulf %mul3A_489, %get3A_484 : vector<16xf32>
      %add3A_491 = arith.addf %mul3A_486, %mul3A_490 : vector<16xf32>
      %mul3A_492 = arith.constant 16 : i32
      %mul3A_493 = arith.muli %scan3A_470, %mul3A_492 : i32
      %swap3A = arith.constant 0 : i32
      %swap3A_494 = arith.index_cast %swap3A : i32 to index
      %swap3A_495 = arith.index_cast %mul3A_493 : i32 to index
      %swap3A_496 = tpu.vector_load %arg10[%swap3A_494, %swap3A_495] {strides = array<i32>} : memref<8x2048xf32, #tpu.memory_space<vmem>>, vector<1x16xf32>,
      %swap3A_497 = vector.shape_cast %swap3A_496 : vector<1x16xf32> to vector<16xf32>
      %swap3A_498 = vector.shape_cast %add3A_491 : vector<16xf32> to vector<1x16xf32>
      tpu.vector_store %arg10[%swap3A_494, %swap3A_495], %swap3A_498 {strides = array<i32>} : memref<8x2048xf32, #tpu.memory_space<vmem>>, vector<1x16xf32>,
      %mul3A_499 = arith.constant 16 : i32
      %mul3A_500 = arith.muli %scan3A_470, %mul3A_499 : i32
      %get3A_501 = arith.constant 1 : i32
      %get3A_502 = arith.index_cast %get3A_501 : i32 to index
      %get3A_503 = arith.index_cast %mul3A_500 : i32 to index
      %get3A_504 = tpu.vector_load %arg10[%get3A_502, %get3A_503] {strides = array<i32>} : memref<8x2048xf32, #tpu.memory_space<vmem>>, vector<1x16xf32>,
      %get3A_505 = vector.shape_cast %get3A_504 : vector<1x16xf32> to vector<16xf32>
      %mul3A_506 = arith.constant 16 : i32
      %mul3A_507 = arith.muli %scan3A_470, %mul3A_506 : i32
      %get3A_508 = arith.constant 1 : i32
      %get3A_509 = arith.index_cast %get3A_508 : i32 to index
      %get3A_510 = arith.index_cast %mul3A_507 : i32 to index
      %get3A_511 = tpu.vector_load %arg12[%get3A_509, %get3A_510] {strides = array<i32>} : memref<8x2048xf32, #tpu.memory_space<vmem>>, vector<1x16xf32>,
      %get3A_512 = vector.shape_cast %get3A_511 : vector<1x16xf32> to vector<16xf32>
      %slice3A_513 = vector.extract_strided_slice %get3A_442 {offsets = [9], sizes = [1], strides = [1]} : vector<16xf32> to vector<1xf32>
      %squeeze3A_514 = vector.extract %slice3A_513[0] : f32 from vector<1xf32>
      %mul3A_515 = vector.broadcast %squeeze3A_514 : f32 to vector<16xf32>
      %mul3A_516 = arith.mulf %mul3A_515, %get3A_505 : vector<16xf32>
      %slice3A_517 = vector.extract_strided_slice %get3A_449 {offsets = [9], sizes = [1], strides = [1]} : vector<16xf32> to vector<1xf32>
      %squeeze3A_518 = vector.extract %slice3A_517[0] : f32 from vector<1xf32>
      %mul3A_519 = vector.broadcast %squeeze3A_518 : f32 to vector<16xf32>
      %mul3A_520 = arith.mulf %mul3A_519, %get3A_512 : vector<16xf32>
      %add3A_521 = arith.addf %mul3A_516, %mul3A_520 : vector<16xf32>
      %mul3A_522 = arith.constant 16 : i32
      %mul3A_523 = arith.muli %scan3A_470, %mul3A_522 : i32
      %swap3A_524 = arith.constant 1 : i32
      %swap3A_525 = arith.index_cast %swap3A_524 : i32 to index
      %swap3A_526 = arith.index_cast %mul3A_523 : i32 to index
      %swap3A_527 = tpu.vector_load %arg10[%swap3A_525, %swap3A_526] {strides = array<i32>} : memref<8x2048xf32, #tpu.memory_space<vmem>>, vector<1x16xf32>,
      %swap3A_528 = vector.shape_cast %swap3A_527 : vector<1x16xf32> to vector<16xf32>
      %swap3A_529 = vector.shape_cast %add3A_521 : vector<16xf32> to vector<1x16xf32>
      tpu.vector_store %arg10[%swap3A_525, %swap3A_526], %swap3A_529 {strides = array<i32>} : memref<8x2048xf32, #tpu.memory_space<vmem>>, vector<1x16xf32>,
      %mul3A_530 = arith.constant 16 : i32
      %mul3A_531 = arith.muli %scan3A_470, %mul3A_530 : i32
      %get3A_532 = arith.constant 2 : i32
      %get3A_533 = arith.index_cast %get3A_532 : i32 to index
      %get3A_534 = arith.index_cast %mul3A_531 : i32 to index
      %get3A_535 = tpu.vector_load %arg10[%get3A_533, %get3A_534] {strides = array<i32>} : memref<8x2048xf32, #tpu.memory_space<vmem>>, vector<1x16xf32>,
      %get3A_536 = vector.shape_cast %get3A_535 : vector<1x16xf32> to vector<16xf32>
      %mul3A_537 = arith.constant 16 : i32
      %mul3A_538 = arith.muli %scan3A_470, %mul3A_537 : i32
      %get3A_539 = arith.constant 2 : i32
      %get3A_540 = arith.index_cast %get3A_539 : i32 to index
      %get3A_541 = arith.index_cast %mul3A_538 : i32 to index
      %get3A_542 = tpu.vector_load %arg12[%get3A_540, %get3A_541] {strides = array<i32>} : memref<8x2048xf32, #tpu.memory_space<vmem>>, vector<1x16xf32>,
      %get3A_543 = vector.shape_cast %get3A_542 : vector<1x16xf32> to vector<16xf32>
      %slice3A_544 = vector.extract_strided_slice %get3A_442 {offsets = [10], sizes = [1], strides = [1]} : vector<16xf32> to vector<1xf32>
      %squeeze3A_545 = vector.extract %slice3A_544[0] : f32 from vector<1xf32>
      %mul3A_546 = vector.broadcast %squeeze3A_545 : f32 to vector<16xf32>
      %mul3A_547 = arith.mulf %mul3A_546, %get3A_536 : vector<16xf32>
      %slice3A_548 = vector.extract_strided_slice %get3A_449 {offsets = [10], sizes = [1], strides = [1]} : vector<16xf32> to vector<1xf32>
      %squeeze3A_549 = vector.extract %slice3A_548[0] : f32 from vector<1xf32>
      %mul3A_550 = vector.broadcast %squeeze3A_549 : f32 to vector<16xf32>
      %mul3A_551 = arith.mulf %mul3A_550, %get3A_543 : vector<16xf32>
      %add3A_552 = arith.addf %mul3A_547, %mul3A_551 : vector<16xf32>
      %mul3A_553 = arith.constant 16 : i32
      %mul3A_554 = arith.muli %scan3A_470, %mul3A_553 : i32
      %swap3A_555 = arith.constant 2 : i32
      %swap3A_556 = arith.index_cast %swap3A_555 : i32 to index
      %swap3A_557 = arith.index_cast %mul3A_554 : i32 to index
      %swap3A_558 = tpu.vector_load %arg10[%swap3A_556, %swap3A_557] {strides = array<i32>} : memref<8x2048xf32, #tpu.memory_space<vmem>>, vector<1x16xf32>,
      %swap3A_559 = vector.shape_cast %swap3A_558 : vector<1x16xf32> to vector<16xf32>
      %swap3A_560 = vector.shape_cast %add3A_552 : vector<16xf32> to vector<1x16xf32>
      tpu.vector_store %arg10[%swap3A_556, %swap3A_557], %swap3A_560 {strides = array<i32>} : memref<8x2048xf32, #tpu.memory_space<vmem>>, vector<1x16xf32>,
      %mul3A_561 = arith.constant 16 : i32
      %mul3A_562 = arith.muli %scan3A_470, %mul3A_561 : i32
      %get3A_563 = arith.constant 3 : i32
      %get3A_564 = arith.index_cast %get3A_563 : i32 to index
      %get3A_565 = arith.index_cast %mul3A_562 : i32 to index
      %get3A_566 = tpu.vector_load %arg10[%get3A_564, %get3A_565] {strides = array<i32>} : memref<8x2048xf32, #tpu.memory_space<vmem>>, vector<1x16xf32>,
      %get3A_567 = vector.shape_cast %get3A_566 : vector<1x16xf32> to vector<16xf32>
      %mul3A_568 = arith.constant 16 : i32
      %mul3A_569 = arith.muli %scan3A_470, %mul3A_568 : i32
      %get3A_570 = arith.constant 3 : i32
      %get3A_571 = arith.index_cast %get3A_570 : i32 to index
      %get3A_572 = arith.index_cast %mul3A_569 : i32 to index
      %get3A_573 = tpu.vector_load %arg12[%get3A_571, %get3A_572] {strides = array<i32>} : memref<8x2048xf32, #tpu.memory_space<vmem>>, vector<1x16xf32>,
      %get3A_574 = vector.shape_cast %get3A_573 : vector<1x16xf32> to vector<16xf32>
      %slice3A_575 = vector.extract_strided_slice %get3A_442 {offsets = [11], sizes = [1], strides = [1]} : vector<16xf32> to vector<1xf32>
      %squeeze3A_576 = vector.extract %slice3A_575[0] : f32 from vector<1xf32>
      %mul3A_577 = vector.broadcast %squeeze3A_576 : f32 to vector<16xf32>
      %mul3A_578 = arith.mulf %mul3A_577, %get3A_567 : vector<16xf32>
      %slice3A_579 = vector.extract_strided_slice %get3A_449 {offsets = [11], sizes = [1], strides = [1]} : vector<16xf32> to vector<1xf32>
      %squeeze3A_580 = vector.extract %slice3A_579[0] : f32 from vector<1xf32>
      %mul3A_581 = vector.broadcast %squeeze3A_580 : f32 to vector<16xf32>
      %mul3A_582 = arith.mulf %mul3A_581, %get3A_574 : vector<16xf32>
      %add3A_583 = arith.addf %mul3A_578, %mul3A_582 : vector<16xf32>
      %mul3A_584 = arith.constant 16 : i32
      %mul3A_585 = arith.muli %scan3A_470, %mul3A_584 : i32
      %swap3A_586 = arith.constant 3 : i32
      %swap3A_587 = arith.index_cast %swap3A_586 : i32 to index
      %swap3A_588 = arith.index_cast %mul3A_585 : i32 to index
      %swap3A_589 = tpu.vector_load %arg10[%swap3A_587, %swap3A_588] {strides = array<i32>} : memref<8x2048xf32, #tpu.memory_space<vmem>>, vector<1x16xf32>,
      %swap3A_590 = vector.shape_cast %swap3A_589 : vector<1x16xf32> to vector<16xf32>
      %swap3A_591 = vector.shape_cast %add3A_583 : vector<16xf32> to vector<1x16xf32>
      tpu.vector_store %arg10[%swap3A_587, %swap3A_588], %swap3A_591 {strides = array<i32>} : memref<8x2048xf32, #tpu.memory_space<vmem>>, vector<1x16xf32>,
      %mul3A_592 = arith.constant 16 : i32
      %mul3A_593 = arith.muli %scan3A_470, %mul3A_592 : i32
      %get3A_594 = arith.constant 4 : i32
      %get3A_595 = arith.index_cast %get3A_594 : i32 to index
      %get3A_596 = arith.index_cast %mul3A_593 : i32 to index
      %get3A_597 = tpu.vector_load %arg10[%get3A_595, %get3A_596] {strides = array<i32>} : memref<8x2048xf32, #tpu.memory_space<vmem>>, vector<1x16xf32>,
      %get3A_598 = vector.shape_cast %get3A_597 : vector<1x16xf32> to vector<16xf32>
      %mul3A_599 = arith.constant 16 : i32
      %mul3A_600 = arith.muli %scan3A_470, %mul3A_599 : i32
      %get3A_601 = arith.constant 4 : i32
      %get3A_602 = arith.index_cast %get3A_601 : i32 to index
      %get3A_603 = arith.index_cast %mul3A_600 : i32 to index
      %get3A_604 = tpu.vector_load %arg12[%get3A_602, %get3A_603] {strides = array<i32>} : memref<8x2048xf32, #tpu.memory_space<vmem>>, vector<1x16xf32>,
      %get3A_605 = vector.shape_cast %get3A_604 : vector<1x16xf32> to vector<16xf32>
      %slice3A_606 = vector.extract_strided_slice %get3A_442 {offsets = [12], sizes = [1], strides = [1]} : vector<16xf32> to vector<1xf32>
      %squeeze3A_607 = vector.extract %slice3A_606[0] : f32 from vector<1xf32>
      %mul3A_608 = vector.broadcast %squeeze3A_607 : f32 to vector<16xf32>
      %mul3A_609 = arith.mulf %mul3A_608, %get3A_598 : vector<16xf32>
      %slice3A_610 = vector.extract_strided_slice %get3A_449 {offsets = [12], sizes = [1], strides = [1]} : vector<16xf32> to vector<1xf32>
      %squeeze3A_611 = vector.extract %slice3A_610[0] : f32 from vector<1xf32>
      %mul3A_612 = vector.broadcast %squeeze3A_611 : f32 to vector<16xf32>
      %mul3A_613 = arith.mulf %mul3A_612, %get3A_605 : vector<16xf32>
      %add3A_614 = arith.addf %mul3A_609, %mul3A_613 : vector<16xf32>
      %mul3A_615 = arith.constant 16 : i32
      %mul3A_616 = arith.muli %scan3A_470, %mul3A_615 : i32
      %swap3A_617 = arith.constant 4 : i32
      %swap3A_618 = arith.index_cast %swap3A_617 : i32 to index
      %swap3A_619 = arith.index_cast %mul3A_616 : i32 to index
      %swap3A_620 = tpu.vector_load %arg10[%swap3A_618, %swap3A_619] {strides = array<i32>} : memref<8x2048xf32, #tpu.memory_space<vmem>>, vector<1x16xf32>,
      %swap3A_621 = vector.shape_cast %swap3A_620 : vector<1x16xf32> to vector<16xf32>
      %swap3A_622 = vector.shape_cast %add3A_614 : vector<16xf32> to vector<1x16xf32>
      tpu.vector_store %arg10[%swap3A_618, %swap3A_619], %swap3A_622 {strides = array<i32>} : memref<8x2048xf32, #tpu.memory_space<vmem>>, vector<1x16xf32>,
      %mul3A_623 = arith.constant 16 : i32
      %mul3A_624 = arith.muli %scan3A_470, %mul3A_623 : i32
      %get3A_625 = arith.constant 5 : i32
      %get3A_626 = arith.index_cast %get3A_625 : i32 to index
      %get3A_627 = arith.index_cast %mul3A_624 : i32 to index
      %get3A_628 = tpu.vector_load %arg10[%get3A_626, %get3A_627] {strides = array<i32>} : memref<8x2048xf32, #tpu.memory_space<vmem>>, vector<1x16xf32>,
      %get3A_629 = vector.shape_cast %get3A_628 : vector<1x16xf32> to vector<16xf32>
      %mul3A_630 = arith.constant 16 : i32
      %mul3A_631 = arith.muli %scan3A_470, %mul3A_630 : i32
      %get3A_632 = arith.constant 5 : i32
      %get3A_633 = arith.index_cast %get3A_632 : i32 to index
      %get3A_634 = arith.index_cast %mul3A_631 : i32 to index
      %get3A_635 = tpu.vector_load %arg12[%get3A_633, %get3A_634] {strides = array<i32>} : memref<8x2048xf32, #tpu.memory_space<vmem>>, vector<1x16xf32>,
      %get3A_636 = vector.shape_cast %get3A_635 : vector<1x16xf32> to vector<16xf32>
      %slice3A_637 = vector.extract_strided_slice %get3A_442 {offsets = [13], sizes = [1], strides = [1]} : vector<16xf32> to vector<1xf32>
      %squeeze3A_638 = vector.extract %slice3A_637[0] : f32 from vector<1xf32>
      %mul3A_639 = vector.broadcast %squeeze3A_638 : f32 to vector<16xf32>
      %mul3A_640 = arith.mulf %mul3A_639, %get3A_629 : vector<16xf32>
      %slice3A_641 = vector.extract_strided_slice %get3A_449 {offsets = [13], sizes = [1], strides = [1]} : vector<16xf32> to vector<1xf32>
      %squeeze3A_642 = vector.extract %slice3A_641[0] : f32 from vector<1xf32>
      %mul3A_643 = vector.broadcast %squeeze3A_642 : f32 to vector<16xf32>
      %mul3A_644 = arith.mulf %mul3A_643, %get3A_636 : vector<16xf32>
      %add3A_645 = arith.addf %mul3A_640, %mul3A_644 : vector<16xf32>
      %mul3A_646 = arith.constant 16 : i32
      %mul3A_647 = arith.muli %scan3A_470, %mul3A_646 : i32
      %swap3A_648 = arith.constant 5 : i32
      %swap3A_649 = arith.index_cast %swap3A_648 : i32 to index
      %swap3A_650 = arith.index_cast %mul3A_647 : i32 to index
      %swap3A_651 = tpu.vector_load %arg10[%swap3A_649, %swap3A_650] {strides = array<i32>} : memref<8x2048xf32, #tpu.memory_space<vmem>>, vector<1x16xf32>,
      %swap3A_652 = vector.shape_cast %swap3A_651 : vector<1x16xf32> to vector<16xf32>
      %swap3A_653 = vector.shape_cast %add3A_645 : vector<16xf32> to vector<1x16xf32>
      tpu.vector_store %arg10[%swap3A_649, %swap3A_650], %swap3A_653 {strides = array<i32>} : memref<8x2048xf32, #tpu.memory_space<vmem>>, vector<1x16xf32>,
      %mul3A_654 = arith.constant 16 : i32
      %mul3A_655 = arith.muli %scan3A_470, %mul3A_654 : i32
      %get3A_656 = arith.constant 6 : i32
      %get3A_657 = arith.index_cast %get3A_656 : i32 to index
      %get3A_658 = arith.index_cast %mul3A_655 : i32 to index
      %get3A_659 = tpu.vector_load %arg10[%get3A_657, %get3A_658] {strides = array<i32>} : memref<8x2048xf32, #tpu.memory_space<vmem>>, vector<1x16xf32>,
      %get3A_660 = vector.shape_cast %get3A_659 : vector<1x16xf32> to vector<16xf32>
      %mul3A_661 = arith.constant 16 : i32
      %mul3A_662 = arith.muli %scan3A_470, %mul3A_661 : i32
      %get3A_663 = arith.constant 6 : i32
      %get3A_664 = arith.index_cast %get3A_663 : i32 to index
      %get3A_665 = arith.index_cast %mul3A_662 : i32 to index
      %get3A_666 = tpu.vector_load %arg12[%get3A_664, %get3A_665] {strides = array<i32>} : memref<8x2048xf32, #tpu.memory_space<vmem>>, vector<1x16xf32>,
      %get3A_667 = vector.shape_cast %get3A_666 : vector<1x16xf32> to vector<16xf32>
      %slice3A_668 = vector.extract_strided_slice %get3A_442 {offsets = [14], sizes = [1], strides = [1]} : vector<16xf32> to vector<1xf32>
      %squeeze3A_669 = vector.extract %slice3A_668[0] : f32 from vector<1xf32>
      %mul3A_670 = vector.broadcast %squeeze3A_669 : f32 to vector<16xf32>
      %mul3A_671 = arith.mulf %mul3A_670, %get3A_660 : vector<16xf32>
      %slice3A_672 = vector.extract_strided_slice %get3A_449 {offsets = [14], sizes = [1], strides = [1]} : vector<16xf32> to vector<1xf32>
      %squeeze3A_673 = vector.extract %slice3A_672[0] : f32 from vector<1xf32>
      %mul3A_674 = vector.broadcast %squeeze3A_673 : f32 to vector<16xf32>
      %mul3A_675 = arith.mulf %mul3A_674, %get3A_667 : vector<16xf32>
      %add3A_676 = arith.addf %mul3A_671, %mul3A_675 : vector<16xf32>
      %mul3A_677 = arith.constant 16 : i32
      %mul3A_678 = arith.muli %scan3A_470, %mul3A_677 : i32
      %swap3A_679 = arith.constant 6 : i32
      %swap3A_680 = arith.index_cast %swap3A_679 : i32 to index
      %swap3A_681 = arith.index_cast %mul3A_678 : i32 to index
      %swap3A_682 = tpu.vector_load %arg10[%swap3A_680, %swap3A_681] {strides = array<i32>} : memref<8x2048xf32, #tpu.memory_space<vmem>>, vector<1x16xf32>,
      %swap3A_683 = vector.shape_cast %swap3A_682 : vector<1x16xf32> to vector<16xf32>
      %swap3A_684 = vector.shape_cast %add3A_676 : vector<16xf32> to vector<1x16xf32>
      tpu.vector_store %arg10[%swap3A_680, %swap3A_681], %swap3A_684 {strides = array<i32>} : memref<8x2048xf32, #tpu.memory_space<vmem>>, vector<1x16xf32>,
      %mul3A_685 = arith.constant 16 : i32
      %mul3A_686 = arith.muli %scan3A_470, %mul3A_685 : i32
      %get3A_687 = arith.constant 7 : i32
      %get3A_688 = arith.index_cast %get3A_687 : i32 to index
      %get3A_689 = arith.index_cast %mul3A_686 : i32 to index
      %get3A_690 = tpu.vector_load %arg10[%get3A_688, %get3A_689] {strides = array<i32>} : memref<8x2048xf32, #tpu.memory_space<vmem>>, vector<1x16xf32>,
      %get3A_691 = vector.shape_cast %get3A_690 : vector<1x16xf32> to vector<16xf32>
      %mul3A_692 = arith.constant 16 : i32
      %mul3A_693 = arith.muli %scan3A_470, %mul3A_692 : i32
      %get3A_694 = arith.constant 7 : i32
      %get3A_695 = arith.index_cast %get3A_694 : i32 to index
      %get3A_696 = arith.index_cast %mul3A_693 : i32 to index
      %get3A_697 = tpu.vector_load %arg12[%get3A_695, %get3A_696] {strides = array<i32>} : memref<8x2048xf32, #tpu.memory_space<vmem>>, vector<1x16xf32>,
      %get3A_698 = vector.shape_cast %get3A_697 : vector<1x16xf32> to vector<16xf32>
      %slice3A_699 = vector.extract_strided_slice %get3A_442 {offsets = [15], sizes = [1], strides = [1]} : vector<16xf32> to vector<1xf32>
      %squeeze3A_700 = vector.extract %slice3A_699[0] : f32 from vector<1xf32>
      %mul3A_701 = vector.broadcast %squeeze3A_700 : f32 to vector<16xf32>
      %mul3A_702 = arith.mulf %mul3A_701, %get3A_691 : vector<16xf32>
      %slice3A_703 = vector.extract_strided_slice %get3A_449 {offsets = [15], sizes = [1], strides = [1]} : vector<16xf32> to vector<1xf32>
      %squeeze3A_704 = vector.extract %slice3A_703[0] : f32 from vector<1xf32>
      %mul3A_705 = vector.broadcast %squeeze3A_704 : f32 to vector<16xf32>
      %mul3A_706 = arith.mulf %mul3A_705, %get3A_698 : vector<16xf32>
      %add3A_707 = arith.addf %mul3A_702, %mul3A_706 : vector<16xf32>
      %mul3A_708 = arith.constant 16 : i32
      %mul3A_709 = arith.muli %scan3A_470, %mul3A_708 : i32
      %swap3A_710 = arith.constant 7 : i32
      %swap3A_711 = arith.index_cast %swap3A_710 : i32 to index
      %swap3A_712 = arith.index_cast %mul3A_709 : i32 to index
      %swap3A_713 = tpu.vector_load %arg10[%swap3A_711, %swap3A_712] {strides = array<i32>} : memref<8x2048xf32, #tpu.memory_space<vmem>>, vector<1x16xf32>,
      %swap3A_714 = vector.shape_cast %swap3A_713 : vector<1x16xf32> to vector<16xf32>
      %swap3A_715 = vector.shape_cast %add3A_707 : vector<16xf32> to vector<1x16xf32>
      tpu.vector_store %arg10[%swap3A_711, %swap3A_712], %swap3A_715 {strides = array<i32>} : memref<8x2048xf32, #tpu.memory_space<vmem>>, vector<1x16xf32>,
    }
    %scan3A_455 = arith.constant 128 : i32
    %add3A_456 = arith.constant 56 : i32
    %add3A_457 = arith.addi %mul3A_2, %add3A_456 : i32
    %dma_start3A_458 = arith.constant 0 : i32
    %dma_start3A_459 = tpu.memref_slice %arg5[%add3A_457, %dma_start3A_458] : memref<2048x2048xf32, #tpu.memory_space<hbm>> -> memref<8x2048xf32, #tpu.memory_space<hbm>>
    %dma_start3A_460 = arith.constant 0 : i32
    %dma_start3A_461 = tpu.memref_slice %arg5[%add3A_457, %dma_start3A_460] : memref<2048x2048xf32, #tpu.memory_space<hbm>> -> memref<8x2048xf32, #tpu.memory_space<hbm>>
    tpu.enqueue_dma source(%arg10 : memref<8x2048xf32, #tpu.memory_space<vmem>>) target(%dma_start3A_461 : memref<8x2048xf32, #tpu.memory_space<hbm>>) target_semaphore(%arg18 : memref<!tpu.dma_semaphore, #tpu.memory_space<semaphore_mem>>)
    %dma_wait3A_462 = arith.constant 0 : i32
    %dma_wait3A_463 = tpu.memref_slice %arg5[%add3A_417, %dma_wait3A_462] : memref<2048x2048xf32, #tpu.memory_space<hbm>> -> memref<8x2048xf32, #tpu.memory_space<hbm>>
    %dma_wait3A_464 = arith.constant 0 : i32
    %dma_wait3A_465 = tpu.memref_slice %arg5[%add3A_417, %dma_wait3A_464] : memref<2048x2048xf32, #tpu.memory_space<hbm>> -> memref<8x2048xf32, #tpu.memory_space<hbm>>
    tpu.wait_dma2 semaphore(%arg17 : memref<!tpu.dma_semaphore, #tpu.memory_space<semaphore_mem>>) src(%arg9 : memref<8x2048xf32, #tpu.memory_space<vmem>>) dst(%dma_wait3A_465 : memref<8x2048xf32, #tpu.memory_space<hbm>>)
    %dma_wait3A_466 = arith.constant 0 : i32
    %dma_wait3A_467 = tpu.memref_slice %arg5[%add3A_457, %dma_wait3A_466] : memref<2048x2048xf32, #tpu.memory_space<hbm>> -> memref<8x2048xf32, #tpu.memory_space<hbm>>
    %dma_wait3A_468 = arith.constant 0 : i32
    %dma_wait3A_469 = tpu.memref_slice %arg5[%add3A_457, %dma_wait3A_468] : memref<2048x2048xf32, #tpu.memory_space<hbm>> -> memref<8x2048xf32, #tpu.memory_space<hbm>>
    tpu.wait_dma2 semaphore(%arg18 : memref<!tpu.dma_semaphore, #tpu.memory_space<semaphore_mem>>) src(%arg10 : memref<8x2048xf32, #tpu.memory_space<vmem>>) dst(%dma_wait3A_469 : memref<8x2048xf32, #tpu.memory_space<hbm>>)
    return
  }
}

module attributes {stable_mosaic.version = 14 : i64} {
  func.func @_route_body(%arg0: memref<2048x8xf32, #tpu.memory_space<vmem>>, %arg1: memref<2x2048xi32, #tpu.memory_space<vmem>>, %arg2: memref<2x2048xf32, #tpu.memory_space<vmem>>, %arg3: memref<3x128xi32, #tpu.memory_space<vmem>>) attributes {dimension_semantics = [], scalar_prefetch = 0 : i64, scratch_operands = 0 : i64, tpu.core_type = #tpu.core_type<tc>} {
    %get3A = arith.constant 0 : index
    %get3A_0 = arith.constant 0 : index
    %get3A_1 = vector.load %arg0[%get3A, %get3A_0] : memref<2048x8xf32, #tpu.memory_space<vmem>>, vector<2048x8xf32>
    %iota3A = tpu.iota {dimensions = array<i32: 1>} : vector<2048x8xi32>
    %reduce_max3A = arith.constant dense<0xFF800000> : vector<2048xf32>
    %reduce_max3A_2 = vector.multi_reduction <maximumf>, %get3A_1, %reduce_max3A [1] : vector<2048x8xf32> to vector<2048xf32>
    %broadcast_in_dim3A = vector.shape_cast %reduce_max3A_2 : vector<2048xf32> to vector<2048x1xf32>
    %eq3A = vector.broadcast %broadcast_in_dim3A : vector<2048x1xf32> to vector<2048x8xf32>
    %eq3A_3 = arith.cmpf oeq, %get3A_1, %eq3A : vector<2048x8xf32>
    %jit3A = arith.constant 8 : i32
    %broadcast_in_dim3A_4 = vector.broadcast %jit3A : i32 to vector<2048x8xi32>
    %select_n3A = arith.select %eq3A_3, %iota3A, %broadcast_in_dim3A_4 : vector<2048x8xi1>, vector<2048x8xi32>
    %reduce_min3A = arith.constant dense<2147483647> : vector<2048xi32>
    %reduce_min3A_5 = vector.multi_reduction <minsi>, %select_n3A, %reduce_min3A [1] : vector<2048x8xi32> to vector<2048xi32>
    %broadcast_in_dim3A_6 = vector.shape_cast %reduce_min3A_5 : vector<2048xi32> to vector<2048x1xi32>
    %eq3A_7 = vector.broadcast %broadcast_in_dim3A_6 : vector<2048x1xi32> to vector<2048x8xi32>
    %eq3A_8 = arith.cmpi eq, %iota3A, %eq3A_7 : vector<2048x8xi32>
    %jit3A_9 = arith.constant 0xFF800000 : f32
    %broadcast_in_dim3A_10 = vector.broadcast %jit3A_9 : f32 to vector<2048x8xf32>
    %select_n3A_11 = arith.select %eq3A_8, %broadcast_in_dim3A_10, %get3A_1 : vector<2048x8xi1>, vector<2048x8xf32>
    %reduce_max3A_12 = arith.constant dense<0xFF800000> : vector<2048xf32>
    %reduce_max3A_13 = vector.multi_reduction <maximumf>, %select_n3A_11, %reduce_max3A_12 [1] : vector<2048x8xf32> to vector<2048xf32>
    %broadcast_in_dim3A_14 = vector.shape_cast %reduce_max3A_13 : vector<2048xf32> to vector<2048x1xf32>
    %eq3A_15 = vector.broadcast %broadcast_in_dim3A_14 : vector<2048x1xf32> to vector<2048x8xf32>
    %eq3A_16 = arith.cmpf oeq, %select_n3A_11, %eq3A_15 : vector<2048x8xf32>
    %jit3A_17 = arith.constant 8 : i32
    %broadcast_in_dim3A_18 = vector.broadcast %jit3A_17 : i32 to vector<2048x8xi32>
    %select_n3A_19 = arith.select %eq3A_16, %iota3A, %broadcast_in_dim3A_18 : vector<2048x8xi1>, vector<2048x8xi32>
    %reduce_min3A_20 = arith.constant dense<2147483647> : vector<2048xi32>
    %reduce_min3A_21 = vector.multi_reduction <minsi>, %select_n3A_19, %reduce_min3A_20 [1] : vector<2048x8xi32> to vector<2048xi32>
    %squeeze3A = vector.shape_cast %broadcast_in_dim3A : vector<2048x1xf32> to vector<2048xf32>
    %squeeze3A_22 = vector.shape_cast %broadcast_in_dim3A_14 : vector<2048x1xf32> to vector<2048xf32>
    %sub3A = arith.subf %squeeze3A, %squeeze3A_22 : vector<2048xf32>
    %neg3A = arith.constant 0.000000e+00 : f32
    %neg3A_23 = vector.broadcast %neg3A : f32 to vector<2048xf32>
    %neg3A_24 = arith.subf %neg3A_23, %sub3A : vector<2048xf32>
    %exp3A = math.exp %neg3A_24 : vector<2048xf32>
    %add3A = arith.constant 1.000000e+00 : f32
    %add3A_25 = vector.broadcast %add3A : f32 to vector<2048xf32>
    %add3A_26 = arith.addf %add3A_25, %exp3A : vector<2048xf32>
    %div3A = arith.constant 1.000000e+00 : f32
    %div3A_27 = vector.broadcast %div3A : f32 to vector<2048xf32>
    %div3A_28 = arith.divf %div3A_27, %add3A_26 : vector<2048xf32>
    %exp3A_29 = math.exp %sub3A : vector<2048xf32>
    %add3A_30 = arith.constant 1.000000e+00 : f32
    %add3A_31 = vector.broadcast %add3A_30 : f32 to vector<2048xf32>
    %add3A_32 = arith.addf %add3A_31, %exp3A_29 : vector<2048xf32>
    %div3A_33 = arith.constant 1.000000e+00 : f32
    %div3A_34 = vector.broadcast %div3A_33 : f32 to vector<2048xf32>
    %div3A_35 = arith.divf %div3A_34, %add3A_32 : vector<2048xf32>
    %stack3A = vector.shape_cast %div3A_28 : vector<2048xf32> to vector<1x2048xf32>
    %stack3A_36 = vector.shape_cast %div3A_35 : vector<2048xf32> to vector<1x2048xf32>
    %stack3A_37 = tpu.concatenate %stack3A, %stack3A_36 in 0 : vector<1x2048xf32>, vector<1x2048xf32> -> vector<2x2048xf32>
    %swap3A = arith.constant 0 : index
    %swap3A_38 = arith.constant 0 : index
    %swap3A_39 = vector.load %arg2[%swap3A, %swap3A_38] : memref<2x2048xf32, #tpu.memory_space<vmem>>, vector<2x2048xf32>
    tpu.vector_store %arg2[%swap3A, %swap3A_38], %stack3A_37 {strides = array<i32>} : memref<2x2048xf32, #tpu.memory_space<vmem>>, vector<2x2048xf32>,
    %broadcast_in_dim3A_40 = vector.shape_cast %reduce_min3A_5 : vector<2048xi32> to vector<2048x1xi32>
    %eq3A_41 = vector.broadcast %broadcast_in_dim3A_40 : vector<2048x1xi32> to vector<2048x8xi32>
    %eq3A_42 = arith.cmpi eq, %iota3A, %eq3A_41 : vector<2048x8xi32>
    %convert_element_type3A = arith.extui %eq3A_42 : vector<2048x8xi1> to vector<2048x8xi32>
    %convert_element_type3A_43 = arith.sitofp %convert_element_type3A : vector<2048x8xi32> to vector<2048x8xf32>
    %broadcast_in_dim3A_44 = vector.shape_cast %reduce_min3A_21 : vector<2048xi32> to vector<2048x1xi32>
    %eq3A_45 = vector.broadcast %broadcast_in_dim3A_44 : vector<2048x1xi32> to vector<2048x8xi32>
    %eq3A_46 = arith.cmpi eq, %iota3A, %eq3A_45 : vector<2048x8xi32>
    %convert_element_type3A_47 = arith.extui %eq3A_46 : vector<2048x8xi1> to vector<2048x8xi32>
    %convert_element_type3A_48 = arith.sitofp %convert_element_type3A_47 : vector<2048x8xi32> to vector<2048x8xf32>
    %concatenate3A = tpu.concatenate %convert_element_type3A_43, %convert_element_type3A_48 in 0 : vector<2048x8xf32>, vector<2048x8xf32> -> vector<4096x8xf32>
    %broadcast_in_dim3A_49 = arith.constant 0.000000e+00 : f32
    %broadcast_in_dim3A_50 = vector.broadcast %broadcast_in_dim3A_49 : f32 to vector<1x8xf32>
    %slice3A = vector.extract_strided_slice %concatenate3A {offsets = [0, 0], sizes = [4095, 8], strides = [1, 1]} : vector<4096x8xf32> to vector<4095x8xf32>
    %concatenate3A_51 = tpu.concatenate %broadcast_in_dim3A_50, %slice3A in 0 : vector<1x8xf32>, vector<4095x8xf32> -> vector<4096x8xf32>
    %add3A_52 = arith.addf %concatenate3A, %concatenate3A_51 : vector<4096x8xf32>
    %broadcast_in_dim3A_53 = arith.constant 0.000000e+00 : f32
    %broadcast_in_dim3A_54 = vector.broadcast %broadcast_in_dim3A_53 : f32 to vector<2x8xf32>
    %slice3A_55 = vector.extract_strided_slice %add3A_52 {offsets = [0, 0], sizes = [4094, 8], strides = [1, 1]} : vector<4096x8xf32> to vector<4094x8xf32>
    %concatenate3A_56 = tpu.concatenate %broadcast_in_dim3A_54, %slice3A_55 in 0 : vector<2x8xf32>, vector<4094x8xf32> -> vector<4096x8xf32>
    %add3A_57 = arith.addf %add3A_52, %concatenate3A_56 : vector<4096x8xf32>
    %broadcast_in_dim3A_58 = arith.constant 0.000000e+00 : f32
    %broadcast_in_dim3A_59 = vector.broadcast %broadcast_in_dim3A_58 : f32 to vector<4x8xf32>
    %slice3A_60 = vector.extract_strided_slice %add3A_57 {offsets = [0, 0], sizes = [4092, 8], strides = [1, 1]} : vector<4096x8xf32> to vector<4092x8xf32>
    %concatenate3A_61 = tpu.concatenate %broadcast_in_dim3A_59, %slice3A_60 in 0 : vector<4x8xf32>, vector<4092x8xf32> -> vector<4096x8xf32>
    %add3A_62 = arith.addf %add3A_57, %concatenate3A_61 : vector<4096x8xf32>
    %broadcast_in_dim3A_63 = arith.constant 0.000000e+00 : f32
    %broadcast_in_dim3A_64 = vector.broadcast %broadcast_in_dim3A_63 : f32 to vector<8x8xf32>
    %slice3A_65 = vector.extract_strided_slice %add3A_62 {offsets = [0, 0], sizes = [4088, 8], strides = [1, 1]} : vector<4096x8xf32> to vector<4088x8xf32>
    %concatenate3A_66 = tpu.concatenate %broadcast_in_dim3A_64, %slice3A_65 in 0 : vector<8x8xf32>, vector<4088x8xf32> -> vector<4096x8xf32>
    %add3A_67 = arith.addf %add3A_62, %concatenate3A_66 : vector<4096x8xf32>
    %broadcast_in_dim3A_68 = arith.constant 0.000000e+00 : f32
    %broadcast_in_dim3A_69 = vector.broadcast %broadcast_in_dim3A_68 : f32 to vector<16x8xf32>
    %slice3A_70 = vector.extract_strided_slice %add3A_67 {offsets = [0, 0], sizes = [4080, 8], strides = [1, 1]} : vector<4096x8xf32> to vector<4080x8xf32>
    %concatenate3A_71 = tpu.concatenate %broadcast_in_dim3A_69, %slice3A_70 in 0 : vector<16x8xf32>, vector<4080x8xf32> -> vector<4096x8xf32>
    %add3A_72 = arith.addf %add3A_67, %concatenate3A_71 : vector<4096x8xf32>
    %broadcast_in_dim3A_73 = arith.constant 0.000000e+00 : f32
    %broadcast_in_dim3A_74 = vector.broadcast %broadcast_in_dim3A_73 : f32 to vector<32x8xf32>
    %slice3A_75 = vector.extract_strided_slice %add3A_72 {offsets = [0, 0], sizes = [4064, 8], strides = [1, 1]} : vector<4096x8xf32> to vector<4064x8xf32>
    %concatenate3A_76 = tpu.concatenate %broadcast_in_dim3A_74, %slice3A_75 in 0 : vector<32x8xf32>, vector<4064x8xf32> -> vector<4096x8xf32>
    %add3A_77 = arith.addf %add3A_72, %concatenate3A_76 : vector<4096x8xf32>
    %broadcast_in_dim3A_78 = arith.constant 0.000000e+00 : f32
    %broadcast_in_dim3A_79 = vector.broadcast %broadcast_in_dim3A_78 : f32 to vector<64x8xf32>
    %slice3A_80 = vector.extract_strided_slice %add3A_77 {offsets = [0, 0], sizes = [4032, 8], strides = [1, 1]} : vector<4096x8xf32> to vector<4032x8xf32>
    %concatenate3A_81 = tpu.concatenate %broadcast_in_dim3A_79, %slice3A_80 in 0 : vector<64x8xf32>, vector<4032x8xf32> -> vector<4096x8xf32>
    %add3A_82 = arith.addf %add3A_77, %concatenate3A_81 : vector<4096x8xf32>
    %broadcast_in_dim3A_83 = arith.constant 0.000000e+00 : f32
    %broadcast_in_dim3A_84 = vector.broadcast %broadcast_in_dim3A_83 : f32 to vector<128x8xf32>
    %slice3A_85 = vector.extract_strided_slice %add3A_82 {offsets = [0, 0], sizes = [3968, 8], strides = [1, 1]} : vector<4096x8xf32> to vector<3968x8xf32>
    %concatenate3A_86 = tpu.concatenate %broadcast_in_dim3A_84, %slice3A_85 in 0 : vector<128x8xf32>, vector<3968x8xf32> -> vector<4096x8xf32>
    %add3A_87 = arith.addf %add3A_82, %concatenate3A_86 : vector<4096x8xf32>
    %broadcast_in_dim3A_88 = arith.constant 0.000000e+00 : f32
    %broadcast_in_dim3A_89 = vector.broadcast %broadcast_in_dim3A_88 : f32 to vector<256x8xf32>
    %slice3A_90 = vector.extract_strided_slice %add3A_87 {offsets = [0, 0], sizes = [3840, 8], strides = [1, 1]} : vector<4096x8xf32> to vector<3840x8xf32>
    %concatenate3A_91 = tpu.concatenate %broadcast_in_dim3A_89, %slice3A_90 in 0 : vector<256x8xf32>, vector<3840x8xf32> -> vector<4096x8xf32>
    %add3A_92 = arith.addf %add3A_87, %concatenate3A_91 : vector<4096x8xf32>
    %broadcast_in_dim3A_93 = arith.constant 0.000000e+00 : f32
    %broadcast_in_dim3A_94 = vector.broadcast %broadcast_in_dim3A_93 : f32 to vector<512x8xf32>
    %slice3A_95 = vector.extract_strided_slice %add3A_92 {offsets = [0, 0], sizes = [3584, 8], strides = [1, 1]} : vector<4096x8xf32> to vector<3584x8xf32>
    %concatenate3A_96 = tpu.concatenate %broadcast_in_dim3A_94, %slice3A_95 in 0 : vector<512x8xf32>, vector<3584x8xf32> -> vector<4096x8xf32>
    %add3A_97 = arith.addf %add3A_92, %concatenate3A_96 : vector<4096x8xf32>
    %broadcast_in_dim3A_98 = arith.constant 0.000000e+00 : f32
    %broadcast_in_dim3A_99 = vector.broadcast %broadcast_in_dim3A_98 : f32 to vector<1024x8xf32>
    %slice3A_100 = vector.extract_strided_slice %add3A_97 {offsets = [0, 0], sizes = [3072, 8], strides = [1, 1]} : vector<4096x8xf32> to vector<3072x8xf32>
    %concatenate3A_101 = tpu.concatenate %broadcast_in_dim3A_99, %slice3A_100 in 0 : vector<1024x8xf32>, vector<3072x8xf32> -> vector<4096x8xf32>
    %add3A_102 = arith.addf %add3A_97, %concatenate3A_101 : vector<4096x8xf32>
    %broadcast_in_dim3A_103 = arith.constant 0.000000e+00 : f32
    %broadcast_in_dim3A_104 = vector.broadcast %broadcast_in_dim3A_103 : f32 to vector<2048x8xf32>
    %slice3A_105 = vector.extract_strided_slice %add3A_102 {offsets = [0, 0], sizes = [2048, 8], strides = [1, 1]} : vector<4096x8xf32> to vector<2048x8xf32>
    %concatenate3A_106 = tpu.concatenate %broadcast_in_dim3A_104, %slice3A_105 in 0 : vector<2048x8xf32>, vector<2048x8xf32> -> vector<4096x8xf32>
    %add3A_107 = arith.addf %add3A_102, %concatenate3A_106 : vector<4096x8xf32>
    %slice3A_108 = vector.extract_strided_slice %add3A_107 {offsets = [4095, 0], sizes = [1, 8], strides = [1, 1]} : vector<4096x8xf32> to vector<1x8xf32>
    %mul3A = arith.constant 0.00173611112 : f32
    %mul3A_109 = vector.broadcast %mul3A : f32 to vector<1x8xf32>
    %mul3A_110 = arith.mulf %slice3A_108, %mul3A_109 : vector<1x8xf32>
    %ceil3A = math.ceil %mul3A_110 : vector<1x8xf32>
    %broadcast_in_dim3A_111 = arith.constant 0.000000e+00 : f32
    %broadcast_in_dim3A_112 = vector.broadcast %broadcast_in_dim3A_111 : f32 to vector<1x1xf32>
    %slice3A_113 = vector.extract_strided_slice %ceil3A {offsets = [0, 0], sizes = [1, 7], strides = [1, 1]} : vector<1x8xf32> to vector<1x7xf32>
    %concatenate3A_114 = tpu.concatenate %broadcast_in_dim3A_112, %slice3A_113 in 1 : vector<1x1xf32>, vector<1x7xf32> -> vector<1x8xf32>
    %add3A_115 = arith.addf %ceil3A, %concatenate3A_114 : vector<1x8xf32>
    %broadcast_in_dim3A_116 = arith.constant 0.000000e+00 : f32
    %broadcast_in_dim3A_117 = vector.broadcast %broadcast_in_dim3A_116 : f32 to vector<1x2xf32>
    %slice3A_118 = vector.extract_strided_slice %add3A_115 {offsets = [0, 0], sizes = [1, 6], strides = [1, 1]} : vector<1x8xf32> to vector<1x6xf32>
    %concatenate3A_119 = tpu.concatenate %broadcast_in_dim3A_117, %slice3A_118 in 1 : vector<1x2xf32>, vector<1x6xf32> -> vector<1x8xf32>
    %add3A_120 = arith.addf %add3A_115, %concatenate3A_119 : vector<1x8xf32>
    %broadcast_in_dim3A_121 = arith.constant 0.000000e+00 : f32
    %broadcast_in_dim3A_122 = vector.broadcast %broadcast_in_dim3A_121 : f32 to vector<1x4xf32>
    %slice3A_123 = vector.extract_strided_slice %add3A_120 {offsets = [0, 0], sizes = [1, 4], strides = [1, 1]} : vector<1x8xf32> to vector<1x4xf32>
    %concatenate3A_124 = tpu.concatenate %broadcast_in_dim3A_122, %slice3A_123 in 1 : vector<1x4xf32>, vector<1x4xf32> -> vector<1x8xf32>
    %add3A_125 = arith.addf %add3A_120, %concatenate3A_124 : vector<1x8xf32>
    %sub3A_126 = arith.subf %add3A_125, %ceil3A : vector<1x8xf32>
    %mul3A_127 = arith.constant 5.760000e+02 : f32
    %mul3A_128 = vector.broadcast %mul3A_127 : f32 to vector<1x8xf32>
    %mul3A_129 = arith.mulf %sub3A_126, %mul3A_128 : vector<1x8xf32>
    %add3A_130 = vector.broadcast %mul3A_129 : vector<1x8xf32> to vector<4096x8xf32>
    %add3A_131 = arith.addf %add3A_130, %add3A_107 : vector<4096x8xf32>
    %sub3A_132 = arith.constant 1.000000e+00 : f32
    %sub3A_133 = vector.broadcast %sub3A_132 : f32 to vector<4096x8xf32>
    %sub3A_134 = arith.subf %add3A_131, %sub3A_133 : vector<4096x8xf32>
    %mul3A_135 = arith.mulf %concatenate3A, %sub3A_134 : vector<4096x8xf32>
    %reduce_sum3A = arith.constant dense<0.000000e+00> : vector<4096xf32>
    %reduce_sum3A_136 = vector.multi_reduction <add>, %mul3A_135, %reduce_sum3A [1] : vector<4096x8xf32> to vector<4096xf32>
    %reshape3A = vector.shape_cast %reduce_sum3A_136 : vector<4096xf32> to vector<2x2048xf32>
    %convert_element_type3A_137 = arith.fptosi %reshape3A : vector<2x2048xf32> to vector<2x2048xi32>
    %swap3A_138 = arith.constant 0 : index
    %swap3A_139 = arith.constant 0 : index
    %swap3A_140 = vector.load %arg1[%swap3A_138, %swap3A_139] : memref<2x2048xi32, #tpu.memory_space<vmem>>, vector<2x2048xi32>
    tpu.vector_store %arg1[%swap3A_138, %swap3A_139], %convert_element_type3A_137 {strides = array<i32>} : memref<2x2048xi32, #tpu.memory_space<vmem>>, vector<2x2048xi32>,
    %iota3A_141 = tpu.iota {dimensions = array<i32: 1>} : vector<1x128xi32>
    %convert_element_type3A_142 = arith.sitofp %iota3A_141 : vector<1x128xi32> to vector<1x128xf32>
    %broadcast_in_dim3A_143 = arith.constant 1.000000e+00 : f32
    %broadcast_in_dim3A_144 = vector.broadcast %broadcast_in_dim3A_143 : f32 to vector<1x128xf32>
    %neg3A_145 = arith.constant 0.000000e+00 : f32
    %neg3A_146 = vector.broadcast %neg3A_145 : f32 to vector<1x128xf32>
    %neg3A_147 = arith.subf %neg3A_146, %broadcast_in_dim3A_144 : vector<1x128xf32>
    %slice3A_148 = vector.extract_strided_slice %sub3A_126 {offsets = [0, 0], sizes = [1, 1], strides = [1, 1]} : vector<1x8xf32> to vector<1x1xf32>
    %squeeze3A_149 = vector.extract %slice3A_148[0, 0] : f32 from vector<1x1xf32>
    %ge3A = vector.broadcast %squeeze3A_149 : f32 to vector<1x128xf32>
    %ge3A_150 = arith.cmpf oge, %convert_element_type3A_142, %ge3A : vector<1x128xf32>
    %convert_element_type3A_151 = arith.extui %ge3A_150 : vector<1x128xi1> to vector<1x128xi32>
    %convert_element_type3A_152 = arith.sitofp %convert_element_type3A_151 : vector<1x128xi32> to vector<1x128xf32>
    %add3A_153 = arith.addf %neg3A_147, %convert_element_type3A_152 : vector<1x128xf32>
    %slice3A_154 = vector.extract_strided_slice %sub3A_126 {offsets = [0, 1], sizes = [1, 1], strides = [1, 1]} : vector<1x8xf32> to vector<1x1xf32>
    %squeeze3A_155 = vector.extract %slice3A_154[0, 0] : f32 from vector<1x1xf32>
    %ge3A_156 = vector.broadcast %squeeze3A_155 : f32 to vector<1x128xf32>
    %ge3A_157 = arith.cmpf oge, %convert_element_type3A_142, %ge3A_156 : vector<1x128xf32>
    %convert_element_type3A_158 = arith.extui %ge3A_157 : vector<1x128xi1> to vector<1x128xi32>
    %convert_element_type3A_159 = arith.sitofp %convert_element_type3A_158 : vector<1x128xi32> to vector<1x128xf32>
    %add3A_160 = arith.addf %add3A_153, %convert_element_type3A_159 : vector<1x128xf32>
    %slice3A_161 = vector.extract_strided_slice %sub3A_126 {offsets = [0, 2], sizes = [1, 1], strides = [1, 1]} : vector<1x8xf32> to vector<1x1xf32>
    %squeeze3A_162 = vector.extract %slice3A_161[0, 0] : f32 from vector<1x1xf32>
    %ge3A_163 = vector.broadcast %squeeze3A_162 : f32 to vector<1x128xf32>
    %ge3A_164 = arith.cmpf oge, %convert_element_type3A_142, %ge3A_163 : vector<1x128xf32>
    %convert_element_type3A_165 = arith.extui %ge3A_164 : vector<1x128xi1> to vector<1x128xi32>
    %convert_element_type3A_166 = arith.sitofp %convert_element_type3A_165 : vector<1x128xi32> to vector<1x128xf32>
    %add3A_167 = arith.addf %add3A_160, %convert_element_type3A_166 : vector<1x128xf32>
    %slice3A_168 = vector.extract_strided_slice %sub3A_126 {offsets = [0, 3], sizes = [1, 1], strides = [1, 1]} : vector<1x8xf32> to vector<1x1xf32>
    %squeeze3A_169 = vector.extract %slice3A_168[0, 0] : f32 from vector<1x1xf32>
    %ge3A_170 = vector.broadcast %squeeze3A_169 : f32 to vector<1x128xf32>
    %ge3A_171 = arith.cmpf oge, %convert_element_type3A_142, %ge3A_170 : vector<1x128xf32>
    %convert_element_type3A_172 = arith.extui %ge3A_171 : vector<1x128xi1> to vector<1x128xi32>
    %convert_element_type3A_173 = arith.sitofp %convert_element_type3A_172 : vector<1x128xi32> to vector<1x128xf32>
    %add3A_174 = arith.addf %add3A_167, %convert_element_type3A_173 : vector<1x128xf32>
    %slice3A_175 = vector.extract_strided_slice %sub3A_126 {offsets = [0, 4], sizes = [1, 1], strides = [1, 1]} : vector<1x8xf32> to vector<1x1xf32>
    %squeeze3A_176 = vector.extract %slice3A_175[0, 0] : f32 from vector<1x1xf32>
    %ge3A_177 = vector.broadcast %squeeze3A_176 : f32 to vector<1x128xf32>
    %ge3A_178 = arith.cmpf oge, %convert_element_type3A_142, %ge3A_177 : vector<1x128xf32>
    %convert_element_type3A_179 = arith.extui %ge3A_178 : vector<1x128xi1> to vector<1x128xi32>
    %convert_element_type3A_180 = arith.sitofp %convert_element_type3A_179 : vector<1x128xi32> to vector<1x128xf32>
    %add3A_181 = arith.addf %add3A_174, %convert_element_type3A_180 : vector<1x128xf32>
    %slice3A_182 = vector.extract_strided_slice %sub3A_126 {offsets = [0, 5], sizes = [1, 1], strides = [1, 1]} : vector<1x8xf32> to vector<1x1xf32>
    %squeeze3A_183 = vector.extract %slice3A_182[0, 0] : f32 from vector<1x1xf32>
    %ge3A_184 = vector.broadcast %squeeze3A_183 : f32 to vector<1x128xf32>
    %ge3A_185 = arith.cmpf oge, %convert_element_type3A_142, %ge3A_184 : vector<1x128xf32>
    %convert_element_type3A_186 = arith.extui %ge3A_185 : vector<1x128xi1> to vector<1x128xi32>
    %convert_element_type3A_187 = arith.sitofp %convert_element_type3A_186 : vector<1x128xi32> to vector<1x128xf32>
    %add3A_188 = arith.addf %add3A_181, %convert_element_type3A_187 : vector<1x128xf32>
    %slice3A_189 = vector.extract_strided_slice %sub3A_126 {offsets = [0, 6], sizes = [1, 1], strides = [1, 1]} : vector<1x8xf32> to vector<1x1xf32>
    %squeeze3A_190 = vector.extract %slice3A_189[0, 0] : f32 from vector<1x1xf32>
    %ge3A_191 = vector.broadcast %squeeze3A_190 : f32 to vector<1x128xf32>
    %ge3A_192 = arith.cmpf oge, %convert_element_type3A_142, %ge3A_191 : vector<1x128xf32>
    %convert_element_type3A_193 = arith.extui %ge3A_192 : vector<1x128xi1> to vector<1x128xi32>
    %convert_element_type3A_194 = arith.sitofp %convert_element_type3A_193 : vector<1x128xi32> to vector<1x128xf32>
    %add3A_195 = arith.addf %add3A_188, %convert_element_type3A_194 : vector<1x128xf32>
    %slice3A_196 = vector.extract_strided_slice %sub3A_126 {offsets = [0, 7], sizes = [1, 1], strides = [1, 1]} : vector<1x8xf32> to vector<1x1xf32>
    %squeeze3A_197 = vector.extract %slice3A_196[0, 0] : f32 from vector<1x1xf32>
    %ge3A_198 = vector.broadcast %squeeze3A_197 : f32 to vector<1x128xf32>
    %ge3A_199 = arith.cmpf oge, %convert_element_type3A_142, %ge3A_198 : vector<1x128xf32>
    %convert_element_type3A_200 = arith.extui %ge3A_199 : vector<1x128xi1> to vector<1x128xi32>
    %convert_element_type3A_201 = arith.sitofp %convert_element_type3A_200 : vector<1x128xi32> to vector<1x128xf32>
    %add3A_202 = arith.addf %add3A_195, %convert_element_type3A_201 : vector<1x128xf32>
    %jit3A_203 = arith.constant 0.000000e+00 : f32
    %jit3A_204 = arith.constant 7 : i32
    %max3A = vector.broadcast %jit3A_203 : f32 to vector<1x128xf32>
    %max3A_205 = arith.maximumf %max3A, %add3A_202 : vector<1x128xf32>
    %convert_element_type3A_206 = arith.sitofp %jit3A_204 : i32 to f32
    %min3A = vector.broadcast %convert_element_type3A_206 : f32 to vector<1x128xf32>
    %min3A_207 = arith.minimumf %min3A, %max3A_205 : vector<1x128xf32>
    %slice3A_208 = vector.extract_strided_slice %add3A_125 {offsets = [0, 7], sizes = [1, 1], strides = [1, 1]} : vector<1x8xf32> to vector<1x1xf32>
    %squeeze3A_209 = vector.extract %slice3A_208[0, 0] : f32 from vector<1x1xf32>
    %sub3A_210 = arith.constant 1.000000e+00 : f32
    %sub3A_211 = arith.subf %squeeze3A_209, %sub3A_210 : f32
    %eq3A_212 = vector.broadcast %sub3A_211 : f32 to vector<1x128xf32>
    %eq3A_213 = arith.cmpf oeq, %convert_element_type3A_142, %eq3A_212 : vector<1x128xf32>
    %jit3A_214 = arith.constant 0.000000e+00 : f32
    %broadcast_in_dim3A_215 = vector.broadcast %jit3A_214 : f32 to vector<1x128xf32>
    %select_n3A_216 = arith.select %eq3A_213, %min3A_207, %broadcast_in_dim3A_215 : vector<1x128xi1>, vector<1x128xf32>
    %reduce_sum3A_217 = vector.shape_cast %select_n3A_216 : vector<1x128xf32> to vector<1x1x128xf32>
    %reduce_sum3A_218 = arith.constant dense<0.000000e+00> : vector<1xf32>
    %reduce_sum3A_219 = vector.multi_reduction <add>, %reduce_sum3A_217, %reduce_sum3A_218 [1, 2] : vector<1x1x128xf32> to vector<1xf32>
    %reduce_sum3A_220 = vector.shape_cast %reduce_sum3A_219 : vector<1xf32> to vector<1x1x1xf32>
    %reduce_sum3A_221 = vector.extract %reduce_sum3A_220[0, 0, 0] : f32 from vector<1x1x1xf32>
    %ge3A_222 = vector.broadcast %squeeze3A_209 : f32 to vector<1x128xf32>
    %ge3A_223 = arith.cmpf oge, %convert_element_type3A_142, %ge3A_222 : vector<1x128xf32>
    %convert_element_type3A_224 = arith.extui %ge3A_223 : vector<1x128xi1> to vector<1x128xi32>
    %convert_element_type3A_225 = arith.sitofp %convert_element_type3A_224 : vector<1x128xi32> to vector<1x128xf32>
    %gt3A = arith.constant 0.000000e+00 : f32
    %gt3A_226 = vector.broadcast %gt3A : f32 to vector<1x128xf32>
    %gt3A_227 = arith.cmpf ogt, %convert_element_type3A_225, %gt3A_226 : vector<1x128xf32>
    %broadcast_in_dim3A_228 = vector.broadcast %reduce_sum3A_221 : f32 to vector<1x128xf32>
    %select_n3A_229 = arith.select %gt3A_227, %broadcast_in_dim3A_228, %min3A_207 : vector<1x128xi1>, vector<1x128xf32>
    %sub3A_230 = arith.constant 1.000000e+00 : f32
    %sub3A_231 = arith.subf %squeeze3A_209, %sub3A_230 : f32
    %min3A_232 = vector.broadcast %sub3A_231 : f32 to vector<1x128xf32>
    %min3A_233 = arith.minimumf %convert_element_type3A_142, %min3A_232 : vector<1x128xf32>
    %concatenate3A_234 = tpu.concatenate %select_n3A_229, %convert_element_type3A_225, %min3A_233 in 0 : vector<1x128xf32>, vector<1x128xf32>, vector<1x128xf32> -> vector<3x128xf32>
    %convert_element_type3A_235 = arith.fptosi %concatenate3A_234 : vector<3x128xf32> to vector<3x128xi32>
    %swap3A_236 = arith.constant 0 : index
    %swap3A_237 = arith.constant 0 : index
    %swap3A_238 = vector.load %arg3[%swap3A_236, %swap3A_237] : memref<3x128xi32, #tpu.memory_space<vmem>>, vector<3x128xi32>
    tpu.vector_store %arg3[%swap3A_236, %swap3A_237], %convert_element_type3A_235 {strides = array<i32>} : memref<3x128xi32, #tpu.memory_space<vmem>>, vector<3x128xi32>,
    return
  }
}

module attributes {stable_mosaic.version = 14 : i64} {
  func.func @_ffn_body(%arg0: i32, %arg1: i32, %arg2: memref<3x128xi32, #tpu.memory_space<smem>>, %arg3: memref<576x2048xf32, #tpu.memory_space<vmem>>, %arg4: memref<1x512x2048xf32, #tpu.memory_space<vmem>>, %arg5: memref<1x512x2048xf32, #tpu.memory_space<vmem>>, %arg6: memref<1x2048x512xf32, #tpu.memory_space<vmem>>, %arg7: memref<576x2048xf32, #tpu.memory_space<vmem>>) attributes {dimension_semantics = [#tpu.dimension_semantics<arbitrary>, #tpu.dimension_semantics<arbitrary>], iteration_bounds = array<i64: 14, 8>, scalar_prefetch = 1 : i64, scratch_operands = 0 : i64, tpu.core_type = #tpu.core_type<tc>, window_params = [{transform_indices = @transform_0, window_bounds = array<i64: 576, 2048>}, {transform_indices = @transform_1, window_bounds = array<i64: 1, 512, 2048>}, {transform_indices = @transform_2, window_bounds = array<i64: 1, 512, 2048>}, {transform_indices = @transform_3, window_bounds = array<i64: 1, 2048, 512>}, {transform_indices = @transform_4, window_bounds = array<i64: 576, 2048>}]} {
    %get3A = arith.constant 1 : index
    %get3A_0 = arith.index_cast %arg0 : i32 to index
    %get3A_1 = memref.load %arg2[%get3A, %get3A_0] : memref<3x128xi32, #tpu.memory_space<smem>>
    %eq3A = arith.constant 0 : i32
    %eq3A_2 = arith.cmpi eq, %get3A_1, %eq3A : i32
    %convert_element_type3A = arith.extui %eq3A_2 : i1 to i32
    %cond3A = arith.constant 0 : i32
    %cond3A_3 = arith.cmpi ne, %convert_element_type3A, %cond3A : i32
    scf.if %cond3A_3 {
      %get3A_4 = arith.constant 0 : index
      %get3A_5 = arith.constant 0 : index
      %get3A_6 = vector.load %arg3[%get3A_4, %get3A_5] : memref<576x2048xf32, #tpu.memory_space<vmem>>, vector<576x2048xf32>
      %convert_element_type3A_7 = arith.truncf %get3A_6 : vector<576x2048xf32> to vector<576x2048xbf16>
      %get3A_8 = arith.constant 0 : index
      %get3A_9 = arith.constant 0 : index
      %get3A_10 = arith.constant 0 : index
      %get3A_11 = vector.load %arg4[%get3A_8, %get3A_9, %get3A_10] : memref<1x512x2048xf32, #tpu.memory_space<vmem>>, vector<1x512x2048xf32>
      %get3A_12 = vector.shape_cast %get3A_11 : vector<1x512x2048xf32> to vector<512x2048xf32>
      %convert_element_type3A_13 = arith.truncf %get3A_12 : vector<512x2048xf32> to vector<512x2048xbf16>
      %dot_general3A = arith.constant dense<0.000000e+00> : vector<576x512xf32>
      %dot_general3A_14 = tpu.matmul %convert_element_type3A_7, %convert_element_type3A_13, %dot_general3A {dimension_numbers = #tpu.dot_dimension_numbers<[1], [1], [0], [0], [0, 0, 1, 0], [], []>, transpose_lhs_hint = false} : vector<576x2048xbf16>, vector<512x2048xbf16>, vector<576x512xf32> -> vector<576x512xf32>
      %get3A_15 = arith.constant 0 : index
      %get3A_16 = arith.constant 0 : index
      %get3A_17 = arith.constant 0 : index
      %get3A_18 = vector.load %arg5[%get3A_15, %get3A_16, %get3A_17] : memref<1x512x2048xf32, #tpu.memory_space<vmem>>, vector<1x512x2048xf32>
      %get3A_19 = vector.shape_cast %get3A_18 : vector<1x512x2048xf32> to vector<512x2048xf32>
      %convert_element_type3A_20 = arith.truncf %get3A_19 : vector<512x2048xf32> to vector<512x2048xbf16>
      %dot_general3A_21 = arith.constant dense<0.000000e+00> : vector<576x512xf32>
      %dot_general3A_22 = tpu.matmul %convert_element_type3A_7, %convert_element_type3A_20, %dot_general3A_21 {dimension_numbers = #tpu.dot_dimension_numbers<[1], [1], [0], [0], [0, 0, 1, 0], [], []>, transpose_lhs_hint = false} : vector<576x2048xbf16>, vector<512x2048xbf16>, vector<576x512xf32> -> vector<576x512xf32>
      %logistic3A = arith.negf %dot_general3A_14 : vector<576x512xf32>
      %logistic3A_23 = math.exp %logistic3A : vector<576x512xf32>
      %logistic3A_24 = arith.constant 1.000000e+00 : f32
      %logistic3A_25 = vector.broadcast %logistic3A_24 : f32 to vector<576x512xf32>
      %logistic3A_26 = arith.addf %logistic3A_25, %logistic3A_23 : vector<576x512xf32>
      %logistic3A_27 = arith.divf %logistic3A_25, %logistic3A_26 : vector<576x512xf32>
      %mul3A = arith.mulf %dot_general3A_14, %logistic3A_27 : vector<576x512xf32>
      %mul3A_28 = arith.mulf %mul3A, %dot_general3A_22 : vector<576x512xf32>
      %convert_element_type3A_29 = arith.truncf %mul3A_28 : vector<576x512xf32> to vector<576x512xbf16>
      %get3A_30 = arith.constant 0 : index
      %get3A_31 = arith.constant 0 : index
      %get3A_32 = arith.constant 0 : index
      %get3A_33 = vector.load %arg6[%get3A_30, %get3A_31, %get3A_32] : memref<1x2048x512xf32, #tpu.memory_space<vmem>>, vector<1x2048x512xf32>
      %get3A_34 = vector.shape_cast %get3A_33 : vector<1x2048x512xf32> to vector<2048x512xf32>
      %convert_element_type3A_35 = arith.truncf %get3A_34 : vector<2048x512xf32> to vector<2048x512xbf16>
      %dot_general3A_36 = arith.constant dense<0.000000e+00> : vector<576x2048xf32>
      %dot_general3A_37 = tpu.matmul %convert_element_type3A_29, %convert_element_type3A_35, %dot_general3A_36 {dimension_numbers = #tpu.dot_dimension_numbers<[1], [1], [0], [0], [0, 0, 1, 0], [], []>, transpose_lhs_hint = false} : vector<576x512xbf16>, vector<2048x512xbf16>, vector<576x2048xf32> -> vector<576x2048xf32>
      %eq3A_38 = arith.constant 0 : i32
      %eq3A_39 = arith.cmpi eq, %arg1, %eq3A_38 : i32
      %convert_element_type3A_40 = arith.extui %eq3A_39 : i1 to i32
      %cond3A_41 = arith.constant 0 : i32
      %cond3A_42 = arith.cmpi ne, %convert_element_type3A_40, %cond3A_41 : i32
      scf.if %cond3A_42 {
        %swap3A = arith.constant 0 : index
        %swap3A_47 = arith.constant 0 : index
        %swap3A_48 = vector.load %arg7[%swap3A, %swap3A_47] : memref<576x2048xf32, #tpu.memory_space<vmem>>, vector<576x2048xf32>
        tpu.vector_store %arg7[%swap3A, %swap3A_47], %dot_general3A_37 {strides = array<i32>} : memref<576x2048xf32, #tpu.memory_space<vmem>>, vector<576x2048xf32>,
      } else {
      }
      %gt3A = arith.constant 0 : i32
      %gt3A_43 = arith.cmpi sgt, %arg1, %gt3A : i32
      %convert_element_type3A_44 = arith.extui %gt3A_43 : i1 to i32
      %cond3A_45 = arith.constant 0 : i32
      %cond3A_46 = arith.cmpi ne, %convert_element_type3A_44, %cond3A_45 : i32
      scf.if %cond3A_46 {
        %get3A_47 = arith.constant 0 : index
        %get3A_48 = arith.constant 0 : index
        %get3A_49 = vector.load %arg7[%get3A_47, %get3A_48] : memref<576x2048xf32, #tpu.memory_space<vmem>>, vector<576x2048xf32>
        %add3A = arith.addf %get3A_49, %dot_general3A_37 : vector<576x2048xf32>
        %swap3A = arith.constant 0 : index
        %swap3A_50 = arith.constant 0 : index
        %swap3A_51 = vector.load %arg7[%swap3A, %swap3A_50] : memref<576x2048xf32, #tpu.memory_space<vmem>>, vector<576x2048xf32>
        tpu.vector_store %arg7[%swap3A, %swap3A_50], %add3A {strides = array<i32>} : memref<576x2048xf32, #tpu.memory_space<vmem>>, vector<576x2048xf32>,
      } else {
      }
    } else {
    }
    return
  }
  func.func @transform_0(%arg0: i32, %arg1: i32, %arg2: memref<3x128xi32, #tpu.memory_space<smem>>) -> (i32, i32) {
    %get3A = arith.constant 2 : index
    %get3A_0 = arith.index_cast %arg0 : i32 to index
    %get3A_1 = memref.load %arg2[%get3A, %get3A_0] : memref<3x128xi32, #tpu.memory_space<smem>>
    %c0_i32 = arith.constant 0 : i32
    %c0_i32_2 = arith.constant 0 : i32
    return %get3A_1, %c0_i32 : i32, i32
  }
  func.func @transform_1(%arg0: i32, %arg1: i32, %arg2: memref<3x128xi32, #tpu.memory_space<smem>>) -> (i32, i32, i32) {
    %get3A = arith.constant 0 : index
    %get3A_0 = arith.index_cast %arg0 : i32 to index
    %get3A_1 = memref.load %arg2[%get3A, %get3A_0] : memref<3x128xi32, #tpu.memory_space<smem>>
    %get3A_2 = arith.constant 1 : index
    %get3A_3 = arith.index_cast %arg0 : i32 to index
    %get3A_4 = memref.load %arg2[%get3A_2, %get3A_3] : memref<3x128xi32, #tpu.memory_space<smem>>
    %eq3A = arith.constant 1 : i32
    %eq3A_5 = arith.cmpi eq, %get3A_4, %eq3A : i32
    %jit3A = arith.constant 7 : i32
    %select_n3A = arith.select %eq3A_5, %jit3A, %arg1 : i32
    %c0_i32 = arith.constant 0 : i32
    %c0_i32_6 = arith.constant 0 : i32
    return %get3A_1, %select_n3A, %c0_i32 : i32, i32, i32
  }
  func.func @transform_2(%arg0: i32, %arg1: i32, %arg2: memref<3x128xi32, #tpu.memory_space<smem>>) -> (i32, i32, i32) {
    %get3A = arith.constant 0 : index
    %get3A_0 = arith.index_cast %arg0 : i32 to index
    %get3A_1 = memref.load %arg2[%get3A, %get3A_0] : memref<3x128xi32, #tpu.memory_space<smem>>
    %get3A_2 = arith.constant 1 : index
    %get3A_3 = arith.index_cast %arg0 : i32 to index
    %get3A_4 = memref.load %arg2[%get3A_2, %get3A_3] : memref<3x128xi32, #tpu.memory_space<smem>>
    %eq3A = arith.constant 1 : i32
    %eq3A_5 = arith.cmpi eq, %get3A_4, %eq3A : i32
    %jit3A = arith.constant 7 : i32
    %select_n3A = arith.select %eq3A_5, %jit3A, %arg1 : i32
    %add3A = arith.constant 8 : i32
    %add3A_6 = arith.addi %select_n3A, %add3A : i32
    %c0_i32 = arith.constant 0 : i32
    %c0_i32_7 = arith.constant 0 : i32
    return %get3A_1, %add3A_6, %c0_i32 : i32, i32, i32
  }
  func.func @transform_3(%arg0: i32, %arg1: i32, %arg2: memref<3x128xi32, #tpu.memory_space<smem>>) -> (i32, i32, i32) {
    %get3A = arith.constant 0 : index
    %get3A_0 = arith.index_cast %arg0 : i32 to index
    %get3A_1 = memref.load %arg2[%get3A, %get3A_0] : memref<3x128xi32, #tpu.memory_space<smem>>
    %get3A_2 = arith.constant 1 : index
    %get3A_3 = arith.index_cast %arg0 : i32 to index
    %get3A_4 = memref.load %arg2[%get3A_2, %get3A_3] : memref<3x128xi32, #tpu.memory_space<smem>>
    %eq3A = arith.constant 1 : i32
    %eq3A_5 = arith.cmpi eq, %get3A_4, %eq3A : i32
    %jit3A = arith.constant 7 : i32
    %select_n3A = arith.select %eq3A_5, %jit3A, %arg1 : i32
    %c0_i32 = arith.constant 0 : i32
    %c0_i32_6 = arith.constant 0 : i32
    return %get3A_1, %c0_i32, %select_n3A : i32, i32, i32
  }
  func.func @transform_4(%arg0: i32, %arg1: i32, %arg2: memref<3x128xi32, #tpu.memory_space<smem>>) -> (i32, i32) {
    %get3A = arith.constant 2 : index
    %get3A_0 = arith.index_cast %arg0 : i32 to index
    %get3A_1 = memref.load %arg2[%get3A, %get3A_0] : memref<3x128xi32, #tpu.memory_space<smem>>
    %c0_i32 = arith.constant 0 : i32
    %c0_i32_2 = arith.constant 0 : i32
    return %get3A_1, %c0_i32 : i32, i32
  }
}

</mosaic_0001>

<sc_bundles>
// kernel: kernel.6.cloned.1.call-start
scs
__scs_entry_jumppad:
0x0: {  	(pc) =	sbr.rel $0x88, $3  }
0x1: {  	(tag) =	ssettag $0x0;
	lr =	simm.s32 $0x1  }
0x2: {  	[smem:$0x3F9D] =	sst lr;
	_ =	strace $0xD0000000  }
0x3: {  	_ = 	snop  }
0x4: {  	_ = 	snop  }
0x5: {  	_ = 	snop  }
0x6: {  	_ = 	snop  }
0x7: {  	_ = 	snop  }
__scs_overlays_trampoline_lowered:
0x8: {  	[smem:$0x3FAC] =	sst s0  }
0x9: {  	[smem:$0x3FAD] =	sst s1  }
0xa: {  	[smem:$0x3FAE] =	sst s2  }
0xb: {  	[smem:$0x3FAF] =	sst s3  }
0xc: {  	[smem:$0x3FB0] =	sst s4  }
0xd: {  	[smem:$0x3FB1] =	sst s5  }
0xe: {  	[smem:$0x3FB2] =	sst s6  }
0xf: {  	[smem:$0x3FB3] =	sst s7  }
0x10: {  	[smem:$0x3FB4] =	sst s8  }
0x11: {  	[smem:$0x3FB5] =	sst s9;
	s0 =	simm.s32 @!p0 $0x0  }
0x12: {  	s1 =	sld [smem:$0x3F9B];
	s0 =	simm.s32 @p0 $0x1  }
0x13: {  	[smem:$0x3FB6] =	sst s0;
	s0 =	simm.s32 @!p1 $0x0  }
0x14: {  	s2 =	sld [smem:$0x3F9A];
	s0 =	simm.s32 @p1 $0x1  }
0x15: {  	[smem:$0x3FB7] =	sst s0;
	s0 =	simm.s32 @!p2 $0x0  }
0x16: {  	s3 =	sld [smem:$0x3FDB];
	s0 =	simm.s32 @p2 $0x1  }
0x17: {  	s4 =	simm.s32 $0x1BF5;
	[smem:$0x3FB9] =	sst s0  }
0x18: {  	s0 =	sld [smem:$0x3F9C];
	_ =	swait.ge [sflag:s4], $0x0  }
0x19: {  	s7 =	sld [smem:$0x3F9D]  }
0x1a: {  	s8 =	sadd.s32 $0xFFFFE003, lr  }
0x1b: {  	s9 =	sadd.s32 $0xFFFFFEF7, lr;
	s5 =	simm.s32 $0xFFFFFFFF;
	p2 =	slt.u32 s8, $0xFFFFF086  }
0x1c: {  	p1 =	slt.u32 s9, $0xF7A;
	s5 =	simm.s32 @!p2 $0x0  }
0x1d: {  	s5 =	simm.s32 @p1 $0x1;
	p0 =	seq.s32 s7, s2  }
0x1e: {  	s7 =	smul.u32 @!p0 $0xF7A, s2;
	p2 =	seq.s32 @!p0 s5, $0x0  }
0x1f: {  	s9 =	smul.u32 $0xF7A, s1;
	s8 =	simm.s32 @!p0 $0x1BF5;
	p2 =	por !p2, p0  }
0x20: {  	[sflag:s8] =	ssyncset.s32 @!p0 $0xFFFFF086;
	s6 =	sadd.s32 @!p0 s3, s7;
	s7 =	simm.s32 @!p0 $0x108  }
0x21: {  	s3 =	sadd.s32 s3, s9;
	s6 =	sadd.s32 @!p0 $0x88, s6;
	s7 =	simm.s32 @p2 $0x1082  }
0x22: {  	[simem:s7], [sflag:s8] =	dma.local @!p0 [hbm:s6], $0xF7A  }
0x23: {  	s9 =	sor.u32 $0xD0000000, s2;
	s6 =	simm.s32 $0x108;
	_ =	swait.ge @!p0 [sflag:s8], $0x0  }
0x24: {  	s3 =	sadd.s32 $0x88, s3;
	s6 =	simm.s32 @!p1 $0x1082;
	[sflag:s4] =	ssyncset.s32 $0xFFFFF086  }
0x25: {  	[simem:s6], [sflag:s4] =	dma.local [hbm:s3], $0xF7A  }
0x26: {  	[smem:$0x3F9D] =	sst s1;
	(tag) =	ssettag s2;
	_ =	strace s9  }
0x27: {  	s1 =	sld [smem:$0x3FAD]  }
0x28: {  	s2 =	sld [smem:$0x3FAE]  }
0x29: {  	s4 =	sld [smem:$0x3FB0]  }
0x2a: {  	p0 =	seq.s32 s5, $0x0;
	s5 =	sld [smem:$0x3FB1]  }
0x2b: {  	s6 =	sld [smem:$0x3FB2]  }
0x2c: {  	s7 =	sld [smem:$0x3FB3]  }
0x2d: {  	s3 =	simm.s32 $0x108;
	s8 =	sld [smem:$0x3FB4]  }
0x2e: {  	s3 =	simm.s32 @!p0 $0x1082;
	s9 =	sld [smem:$0x3FB5]  }
0x2f: {  	lr =	sadd.s32 s0, s3;
	s0 =	sld [smem:$0x3FAC]  }
0x30: {  	s3 =	sld [smem:$0x3FAF]  }
0x31: {  	[smem:$0x3FB8] =	sst s10  }
0x32: {  	s10 =	sld [smem:$0x3FB6];
	_ =	sdelay $0x3  }
0x33: {  	p0 =	seq.s32 s10, $0x1;
	s10 =	sld [smem:$0x3FB8];
	_ =	sdelay $0x3  }
0x34: {  	[smem:$0x3FB8] =	sst s10  }
0x35: {  	s10 =	sld [smem:$0x3FB7];
	_ =	sdelay $0x3  }
0x36: {  	p1 =	seq.s32 s10, $0x1;
	s10 =	sld [smem:$0x3FB8];
	_ =	sdelay $0x3  }
0x37: {  	[smem:$0x3FB8] =	sst s10  }
0x38: {  	s10 =	sld [smem:$0x3FB9]  }
0x39: {  	_ = 	snop;
	(pc) =	sbr.ind lr, $3  }
0x3a: {  	_ = 	snop  }
0x3b: {  	_ = 	snop  }
0x3c: {  	p2 =	seq.s32 s10, $0x1;
	s10 =	sld [smem:$0x3FB8]  }
0x3d: {  	_ =	shalt  }
0x3e: {  	_ =	shalt  }
0x3f: {  	_ =	shalt  }
0x40: {  	_ =	shalt  }
0x41: {  	_ =	shalt  }
0x42: {  	_ =	shalt  }
0x43: {  	_ =	shalt  }
0x44: {  	_ =	shalt  }
0x45: {  	_ =	shalt  }
0x46: {  	_ =	shalt  }
0x47: {  	_ =	shalt  }
0x48: {  	_ =	shalt  }
0x49: {  	_ =	shalt  }
0x4a: {  	_ =	shalt  }
0x4b: {  	_ =	shalt  }
0x4c: {  	_ =	shalt  }
0x4d: {  	_ =	shalt  }
0x4e: {  	_ =	shalt  }
0x4f: {  	_ =	shalt  }
0x50: {  	_ =	shalt  }
0x51: {  	_ =	shalt  }
0x52: {  	_ =	shalt  }
0x53: {  	_ =	shalt  }
0x54: {  	_ =	shalt  }
0x55: {  	_ =	shalt  }
0x56: {  	_ =	shalt  }
0x57: {  	_ =	shalt  }
0x58: {  	_ =	shalt  }
0x59: {  	_ =	shalt  }
0x5a: {  	_ =	shalt  }
0x5b: {  	_ =	shalt  }
0x5c: {  	_ =	shalt  }
0x5d: {  	_ =	shalt  }
0x5e: {  	_ =	shalt  }
0x5f: {  	_ =	shalt  }
0x60: {  	_ =	shalt  }
0x61: {  	_ =	shalt  }
0x62: {  	_ =	shalt  }
0x63: {  	_ =	shalt  }
0x64: {  	_ =	shalt  }
0x65: {  	_ =	shalt  }
0x66: {  	_ =	shalt  }
0x67: {  	_ =	shalt  }
0x68: {  	_ =	shalt  }
0x69: {  	_ =	shalt  }
0x6a: {  	_ =	shalt  }
0x6b: {  	_ =	shalt  }
0x6c: {  	_ =	shalt  }
0x6d: {  	_ =	shalt  }
0x6e: {  	_ =	shalt  }
0x6f: {  	_ =	shalt  }
0x70: {  	_ =	shalt  }
0x71: {  	_ =	shalt  }
0x72: {  	_ =	shalt  }
0x73: {  	_ =	shalt  }
0x74: {  	_ =	shalt  }
0x75: {  	_ =	shalt  }
0x76: {  	_ =	shalt  }
0x77: {  	_ =	shalt  }
0x78: {  	_ =	shalt  }
0x79: {  	_ =	shalt  }
0x7a: {  	_ =	shalt  }
0x7b: {  	_ =	shalt  }
0x7c: {  	_ =	shalt  }
0x7d: {  	_ =	shalt  }
0x7e: {  	_ =	shalt  }
0x7f: {  	_ =	shalt  }
0x80: {  	_ =	shalt  }
0x81: {  	_ =	shalt  }
0x82: {  	_ =	shalt  }
0x83: {  	_ =	shalt  }
0x84: {  	_ =	shalt  }
0x85: {  	_ =	shalt  }
0x86: {  	_ =	shalt  }
0x87: {  	_ =	shalt  }
.Lfunc_end0:
.L_simem_size_0:
called_computation_lowered:
.L_overlay_start_0:
0x88: {  	s2 =	sld [smem:$0x3FD9]  }
0x89: {  	s3 =	sld [smem:$0x3FFE];
	_ =	sdelay $0x1  }
0x8a: {  	s1 =	srdreg.scid  }
0x8b: {  	s0 =	sand.u32 $0x1, s1  }
0x8c: {  	s17 =	sshll.u32 s0, $0xA;
	s2 =	sadd.s32 s3, s2  }
0x8d: {  	s2 =	sadd.s32 s2, s17  }
0x8e: {  	[smem:$0x3FC4] =	sst s2  }
0x8f: {  	_ = 	snop  }
0x90: {  	s2 =	sld [smem:$0x3FC9]  }
0x91: {  	s18 =	sld [smem:$0x3FD0];
	(tm) =	ssettm $0x1  }
0x92: {  	s4 =	sld [smem:$0x3FFB];
	_ =	sdelay $0x3  }
0x93: {  	_ =	strace s4  }
0x94: {  	s4 =	sld [smem:$0x3FFC];
	_ =	sdelay $0x3  }
0x95: {  	_ =	strace s4  }
0x96: {  	s4 =	sld [smem:$0x3FFD];
	_ =	sdelay $0x3  }
0x97: {  	_ =	strace s4  }
0x98: {  	_ =	strace $0x8FFFFFFF  }
0x99: {  	s19 =	sld [smem:$0x3FDB];
	_ =	sdelay $0x1  }
0x9a: {  	s5 =	simm.s32 $_scs_section_size  }
0x9b: {  	s6 =	simm.s32 $_size__tile_overlayer_lowered;
	s7 =	simm.s32 $_tile_overlayer_lowered  }
0x9c: {  	s22 =	simm.s32 $0x1BFF;
	s21 =	sshll.u32 s7, $0x1;
	s4 =	sadd.s32 s5, s19  }
0x9d: {  	s8 =	simm.s32 $0x0;
	s20 =	sshll.u32 s6, $0x1;
	s6 =	sadd.s32 s21, s4  }
0x9e: {  	[timem:s8], [sflag:s22] =	dma.local [hbm:s6], s20  }
0x9f: {  	_ =	swait.ge [sflag:s22], s20  }
0xa0: {  	s5 =	ssub.s32 $0x0, s20;
	[sflag:s22] =	ssyncset.done $0x0  }
0xa1: {  	[sflag:s22] =	ssyncadd.s32 s5;
	_ =	sdelay $0x1  }
0xa2: {  	s23 =	simm.s32 $0x1B8B  }
0xa3: {  	_ =	swait.ge [sflag:s23], $0x1  }
0xa4: {  	[sflag:s23] =	ssyncset.done $0x0  }
0xa5: {  	s25 =	simm.s32 $0x1B8E;
	s24 =	sld [smem:$0x3FFE];
	[sflag:s23] =	ssyncadd.s32 $0xFFFFFFFF  }
0xa6: {  	s26 =	simm.s32 $execute0_lowered;
	[smem:$0x3FD2] =	sst s25  }
0xa7: {  	s6 =	sshll.u32 s26, $0x1;
	_ =	strace $0x80000046;
	[dreg:$0x1] =	wrdreg $0xFFFFFFFF  }
0xa8: {  	s28 =	simm.s32 $_size_execute0_lowered;
	s4 =	sadd.s32 s4, s6;
	[dreg:$0x0] =	wrdreg $0x0  }
0xa9: {  	s6 =	sshll.u32 s28, $0x1;
	[dreg:$0x2] =	wrdreg s4  }
0xaa: {  	[dreg:$0x3] =	wrdreg s6  }
0xab: {  	[dreg:$0x4] =	wrdreg $0xC0  }
0xac: {  	_ =	task [dreg:s8], $0x5FFFF  }
0xad: {  	[dreg:$0x1] =	wrdreg $0xFFFFFFFF  }
0xae: {  	[dreg:$0x0] =	wrdreg $0x60  }
0xaf: {  	[dreg:$0x2] =	wrdreg s2  }
0xb0: {  	[dreg:$0x3] =	wrdreg s18  }
0xb1: {  	[dreg:$0x4] =	wrdreg s24  }
0xb2: {  	[dreg:$0x5] =	wrdreg $0x9  }
0xb3: {  	_ =	task.clear_ibuf [dreg:s8], $0x6FFFF;
	_ =	strace $0x90000046  }
0xb4: {  	s29 =	simm.s32 $0x9;
	_ =	strace $0x80000048  }
0xb5: {  	_ =	swait.ge [sflag:s29], $0x1  }
0xb6: {  	[sflag:s29] =	ssyncadd.s32 $0xFFFFFFFF  }
0xb7: {  	_ =	strace $0x90000048  }
0xb8: {  	_ =	sfence  }
0xb9: {  	s30 =	sld [smem:$0x0];
	_ =	sdelay $0x2  }
0xba: {  	s31 =	sshll.u32 s1, $0xD;
	s1 =	sshrl.u32 s1, $0x2  }
0xbb: {  	s3 =	sand.u32 $0x4000, s31;
	s1 =	sadd.s32 s1, s30  }
0xbc: {  	s0 =	sor.u32 s3, s0;
	s1 =	sshll.u32 s1, $0x11  }
0xbd: {  	s0 =	sor.u32 s1, s0  }
0xbe: {  	s0 =	sadd.s32 $0x8F2B, s0  }
0xbf: {  	[sflag:s0] =	ssyncadd.remote.s32 $0x1  }
0xc0: {  	_ =	sfence.sel $0xFFFF  }
0xc1: {  	[dreg:$0x0] =	wrdreg $0xFFFFFFFF;
	(pc) =	sbr.abs _section_cstart, $3  }
0xc2: {  	[dreg:$0x1] =	wrdreg $0xFFFFFFFF  }
0xc3: {  	_ =	task.clear_ibuf [dreg:s8], $0x2FFFF;
	_ =	strace $0x9FFFFFFF  }
0xc4: {  	(tm) =	ssettm $0x7FFFFFFF  }
0xc5: {  	_ =	shalt  }
tec
execute0_lowered:
.L_overlay_start_1:
0x0: {  	(tag) =	ssettag $0x1  }
0x1: {  	s0 =	rddreg [dreg:$0x0]  }
0x2: {  	s1 =	rddreg [dreg:$0x1]  }
0x3: {  	s10 =	rddreg [dreg:$0x2]  }
0x4: {  	s2 =	srdreg.scid;
	s4 =	stileid.u32  }
0x5: {  	s13 =	simm.s32 $0x400;
	s14 =	simm.s32 $0x1;
	s31 =	simm.s32 $0x8400  }
0x6: {  	s29 =	simm.s32 $0x3;
	s30 =	simm.s32 $0x4;
	s3 =	sand.u32 $0x1, s2  }
0x7: {  	s2 =	simm.s32 $0x0;
	s4 =	sshll.u32 s4, $0x8;
	s5 =	sshll.u32 s3, $0x7  }
0x8: {  	s8 =	sadd.s32 $0x1300, s10;
	s5 =	sor.u32 s5, s4;
	s4 =	sand.u32 $0x800, s4  }
0x9: {  	s9 =	sadd.s32 $0x1400, s10;
	[smem:$0x7FF] =	sst s2;
	s4 =	ssub.s32 s5, s4  }
0xa: {  	s6 =	ssub.s32 $0x2, s3;
	s3 =	sadd.s32 $0xE00, s10;
	s4 =	sshll.u32 s4, $0x8  }
0xb: {  	_ =	strace $0x80000047;
	s1 =	sadd.s32 s1, s5;
	s20 =	sand.u32 $0x1FFF8000, s4  }
0xc: {  	[dreg:$0x4] =	wrdreg s1;
	s21 =	sadd.s32 s0, s4;
	s0 =	sadd.s32 s20, s0  }
0xd: {  	s7 =	sshrl.u32 s6, $0x1;
	[dreg:$0x5] =	wrdreg s21;
	s22 =	sadd.s32 $0x1000, s0  }
0xe: {  	s11 =	ssub.s32 s6, s7;
	s23 =	sadd.s32 $0x2000, s0;
	[dreg:$0x6] =	wrdreg s22  }
0xf: {  	s5 =	sadd.s32 $0x1000, s10;
	s24 =	sadd.s32 $0x3000, s0;
	[dreg:$0x7] =	wrdreg s23  }
0x10: {  	s6 =	sadd.s32 $0x1100, s10;
	s25 =	sadd.s32 $0x4000, s0;
	[dreg:$0x8] =	wrdreg s24  }
0x11: {  	s7 =	sadd.s32 $0x1200, s10;
	s26 =	sadd.s32 $0x5000, s0;
	[dreg:$0x9] =	wrdreg s25  }
0x12: {  	v2 =	vlaneseq.u32;
	s11 =	smax.u32 s11, $0x1;
	s28 =	sadd.s32 $0x6000, s0;
	[dreg:$0xa] =	wrdreg s26  }
0x13: {  	vm0 =	vmmov $0xffff;
	v1 =	vshrl.u32 v2, $0x3;
	s4 =	sadd.s32 $0xF00, s10;
	s0 =	sadd.s32 $0x7000, s0;
	[dreg:$0xb] =	wrdreg s28  }
0x14: {  	v0 =	vand.u32 $0x7, v2;
	v2 =	vor.u32 $0x8, v2;
	v1 =	vmul.u32 $0x8, v1;
	s10 =	sadd.s32 $0x1500, s10;
	[dreg:$0xc] =	wrdreg s0;
	s0 =	simm.s32 $0x2  }
.LBB2_1:
0x15: {  	s1 =	rddreg [dreg:$0x4];
	s12 =	simm.s32 $0x5  }
0x16: {  	[tilespmem:s2], [sflag:$0x5] =	stream.linear.gather [hbm4b:s1+s2], $0x400, $0x38;
	[tilespmem:$0x10400] =	vst v63  }
0x17: {  	_ =	swait.ge [sflag:s12], $0x400  }
0x18: {  	[sflag:s12] =	ssyncset.done $0x0  }
0x19: {  	s28 =	rddreg [dreg:$0x5];
	[sflag:s12] =	ssyncadd.s32 $0xFFFFFC00  }
0x1a: {  	[tilespmem:s13], [sflag:$0x1] =	stream.linear.gather [hbm4b:s28+s2], $0x8000, $0x38;
	[tilespmem:$0x10400] =	vst v63  }
0x1b: {  	_ =	swait.ge [sflag:s14], $0x8000  }
0x1c: {  	[sflag:s14] =	ssyncset.done $0x0  }
0x1d: {  	[sflag:s14] =	ssyncadd.s32 $0xFFFF8000  }
0x1e: {  	v3 =	vld [tilespmem:$0x0];
	_ =	sdelay $0x4  }
0x1f: {  	v4 =	vshll.u32 v3, $0x4  }
0x20: {  	v3 =	vand.u32 $0x7, v3;
	v4 =	vand.u32 $0xFFFFFF80, v4  }
0x21: {  	v3 =	vor.u32 v3, v4  }
0x22: {  	v4 =	vperm.xlane v3, v0;
	_ =	sdelay $0x1  }
0x23: {  	v4 =	vadd.s32 v1, v4;
	_ =	sdelay $0x4  }
0x24: {  	[hbm4b:s3+s2] =	stream.indirect_vreg.scatter [tilespmem:s13], [sflag:$0x3], $0x80, v4, vm0, $0xb8;
	[tilespmem:$0x10400] =	vst v63  }
0x25: {  	s12 =	simm.s32 $0xC00  }
0x26: {  	[hbm4b:s4+s2] =	stream.indirect_vreg.scatter [tilespmem:s12], [sflag:$0x3], $0x80, v4, vm0, $0xb8;
	[tilespmem:$0x10400] =	vst v63  }
0x27: {  	s15 =	simm.s32 $0x1400  }
0x28: {  	[hbm4b:s5+s2] =	stream.indirect_vreg.scatter [tilespmem:s15], [sflag:$0x3], $0x80, v4, vm0, $0xb8;
	[tilespmem:$0x10400] =	vst v63  }
0x29: {  	s16 =	simm.s32 $0x1C00  }
0x2a: {  	[hbm4b:s6+s2] =	stream.indirect_vreg.scatter [tilespmem:s16], [sflag:$0x3], $0x80, v4, vm0, $0xb8;
	[tilespmem:$0x10400] =	vst v63  }
0x2b: {  	s17 =	simm.s32 $0x2400  }
0x2c: {  	[hbm4b:s7+s2] =	stream.indirect_vreg.scatter [tilespmem:s17], [sflag:$0x3], $0x80, v4, vm0, $0xb8;
	[tilespmem:$0x10400] =	vst v63  }
0x2d: {  	s19 =	simm.s32 $0x2C00;
	v3 =	vperm.xlane v3, v2  }
0x2e: {  	[hbm4b:s8+s2] =	stream.indirect_vreg.scatter [tilespmem:s19], [sflag:$0x3], $0x80, v4, vm0, $0xb8;
	[tilespmem:$0x10400] =	vst v63  }
0x2f: {  	s20 =	simm.s32 $0x3400;
	v3 =	vadd.s32 v1, v3  }
0x30: {  	[hbm4b:s9+s2] =	stream.indirect_vreg.scatter [tilespmem:s20], [sflag:$0x3], $0x80, v4, vm0, $0xb8;
	[tilespmem:$0x10400] =	vst v63  }
0x31: {  	s21 =	simm.s32 $0x3C00  }
0x32: {  	[hbm4b:s10+s2] =	stream.indirect_vreg.scatter [tilespmem:s21], [sflag:$0x3], $0x80, v4, vm0, $0xb8;
	[tilespmem:$0x10400] =	vst v63  }
0x33: {  	s22 =	simm.s32 $0x4400  }
0x34: {  	[hbm4b:s3+s2] =	stream.indirect_vreg.scatter [tilespmem:s22], [sflag:$0x3], $0x80, v3, vm0, $0xb8;
	[tilespmem:$0x10400] =	vst v63  }
0x35: {  	s23 =	simm.s32 $0x4C00  }
0x36: {  	[hbm4b:s4+s2] =	stream.indirect_vreg.scatter [tilespmem:s23], [sflag:$0x3], $0x80, v3, vm0, $0xb8;
	[tilespmem:$0x10400] =	vst v63  }
0x37: {  	s24 =	simm.s32 $0x5400  }
0x38: {  	[hbm4b:s5+s2] =	stream.indirect_vreg.scatter [tilespmem:s24], [sflag:$0x3], $0x80, v3, vm0, $0xb8;
	[tilespmem:$0x10400] =	vst v63  }
0x39: {  	s25 =	simm.s32 $0x5C00  }
0x3a: {  	[hbm4b:s6+s2] =	stream.indirect_vreg.scatter [tilespmem:s25], [sflag:$0x3], $0x80, v3, vm0, $0xb8;
	[tilespmem:$0x10400] =	vst v63  }
0x3b: {  	s26 =	simm.s32 $0x6400  }
0x3c: {  	[hbm4b:s7+s2] =	stream.indirect_vreg.scatter [tilespmem:s26], [sflag:$0x3], $0x80, v3, vm0, $0xb8;
	[tilespmem:$0x10400] =	vst v63  }
0x3d: {  	s16 =	simm.s32 $0x6C00  }
0x3e: {  	[hbm4b:s8+s2] =	stream.indirect_vreg.scatter [tilespmem:s16], [sflag:$0x3], $0x80, v3, vm0, $0xb8;
	[tilespmem:$0x10400] =	vst v63  }
0x3f: {  	s17 =	simm.s32 $0x7400  }
0x40: {  	[hbm4b:s9+s2] =	stream.indirect_vreg.scatter [tilespmem:s17], [sflag:$0x3], $0x80, v3, vm0, $0xb8;
	[tilespmem:$0x10400] =	vst v63  }
0x41: {  	s17 =	simm.s32 $0x7C00  }
0x42: {  	[hbm4b:s10+s2] =	stream.indirect_vreg.scatter [tilespmem:s17], [sflag:$0x3], $0x80, v3, vm0, $0xb8;
	[tilespmem:$0x10400] =	vst v63  }
0x43: {  	s1 =	rddreg [dreg:$0x6]  }
0x44: {  	[tilespmem:s31], [sflag:$0x2] =	stream.linear.gather [hbm4b:s1+s2], $0x8000, $0x38;
	[tilespmem:$0x10400] =	vst v63  }
0x45: {  	_ =	swait.ge [sflag:s0], $0x8000  }
0x46: {  	[sflag:s0] =	ssyncset.done $0x0  }
0x47: {  	[sflag:s0] =	ssyncadd.s32 $0xFFFF8000  }
0x48: {  	v3 =	vld [tilespmem:$0x80];
	_ =	sdelay $0x4  }
0x49: {  	v57 =	vshll.u32 v3, $0x4  }
0x4a: {  	v3 =	vand.u32 $0x7, v3;
	v4 =	vand.u32 $0xFFFFFF80, v57  }
0x4b: {  	v3 =	vor.u32 v3, v4  }
0x4c: {  	v4 =	vperm.xlane v3, v0;
	_ =	sdelay $0x1  }
0x4d: {  	v4 =	vadd.s32 v1, v4;
	_ =	sdelay $0x4  }
0x4e: {  	[hbm4b:s3+s2] =	stream.indirect_vreg.scatter [tilespmem:s31], [sflag:$0x4], $0x80, v4, vm0, $0xb8;
	[tilespmem:$0x10400] =	vst v63  }
0x4f: {  	s1 =	simm.s32 $0x8C00  }
0x50: {  	[hbm4b:s4+s2] =	stream.indirect_vreg.scatter [tilespmem:s1], [sflag:$0x4], $0x80, v4, vm0, $0xb8;
	[tilespmem:$0x10400] =	vst v63  }
0x51: {  	s1 =	simm.s32 $0x9400  }
0x52: {  	[hbm4b:s5+s2] =	stream.indirect_vreg.scatter [tilespmem:s1], [sflag:$0x4], $0x80, v4, vm0, $0xb8;
	[tilespmem:$0x10400] =	vst v63  }
0x53: {  	s1 =	simm.s32 $0x9C00  }
0x54: {  	[hbm4b:s6+s2] =	stream.indirect_vreg.scatter [tilespmem:s1], [sflag:$0x4], $0x80, v4, vm0, $0xb8;
	[tilespmem:$0x10400] =	vst v63  }
0x55: {  	s1 =	simm.s32 $0xA400  }
0x56: {  	[hbm4b:s7+s2] =	stream.indirect_vreg.scatter [tilespmem:s1], [sflag:$0x4], $0x80, v4, vm0, $0xb8;
	[tilespmem:$0x10400] =	vst v63  }
0x57: {  	v3 =	vperm.xlane v3, v2;
	s1 =	simm.s32 $0xAC00  }
0x58: {  	[hbm4b:s8+s2] =	stream.indirect_vreg.scatter [tilespmem:s1], [sflag:$0x4], $0x80, v4, vm0, $0xb8;
	[tilespmem:$0x10400] =	vst v63  }
0x59: {  	v3 =	vadd.s32 v1, v3;
	s1 =	simm.s32 $0xB400  }
0x5a: {  	[hbm4b:s9+s2] =	stream.indirect_vreg.scatter [tilespmem:s1], [sflag:$0x4], $0x80, v4, vm0, $0xb8;
	[tilespmem:$0x10400] =	vst v63  }
0x5b: {  	s1 =	simm.s32 $0xBC00  }
0x5c: {  	[hbm4b:s10+s2] =	stream.indirect_vreg.scatter [tilespmem:s1], [sflag:$0x4], $0x80, v4, vm0, $0xb8;
	[tilespmem:$0x10400] =	vst v63  }
0x5d: {  	s1 =	simm.s32 $0xC400  }
0x5e: {  	[hbm4b:s3+s2] =	stream.indirect_vreg.scatter [tilespmem:s1], [sflag:$0x4], $0x80, v3, vm0, $0xb8;
	[tilespmem:$0x10400] =	vst v63  }
0x5f: {  	s1 =	simm.s32 $0xCC00  }
0x60: {  	[hbm4b:s4+s2] =	stream.indirect_vreg.scatter [tilespmem:s1], [sflag:$0x4], $0x80, v3, vm0, $0xb8;
	[tilespmem:$0x10400] =	vst v63  }
0x61: {  	s1 =	simm.s32 $0xD400  }
0x62: {  	[hbm4b:s5+s2] =	stream.indirect_vreg.scatter [tilespmem:s1], [sflag:$0x4], $0x80, v3, vm0, $0xb8;
	[tilespmem:$0x10400] =	vst v63  }
0x63: {  	s1 =	simm.s32 $0xDC00  }
0x64: {  	[hbm4b:s6+s2] =	stream.indirect_vreg.scatter [tilespmem:s1], [sflag:$0x4], $0x80, v3, vm0, $0xb8;
	[tilespmem:$0x10400] =	vst v63  }
0x65: {  	s1 =	simm.s32 $0xE400  }
0x66: {  	[hbm4b:s7+s2] =	stream.indirect_vreg.scatter [tilespmem:s1], [sflag:$0x4], $0x80, v3, vm0, $0xb8;
	[tilespmem:$0x10400] =	vst v63  }
0x67: {  	s1 =	simm.s32 $0xEC00  }
0x68: {  	[hbm4b:s8+s2] =	stream.indirect_vreg.scatter [tilespmem:s1], [sflag:$0x4], $0x80, v3, vm0, $0xb8;
	[tilespmem:$0x10400] =	vst v63  }
0x69: {  	s1 =	simm.s32 $0xF400  }
0x6a: {  	[hbm4b:s9+s2] =	stream.indirect_vreg.scatter [tilespmem:s1], [sflag:$0x4], $0x80, v3, vm0, $0xb8;
	[tilespmem:$0x10400] =	vst v63  }
0x6b: {  	s1 =	simm.s32 $0xFC00  }
0x6c: {  	[hbm4b:s10+s2] =	stream.indirect_vreg.scatter [tilespmem:s1], [sflag:$0x4], $0x80, v3, vm0, $0xb8;
	[tilespmem:$0x10400] =	vst v63  }
0x6d: {  	_ =	swait.ge [sflag:s29], $0x8000  }
0x6e: {  	[sflag:s29] =	ssyncset.done $0x0  }
0x6f: {  	s1 =	rddreg [dreg:$0x7];
	[sflag:s29] =	ssyncadd.s32 $0xFFFF8000  }
0x70: {  	[tilespmem:s13], [sflag:$0x1] =	stream.linear.gather [hbm4b:s1+s2], $0x8000, $0x38;
	[tilespmem:$0x10400] =	vst v63  }
0x71: {  	_ =	swait.ge [sflag:s14], $0x8000  }
0x72: {  	[sflag:s14] =	ssyncset.done $0x0  }
0x73: {  	[sflag:s14] =	ssyncadd.s32 $0xFFFF8000  }
0x74: {  	v3 =	vld [tilespmem:$0x100];
	_ =	sdelay $0x4  }
0x75: {  	v58 =	vshll.u32 v3, $0x4  }
0x76: {  	v3 =	vand.u32 $0x7, v3;
	v4 =	vand.u32 $0xFFFFFF80, v58  }
0x77: {  	v3 =	vor.u32 v3, v4  }
0x78: {  	v4 =	vperm.xlane v3, v0;
	_ =	sdelay $0x1  }
0x79: {  	v4 =	vadd.s32 v1, v4;
	_ =	sdelay $0x4  }
0x7a: {  	[hbm4b:s3+s2] =	stream.indirect_vreg.scatter [tilespmem:s13], [sflag:$0x3], $0x80, v4, vm0, $0xb8;
	[tilespmem:$0x10400] =	vst v63  }
0x7b: {  	s1 =	simm.s32 $0xC00  }
0x7c: {  	[hbm4b:s4+s2] =	stream.indirect_vreg.scatter [tilespmem:s1], [sflag:$0x3], $0x80, v4, vm0, $0xb8;
	[tilespmem:$0x10400] =	vst v63  }
0x7d: {  	s18 =	simm.s32 $0x1400  }
0x7e: {  	[hbm4b:s5+s2] =	stream.indirect_vreg.scatter [tilespmem:s18], [sflag:$0x3], $0x80, v4, vm0, $0xb8;
	[tilespmem:$0x10400] =	vst v63  }
0x7f: {  	s28 =	simm.s32 $0x1C00  }
0x80: {  	[hbm4b:s6+s2] =	stream.indirect_vreg.scatter [tilespmem:s28], [sflag:$0x3], $0x80, v4, vm0, $0xb8;
	[tilespmem:$0x10400] =	vst v63  }
0x81: {  	s12 =	simm.s32 $0x2400  }
0x82: {  	[hbm4b:s7+s2] =	stream.indirect_vreg.scatter [tilespmem:s12], [sflag:$0x3], $0x80, v4, vm0, $0xb8;
	[tilespmem:$0x10400] =	vst v63  }
0x83: {  	s15 =	simm.s32 $0x2C00;
	v3 =	vperm.xlane v3, v2  }
0x84: {  	[hbm4b:s8+s2] =	stream.indirect_vreg.scatter [tilespmem:s15], [sflag:$0x3], $0x80, v4, vm0, $0xb8;
	[tilespmem:$0x10400] =	vst v63  }
0x85: {  	s19 =	simm.s32 $0x3400;
	v3 =	vadd.s32 v1, v3  }
0x86: {  	[hbm4b:s9+s2] =	stream.indirect_vreg.scatter [tilespmem:s19], [sflag:$0x3], $0x80, v4, vm0, $0xb8;
	[tilespmem:$0x10400] =	vst v63  }
0x87: {  	s20 =	simm.s32 $0x3C00  }
0x88: {  	[hbm4b:s10+s2] =	stream.indirect_vreg.scatter [tilespmem:s20], [sflag:$0x3], $0x80, v4, vm0, $0xb8;
	[tilespmem:$0x10400] =	vst v63  }
0x89: {  	s21 =	simm.s32 $0x4400  }
0x8a: {  	[hbm4b:s3+s2] =	stream.indirect_vreg.scatter [tilespmem:s21], [sflag:$0x3], $0x80, v3, vm0, $0xb8;
	[tilespmem:$0x10400] =	vst v63  }
0x8b: {  	s22 =	simm.s32 $0x4C00  }
0x8c: {  	[hbm4b:s4+s2] =	stream.indirect_vreg.scatter [tilespmem:s22], [sflag:$0x3], $0x80, v3, vm0, $0xb8;
	[tilespmem:$0x10400] =	vst v63  }
0x8d: {  	s23 =	simm.s32 $0x5400  }
0x8e: {  	[hbm4b:s5+s2] =	stream.indirect_vreg.scatter [tilespmem:s23], [sflag:$0x3], $0x80, v3, vm0, $0xb8;
	[tilespmem:$0x10400] =	vst v63  }
0x8f: {  	s24 =	simm.s32 $0x5C00  }
0x90: {  	[hbm4b:s6+s2] =	stream.indirect_vreg.scatter [tilespmem:s24], [sflag:$0x3], $0x80, v3, vm0, $0xb8;
	[tilespmem:$0x10400] =	vst v63  }
0x91: {  	s25 =	simm.s32 $0x6400  }
0x92: {  	[hbm4b:s7+s2] =	stream.indirect_vreg.scatter [tilespmem:s25], [sflag:$0x3], $0x80, v3, vm0, $0xb8;
	[tilespmem:$0x10400] =	vst v63  }
0x93: {  	s26 =	simm.s32 $0x6C00  }
0x94: {  	[hbm4b:s8+s2] =	stream.indirect_vreg.scatter [tilespmem:s26], [sflag:$0x3], $0x80, v3, vm0, $0xb8;
	[tilespmem:$0x10400] =	vst v63  }
0x95: {  	s16 =	simm.s32 $0x7400  }
0x96: {  	[hbm4b:s9+s2] =	stream.indirect_vreg.scatter [tilespmem:s16], [sflag:$0x3], $0x80, v3, vm0, $0xb8;
	[tilespmem:$0x10400] =	vst v63  }
0x97: {  	s17 =	simm.s32 $0x7C00  }
0x98: {  	[hbm4b:s10+s2] =	stream.indirect_vreg.scatter [tilespmem:s17], [sflag:$0x3], $0x80, v3, vm0, $0xb8;
	[tilespmem:$0x10400] =	vst v63  }
0x99: {  	_ =	swait.ge [sflag:s30], $0x8000  }
0x9a: {  	[sflag:s30] =	ssyncset.done $0x0  }
0x9b: {  	s21 =	rddreg [dreg:$0x8];
	[sflag:s30] =	ssyncadd.s32 $0xFFFF8000  }
0x9c: {  	[tilespmem:s31], [sflag:$0x2] =	stream.linear.gather [hbm4b:s21+s2], $0x8000, $0x38;
	[tilespmem:$0x10400] =	vst v63  }
0x9d: {  	_ =	swait.ge [sflag:s0], $0x8000  }
0x9e: {  	[sflag:s0] =	ssyncset.done $0x0  }
0x9f: {  	[sflag:s0] =	ssyncadd.s32 $0xFFFF8000  }
0xa0: {  	v3 =	vld [tilespmem:$0x180];
	_ =	sdelay $0x4  }
0xa1: {  	v59 =	vshll.u32 v3, $0x4  }
0xa2: {  	v3 =	vand.u32 $0x7, v3;
	v4 =	vand.u32 $0xFFFFFF80, v59  }
0xa3: {  	v3 =	vor.u32 v3, v4  }
0xa4: {  	v4 =	vperm.xlane v3, v0;
	_ =	sdelay $0x1  }
0xa5: {  	v4 =	vadd.s32 v1, v4;
	_ =	sdelay $0x4  }
0xa6: {  	[hbm4b:s3+s2] =	stream.indirect_vreg.scatter [tilespmem:s31], [sflag:$0x4], $0x80, v4, vm0, $0xb8;
	[tilespmem:$0x10400] =	vst v63  }
0xa7: {  	s22 =	simm.s32 $0x8C00  }
0xa8: {  	[hbm4b:s4+s2] =	stream.indirect_vreg.scatter [tilespmem:s22], [sflag:$0x4], $0x80, v4, vm0, $0xb8;
	[tilespmem:$0x10400] =	vst v63  }
0xa9: {  	s23 =	simm.s32 $0x9400  }
0xaa: {  	[hbm4b:s5+s2] =	stream.indirect_vreg.scatter [tilespmem:s23], [sflag:$0x4], $0x80, v4, vm0, $0xb8;
	[tilespmem:$0x10400] =	vst v63  }
0xab: {  	s24 =	simm.s32 $0x9C00  }
0xac: {  	[hbm4b:s6+s2] =	stream.indirect_vreg.scatter [tilespmem:s24], [sflag:$0x4], $0x80, v4, vm0, $0xb8;
	[tilespmem:$0x10400] =	vst v63  }
0xad: {  	s25 =	simm.s32 $0xA400  }
0xae: {  	[hbm4b:s7+s2] =	stream.indirect_vreg.scatter [tilespmem:s25], [sflag:$0x4], $0x80, v4, vm0, $0xb8;
	[tilespmem:$0x10400] =	vst v63  }
0xaf: {  	s26 =	simm.s32 $0xAC00;
	v3 =	vperm.xlane v3, v2  }
0xb0: {  	[hbm4b:s8+s2] =	stream.indirect_vreg.scatter [tilespmem:s26], [sflag:$0x4], $0x80, v4, vm0, $0xb8;
	[tilespmem:$0x10400] =	vst v63  }
0xb1: {  	s15 =	simm.s32 $0xB400;
	v3 =	vadd.s32 v1, v3  }
0xb2: {  	[hbm4b:s9+s2] =	stream.indirect_vreg.scatter [tilespmem:s15], [sflag:$0x4], $0x80, v4, vm0, $0xb8;
	[tilespmem:$0x10400] =	vst v63  }
0xb3: {  	s16 =	simm.s32 $0xBC00  }
0xb4: {  	[hbm4b:s10+s2] =	stream.indirect_vreg.scatter [tilespmem:s16], [sflag:$0x4], $0x80, v4, vm0, $0xb8;
	[tilespmem:$0x10400] =	vst v63  }
0xb5: {  	s17 =	simm.s32 $0xC400  }
0xb6: {  	[hbm4b:s3+s2] =	stream.indirect_vreg.scatter [tilespmem:s17], [sflag:$0x4], $0x80, v3, vm0, $0xb8;
	[tilespmem:$0x10400] =	vst v63  }
0xb7: {  	s19 =	simm.s32 $0xCC00  }
0xb8: {  	[hbm4b:s4+s2] =	stream.indirect_vreg.scatter [tilespmem:s19], [sflag:$0x4], $0x80, v3, vm0, $0xb8;
	[tilespmem:$0x10400] =	vst v63  }
0xb9: {  	s20 =	simm.s32 $0xD400  }
0xba: {  	[hbm4b:s5+s2] =	stream.indirect_vreg.scatter [tilespmem:s20], [sflag:$0x4], $0x80, v3, vm0, $0xb8;
	[tilespmem:$0x10400] =	vst v63  }
0xbb: {  	s21 =	simm.s32 $0xDC00  }
0xbc: {  	[hbm4b:s6+s2] =	stream.indirect_vreg.scatter [tilespmem:s21], [sflag:$0x4], $0x80, v3, vm0, $0xb8;
	[tilespmem:$0x10400] =	vst v63  }
0xbd: {  	s22 =	simm.s32 $0xE400  }
0xbe: {  	[hbm4b:s7+s2] =	stream.indirect_vreg.scatter [tilespmem:s22], [sflag:$0x4], $0x80, v3, vm0, $0xb8;
	[tilespmem:$0x10400] =	vst v63  }
0xbf: {  	s23 =	simm.s32 $0xEC00  }
0xc0: {  	[hbm4b:s8+s2] =	stream.indirect_vreg.scatter [tilespmem:s23], [sflag:$0x4], $0x80, v3, vm0, $0xb8;
	[tilespmem:$0x10400] =	vst v63  }
0xc1: {  	s24 =	simm.s32 $0xF400  }
0xc2: {  	[hbm4b:s9+s2] =	stream.indirect_vreg.scatter [tilespmem:s24], [sflag:$0x4], $0x80, v3, vm0, $0xb8;
	[tilespmem:$0x10400] =	vst v63  }
0xc3: {  	s1 =	simm.s32 $0xFC00  }
0xc4: {  	[hbm4b:s10+s2] =	stream.indirect_vreg.scatter [tilespmem:s1], [sflag:$0x4], $0x80, v3, vm0, $0xb8;
	[tilespmem:$0x10400] =	vst v63  }
0xc5: {  	_ =	swait.ge [sflag:s29], $0x8000  }
0xc6: {  	[sflag:s29] =	ssyncset.done $0x0  }
0xc7: {  	s1 =	rddreg [dreg:$0x9];
	[sflag:s29] =	ssyncadd.s32 $0xFFFF8000  }
0xc8: {  	[tilespmem:s13], [sflag:$0x1] =	stream.linear.gather [hbm4b:s1+s2], $0x8000, $0x38;
	[tilespmem:$0x10400] =	vst v63  }
0xc9: {  	_ =	swait.ge [sflag:s14], $0x8000  }
0xca: {  	[sflag:s14] =	ssyncset.done $0x0  }
0xcb: {  	[sflag:s14] =	ssyncadd.s32 $0xFFFF8000  }
0xcc: {  	v3 =	vld [tilespmem:$0x200];
	_ =	sdelay $0x4  }
0xcd: {  	v60 =	vshll.u32 v3, $0x4  }
0xce: {  	v3 =	vand.u32 $0x7, v3;
	v4 =	vand.u32 $0xFFFFFF80, v60  }
0xcf: {  	v3 =	vor.u32 v3, v4  }
0xd0: {  	v4 =	vperm.xlane v3, v0;
	_ =	sdelay $0x1  }
0xd1: {  	v4 =	vadd.s32 v1, v4;
	_ =	sdelay $0x4  }
0xd2: {  	[hbm4b:s3+s2] =	stream.indirect_vreg.scatter [tilespmem:s13], [sflag:$0x3], $0x80, v4, vm0, $0xb8;
	[tilespmem:$0x10400] =	vst v63  }
0xd3: {  	s1 =	simm.s32 $0xC00  }
0xd4: {  	[hbm4b:s4+s2] =	stream.indirect_vreg.scatter [tilespmem:s1], [sflag:$0x3], $0x80, v4, vm0, $0xb8;
	[tilespmem:$0x10400] =	vst v63  }
0xd5: {  	s1 =	simm.s32 $0x1400  }
0xd6: {  	[hbm4b:s5+s2] =	stream.indirect_vreg.scatter [tilespmem:s1], [sflag:$0x3], $0x80, v4, vm0, $0xb8;
	[tilespmem:$0x10400] =	vst v63  }
0xd7: {  	s1 =	simm.s32 $0x1C00  }
0xd8: {  	[hbm4b:s6+s2] =	stream.indirect_vreg.scatter [tilespmem:s1], [sflag:$0x3], $0x80, v4, vm0, $0xb8;
	[tilespmem:$0x10400] =	vst v63  }
0xd9: {  	s1 =	simm.s32 $0x2400  }
0xda: {  	[hbm4b:s7+s2] =	stream.indirect_vreg.scatter [tilespmem:s1], [sflag:$0x3], $0x80, v4, vm0, $0xb8;
	[tilespmem:$0x10400] =	vst v63  }
0xdb: {  	v3 =	vperm.xlane v3, v2;
	s1 =	simm.s32 $0x2C00  }
0xdc: {  	[hbm4b:s8+s2] =	stream.indirect_vreg.scatter [tilespmem:s1], [sflag:$0x3], $0x80, v4, vm0, $0xb8;
	[tilespmem:$0x10400] =	vst v63  }
0xdd: {  	v3 =	vadd.s32 v1, v3;
	s1 =	simm.s32 $0x3400  }
0xde: {  	[hbm4b:s9+s2] =	stream.indirect_vreg.scatter [tilespmem:s1], [sflag:$0x3], $0x80, v4, vm0, $0xb8;
	[tilespmem:$0x10400] =	vst v63  }
0xdf: {  	s1 =	simm.s32 $0x3C00  }
0xe0: {  	[hbm4b:s10+s2] =	stream.indirect_vreg.scatter [tilespmem:s1], [sflag:$0x3], $0x80, v4, vm0, $0xb8;
	[tilespmem:$0x10400] =	vst v63  }
0xe1: {  	s1 =	simm.s32 $0x4400  }
0xe2: {  	[hbm4b:s3+s2] =	stream.indirect_vreg.scatter [tilespmem:s1], [sflag:$0x3], $0x80, v3, vm0, $0xb8;
	[tilespmem:$0x10400] =	vst v63  }
0xe3: {  	s1 =	simm.s32 $0x4C00  }
0xe4: {  	[hbm4b:s4+s2] =	stream.indirect_vreg.scatter [tilespmem:s1], [sflag:$0x3], $0x80, v3, vm0, $0xb8;
	[tilespmem:$0x10400] =	vst v63  }
0xe5: {  	s1 =	simm.s32 $0x5400  }
0xe6: {  	[hbm4b:s5+s2] =	stream.indirect_vreg.scatter [tilespmem:s1], [sflag:$0x3], $0x80, v3, vm0, $0xb8;
	[tilespmem:$0x10400] =	vst v63  }
0xe7: {  	s1 =	simm.s32 $0x5C00  }
0xe8: {  	[hbm4b:s6+s2] =	stream.indirect_vreg.scatter [tilespmem:s1], [sflag:$0x3], $0x80, v3, vm0, $0xb8;
	[tilespmem:$0x10400] =	vst v63  }
0xe9: {  	s1 =	simm.s32 $0x6400  }
0xea: {  	[hbm4b:s7+s2] =	stream.indirect_vreg.scatter [tilespmem:s1], [sflag:$0x3], $0x80, v3, vm0, $0xb8;
	[tilespmem:$0x10400] =	vst v63  }
0xeb: {  	s1 =	simm.s32 $0x6C00  }
0xec: {  	[hbm4b:s8+s2] =	stream.indirect_vreg.scatter [tilespmem:s1], [sflag:$0x3], $0x80, v3, vm0, $0xb8;
	[tilespmem:$0x10400] =	vst v63  }
0xed: {  	s1 =	simm.s32 $0x7400  }
0xee: {  	[hbm4b:s9+s2] =	stream.indirect_vreg.scatter [tilespmem:s1], [sflag:$0x3], $0x80, v3, vm0, $0xb8;
	[tilespmem:$0x10400] =	vst v63  }
0xef: {  	s1 =	simm.s32 $0x7C00  }
0xf0: {  	[hbm4b:s10+s2] =	stream.indirect_vreg.scatter [tilespmem:s1], [sflag:$0x3], $0x80, v3, vm0, $0xb8;
	[tilespmem:$0x10400] =	vst v63  }
0xf1: {  	_ =	swait.ge [sflag:s30], $0x8000  }
0xf2: {  	[sflag:s30] =	ssyncset.done $0x0  }
0xf3: {  	s1 =	rddreg [dreg:$0xa];
	[sflag:s30] =	ssyncadd.s32 $0xFFFF8000  }
0xf4: {  	[tilespmem:s31], [sflag:$0x2] =	stream.linear.gather [hbm4b:s1+s2], $0x8000, $0x38;
	[tilespmem:$0x10400] =	vst v63  }
0xf5: {  	_ =	swait.ge [sflag:s0], $0x8000  }
0xf6: {  	[sflag:s0] =	ssyncset.done $0x0  }
0xf7: {  	[sflag:s0] =	ssyncadd.s32 $0xFFFF8000  }
0xf8: {  	v3 =	vld [tilespmem:$0x280];
	_ =	sdelay $0x4  }
0xf9: {  	v61 =	vshll.u32 v3, $0x4  }
0xfa: {  	v3 =	vand.u32 $0x7, v3;
	v4 =	vand.u32 $0xFFFFFF80, v61  }
0xfb: {  	v3 =	vor.u32 v3, v4  }
0xfc: {  	v4 =	vperm.xlane v3, v0;
	_ =	sdelay $0x1  }
0xfd: {  	v4 =	vadd.s32 v1, v4;
	_ =	sdelay $0x4  }
0xfe: {  	[hbm4b:s3+s2] =	stream.indirect_vreg.scatter [tilespmem:s31], [sflag:$0x4], $0x80, v4, vm0, $0xb8;
	[tilespmem:$0x10400] =	vst v63  }
0xff: {  	s18 =	simm.s32 $0x8C00  }
0x100: {  	[hbm4b:s4+s2] =	stream.indirect_vreg.scatter [tilespmem:s18], [sflag:$0x4], $0x80, v4, vm0, $0xb8;
	[tilespmem:$0x10400] =	vst v63  }
0x101: {  	s28 =	simm.s32 $0x9400  }
0x102: {  	[hbm4b:s5+s2] =	stream.indirect_vreg.scatter [tilespmem:s28], [sflag:$0x4], $0x80, v4, vm0, $0xb8;
	[tilespmem:$0x10400] =	vst v63  }
0x103: {  	s12 =	simm.s32 $0x9C00  }
0x104: {  	[hbm4b:s6+s2] =	stream.indirect_vreg.scatter [tilespmem:s12], [sflag:$0x4], $0x80, v4, vm0, $0xb8;
	[tilespmem:$0x10400] =	vst v63  }
0x105: {  	s25 =	simm.s32 $0xA400  }
0x106: {  	[hbm4b:s7+s2] =	stream.indirect_vreg.scatter [tilespmem:s25], [sflag:$0x4], $0x80, v4, vm0, $0xb8;
	[tilespmem:$0x10400] =	vst v63  }
0x107: {  	s26 =	simm.s32 $0xAC00;
	v3 =	vperm.xlane v3, v2  }
0x108: {  	[hbm4b:s8+s2] =	stream.indirect_vreg.scatter [tilespmem:s26], [sflag:$0x4], $0x80, v4, vm0, $0xb8;
	[tilespmem:$0x10400] =	vst v63  }
0x109: {  	s15 =	simm.s32 $0xB400;
	v3 =	vadd.s32 v1, v3  }
0x10a: {  	[hbm4b:s9+s2] =	stream.indirect_vreg.scatter [tilespmem:s15], [sflag:$0x4], $0x80, v4, vm0, $0xb8;
	[tilespmem:$0x10400] =	vst v63  }
0x10b: {  	s16 =	simm.s32 $0xBC00  }
0x10c: {  	[hbm4b:s10+s2] =	stream.indirect_vreg.scatter [tilespmem:s16], [sflag:$0x4], $0x80, v4, vm0, $0xb8;
	[tilespmem:$0x10400] =	vst v63  }
0x10d: {  	s17 =	simm.s32 $0xC400  }
0x10e: {  	[hbm4b:s3+s2] =	stream.indirect_vreg.scatter [tilespmem:s17], [sflag:$0x4], $0x80, v3, vm0, $0xb8;
	[tilespmem:$0x10400] =	vst v63  }
0x10f: {  	s19 =	simm.s32 $0xCC00  }
0x110: {  	[hbm4b:s4+s2] =	stream.indirect_vreg.scatter [tilespmem:s19], [sflag:$0x4], $0x80, v3, vm0, $0xb8;
	[tilespmem:$0x10400] =	vst v63  }
0x111: {  	s20 =	simm.s32 $0xD400  }
0x112: {  	[hbm4b:s5+s2] =	stream.indirect_vreg.scatter [tilespmem:s20], [sflag:$0x4], $0x80, v3, vm0, $0xb8;
	[tilespmem:$0x10400] =	vst v63  }
0x113: {  	s21 =	simm.s32 $0xDC00  }
0x114: {  	[hbm4b:s6+s2] =	stream.indirect_vreg.scatter [tilespmem:s21], [sflag:$0x4], $0x80, v3, vm0, $0xb8;
	[tilespmem:$0x10400] =	vst v63  }
0x115: {  	s22 =	simm.s32 $0xE400  }
0x116: {  	[hbm4b:s7+s2] =	stream.indirect_vreg.scatter [tilespmem:s22], [sflag:$0x4], $0x80, v3, vm0, $0xb8;
	[tilespmem:$0x10400] =	vst v63  }
0x117: {  	s23 =	simm.s32 $0xEC00  }
0x118: {  	[hbm4b:s8+s2] =	stream.indirect_vreg.scatter [tilespmem:s23], [sflag:$0x4], $0x80, v3, vm0, $0xb8;
	[tilespmem:$0x10400] =	vst v63  }
0x119: {  	s24 =	simm.s32 $0xF400  }
0x11a: {  	[hbm4b:s9+s2] =	stream.indirect_vreg.scatter [tilespmem:s24], [sflag:$0x4], $0x80, v3, vm0, $0xb8;
	[tilespmem:$0x10400] =	vst v63  }
0x11b: {  	s1 =	simm.s32 $0xFC00  }
0x11c: {  	[hbm4b:s10+s2] =	stream.indirect_vreg.scatter [tilespmem:s1], [sflag:$0x4], $0x80, v3, vm0, $0xb8;
	[tilespmem:$0x10400] =	vst v63  }
0x11d: {  	_ =	swait.ge [sflag:s29], $0x8000  }
0x11e: {  	[sflag:s29] =	ssyncset.done $0x0  }
0x11f: {  	s1 =	rddreg [dreg:$0xb];
	[sflag:s29] =	ssyncadd.s32 $0xFFFF8000  }
0x120: {  	[tilespmem:s13], [sflag:$0x1] =	stream.linear.gather [hbm4b:s1+s2], $0x8000, $0x38;
	[tilespmem:$0x10400] =	vst v63  }
0x121: {  	_ =	swait.ge [sflag:s14], $0x8000  }
0x122: {  	[sflag:s14] =	ssyncset.done $0x0  }
0x123: {  	[sflag:s14] =	ssyncadd.s32 $0xFFFF8000  }
0x124: {  	v3 =	vld [tilespmem:$0x300];
	_ =	sdelay $0x4  }
0x125: {  	v62 =	vshll.u32 v3, $0x4  }
0x126: {  	v3 =	vand.u32 $0x7, v3;
	v4 =	vand.u32 $0xFFFFFF80, v62  }
0x127: {  	v3 =	vor.u32 v3, v4  }
0x128: {  	v4 =	vperm.xlane v3, v0;
	_ =	sdelay $0x1  }
0x129: {  	v4 =	vadd.s32 v1, v4;
	_ =	sdelay $0x4  }
0x12a: {  	[hbm4b:s3+s2] =	stream.indirect_vreg.scatter [tilespmem:s13], [sflag:$0x3], $0x80, v4, vm0, $0xb8;
	[tilespmem:$0x10400] =	vst v63  }
0x12b: {  	s1 =	simm.s32 $0xC00  }
0x12c: {  	[hbm4b:s4+s2] =	stream.indirect_vreg.scatter [tilespmem:s1], [sflag:$0x3], $0x80, v4, vm0, $0xb8;
	[tilespmem:$0x10400] =	vst v63  }
0x12d: {  	s1 =	simm.s32 $0x1400  }
0x12e: {  	[hbm4b:s5+s2] =	stream.indirect_vreg.scatter [tilespmem:s1], [sflag:$0x3], $0x80, v4, vm0, $0xb8;
	[tilespmem:$0x10400] =	vst v63  }
0x12f: {  	s1 =	simm.s32 $0x1C00  }
0x130: {  	[hbm4b:s6+s2] =	stream.indirect_vreg.scatter [tilespmem:s1], [sflag:$0x3], $0x80, v4, vm0, $0xb8;
	[tilespmem:$0x10400] =	vst v63  }
0x131: {  	s1 =	simm.s32 $0x2400  }
0x132: {  	[hbm4b:s7+s2] =	stream.indirect_vreg.scatter [tilespmem:s1], [sflag:$0x3], $0x80, v4, vm0, $0xb8;
	[tilespmem:$0x10400] =	vst v63  }
0x133: {  	v3 =	vperm.xlane v3, v2;
	s1 =	simm.s32 $0x2C00  }
0x134: {  	[hbm4b:s8+s2] =	stream.indirect_vreg.scatter [tilespmem:s1], [sflag:$0x3], $0x80, v4, vm0, $0xb8;
	[tilespmem:$0x10400] =	vst v63  }
0x135: {  	v3 =	vadd.s32 v1, v3;
	s1 =	simm.s32 $0x3400  }
0x136: {  	[hbm4b:s9+s2] =	stream.indirect_vreg.scatter [tilespmem:s1], [sflag:$0x3], $0x80, v4, vm0, $0xb8;
	[tilespmem:$0x10400] =	vst v63  }
0x137: {  	s1 =	simm.s32 $0x3C00  }
0x138: {  	[hbm4b:s10+s2] =	stream.indirect_vreg.scatter [tilespmem:s1], [sflag:$0x3], $0x80, v4, vm0, $0xb8;
	[tilespmem:$0x10400] =	vst v63  }
0x139: {  	s1 =	simm.s32 $0x4400  }
0x13a: {  	[hbm4b:s3+s2] =	stream.indirect_vreg.scatter [tilespmem:s1], [sflag:$0x3], $0x80, v3, vm0, $0xb8;
	[tilespmem:$0x10400] =	vst v63  }
0x13b: {  	s1 =	simm.s32 $0x4C00  }
0x13c: {  	[hbm4b:s4+s2] =	stream.indirect_vreg.scatter [tilespmem:s1], [sflag:$0x3], $0x80, v3, vm0, $0xb8;
	[tilespmem:$0x10400] =	vst v63  }
0x13d: {  	s1 =	simm.s32 $0x5400  }
0x13e: {  	[hbm4b:s5+s2] =	stream.indirect_vreg.scatter [tilespmem:s1], [sflag:$0x3], $0x80, v3, vm0, $0xb8;
	[tilespmem:$0x10400] =	vst v63  }
0x13f: {  	s1 =	simm.s32 $0x5C00  }
0x140: {  	[hbm4b:s6+s2] =	stream.indirect_vreg.scatter [tilespmem:s1], [sflag:$0x3], $0x80, v3, vm0, $0xb8;
	[tilespmem:$0x10400] =	vst v63  }
0x141: {  	s1 =	simm.s32 $0x6400  }
0x142: {  	[hbm4b:s7+s2] =	stream.indirect_vreg.scatter [tilespmem:s1], [sflag:$0x3], $0x80, v3, vm0, $0xb8;
	[tilespmem:$0x10400] =	vst v63  }
0x143: {  	s1 =	simm.s32 $0x6C00  }
0x144: {  	[hbm4b:s8+s2] =	stream.indirect_vreg.scatter [tilespmem:s1], [sflag:$0x3], $0x80, v3, vm0, $0xb8;
	[tilespmem:$0x10400] =	vst v63  }
0x145: {  	s1 =	simm.s32 $0x7400  }
0x146: {  	[hbm4b:s9+s2] =	stream.indirect_vreg.scatter [tilespmem:s1], [sflag:$0x3], $0x80, v3, vm0, $0xb8;
	[tilespmem:$0x10400] =	vst v63  }
0x147: {  	s1 =	simm.s32 $0x7C00  }
0x148: {  	[hbm4b:s10+s2] =	stream.indirect_vreg.scatter [tilespmem:s1], [sflag:$0x3], $0x80, v3, vm0, $0xb8;
	[tilespmem:$0x10400] =	vst v63  }
0x149: {  	_ =	swait.ge [sflag:s30], $0x8000  }
0x14a: {  	[sflag:s30] =	ssyncset.done $0x0  }
0x14b: {  	s1 =	rddreg [dreg:$0xc];
	[sflag:s30] =	ssyncadd.s32 $0xFFFF8000  }
0x14c: {  	[tilespmem:s31], [sflag:$0x2] =	stream.linear.gather [hbm4b:s1+s2], $0x8000, $0x38;
	[tilespmem:$0x10400] =	vst v63  }
0x14d: {  	_ =	swait.ge [sflag:s0], $0x8000  }
0x14e: {  	[sflag:s0] =	ssyncset.done $0x0  }
0x14f: {  	[sflag:s0] =	ssyncadd.s32 $0xFFFF8000  }
0x150: {  	v3 =	vld [tilespmem:$0x380];
	_ =	sdelay $0x4  }
0x151: {  	v63 =	vshll.u32 v3, $0x4  }
0x152: {  	v3 =	vand.u32 $0x7, v3;
	v4 =	vand.u32 $0xFFFFFF80, v63  }
0x153: {  	v3 =	vor.u32 v3, v4  }
0x154: {  	v4 =	vperm.xlane v3, v0;
	_ =	sdelay $0x1  }
0x155: {  	v4 =	vadd.s32 v1, v4;
	_ =	sdelay $0x4  }
0x156: {  	[hbm4b:s3+s2] =	stream.indirect_vreg.scatter [tilespmem:s31], [sflag:$0x4], $0x80, v4, vm0, $0xb8;
	[tilespmem:$0x10400] =	vst v63  }
0x157: {  	s18 =	simm.s32 $0x8C00  }
0x158: {  	[hbm4b:s4+s2] =	stream.indirect_vreg.scatter [tilespmem:s18], [sflag:$0x4], $0x80, v4, vm0, $0xb8;
	[tilespmem:$0x10400] =	vst v63  }
0x159: {  	s28 =	simm.s32 $0x9400  }
0x15a: {  	[hbm4b:s5+s2] =	stream.indirect_vreg.scatter [tilespmem:s28], [sflag:$0x4], $0x80, v4, vm0, $0xb8;
	[tilespmem:$0x10400] =	vst v63  }
0x15b: {  	s12 =	simm.s32 $0x9C00  }
0x15c: {  	[hbm4b:s6+s2] =	stream.indirect_vreg.scatter [tilespmem:s12], [sflag:$0x4], $0x80, v4, vm0, $0xb8;
	[tilespmem:$0x10400] =	vst v63  }
0x15d: {  	s25 =	simm.s32 $0xA400  }
0x15e: {  	[hbm4b:s7+s2] =	stream.indirect_vreg.scatter [tilespmem:s25], [sflag:$0x4], $0x80, v4, vm0, $0xb8;
	[tilespmem:$0x10400] =	vst v63  }
0x15f: {  	s26 =	simm.s32 $0xAC00;
	v3 =	vperm.xlane v3, v2  }
0x160: {  	[hbm4b:s8+s2] =	stream.indirect_vreg.scatter [tilespmem:s26], [sflag:$0x4], $0x80, v4, vm0, $0xb8;
	[tilespmem:$0x10400] =	vst v63  }
0x161: {  	s15 =	simm.s32 $0xB400;
	v3 =	vadd.s32 v1, v3  }
0x162: {  	[hbm4b:s9+s2] =	stream.indirect_vreg.scatter [tilespmem:s15], [sflag:$0x4], $0x80, v4, vm0, $0xb8;
	[tilespmem:$0x10400] =	vst v63  }
0x163: {  	s16 =	simm.s32 $0xBC00  }
0x164: {  	[hbm4b:s10+s2] =	stream.indirect_vreg.scatter [tilespmem:s16], [sflag:$0x4], $0x80, v4, vm0, $0xb8;
	[tilespmem:$0x10400] =	vst v63  }
0x165: {  	s17 =	simm.s32 $0xC400  }
0x166: {  	[hbm4b:s3+s2] =	stream.indirect_vreg.scatter [tilespmem:s17], [sflag:$0x4], $0x80, v3, vm0, $0xb8;
	[tilespmem:$0x10400] =	vst v63  }
0x167: {  	s19 =	simm.s32 $0xCC00  }
0x168: {  	[hbm4b:s4+s2] =	stream.indirect_vreg.scatter [tilespmem:s19], [sflag:$0x4], $0x80, v3, vm0, $0xb8;
	[tilespmem:$0x10400] =	vst v63  }
0x169: {  	s20 =	simm.s32 $0xD400  }
0x16a: {  	[hbm4b:s5+s2] =	stream.indirect_vreg.scatter [tilespmem:s20], [sflag:$0x4], $0x80, v3, vm0, $0xb8;
	[tilespmem:$0x10400] =	vst v63  }
0x16b: {  	s21 =	simm.s32 $0xDC00  }
0x16c: {  	[hbm4b:s6+s2] =	stream.indirect_vreg.scatter [tilespmem:s21], [sflag:$0x4], $0x80, v3, vm0, $0xb8;
	[tilespmem:$0x10400] =	vst v63  }
0x16d: {  	s22 =	simm.s32 $0xE400  }
0x16e: {  	[hbm4b:s7+s2] =	stream.indirect_vreg.scatter [tilespmem:s22], [sflag:$0x4], $0x80, v3, vm0, $0xb8;
	[tilespmem:$0x10400] =	vst v63  }
0x16f: {  	s23 =	simm.s32 $0xEC00  }
0x170: {  	[hbm4b:s8+s2] =	stream.indirect_vreg.scatter [tilespmem:s23], [sflag:$0x4], $0x80, v3, vm0, $0xb8;
	[tilespmem:$0x10400] =	vst v63  }
0x171: {  	s24 =	simm.s32 $0xF400  }
0x172: {  	[hbm4b:s9+s2] =	stream.indirect_vreg.scatter [tilespmem:s24], [sflag:$0x4], $0x80, v3, vm0, $0xb8;
	[tilespmem:$0x10400] =	vst v63  }
0x173: {  	s28 =	simm.s32 $0xFC00  }
0x174: {  	[hbm4b:s10+s2] =	stream.indirect_vreg.scatter [tilespmem:s28], [sflag:$0x4], $0x80, v3, vm0, $0xb8;
	[tilespmem:$0x10400] =	vst v63  }
0x175: {  	p0 =	sne.s32 s11, $0x1;
	_ =	swait.ge [sflag:s29], $0x8000  }
.Ltmp0:
0x176: {  	[sflag:s29] =	ssyncset.done $0x0;
	(pc) =	sbr.rel @p0 .LBB2_1-.Ltmp0, $4  }
0x177: {  	[sflag:s29] =	ssyncadd.s32 $0xFFFF8000  }
0x178: {  	_ =	swait.ge [sflag:s30], $0x8000  }
0x179: {  	[sflag:s30] =	ssyncset.done $0x0  }
0x17a: {  	s11 =	sadd.s32 $0xFFFFFFFF, s11;
	[sflag:s30] =	ssyncadd.s32 $0xFFFF8000  }
0x17b: {  	_ =	sfence.sel $0x180000  }
0x17c: {  	[bflag:$0x0] =	sbarrier.arrive $0xFFFF  }
0x17d: {  	_ =	strace $0x90000047  }
0x17e: {  	s0 =	stileid.u32;
	[bflag:$0x2] =	sbarrier.arrive $0xFFFF  }
0x17f: {  	p0 =	sne.s32 s0, $0x0;
	s0 =	rddreg [dreg:$0x3]  }
0x180: {  	s0 =	sadd.s32 @!p0 $0x100000, s0  }
0x181: {  	[sflag:s0] =	ssyncadd.tile.s32 @!p0 $0x1;
	_ =	shalt  }
.Lfunc_end2:
_tile_overlayer_lowered:
.L_overlay_start_2:
0x182: {  	(tag) =	ssettag $0x2  }
0x183: {  	s0 =	rddreg [dreg:$0x0];
	s2 =	stileid.u32  }
0x184: {  	s1 =	rddreg [dreg:$0x1];
	p0 =	sne.s32 s2, $0x0  }
0x185: {  	s3 =	rddreg [dreg:$0x2];
	[bflag:$0x3] =	sbarrier.arrive $0xFFFF;
	s2 =	simm.s32 @!p0 $0x1C05  }
0x186: {  	[timem:s3], [sflag:s2] =	dma.local @!p0 [hbm:s0], s1  }
0x187: {  	s0 =	simm.s32 @!p0 $0x5  }
0x188: {  	_ =	swait.ge @!p0 [sflag:s0], s1  }
0x189: {  	s1 =	ssub.s32 @!p0 $0x0, s1;
	[sflag:s0] =	ssyncset.done @!p0 $0x0  }
0x18a: {  	[sflag:s0] =	ssyncadd.s32 @!p0 s1  }
0x18b: {  	[bflag:$0x3] =	sbarrier.arrive $0xFFFF  }
0x18c: {  	_ =	shalt  }

// kernel: kernel.9.cloned.1.call-start
scs
__scs_entry_jumppad:
0x0: {  	(pc) =	sbr.rel $0x88, $3  }
0x1: {  	(tag) =	ssettag $0x0;
	lr =	simm.s32 $0x1  }
0x2: {  	[smem:$0x3F9D] =	sst lr;
	_ =	strace $0xD0000000  }
0x3: {  	_ = 	snop  }
0x4: {  	_ = 	snop  }
0x5: {  	_ = 	snop  }
0x6: {  	_ = 	snop  }
0x7: {  	_ = 	snop  }
__scs_overlays_trampoline_lowered:
0x8: {  	[smem:$0x3FAC] =	sst s0  }
0x9: {  	[smem:$0x3FAD] =	sst s1  }
0xa: {  	[smem:$0x3FAE] =	sst s2  }
0xb: {  	[smem:$0x3FAF] =	sst s3  }
0xc: {  	[smem:$0x3FB0] =	sst s4  }
0xd: {  	[smem:$0x3FB1] =	sst s5  }
0xe: {  	[smem:$0x3FB2] =	sst s6  }
0xf: {  	[smem:$0x3FB3] =	sst s7  }
0x10: {  	[smem:$0x3FB4] =	sst s8  }
0x11: {  	[smem:$0x3FB5] =	sst s9;
	s0 =	simm.s32 @!p0 $0x0  }
0x12: {  	s1 =	sld [smem:$0x3F9B];
	s0 =	simm.s32 @p0 $0x1  }
0x13: {  	[smem:$0x3FB6] =	sst s0;
	s0 =	simm.s32 @!p1 $0x0  }
0x14: {  	s2 =	sld [smem:$0x3F9A];
	s0 =	simm.s32 @p1 $0x1  }
0x15: {  	[smem:$0x3FB7] =	sst s0;
	s0 =	simm.s32 @!p2 $0x0  }
0x16: {  	s3 =	sld [smem:$0x3FDB];
	s0 =	simm.s32 @p2 $0x1  }
0x17: {  	s4 =	simm.s32 $0x1BF5;
	[smem:$0x3FB9] =	sst s0  }
0x18: {  	s0 =	sld [smem:$0x3F9C];
	_ =	swait.ge [sflag:s4], $0x0  }
0x19: {  	s7 =	sld [smem:$0x3F9D]  }
0x1a: {  	s8 =	sadd.s32 $0xFFFFE003, lr  }
0x1b: {  	s9 =	sadd.s32 $0xFFFFFEF7, lr;
	s5 =	simm.s32 $0xFFFFFFFF;
	p2 =	slt.u32 s8, $0xFFFFF086  }
0x1c: {  	p1 =	slt.u32 s9, $0xF7A;
	s5 =	simm.s32 @!p2 $0x0  }
0x1d: {  	s5 =	simm.s32 @p1 $0x1;
	p0 =	seq.s32 s7, s2  }
0x1e: {  	s7 =	smul.u32 @!p0 $0xF7A, s2;
	p2 =	seq.s32 @!p0 s5, $0x0  }
0x1f: {  	s9 =	smul.u32 $0xF7A, s1;
	s8 =	simm.s32 @!p0 $0x1BF5;
	p2 =	por !p2, p0  }
0x20: {  	[sflag:s8] =	ssyncset.s32 @!p0 $0xFFFFF086;
	s6 =	sadd.s32 @!p0 s3, s7;
	s7 =	simm.s32 @!p0 $0x108  }
0x21: {  	s3 =	sadd.s32 s3, s9;
	s6 =	sadd.s32 @!p0 $0x88, s6;
	s7 =	simm.s32 @p2 $0x1082  }
0x22: {  	[simem:s7], [sflag:s8] =	dma.local @!p0 [hbm:s6], $0xF7A  }
0x23: {  	s9 =	sor.u32 $0xD0000000, s2;
	s6 =	simm.s32 $0x108;
	_ =	swait.ge @!p0 [sflag:s8], $0x0  }
0x24: {  	s3 =	sadd.s32 $0x88, s3;
	s6 =	simm.s32 @!p1 $0x1082;
	[sflag:s4] =	ssyncset.s32 $0xFFFFF086  }
0x25: {  	[simem:s6], [sflag:s4] =	dma.local [hbm:s3], $0xF7A  }
0x26: {  	[smem:$0x3F9D] =	sst s1;
	(tag) =	ssettag s2;
	_ =	strace s9  }
0x27: {  	s1 =	sld [smem:$0x3FAD]  }
0x28: {  	s2 =	sld [smem:$0x3FAE]  }
0x29: {  	s4 =	sld [smem:$0x3FB0]  }
0x2a: {  	p0 =	seq.s32 s5, $0x0;
	s5 =	sld [smem:$0x3FB1]  }
0x2b: {  	s6 =	sld [smem:$0x3FB2]  }
0x2c: {  	s7 =	sld [smem:$0x3FB3]  }
0x2d: {  	s3 =	simm.s32 $0x108;
	s8 =	sld [smem:$0x3FB4]  }
0x2e: {  	s3 =	simm.s32 @!p0 $0x1082;
	s9 =	sld [smem:$0x3FB5]  }
0x2f: {  	lr =	sadd.s32 s0, s3;
	s0 =	sld [smem:$0x3FAC]  }
0x30: {  	s3 =	sld [smem:$0x3FAF]  }
0x31: {  	[smem:$0x3FB8] =	sst s10  }
0x32: {  	s10 =	sld [smem:$0x3FB6];
	_ =	sdelay $0x3  }
0x33: {  	p0 =	seq.s32 s10, $0x1;
	s10 =	sld [smem:$0x3FB8];
	_ =	sdelay $0x3  }
0x34: {  	[smem:$0x3FB8] =	sst s10  }
0x35: {  	s10 =	sld [smem:$0x3FB7];
	_ =	sdelay $0x3  }
0x36: {  	p1 =	seq.s32 s10, $0x1;
	s10 =	sld [smem:$0x3FB8];
	_ =	sdelay $0x3  }
0x37: {  	[smem:$0x3FB8] =	sst s10  }
0x38: {  	s10 =	sld [smem:$0x3FB9]  }
0x39: {  	_ = 	snop;
	(pc) =	sbr.ind lr, $3  }
0x3a: {  	_ = 	snop  }
0x3b: {  	_ = 	snop  }
0x3c: {  	p2 =	seq.s32 s10, $0x1;
	s10 =	sld [smem:$0x3FB8]  }
0x3d: {  	_ =	shalt  }
0x3e: {  	_ =	shalt  }
0x3f: {  	_ =	shalt  }
0x40: {  	_ =	shalt  }
0x41: {  	_ =	shalt  }
0x42: {  	_ =	shalt  }
0x43: {  	_ =	shalt  }
0x44: {  	_ =	shalt  }
0x45: {  	_ =	shalt  }
0x46: {  	_ =	shalt  }
0x47: {  	_ =	shalt  }
0x48: {  	_ =	shalt  }
0x49: {  	_ =	shalt  }
0x4a: {  	_ =	shalt  }
0x4b: {  	_ =	shalt  }
0x4c: {  	_ =	shalt  }
0x4d: {  	_ =	shalt  }
0x4e: {  	_ =	shalt  }
0x4f: {  	_ =	shalt  }
0x50: {  	_ =	shalt  }
0x51: {  	_ =	shalt  }
0x52: {  	_ =	shalt  }
0x53: {  	_ =	shalt  }
0x54: {  	_ =	shalt  }
0x55: {  	_ =	shalt  }
0x56: {  	_ =	shalt  }
0x57: {  	_ =	shalt  }
0x58: {  	_ =	shalt  }
0x59: {  	_ =	shalt  }
0x5a: {  	_ =	shalt  }
0x5b: {  	_ =	shalt  }
0x5c: {  	_ =	shalt  }
0x5d: {  	_ =	shalt  }
0x5e: {  	_ =	shalt  }
0x5f: {  	_ =	shalt  }
0x60: {  	_ =	shalt  }
0x61: {  	_ =	shalt  }
0x62: {  	_ =	shalt  }
0x63: {  	_ =	shalt  }
0x64: {  	_ =	shalt  }
0x65: {  	_ =	shalt  }
0x66: {  	_ =	shalt  }
0x67: {  	_ =	shalt  }
0x68: {  	_ =	shalt  }
0x69: {  	_ =	shalt  }
0x6a: {  	_ =	shalt  }
0x6b: {  	_ =	shalt  }
0x6c: {  	_ =	shalt  }
0x6d: {  	_ =	shalt  }
0x6e: {  	_ =	shalt  }
0x6f: {  	_ =	shalt  }
0x70: {  	_ =	shalt  }
0x71: {  	_ =	shalt  }
0x72: {  	_ =	shalt  }
0x73: {  	_ =	shalt  }
0x74: {  	_ =	shalt  }
0x75: {  	_ =	shalt  }
0x76: {  	_ =	shalt  }
0x77: {  	_ =	shalt  }
0x78: {  	_ =	shalt  }
0x79: {  	_ =	shalt  }
0x7a: {  	_ =	shalt  }
0x7b: {  	_ =	shalt  }
0x7c: {  	_ =	shalt  }
0x7d: {  	_ =	shalt  }
0x7e: {  	_ =	shalt  }
0x7f: {  	_ =	shalt  }
0x80: {  	_ =	shalt  }
0x81: {  	_ =	shalt  }
0x82: {  	_ =	shalt  }
0x83: {  	_ =	shalt  }
0x84: {  	_ =	shalt  }
0x85: {  	_ =	shalt  }
0x86: {  	_ =	shalt  }
0x87: {  	_ =	shalt  }
.Lfunc_end0:
.L_simem_size_0:
called_computation.1_lowered:
.L_overlay_start_0:
0x88: {  	s2 =	sld [smem:$0x3FD9]  }
0x89: {  	s3 =	sld [smem:$0x3FFE];
	_ =	sdelay $0x1  }
0x8a: {  	s1 =	srdreg.scid  }
0x8b: {  	s0 =	sand.u32 $0x1, s1  }
0x8c: {  	s17 =	sshll.u32 s0, $0xA;
	s2 =	sadd.s32 s3, s2  }
0x8d: {  	s2 =	sadd.s32 s2, s17  }
0x8e: {  	[smem:$0x3FC4] =	sst s2  }
0x8f: {  	_ = 	snop  }
0x90: {  	s2 =	sld [smem:$0x3FD0];
	(tm) =	ssettm $0x1  }
0x91: {  	s18 =	sld [smem:$0x3FFB];
	_ =	sdelay $0x3  }
0x92: {  	_ =	strace s18  }
0x93: {  	s3 =	sld [smem:$0x3FFC];
	_ =	sdelay $0x3  }
0x94: {  	_ =	strace s3  }
0x95: {  	s3 =	sld [smem:$0x3FFD];
	_ =	sdelay $0x3  }
0x96: {  	_ =	strace s3  }
0x97: {  	_ =	strace $0x8FFFFFFF  }
0x98: {  	s19 =	sld [smem:$0x3FDB];
	_ =	sdelay $0x1  }
0x99: {  	s4 =	simm.s32 $_scs_section_size  }
0x9a: {  	s5 =	simm.s32 $_size__tile_overlayer_lowered;
	s6 =	simm.s32 $_tile_overlayer_lowered  }
0x9b: {  	s22 =	simm.s32 $0x1BFF;
	s21 =	sshll.u32 s6, $0x1;
	s3 =	sadd.s32 s4, s19  }
0x9c: {  	s7 =	simm.s32 $0x0;
	s20 =	sshll.u32 s5, $0x1;
	s5 =	sadd.s32 s21, s3  }
0x9d: {  	[timem:s7], [sflag:s22] =	dma.local [hbm:s5], s20  }
0x9e: {  	_ =	swait.ge [sflag:s22], s20  }
0x9f: {  	s4 =	ssub.s32 $0x0, s20;
	[sflag:s22] =	ssyncset.done $0x0  }
0xa0: {  	[sflag:s22] =	ssyncadd.s32 s4;
	_ =	sdelay $0x1  }
0xa1: {  	s23 =	simm.s32 $0x1B8B  }
0xa2: {  	_ =	swait.ge [sflag:s23], $0x1  }
0xa3: {  	[sflag:s23] =	ssyncset.done $0x0  }
0xa4: {  	s25 =	simm.s32 $0x1B8E;
	s24 =	sld [smem:$0x3FFE];
	[sflag:s23] =	ssyncadd.s32 $0xFFFFFFFF  }
0xa5: {  	s26 =	simm.s32 $execute0_lowered;
	[smem:$0x3FD2] =	sst s25  }
0xa6: {  	s5 =	sshll.u32 s26, $0x1;
	_ =	strace $0x80000049;
	[dreg:$0x1] =	wrdreg $0xFFFFFFFF  }
0xa7: {  	s28 =	simm.s32 $_size_execute0_lowered;
	s3 =	sadd.s32 s3, s5;
	[dreg:$0x0] =	wrdreg $0x0  }
0xa8: {  	s5 =	sshll.u32 s28, $0x1;
	[dreg:$0x2] =	wrdreg s3  }
0xa9: {  	[dreg:$0x3] =	wrdreg s5  }
0xaa: {  	[dreg:$0x4] =	wrdreg $0xC0  }
0xab: {  	_ =	task [dreg:s7], $0x5FFFF  }
0xac: {  	[dreg:$0x1] =	wrdreg $0xFFFFFFFF  }
0xad: {  	[dreg:$0x0] =	wrdreg $0x60  }
0xae: {  	[dreg:$0x2] =	wrdreg s24  }
0xaf: {  	[dreg:$0x3] =	wrdreg s2  }
0xb0: {  	[dreg:$0x4] =	wrdreg $0x9  }
0xb1: {  	_ =	task.clear_ibuf [dreg:s7], $0x5FFFF;
	_ =	strace $0x90000049  }
0xb2: {  	s29 =	simm.s32 $0x9;
	_ =	strace $0x8000004B  }
0xb3: {  	_ =	swait.ge [sflag:s29], $0x1  }
0xb4: {  	[sflag:s29] =	ssyncadd.s32 $0xFFFFFFFF  }
0xb5: {  	_ =	strace $0x9000004B  }
0xb6: {  	_ =	sfence  }
0xb7: {  	s30 =	sld [smem:$0x0];
	_ =	sdelay $0x2  }
0xb8: {  	s31 =	sshll.u32 s1, $0xD;
	s1 =	sshrl.u32 s1, $0x2  }
0xb9: {  	s3 =	sand.u32 $0x4000, s31;
	s1 =	sadd.s32 s1, s30  }
0xba: {  	s0 =	sor.u32 s3, s0;
	s1 =	sshll.u32 s1, $0x11  }
0xbb: {  	s0 =	sor.u32 s1, s0  }
0xbc: {  	s0 =	sadd.s32 $0x8F2B, s0  }
0xbd: {  	[sflag:s0] =	ssyncadd.remote.s32 $0x1  }
0xbe: {  	_ =	sfence.sel $0xFFFF  }
0xbf: {  	[dreg:$0x0] =	wrdreg $0xFFFFFFFF;
	(pc) =	sbr.abs _section_cstart, $3  }
0xc0: {  	[dreg:$0x1] =	wrdreg $0xFFFFFFFF  }
0xc1: {  	_ =	task.clear_ibuf [dreg:s7], $0x2FFFF;
	_ =	strace $0x9FFFFFFF  }
0xc2: {  	(tm) =	ssettm $0x7FFFFFFF  }
0xc3: {  	_ =	shalt  }
tec
execute0_lowered:
.L_overlay_start_1:
0x0: {  	(tag) =	ssettag $0x1  }
0x1: {  	s0 =	rddreg [dreg:$0x0]  }
0x2: {  	s1 =	rddreg [dreg:$0x1];
	s3 =	srdreg.scid  }
0x3: {  	s8 =	stileid.u32;
	s2 =	simm.s32 $0x0;
	s29 =	simm.s32 $0xC00  }
0x4: {  	s28 =	simm.s32 $0xEC00;
	s15 =	simm.s32 $0x1;
	s16 =	simm.s32 $0x3  }
0x5: {  	s17 =	simm.s32 $0x5;
	s18 =	simm.s32 $0x2;
	s4 =	sand.u32 $0x1, s3  }
0x6: {  	s19 =	sshll.u32 s8, $0x1;
	[smem:$0x7FF] =	sst s2;
	s10 =	sadd.s32 $0x1FC300, s0  }
0x7: {  	s8 =	sshll.u32 s8, $0x7;
	s11 =	sadd.s32 $0x1FC400, s0;
	s13 =	sadd.s32 $0x1FC000, s0  }
0x8: {  	s14 =	sadd.s32 $0x1FC500, s0;
	s5 =	sor.u32 s4, s19;
	_ =	strace $0x8000004A  }
0x9: {  	s6 =	sshll.u32 s4, $0x6;
	s3 =	sshll.u32 s5, $0x7;
	s5 =	sshll.u32 s5, $0xE  }
0xa: {  	s4 =	ssub.s32 $0x2, s4;
	s7 =	sadd.s32 s3, s0;
	s1 =	sadd.s32 s1, s5  }
0xb: {  	s6 =	sadd.s32 s6, s0;
	s9 =	sadd.s32 $0x1F8E00, s7;
	[dreg:$0x6] =	wrdreg s1  }
0xc: {  	s6 =	sadd.s32 s8, s6;
	s7 =	sadd.s32 $0x1F9E00, s7;
	[dreg:$0x3] =	wrdreg s9  }
0xd: {  	s19 =	simm.s32 $0x4C00;
	s6 =	sadd.s32 $0x1FAE00, s6;
	[dreg:$0x4] =	wrdreg s7  }
0xe: {  	s20 =	sshrl.u32 s4, $0x1;
	s21 =	sadd.s32 $0x800, s1;
	[dreg:$0x5] =	wrdreg s6  }
0xf: {  	s3 =	sadd.s32 $0x1FBE00, s0;
	s22 =	sadd.s32 $0x1000, s1;
	[dreg:$0x7] =	wrdreg s21  }
0x10: {  	s8 =	sadd.s32 $0x1FC100, s0;
	s23 =	sadd.s32 $0x1800, s1;
	[dreg:$0x8] =	wrdreg s22  }
0x11: {  	s4 =	ssub.s32 s4, s20;
	s24 =	sadd.s32 $0x2000, s1;
	[dreg:$0x9] =	wrdreg s23  }
0x12: {  	s5 =	simm.s32 $0xFC00;
	s25 =	sadd.s32 $0x2800, s1;
	[dreg:$0xa] =	wrdreg s24  }
0x13: {  	s20 =	simm.s32 $0x4;
	s26 =	sadd.s32 $0x3000, s1;
	[dreg:$0xb] =	wrdreg s25  }
0x14: {  	s30 =	sadd.s32 $0x3800, s1;
	s31 =	smax.u32 s4, $0x1;
	[dreg:$0xc] =	wrdreg s26  }
0x15: {  	v0 =	vlaneseq.u32;
	s4 =	simm.s32 $0xF400;
	s7 =	sadd.s32 $0x1FBF00, s0;
	[dreg:$0xd] =	wrdreg s30  }
0x16: {  	v1 =	vshrl.u32 v0, $0x3;
	s9 =	sadd.s32 $0x1FC200, s0;
	[dreg:$0xe] =	wrdreg s31;
	s23 =	simm.s32 $0x7  }
0x17: {  	vm0 =	vmmov $0xffff;
	v0 =	vand.u32 $0x7, v0;
	v1 =	vmul.u32 $0x8, v1;
	s6 =	simm.s32 $0x10400;
	s21 =	simm.s32 $0x6;
	s22 =	simm.s32 $0x0  }
.LBB2_1:
0x18: {  	s0 =	rddreg [dreg:$0x3]  }
0x19: {  	[tilespmem:s2], [sflag:$0x7] =	stream.linear.gather [hbm4b:s0+s2], $0x400, $0x38;
	[tilespmem:$0x10C00] =	vst v63  }
0x1a: {  	_ =	swait.ge [sflag:s23], $0x400  }
0x1b: {  	[sflag:s23] =	ssyncset.done $0x0  }
0x1c: {  	s1 =	simm.s32 $0x400;
	s24 =	rddreg [dreg:$0x4];
	[sflag:s23] =	ssyncadd.s32 $0xFFFFFC00  }
0x1d: {  	[tilespmem:s1], [sflag:$0x7] =	stream.linear.gather [hbm4b:s24+s2], $0x400, $0x38;
	[tilespmem:$0x10C00] =	vst v63  }
0x1e: {  	_ =	swait.ge [sflag:s23], $0x400  }
0x1f: {  	s26 =	simm.s32 $0x200;
	s12 =	simm.s32 $0x4000;
	[sflag:s23] =	ssyncset.done $0x0  }
0x20: {  	s24 =	simm.s32 $0x800;
	s25 =	rddreg [dreg:$0x5];
	[sflag:s23] =	ssyncadd.s32 $0xFFFFFC00  }
0x21: {  	[tilespmem:s24], [sflag:$0x7] =	stream.strided.gather [hbm4b:s25+s26], $0x400, s12, s26, $0x38;
	[tilespmem:$0x10C00] =	vst v63  }
0x22: {  	_ =	swait.ge [sflag:s23], $0x400  }
0x23: {  	[sflag:s23] =	ssyncset.done $0x0  }
0x24: {  	[sflag:s23] =	ssyncadd.s32 $0xFFFFFC00  }
0x25: {  	v2 =	vld.msk [tilespmem:$0x0], $0xff;
	_ =	sdelay $0x4  }
0x26: {  	v3 =	vshll.u32 v2, $0x4  }
0x27: {  	v2 =	vand.u32 $0x7, v2;
	v3 =	vand.u32 $0xFFFFFF80, v3  }
0x28: {  	v2 =	vor.u32 v2, v3  }
0x29: {  	v2 =	vperm.xlane v2, v0;
	_ =	sdelay $0x1  }
0x2a: {  	v2 =	vadd.s32 v1, v2;
	_ =	sdelay $0x4  }
0x2b: {  	[tilespmem:s29], [sflag:$0x1] =	stream.indirect_vreg.gather [hbm4b:s3+s2], $0x80, v2, vm0, $0xb8;
	[tilespmem:$0x10C00] =	vst v63  }
0x2c: {  	s12 =	simm.s32 $0x1400  }
0x2d: {  	[tilespmem:s12], [sflag:$0x1] =	stream.indirect_vreg.gather [hbm4b:s7+s2], $0x80, v2, vm0, $0xb8;
	[tilespmem:$0x10C00] =	vst v63  }
0x2e: {  	s24 =	simm.s32 $0x1C00  }
0x2f: {  	[tilespmem:s24], [sflag:$0x1] =	stream.indirect_vreg.gather [hbm4b:s13+s2], $0x80, v2, vm0, $0xb8;
	[tilespmem:$0x10C00] =	vst v63  }
0x30: {  	s25 =	simm.s32 $0x2400  }
0x31: {  	[tilespmem:s25], [sflag:$0x1] =	stream.indirect_vreg.gather [hbm4b:s8+s2], $0x80, v2, vm0, $0xb8;
	[tilespmem:$0x10C00] =	vst v63  }
0x32: {  	s26 =	simm.s32 $0x2C00  }
0x33: {  	[tilespmem:s26], [sflag:$0x1] =	stream.indirect_vreg.gather [hbm4b:s9+s2], $0x80, v2, vm0, $0xb8;
	[tilespmem:$0x10C00] =	vst v63  }
0x34: {  	s1 =	simm.s32 $0x3400  }
0x35: {  	[tilespmem:s1], [sflag:$0x1] =	stream.indirect_vreg.gather [hbm4b:s10+s2], $0x80, v2, vm0, $0xb8;
	[tilespmem:$0x10C00] =	vst v63  }
0x36: {  	s12 =	simm.s32 $0x3C00  }
0x37: {  	[tilespmem:s12], [sflag:$0x1] =	stream.indirect_vreg.gather [hbm4b:s11+s2], $0x80, v2, vm0, $0xb8;
	[tilespmem:$0x10C00] =	vst v63  }
0x38: {  	s24 =	simm.s32 $0x4400  }
0x39: {  	[tilespmem:s24], [sflag:$0x1] =	stream.indirect_vreg.gather [hbm4b:s14+s2], $0x80, v2, vm0, $0xb8;
	[tilespmem:$0x10C00] =	vst v63  }
0x3a: {  	v2 =	vld.msk [tilespmem:$0x400], $0xff;
	_ =	sdelay $0x4  }
0x3b: {  	v3 =	vshll.u32 v2, $0x4  }
0x3c: {  	v2 =	vand.u32 $0x7, v2;
	v3 =	vand.u32 $0xFFFFFF80, v3  }
0x3d: {  	v2 =	vor.u32 v2, v3  }
0x3e: {  	v2 =	vperm.xlane v2, v0;
	_ =	sdelay $0x1  }
0x3f: {  	v2 =	vadd.s32 v1, v2;
	_ =	sdelay $0x3  }
0x40: {  	s25 =	simm.s32 $0x8C00  }
0x41: {  	[tilespmem:s25], [sflag:$0x3] =	stream.indirect_vreg.gather [hbm4b:s3+s2], $0x80, v2, vm0, $0xb8;
	[tilespmem:$0x10C00] =	vst v63  }
0x42: {  	s26 =	simm.s32 $0x9400  }
0x43: {  	[tilespmem:s26], [sflag:$0x3] =	stream.indirect_vreg.gather [hbm4b:s7+s2], $0x80, v2, vm0, $0xb8;
	[tilespmem:$0x10C00] =	vst v63  }
0x44: {  	s1 =	simm.s32 $0x9C00  }
0x45: {  	[tilespmem:s1], [sflag:$0x3] =	stream.indirect_vreg.gather [hbm4b:s13+s2], $0x80, v2, vm0, $0xb8;
	[tilespmem:$0x10C00] =	vst v63  }
0x46: {  	s12 =	simm.s32 $0xA400  }
0x47: {  	[tilespmem:s12], [sflag:$0x3] =	stream.indirect_vreg.gather [hbm4b:s8+s2], $0x80, v2, vm0, $0xb8;
	[tilespmem:$0x10C00] =	vst v63  }
0x48: {  	s24 =	simm.s32 $0xAC00  }
0x49: {  	[tilespmem:s24], [sflag:$0x3] =	stream.indirect_vreg.gather [hbm4b:s9+s2], $0x80, v2, vm0, $0xb8;
	[tilespmem:$0x10C00] =	vst v63  }
0x4a: {  	s25 =	simm.s32 $0xB400  }
0x4b: {  	[tilespmem:s25], [sflag:$0x3] =	stream.indirect_vreg.gather [hbm4b:s10+s2], $0x80, v2, vm0, $0xb8;
	[tilespmem:$0x10C00] =	vst v63  }
0x4c: {  	s26 =	simm.s32 $0xBC00  }
0x4d: {  	[tilespmem:s26], [sflag:$0x3] =	stream.indirect_vreg.gather [hbm4b:s11+s2], $0x80, v2, vm0, $0xb8;
	[tilespmem:$0x10C00] =	vst v63  }
0x4e: {  	s1 =	simm.s32 $0xC400  }
0x4f: {  	[tilespmem:s1], [sflag:$0x3] =	stream.indirect_vreg.gather [hbm4b:s14+s2], $0x80, v2, vm0, $0xb8;
	[tilespmem:$0x10C00] =	vst v63  }
0x50: {  	v2 =	vld.msk [tilespmem:$0x80], $0xff;
	_ =	sdelay $0x4  }
0x51: {  	v3 =	vshll.u32 v2, $0x4  }
0x52: {  	v2 =	vand.u32 $0x7, v2;
	v3 =	vand.u32 $0xFFFFFF80, v3  }
0x53: {  	v2 =	vor.u32 v2, v3  }
0x54: {  	v2 =	vperm.xlane v2, v0;
	_ =	sdelay $0x1  }
0x55: {  	v2 =	vadd.s32 v1, v2;
	_ =	sdelay $0x4  }
0x56: {  	[tilespmem:s19], [sflag:$0x2] =	stream.indirect_vreg.gather [hbm4b:s3+s2], $0x80, v2, vm0, $0xb8;
	[tilespmem:$0x10C00] =	vst v63  }
0x57: {  	s12 =	simm.s32 $0x5400  }
0x58: {  	[tilespmem:s12], [sflag:$0x2] =	stream.indirect_vreg.gather [hbm4b:s7+s2], $0x80, v2, vm0, $0xb8;
	[tilespmem:$0x10C00] =	vst v63  }
0x59: {  	s24 =	simm.s32 $0x5C00  }
0x5a: {  	[tilespmem:s24], [sflag:$0x2] =	stream.indirect_vreg.gather [hbm4b:s13+s2], $0x80, v2, vm0, $0xb8;
	[tilespmem:$0x10C00] =	vst v63  }
0x5b: {  	s25 =	simm.s32 $0x6400  }
0x5c: {  	[tilespmem:s25], [sflag:$0x2] =	stream.indirect_vreg.gather [hbm4b:s8+s2], $0x80, v2, vm0, $0xb8;
	[tilespmem:$0x10C00] =	vst v63  }
0x5d: {  	s26 =	simm.s32 $0x6C00  }
0x5e: {  	[tilespmem:s26], [sflag:$0x2] =	stream.indirect_vreg.gather [hbm4b:s9+s2], $0x80, v2, vm0, $0xb8;
	[tilespmem:$0x10C00] =	vst v63  }
0x5f: {  	s1 =	simm.s32 $0x7400  }
0x60: {  	[tilespmem:s1], [sflag:$0x2] =	stream.indirect_vreg.gather [hbm4b:s10+s2], $0x80, v2, vm0, $0xb8;
	[tilespmem:$0x10C00] =	vst v63  }
0x61: {  	s12 =	simm.s32 $0x7C00  }
0x62: {  	[tilespmem:s12], [sflag:$0x2] =	stream.indirect_vreg.gather [hbm4b:s11+s2], $0x80, v2, vm0, $0xb8;
	[tilespmem:$0x10C00] =	vst v63  }
0x63: {  	s24 =	simm.s32 $0x8400  }
0x64: {  	[tilespmem:s24], [sflag:$0x2] =	stream.indirect_vreg.gather [hbm4b:s14+s2], $0x80, v2, vm0, $0xb8;
	[tilespmem:$0x10C00] =	vst v63  }
0x65: {  	v2 =	vld.msk [tilespmem:$0x480], $0xff;
	_ =	sdelay $0x4  }
0x66: {  	v3 =	vshll.u32 v2, $0x4  }
0x67: {  	v2 =	vand.u32 $0x7, v2;
	v3 =	vand.u32 $0xFFFFFF80, v3  }
0x68: {  	v2 =	vor.u32 v2, v3  }
0x69: {  	v2 =	vperm.xlane v2, v0;
	_ =	sdelay $0x1  }
0x6a: {  	v2 =	vadd.s32 v1, v2;
	_ =	sdelay $0x3  }
0x6b: {  	s25 =	simm.s32 $0xCC00  }
0x6c: {  	[tilespmem:s25], [sflag:$0x4] =	stream.indirect_vreg.gather [hbm4b:s3+s2], $0x80, v2, vm0, $0xb8;
	[tilespmem:$0x10C00] =	vst v63  }
0x6d: {  	s26 =	simm.s32 $0xD400  }
0x6e: {  	[tilespmem:s26], [sflag:$0x4] =	stream.indirect_vreg.gather [hbm4b:s7+s2], $0x80, v2, vm0, $0xb8;
	[tilespmem:$0x10C00] =	vst v63  }
0x6f: {  	s1 =	simm.s32 $0xDC00  }
0x70: {  	[tilespmem:s1], [sflag:$0x4] =	stream.indirect_vreg.gather [hbm4b:s13+s2], $0x80, v2, vm0, $0xb8;
	[tilespmem:$0x10C00] =	vst v63  }
0x71: {  	s12 =	simm.s32 $0xE400  }
0x72: {  	[tilespmem:s12], [sflag:$0x4] =	stream.indirect_vreg.gather [hbm4b:s8+s2], $0x80, v2, vm0, $0xb8;
	[tilespmem:$0x10C00] =	vst v63  }
0x73: {  	_ = 	snop  }
0x74: {  	[tilespmem:s28], [sflag:$0x4] =	stream.indirect_vreg.gather [hbm4b:s9+s2], $0x80, v2, vm0, $0xb8;
	[tilespmem:$0x10C00] =	vst v63  }
0x75: {  	_ = 	snop  }
0x76: {  	[tilespmem:s4], [sflag:$0x4] =	stream.indirect_vreg.gather [hbm4b:s10+s2], $0x80, v2, vm0, $0xb8;
	[tilespmem:$0x10C00] =	vst v63  }
0x77: {  	_ = 	snop  }
0x78: {  	[tilespmem:s5], [sflag:$0x4] =	stream.indirect_vreg.gather [hbm4b:s11+s2], $0x80, v2, vm0, $0xb8;
	[tilespmem:$0x10C00] =	vst v63  }
0x79: {  	_ = 	snop  }
0x7a: {  	[tilespmem:s6], [sflag:$0x4] =	stream.indirect_vreg.gather [hbm4b:s14+s2], $0x80, v2, vm0, $0xb8;
	[tilespmem:$0x10C00] =	vst v63  }
0x7b: {  	_ =	swait.ge [sflag:s15], $0x4000  }
0x7c: {  	[sflag:s15] =	ssyncset.done $0x0  }
0x7d: {  	[sflag:s15] =	ssyncadd.s32 $0xFFFFC000  }
0x7e: {  	_ =	swait.ge [sflag:s16], $0x4000  }
0x7f: {  	[sflag:s16] =	ssyncset.done $0x0  }
0x80: {  	[sflag:s16] =	ssyncadd.s32 $0xFFFFC000  }
0x81: {  	v4 =	vld [tilespmem:$0x800]  }
0x82: {  	v5 =	vld [tilespmem:$0xA00];
	_ =	sdelay $0x1  }
0x83: {  	s24 =	sand.u32 $0x70, s2;
	s25 =	sand.u32 $0x3C00, s2  }
0x84: {  	s12 =	sor.u32 s24, s25  }
0x85: {  	v20 =	vld [tilespmem:s12+$0x8E00];
	v2 =	vbroadcast v4, $0x0  }
0x86: {  	v21 =	vld [tilespmem:s12+$0x8F00];
	v3 =	vbroadcast v5, $0x0;
	v8 =	vbroadcast v4, $0x1  }
0x87: {  	v26 =	vld [tilespmem:s12+$0xE00];
	v10 =	vbroadcast v5, $0x1;
	v6 =	vbroadcast v4, $0x2  }
0x88: {  	v27 =	vld [tilespmem:s12+$0xD80];
	v7 =	vbroadcast v5, $0x2;
	v12 =	vbroadcast v4, $0x3  }
0x89: {  	v18 =	vld [tilespmem:s12+$0x8C80];
	v13 =	vbroadcast v5, $0x3;
	v15 =	vbroadcast v4, $0x4  }
0x8a: {  	v29 =	vld [tilespmem:s12+$0x8D80];
	v16 =	vbroadcast v5, $0x4;
	v9 =	vbroadcast v4, $0x5  }
0x8b: {  	v24 =	vld [tilespmem:s12+$0xF00];
	v11 =	vbroadcast v5, $0x5;
	v14 =	vbroadcast v4, $0x6  }
0x8c: {  	v19 =	vld [tilespmem:s12+$0xC80];
	v17 =	vbroadcast v5, $0x6;
	v4 =	vbroadcast v4, $0x7  }
0x8d: {  	s26 =	sand.u32 $0x7, s2;
	v23 =	vld [tilespmem:s12+$0x8C00];
	v5 =	vbroadcast v5, $0x7;
	v25 =	vmul.f32 v20, v16  }
0x8e: {  	s31 =	simm.s32 $0x10;
	s0 =	sshll.u32 s26, $0x4;
	v20 =	vld [tilespmem:s12+$0xD00];
	v22 =	vmul.f32 v21, v17;
	v28 =	vmul.f32 v26, v15  }
0x8f: {  	s30 =	sadd.s32 $0x0, s0;
	s0 =	simm.s32 $0x0;
	s1 =	simm.s32 $0x0;
	v21 =	vld [tilespmem:s12+$0x8D00];
	v26 =	vmul.f32 v27, v12;
	v27 =	vmul.f32 v29, v13  }
.LBB2_2:
0x90: {  	p0 =	sne.s32 s31, $0x7F0;
	v29 =	vld [tilespmem:s12+$0xC00];
	v25 =	vadd.f32 v25, v28;
	v24 =	vmul.f32 v24, v14;
	s0 =	sadd.s32 $0x80, s0;
	s1 =	sadd.s32 $0x1, s1  }
0x91: {  	v18 =	vmul.f32 v18, v10;
	s25 =	smov.u32 s31;
	s31 =	sadd.s32 $0x10, s31;
	s24 =	sand.u32 $0x7, s1;
	v26 =	vadd.f32 v27, v26;
	v27 =	vld [tilespmem:s12+$0xE80]  }
0x92: {  	s24 =	sshll.u32 s24, $0x4;
	[tilespmem:s12+$0xE00] =	vst v25;
	v25 =	vld [tilespmem:s12+$0x8E80];
	v22 =	vadd.f32 v22, v24  }
0x93: {  	v20 =	vmul.f32 v20, v6;
	s24 =	sadd.s32 s24, s0  }
0x94: {  	v19 =	vmul.f32 v19, v8;
	v23 =	vmul.f32 v23, v3  }
0x95: {  	v24 =	vmul.f32 v29, v2  }
0x96: {  	v18 =	vadd.f32 v18, v19;
	v19 =	vmul.f32 v21, v7;
	[tilespmem:s12+$0xD80] =	vst v26  }
0x97: {  	v21 =	vadd.f32 v23, v24;
	v23 =	vmul.f32 v27, v9;
	v24 =	vmul.f32 v25, v11;
	[tilespmem:s12+$0xF00] =	vst v22  }
0x98: {  	[tilespmem:s12+$0xC80] =	vst v18;
	v18 =	vadd.f32 v19, v20  }
0x99: {  	[tilespmem:s12+$0xC00] =	vst v21;
	v19 =	vadd.f32 v24, v23  }
0x9a: {  	[tilespmem:s12+$0xD00] =	vst v18  }
0x9b: {  	s26 =	sor.u32 $0x380, s30;
	s30 =	smov.u32 s24;
	[tilespmem:s12+$0xE80] =	vst v19  }
0x9c: {  	v18 =	vld [tilespmem:s26+$0xC00]  }
0x9d: {  	s24 =	sand.u32 $0x3C00, s0;
	s12 =	sand.u32 $0x70, s25;
	v19 =	vld [tilespmem:s26+$0x8C00]  }
0x9e: {  	s12 =	sor.u32 s12, s24;
	_ =	sdelay $0x3  }
0x9f: {  	v18 =	vmul.f32 v18, v4;
	v19 =	vmul.f32 v19, v5;
	_ =	sdelay $0x1  }
0xa0: {  	v18 =	vadd.f32 v19, v18;
	_ =	sdelay $0x1  }
0xa1: {  	[tilespmem:s26+$0xC00] =	vst v18  }
0xa2: {  	v19 =	vld [tilespmem:s12+$0x8E00]  }
0xa3: {  	v20 =	vld [tilespmem:s12+$0x8F00]  }
0xa4: {  	v21 =	vld [tilespmem:s12+$0xE00]  }
0xa5: {  	v26 =	vld [tilespmem:s12+$0xD80]  }
0xa6: {  	v18 =	vld [tilespmem:s12+$0x8C80]  }
0xa7: {  	v27 =	vld [tilespmem:s12+$0x8D80]  }
.Ltmp0:
0xa8: {  	v25 =	vmul.f32 v19, v16;
	v24 =	vld [tilespmem:s12+$0xF00];
	v22 =	vmul.f32 v20, v17;
	(pc) =	sbr.rel @p0 .LBB2_2-.Ltmp0, $4  }
0xa9: {  	v19 =	vld [tilespmem:s12+$0xC80]  }
0xaa: {  	v20 =	vld [tilespmem:s12+$0xD00]  }
0xab: {  	v28 =	vmul.f32 v21, v15;
	v23 =	vld [tilespmem:s12+$0x8C00]  }
0xac: {  	v26 =	vmul.f32 v26, v12;
	v21 =	vld [tilespmem:s12+$0x8D00];
	v27 =	vmul.f32 v27, v13  }
0xad: {  	v12 =	vadd.f32 v25, v28;
	v13 =	vld [tilespmem:s12+$0xC00]  }
0xae: {  	v15 =	vld [tilespmem:s12+$0xE80]  }
0xaf: {  	[tilespmem:s12+$0xE00] =	vst v12;
	v12 =	vld [tilespmem:s12+$0x8E80]  }
0xb0: {  	v14 =	vmul.f32 v24, v14  }
0xb1: {  	v10 =	vmul.f32 v18, v10;
	v16 =	vadd.f32 v27, v26;
	v8 =	vmul.f32 v19, v8  }
0xb2: {  	v14 =	vadd.f32 v22, v14;
	v3 =	vmul.f32 v23, v3;
	v2 =	vmul.f32 v13, v2  }
0xb3: {  	v6 =	vmul.f32 v20, v6;
	v8 =	vadd.f32 v10, v8;
	[tilespmem:s12+$0xD80] =	vst v16;
	v7 =	vmul.f32 v21, v7  }
0xb4: {  	[tilespmem:s12+$0xF00] =	vst v14;
	v2 =	vadd.f32 v3, v2;
	v3 =	vmul.f32 v15, v9;
	v9 =	vmul.f32 v12, v11  }
0xb5: {  	[tilespmem:s12+$0xC80] =	vst v8;
	v6 =	vadd.f32 v7, v6  }
0xb6: {  	[tilespmem:s12+$0xC00] =	vst v2;
	v2 =	vadd.f32 v9, v3  }
0xb7: {  	[tilespmem:s12+$0xD00] =	vst v6  }
0xb8: {  	s0 =	sor.u32 $0x380, s30;
	[tilespmem:s12+$0xE80] =	vst v2  }
0xb9: {  	v2 =	vld [tilespmem:s0+$0xC00]  }
0xba: {  	v3 =	vld [tilespmem:s0+$0x8C00];
	_ =	sdelay $0x4  }
0xbb: {  	v2 =	vmul.f32 v2, v4;
	v3 =	vmul.f32 v3, v5;
	_ =	sdelay $0x1  }
0xbc: {  	v2 =	vadd.f32 v3, v2;
	_ =	sdelay $0x1  }
0xbd: {  	s24 =	rddreg [dreg:$0x6];
	s12 =	simm.s32 $0x0;
	[tilespmem:s0+$0xC00] =	vst v2  }
0xbe: {  	[hbm4b:s24+s12] =	stream.linear.scatter [tilespmem:s29], [sflag:$0x5], $0x4000, $0x38;
	[tilespmem:$0x10C00] =	vst v63  }
0xbf: {  	_ =	swait.ge [sflag:s17], $0x4000  }
0xc0: {  	[sflag:s17] =	ssyncset.done $0x0  }
0xc1: {  	[sflag:s17] =	ssyncadd.s32 $0xFFFFC000  }
0xc2: {  	v2 =	vld.msk [tilespmem:$0x100], $0xff;
	_ =	sdelay $0x4  }
0xc3: {  	v3 =	vshll.u32 v2, $0x4  }
0xc4: {  	v2 =	vand.u32 $0x7, v2;
	v3 =	vand.u32 $0xFFFFFF80, v3  }
0xc5: {  	v2 =	vor.u32 v2, v3  }
0xc6: {  	v2 =	vperm.xlane v2, v0;
	_ =	sdelay $0x1  }
0xc7: {  	v2 =	vadd.s32 v1, v2;
	_ =	sdelay $0x4  }
0xc8: {  	[tilespmem:s29], [sflag:$0x1] =	stream.indirect_vreg.gather [hbm4b:s3+s12], $0x80, v2, vm0, $0xb8;
	[tilespmem:$0x10C00] =	vst v63  }
0xc9: {  	s25 =	simm.s32 $0x1400  }
0xca: {  	[tilespmem:s25], [sflag:$0x1] =	stream.indirect_vreg.gather [hbm4b:s7+s12], $0x80, v2, vm0, $0xb8;
	[tilespmem:$0x10C00] =	vst v63  }
0xcb: {  	s26 =	simm.s32 $0x1C00  }
0xcc: {  	[tilespmem:s26], [sflag:$0x1] =	stream.indirect_vreg.gather [hbm4b:s13+s12], $0x80, v2, vm0, $0xb8;
	[tilespmem:$0x10C00] =	vst v63  }
0xcd: {  	s1 =	simm.s32 $0x2400  }
0xce: {  	[tilespmem:s1], [sflag:$0x1] =	stream.indirect_vreg.gather [hbm4b:s8+s12], $0x80, v2, vm0, $0xb8;
	[tilespmem:$0x10C00] =	vst v63  }
0xcf: {  	s24 =	simm.s32 $0x2C00  }
0xd0: {  	[tilespmem:s24], [sflag:$0x1] =	stream.indirect_vreg.gather [hbm4b:s9+s12], $0x80, v2, vm0, $0xb8;
	[tilespmem:$0x10C00] =	vst v63  }
0xd1: {  	s25 =	simm.s32 $0x3400  }
0xd2: {  	[tilespmem:s25], [sflag:$0x1] =	stream.indirect_vreg.gather [hbm4b:s10+s12], $0x80, v2, vm0, $0xb8;
	[tilespmem:$0x10C00] =	vst v63  }
0xd3: {  	s26 =	simm.s32 $0x3C00  }
0xd4: {  	[tilespmem:s26], [sflag:$0x1] =	stream.indirect_vreg.gather [hbm4b:s11+s12], $0x80, v2, vm0, $0xb8;
	[tilespmem:$0x10C00] =	vst v63  }
0xd5: {  	s1 =	simm.s32 $0x4400  }
0xd6: {  	[tilespmem:s1], [sflag:$0x1] =	stream.indirect_vreg.gather [hbm4b:s14+s12], $0x80, v2, vm0, $0xb8;
	[tilespmem:$0x10C00] =	vst v63  }
0xd7: {  	v2 =	vld.msk [tilespmem:$0x500], $0xff;
	_ =	sdelay $0x4  }
0xd8: {  	v3 =	vshll.u32 v2, $0x4  }
0xd9: {  	v2 =	vand.u32 $0x7, v2;
	v3 =	vand.u32 $0xFFFFFF80, v3  }
0xda: {  	v2 =	vor.u32 v2, v3  }
0xdb: {  	v2 =	vperm.xlane v2, v0;
	_ =	sdelay $0x1  }
0xdc: {  	v2 =	vadd.s32 v1, v2;
	_ =	sdelay $0x3  }
0xdd: {  	s24 =	simm.s32 $0x8C00  }
0xde: {  	[tilespmem:s24], [sflag:$0x3] =	stream.indirect_vreg.gather [hbm4b:s3+s12], $0x80, v2, vm0, $0xb8;
	[tilespmem:$0x10C00] =	vst v63  }
0xdf: {  	s25 =	simm.s32 $0x9400  }
0xe0: {  	[tilespmem:s25], [sflag:$0x3] =	stream.indirect_vreg.gather [hbm4b:s7+s12], $0x80, v2, vm0, $0xb8;
	[tilespmem:$0x10C00] =	vst v63  }
0xe1: {  	s26 =	simm.s32 $0x9C00  }
0xe2: {  	[tilespmem:s26], [sflag:$0x3] =	stream.indirect_vreg.gather [hbm4b:s13+s12], $0x80, v2, vm0, $0xb8;
	[tilespmem:$0x10C00] =	vst v63  }
0xe3: {  	s1 =	simm.s32 $0xA400  }
0xe4: {  	[tilespmem:s1], [sflag:$0x3] =	stream.indirect_vreg.gather [hbm4b:s8+s12], $0x80, v2, vm0, $0xb8;
	[tilespmem:$0x10C00] =	vst v63  }
0xe5: {  	s24 =	simm.s32 $0xAC00  }
0xe6: {  	[tilespmem:s24], [sflag:$0x3] =	stream.indirect_vreg.gather [hbm4b:s9+s12], $0x80, v2, vm0, $0xb8;
	[tilespmem:$0x10C00] =	vst v63  }
0xe7: {  	s25 =	simm.s32 $0xB400  }
0xe8: {  	[tilespmem:s25], [sflag:$0x3] =	stream.indirect_vreg.gather [hbm4b:s10+s12], $0x80, v2, vm0, $0xb8;
	[tilespmem:$0x10C00] =	vst v63  }
0xe9: {  	s26 =	simm.s32 $0xBC00  }
0xea: {  	[tilespmem:s26], [sflag:$0x3] =	stream.indirect_vreg.gather [hbm4b:s11+s12], $0x80, v2, vm0, $0xb8;
	[tilespmem:$0x10C00] =	vst v63  }
0xeb: {  	s1 =	simm.s32 $0xC400  }
0xec: {  	[tilespmem:s1], [sflag:$0x3] =	stream.indirect_vreg.gather [hbm4b:s14+s12], $0x80, v2, vm0, $0xb8;
	[tilespmem:$0x10C00] =	vst v63  }
0xed: {  	_ =	swait.ge [sflag:s18], $0x4000  }
0xee: {  	[sflag:s18] =	ssyncset.done $0x0  }
0xef: {  	[sflag:s18] =	ssyncadd.s32 $0xFFFFC000  }
0xf0: {  	_ =	swait.ge [sflag:s20], $0x4000  }
0xf1: {  	[sflag:s20] =	ssyncset.done $0x0  }
0xf2: {  	[sflag:s20] =	ssyncadd.s32 $0xFFFFC000  }
0xf3: {  	v4 =	vld [tilespmem:$0x800]  }
0xf4: {  	v5 =	vld [tilespmem:$0xA00];
	_ =	sdelay $0x1  }
0xf5: {  	s24 =	sand.u32 $0x70, s12;
	s1 =	sand.u32 $0x3C00, s12  }
0xf6: {  	s30 =	sor.u32 s24, s1  }
0xf7: {  	v20 =	vld [tilespmem:s30+$0xCE00];
	v2 =	vbroadcast v4, $0x8  }
0xf8: {  	v21 =	vld [tilespmem:s30+$0xCF00];
	v3 =	vbroadcast v5, $0x8;
	v8 =	vbroadcast v4, $0x9  }
0xf9: {  	v26 =	vld [tilespmem:s30+$0x4E00];
	v10 =	vbroadcast v5, $0x9;
	v6 =	vbroadcast v4, $0xA  }
0xfa: {  	v27 =	vld [tilespmem:s30+$0x4D80];
	v7 =	vbroadcast v5, $0xA;
	v12 =	vbroadcast v4, $0xB  }
0xfb: {  	v18 =	vld [tilespmem:s30+$0xCC80];
	v13 =	vbroadcast v5, $0xB;
	v15 =	vbroadcast v4, $0xC  }
0xfc: {  	v29 =	vld [tilespmem:s30+$0xCD80];
	v16 =	vbroadcast v5, $0xC;
	v9 =	vbroadcast v4, $0xD  }
0xfd: {  	v24 =	vld [tilespmem:s30+$0x4F00];
	v11 =	vbroadcast v5, $0xD;
	v14 =	vbroadcast v4, $0xE  }
0xfe: {  	v19 =	vld [tilespmem:s30+$0x4C80];
	v17 =	vbroadcast v5, $0xE;
	v4 =	vbroadcast v4, $0xF  }
0xff: {  	s25 =	sand.u32 $0x7, s12;
	v23 =	vld [tilespmem:s30+$0xCC00];
	v5 =	vbroadcast v5, $0xF;
	v25 =	vmul.f32 v20, v16  }
0x100: {  	s26 =	sshll.u32 s25, $0x4;
	v20 =	vld [tilespmem:s30+$0x4D00];
	v22 =	vmul.f32 v21, v17;
	v28 =	vmul.f32 v26, v15  }
0x101: {  	s0 =	simm.s32 $0x10;
	s31 =	sadd.s32 $0x0, s26;
	s1 =	simm.s32 $0x0;
	v21 =	vld [tilespmem:s30+$0xCD00];
	v26 =	vmul.f32 v27, v12;
	v27 =	vmul.f32 v29, v13  }
.LBB2_4:
0x102: {  	p0 =	sne.s32 s0, $0x7F0;
	v29 =	vld [tilespmem:s30+$0x4C00];
	v25 =	vadd.f32 v25, v28;
	v24 =	vmul.f32 v24, v14;
	s12 =	sadd.s32 $0x80, s12;
	s1 =	sadd.s32 $0x1, s1  }
0x103: {  	v18 =	vmul.f32 v18, v10;
	s25 =	smov.u32 s0;
	s0 =	sadd.s32 $0x10, s0;
	s24 =	sand.u32 $0x7, s1;
	v26 =	vadd.f32 v27, v26;
	v27 =	vld [tilespmem:s30+$0x4E80]  }
0x104: {  	s24 =	sshll.u32 s24, $0x4;
	[tilespmem:s30+$0x4E00] =	vst v25;
	v25 =	vld [tilespmem:s30+$0xCE80];
	v22 =	vadd.f32 v22, v24  }
0x105: {  	v20 =	vmul.f32 v20, v6;
	s24 =	sadd.s32 s24, s12  }
0x106: {  	v19 =	vmul.f32 v19, v8;
	v23 =	vmul.f32 v23, v3  }
0x107: {  	v24 =	vmul.f32 v29, v2  }
0x108: {  	v18 =	vadd.f32 v18, v19;
	v19 =	vmul.f32 v21, v7;
	[tilespmem:s30+$0x4D80] =	vst v26  }
0x109: {  	v21 =	vadd.f32 v23, v24;
	v23 =	vmul.f32 v27, v9;
	v24 =	vmul.f32 v25, v11;
	[tilespmem:s30+$0x4F00] =	vst v22  }
0x10a: {  	[tilespmem:s30+$0x4C80] =	vst v18;
	v18 =	vadd.f32 v19, v20  }
0x10b: {  	[tilespmem:s30+$0x4C00] =	vst v21;
	v19 =	vadd.f32 v24, v23  }
0x10c: {  	[tilespmem:s30+$0x4D00] =	vst v18  }
0x10d: {  	s26 =	sor.u32 $0x380, s31;
	s31 =	smov.u32 s24;
	[tilespmem:s30+$0x4E80] =	vst v19  }
0x10e: {  	v18 =	vld [tilespmem:s26+$0x4C00]  }
0x10f: {  	s24 =	sand.u32 $0x70, s25;
	s25 =	sand.u32 $0x3C00, s12;
	v19 =	vld [tilespmem:s26+$0xCC00]  }
0x110: {  	s30 =	sor.u32 s24, s25;
	_ =	sdelay $0x3  }
0x111: {  	v18 =	vmul.f32 v18, v4;
	v19 =	vmul.f32 v19, v5;
	_ =	sdelay $0x1  }
0x112: {  	v18 =	vadd.f32 v19, v18;
	_ =	sdelay $0x1  }
0x113: {  	[tilespmem:s26+$0x4C00] =	vst v18  }
0x114: {  	v19 =	vld [tilespmem:s30+$0xCE00]  }
0x115: {  	v20 =	vld [tilespmem:s30+$0xCF00]  }
0x116: {  	v21 =	vld [tilespmem:s30+$0x4E00]  }
0x117: {  	v26 =	vld [tilespmem:s30+$0x4D80]  }
0x118: {  	v18 =	vld [tilespmem:s30+$0xCC80]  }
0x119: {  	v27 =	vld [tilespmem:s30+$0xCD80]  }
.Ltmp1:
0x11a: {  	v25 =	vmul.f32 v19, v16;
	v24 =	vld [tilespmem:s30+$0x4F00];
	v22 =	vmul.f32 v20, v17;
	(pc) =	sbr.rel @p0 .LBB2_4-.Ltmp1, $4  }
0x11b: {  	v19 =	vld [tilespmem:s30+$0x4C80]  }
0x11c: {  	v20 =	vld [tilespmem:s30+$0x4D00]  }
0x11d: {  	v28 =	vmul.f32 v21, v15;
	v23 =	vld [tilespmem:s30+$0xCC00]  }
0x11e: {  	v26 =	vmul.f32 v26, v12;
	v21 =	vld [tilespmem:s30+$0xCD00];
	v27 =	vmul.f32 v27, v13  }
0x11f: {  	v12 =	vadd.f32 v25, v28;
	v13 =	vld [tilespmem:s30+$0x4C00]  }
0x120: {  	v15 =	vld [tilespmem:s30+$0x4E80]  }
0x121: {  	[tilespmem:s30+$0x4E00] =	vst v12;
	v12 =	vld [tilespmem:s30+$0xCE80]  }
0x122: {  	v14 =	vmul.f32 v24, v14  }
0x123: {  	v10 =	vmul.f32 v18, v10;
	v16 =	vadd.f32 v27, v26;
	v8 =	vmul.f32 v19, v8  }
0x124: {  	v14 =	vadd.f32 v22, v14;
	v3 =	vmul.f32 v23, v3;
	v2 =	vmul.f32 v13, v2  }
0x125: {  	v6 =	vmul.f32 v20, v6;
	v8 =	vadd.f32 v10, v8;
	[tilespmem:s30+$0x4D80] =	vst v16;
	v7 =	vmul.f32 v21, v7  }
0x126: {  	[tilespmem:s30+$0x4F00] =	vst v14;
	v2 =	vadd.f32 v3, v2;
	v3 =	vmul.f32 v15, v9;
	v9 =	vmul.f32 v12, v11  }
0x127: {  	[tilespmem:s30+$0x4C80] =	vst v8;
	v6 =	vadd.f32 v7, v6  }
0x128: {  	[tilespmem:s30+$0x4C00] =	vst v2;
	v2 =	vadd.f32 v9, v3  }
0x129: {  	[tilespmem:s30+$0x4D00] =	vst v6  }
0x12a: {  	s0 =	sor.u32 $0x380, s31;
	[tilespmem:s30+$0x4E80] =	vst v2  }
0x12b: {  	v2 =	vld [tilespmem:s0+$0x4C00]  }
0x12c: {  	v3 =	vld [tilespmem:s0+$0xCC00];
	_ =	sdelay $0x4  }
0x12d: {  	v2 =	vmul.f32 v2, v4;
	v3 =	vmul.f32 v3, v5;
	_ =	sdelay $0x1  }
0x12e: {  	v2 =	vadd.f32 v3, v2;
	_ =	sdelay $0x1  }
0x12f: {  	s12 =	simm.s32 $0x0;
	s24 =	rddreg [dreg:$0x7];
	[tilespmem:s0+$0x4C00] =	vst v2  }
0x130: {  	[hbm4b:s24+s12] =	stream.linear.scatter [tilespmem:s19], [sflag:$0x6], $0x4000, $0x38;
	[tilespmem:$0x10C00] =	vst v63  }
0x131: {  	_ =	swait.ge [sflag:s21], $0x4000  }
0x132: {  	[sflag:s21] =	ssyncset.done $0x0  }
0x133: {  	[sflag:s21] =	ssyncadd.s32 $0xFFFFC000  }
0x134: {  	v2 =	vld.msk [tilespmem:$0x180], $0xff;
	_ =	sdelay $0x4  }
0x135: {  	v3 =	vshll.u32 v2, $0x4  }
0x136: {  	v2 =	vand.u32 $0x7, v2;
	v3 =	vand.u32 $0xFFFFFF80, v3  }
0x137: {  	v2 =	vor.u32 v2, v3  }
0x138: {  	v2 =	vperm.xlane v2, v0;
	_ =	sdelay $0x1  }
0x139: {  	v2 =	vadd.s32 v1, v2;
	_ =	sdelay $0x4  }
0x13a: {  	[tilespmem:s19], [sflag:$0x2] =	stream.indirect_vreg.gather [hbm4b:s3+s12], $0x80, v2, vm0, $0xb8;
	[tilespmem:$0x10C00] =	vst v63  }
0x13b: {  	s25 =	simm.s32 $0x5400  }
0x13c: {  	[tilespmem:s25], [sflag:$0x2] =	stream.indirect_vreg.gather [hbm4b:s7+s12], $0x80, v2, vm0, $0xb8;
	[tilespmem:$0x10C00] =	vst v63  }
0x13d: {  	s26 =	simm.s32 $0x5C00  }
0x13e: {  	[tilespmem:s26], [sflag:$0x2] =	stream.indirect_vreg.gather [hbm4b:s13+s12], $0x80, v2, vm0, $0xb8;
	[tilespmem:$0x10C00] =	vst v63  }
0x13f: {  	s1 =	simm.s32 $0x6400  }
0x140: {  	[tilespmem:s1], [sflag:$0x2] =	stream.indirect_vreg.gather [hbm4b:s8+s12], $0x80, v2, vm0, $0xb8;
	[tilespmem:$0x10C00] =	vst v63  }
0x141: {  	s24 =	simm.s32 $0x6C00  }
0x142: {  	[tilespmem:s24], [sflag:$0x2] =	stream.indirect_vreg.gather [hbm4b:s9+s12], $0x80, v2, vm0, $0xb8;
	[tilespmem:$0x10C00] =	vst v63  }
0x143: {  	s25 =	simm.s32 $0x7400  }
0x144: {  	[tilespmem:s25], [sflag:$0x2] =	stream.indirect_vreg.gather [hbm4b:s10+s12], $0x80, v2, vm0, $0xb8;
	[tilespmem:$0x10C00] =	vst v63  }
0x145: {  	s26 =	simm.s32 $0x7C00  }
0x146: {  	[tilespmem:s26], [sflag:$0x2] =	stream.indirect_vreg.gather [hbm4b:s11+s12], $0x80, v2, vm0, $0xb8;
	[tilespmem:$0x10C00] =	vst v63  }
0x147: {  	s1 =	simm.s32 $0x8400  }
0x148: {  	[tilespmem:s1], [sflag:$0x2] =	stream.indirect_vreg.gather [hbm4b:s14+s12], $0x80, v2, vm0, $0xb8;
	[tilespmem:$0x10C00] =	vst v63  }
0x149: {  	v2 =	vld.msk [tilespmem:$0x580], $0xff;
	_ =	sdelay $0x4  }
0x14a: {  	v3 =	vshll.u32 v2, $0x4  }
0x14b: {  	v2 =	vand.u32 $0x7, v2;
	v3 =	vand.u32 $0xFFFFFF80, v3  }
0x14c: {  	v2 =	vor.u32 v2, v3  }
0x14d: {  	v2 =	vperm.xlane v2, v0;
	_ =	sdelay $0x1  }
0x14e: {  	v2 =	vadd.s32 v1, v2;
	_ =	sdelay $0x3  }
0x14f: {  	s24 =	simm.s32 $0xCC00  }
0x150: {  	[tilespmem:s24], [sflag:$0x4] =	stream.indirect_vreg.gather [hbm4b:s3+s12], $0x80, v2, vm0, $0xb8;
	[tilespmem:$0x10C00] =	vst v63  }
0x151: {  	s25 =	simm.s32 $0xD400  }
0x152: {  	[tilespmem:s25], [sflag:$0x4] =	stream.indirect_vreg.gather [hbm4b:s7+s12], $0x80, v2, vm0, $0xb8;
	[tilespmem:$0x10C00] =	vst v63  }
0x153: {  	s26 =	simm.s32 $0xDC00  }
0x154: {  	[tilespmem:s26], [sflag:$0x4] =	stream.indirect_vreg.gather [hbm4b:s13+s12], $0x80, v2, vm0, $0xb8;
	[tilespmem:$0x10C00] =	vst v63  }
0x155: {  	s1 =	simm.s32 $0xE400  }
0x156: {  	[tilespmem:s1], [sflag:$0x4] =	stream.indirect_vreg.gather [hbm4b:s8+s12], $0x80, v2, vm0, $0xb8;
	[tilespmem:$0x10C00] =	vst v63  }
0x157: {  	_ = 	snop  }
0x158: {  	[tilespmem:s28], [sflag:$0x4] =	stream.indirect_vreg.gather [hbm4b:s9+s12], $0x80, v2, vm0, $0xb8;
	[tilespmem:$0x10C00] =	vst v63  }
0x159: {  	_ = 	snop  }
0x15a: {  	[tilespmem:s4], [sflag:$0x4] =	stream.indirect_vreg.gather [hbm4b:s10+s12], $0x80, v2, vm0, $0xb8;
	[tilespmem:$0x10C00] =	vst v63  }
0x15b: {  	_ = 	snop  }
0x15c: {  	[tilespmem:s5], [sflag:$0x4] =	stream.indirect_vreg.gather [hbm4b:s11+s12], $0x80, v2, vm0, $0xb8;
	[tilespmem:$0x10C00] =	vst v63  }
0x15d: {  	_ = 	snop  }
0x15e: {  	[tilespmem:s6], [sflag:$0x4] =	stream.indirect_vreg.gather [hbm4b:s14+s12], $0x80, v2, vm0, $0xb8;
	[tilespmem:$0x10C00] =	vst v63  }
0x15f: {  	_ =	swait.ge [sflag:s15], $0x4000  }
0x160: {  	[sflag:s15] =	ssyncset.done $0x0  }
0x161: {  	[sflag:s15] =	ssyncadd.s32 $0xFFFFC000  }
0x162: {  	_ =	swait.ge [sflag:s16], $0x4000  }
0x163: {  	[sflag:s16] =	ssyncset.done $0x0  }
0x164: {  	[sflag:s16] =	ssyncadd.s32 $0xFFFFC000  }
0x165: {  	v4 =	vld [tilespmem:$0x880]  }
0x166: {  	v5 =	vld [tilespmem:$0xA80];
	_ =	sdelay $0x1  }
0x167: {  	s24 =	sand.u32 $0x70, s12;
	s1 =	sand.u32 $0x3C00, s12  }
0x168: {  	s30 =	sor.u32 s24, s1  }
0x169: {  	v20 =	vld [tilespmem:s30+$0x8E00];
	v2 =	vbroadcast v4, $0x0  }
0x16a: {  	v21 =	vld [tilespmem:s30+$0x8F00];
	v3 =	vbroadcast v5, $0x0;
	v8 =	vbroadcast v4, $0x1  }
0x16b: {  	v26 =	vld [tilespmem:s30+$0xE00];
	v10 =	vbroadcast v5, $0x1;
	v6 =	vbroadcast v4, $0x2  }
0x16c: {  	v27 =	vld [tilespmem:s30+$0xD80];
	v7 =	vbroadcast v5, $0x2;
	v12 =	vbroadcast v4, $0x3  }
0x16d: {  	v18 =	vld [tilespmem:s30+$0x8C80];
	v13 =	vbroadcast v5, $0x3;
	v15 =	vbroadcast v4, $0x4  }
0x16e: {  	v29 =	vld [tilespmem:s30+$0x8D80];
	v16 =	vbroadcast v5, $0x4;
	v9 =	vbroadcast v4, $0x5  }
0x16f: {  	v24 =	vld [tilespmem:s30+$0xF00];
	v11 =	vbroadcast v5, $0x5;
	v14 =	vbroadcast v4, $0x6  }
0x170: {  	v19 =	vld [tilespmem:s30+$0xC80];
	v17 =	vbroadcast v5, $0x6;
	v4 =	vbroadcast v4, $0x7  }
0x171: {  	s25 =	sand.u32 $0x7, s12;
	v23 =	vld [tilespmem:s30+$0x8C00];
	v5 =	vbroadcast v5, $0x7;
	v25 =	vmul.f32 v20, v16  }
0x172: {  	s26 =	sshll.u32 s25, $0x4;
	v20 =	vld [tilespmem:s30+$0xD00];
	v22 =	vmul.f32 v21, v17;
	v28 =	vmul.f32 v26, v15  }
0x173: {  	s0 =	simm.s32 $0x10;
	s31 =	sadd.s32 $0x0, s26;
	s1 =	simm.s32 $0x0;
	v21 =	vld [tilespmem:s30+$0x8D00];
	v26 =	vmul.f32 v27, v12;
	v27 =	vmul.f32 v29, v13  }
.LBB2_6:
0x174: {  	p0 =	sne.s32 s0, $0x7F0;
	v29 =	vld [tilespmem:s30+$0xC00];
	v25 =	vadd.f32 v25, v28;
	v24 =	vmul.f32 v24, v14;
	s12 =	sadd.s32 $0x80, s12;
	s1 =	sadd.s32 $0x1, s1  }
0x175: {  	v18 =	vmul.f32 v18, v10;
	s25 =	smov.u32 s0;
	s0 =	sadd.s32 $0x10, s0;
	s24 =	sand.u32 $0x7, s1;
	v26 =	vadd.f32 v27, v26;
	v27 =	vld [tilespmem:s30+$0xE80]  }
0x176: {  	s24 =	sshll.u32 s24, $0x4;
	[tilespmem:s30+$0xE00] =	vst v25;
	v25 =	vld [tilespmem:s30+$0x8E80];
	v22 =	vadd.f32 v22, v24  }
0x177: {  	v20 =	vmul.f32 v20, v6;
	s24 =	sadd.s32 s24, s12  }
0x178: {  	v19 =	vmul.f32 v19, v8;
	v23 =	vmul.f32 v23, v3  }
0x179: {  	v24 =	vmul.f32 v29, v2  }
0x17a: {  	v18 =	vadd.f32 v18, v19;
	v19 =	vmul.f32 v21, v7;
	[tilespmem:s30+$0xD80] =	vst v26  }
0x17b: {  	v21 =	vadd.f32 v23, v24;
	v23 =	vmul.f32 v27, v9;
	v24 =	vmul.f32 v25, v11;
	[tilespmem:s30+$0xF00] =	vst v22  }
0x17c: {  	[tilespmem:s30+$0xC80] =	vst v18;
	v18 =	vadd.f32 v19, v20  }
0x17d: {  	[tilespmem:s30+$0xC00] =	vst v21;
	v19 =	vadd.f32 v24, v23  }
0x17e: {  	[tilespmem:s30+$0xD00] =	vst v18  }
0x17f: {  	s26 =	sor.u32 $0x380, s31;
	s31 =	smov.u32 s24;
	[tilespmem:s30+$0xE80] =	vst v19  }
0x180: {  	v18 =	vld [tilespmem:s26+$0xC00]  }
0x181: {  	s24 =	sand.u32 $0x70, s25;
	s25 =	sand.u32 $0x3C00, s12;
	v19 =	vld [tilespmem:s26+$0x8C00]  }
0x182: {  	s30 =	sor.u32 s24, s25;
	_ =	sdelay $0x3  }
0x183: {  	v18 =	vmul.f32 v18, v4;
	v19 =	vmul.f32 v19, v5;
	_ =	sdelay $0x1  }
0x184: {  	v18 =	vadd.f32 v19, v18;
	_ =	sdelay $0x1  }
0x185: {  	[tilespmem:s26+$0xC00] =	vst v18  }
0x186: {  	v19 =	vld [tilespmem:s30+$0x8E00]  }
0x187: {  	v20 =	vld [tilespmem:s30+$0x8F00]  }
0x188: {  	v21 =	vld [tilespmem:s30+$0xE00]  }
0x189: {  	v26 =	vld [tilespmem:s30+$0xD80]  }
0x18a: {  	v18 =	vld [tilespmem:s30+$0x8C80]  }
0x18b: {  	v27 =	vld [tilespmem:s30+$0x8D80]  }
.Ltmp2:
0x18c: {  	v25 =	vmul.f32 v19, v16;
	v24 =	vld [tilespmem:s30+$0xF00];
	v22 =	vmul.f32 v20, v17;
	(pc) =	sbr.rel @p0 .LBB2_6-.Ltmp2, $4  }
0x18d: {  	v19 =	vld [tilespmem:s30+$0xC80]  }
0x18e: {  	v20 =	vld [tilespmem:s30+$0xD00]  }
0x18f: {  	v28 =	vmul.f32 v21, v15;
	v23 =	vld [tilespmem:s30+$0x8C00]  }
0x190: {  	v26 =	vmul.f32 v26, v12;
	v21 =	vld [tilespmem:s30+$0x8D00];
	v27 =	vmul.f32 v27, v13  }
0x191: {  	v12 =	vadd.f32 v25, v28;
	v13 =	vld [tilespmem:s30+$0xC00]  }
0x192: {  	v15 =	vld [tilespmem:s30+$0xE80]  }
0x193: {  	[tilespmem:s30+$0xE00] =	vst v12;
	v12 =	vld [tilespmem:s30+$0x8E80]  }
0x194: {  	v14 =	vmul.f32 v24, v14  }
0x195: {  	v10 =	vmul.f32 v18, v10;
	v16 =	vadd.f32 v27, v26;
	v8 =	vmul.f32 v19, v8  }
0x196: {  	v14 =	vadd.f32 v22, v14;
	v3 =	vmul.f32 v23, v3;
	v2 =	vmul.f32 v13, v2  }
0x197: {  	v6 =	vmul.f32 v20, v6;
	v8 =	vadd.f32 v10, v8;
	[tilespmem:s30+$0xD80] =	vst v16;
	v7 =	vmul.f32 v21, v7  }
0x198: {  	[tilespmem:s30+$0xF00] =	vst v14;
	v2 =	vadd.f32 v3, v2;
	v3 =	vmul.f32 v15, v9;
	v9 =	vmul.f32 v12, v11  }
0x199: {  	[tilespmem:s30+$0xC80] =	vst v8;
	v6 =	vadd.f32 v7, v6  }
0x19a: {  	[tilespmem:s30+$0xC00] =	vst v2;
	v2 =	vadd.f32 v9, v3  }
0x19b: {  	[tilespmem:s30+$0xD00] =	vst v6  }
0x19c: {  	s0 =	sor.u32 $0x380, s31;
	[tilespmem:s30+$0xE80] =	vst v2  }
0x19d: {  	v2 =	vld [tilespmem:s0+$0xC00]  }
0x19e: {  	v3 =	vld [tilespmem:s0+$0x8C00];
	_ =	sdelay $0x4  }
0x19f: {  	v2 =	vmul.f32 v2, v4;
	v3 =	vmul.f32 v3, v5;
	_ =	sdelay $0x1  }
0x1a0: {  	v2 =	vadd.f32 v3, v2;
	_ =	sdelay $0x1  }
0x1a1: {  	s12 =	simm.s32 $0x0;
	s24 =	rddreg [dreg:$0x8];
	[tilespmem:s0+$0xC00] =	vst v2  }
0x1a2: {  	[hbm4b:s24+s12] =	stream.linear.scatter [tilespmem:s29], [sflag:$0x5], $0x4000, $0x38;
	[tilespmem:$0x10C00] =	vst v63  }
0x1a3: {  	_ =	swait.ge [sflag:s17], $0x4000  }
0x1a4: {  	[sflag:s17] =	ssyncset.done $0x0  }
0x1a5: {  	[sflag:s17] =	ssyncadd.s32 $0xFFFFC000  }
0x1a6: {  	v2 =	vld.msk [tilespmem:$0x200], $0xff;
	_ =	sdelay $0x4  }
0x1a7: {  	v3 =	vshll.u32 v2, $0x4  }
0x1a8: {  	v2 =	vand.u32 $0x7, v2;
	v3 =	vand.u32 $0xFFFFFF80, v3  }
0x1a9: {  	v2 =	vor.u32 v2, v3  }
0x1aa: {  	v2 =	vperm.xlane v2, v0;
	_ =	sdelay $0x1  }
0x1ab: {  	v2 =	vadd.s32 v1, v2;
	_ =	sdelay $0x4  }
0x1ac: {  	[tilespmem:s29], [sflag:$0x1] =	stream.indirect_vreg.gather [hbm4b:s3+s12], $0x80, v2, vm0, $0xb8;
	[tilespmem:$0x10C00] =	vst v63  }
0x1ad: {  	s25 =	simm.s32 $0x1400  }
0x1ae: {  	[tilespmem:s25], [sflag:$0x1] =	stream.indirect_vreg.gather [hbm4b:s7+s12], $0x80, v2, vm0, $0xb8;
	[tilespmem:$0x10C00] =	vst v63  }
0x1af: {  	s26 =	simm.s32 $0x1C00  }
0x1b0: {  	[tilespmem:s26], [sflag:$0x1] =	stream.indirect_vreg.gather [hbm4b:s13+s12], $0x80, v2, vm0, $0xb8;
	[tilespmem:$0x10C00] =	vst v63  }
0x1b1: {  	s1 =	simm.s32 $0x2400  }
0x1b2: {  	[tilespmem:s1], [sflag:$0x1] =	stream.indirect_vreg.gather [hbm4b:s8+s12], $0x80, v2, vm0, $0xb8;
	[tilespmem:$0x10C00] =	vst v63  }
0x1b3: {  	s24 =	simm.s32 $0x2C00  }
0x1b4: {  	[tilespmem:s24], [sflag:$0x1] =	stream.indirect_vreg.gather [hbm4b:s9+s12], $0x80, v2, vm0, $0xb8;
	[tilespmem:$0x10C00] =	vst v63  }
0x1b5: {  	s25 =	simm.s32 $0x3400  }
0x1b6: {  	[tilespmem:s25], [sflag:$0x1] =	stream.indirect_vreg.gather [hbm4b:s10+s12], $0x80, v2, vm0, $0xb8;
	[tilespmem:$0x10C00] =	vst v63  }
0x1b7: {  	s26 =	simm.s32 $0x3C00  }
0x1b8: {  	[tilespmem:s26], [sflag:$0x1] =	stream.indirect_vreg.gather [hbm4b:s11+s12], $0x80, v2, vm0, $0xb8;
	[tilespmem:$0x10C00] =	vst v63  }
0x1b9: {  	s1 =	simm.s32 $0x4400  }
0x1ba: {  	[tilespmem:s1], [sflag:$0x1] =	stream.indirect_vreg.gather [hbm4b:s14+s12], $0x80, v2, vm0, $0xb8;
	[tilespmem:$0x10C00] =	vst v63  }
0x1bb: {  	v2 =	vld.msk [tilespmem:$0x600], $0xff;
	_ =	sdelay $0x4  }
0x1bc: {  	v3 =	vshll.u32 v2, $0x4  }
0x1bd: {  	v2 =	vand.u32 $0x7, v2;
	v3 =	vand.u32 $0xFFFFFF80, v3  }
0x1be: {  	v2 =	vor.u32 v2, v3  }
0x1bf: {  	v2 =	vperm.xlane v2, v0;
	_ =	sdelay $0x1  }
0x1c0: {  	v2 =	vadd.s32 v1, v2;
	_ =	sdelay $0x3  }
0x1c1: {  	s24 =	simm.s32 $0x8C00  }
0x1c2: {  	[tilespmem:s24], [sflag:$0x3] =	stream.indirect_vreg.gather [hbm4b:s3+s12], $0x80, v2, vm0, $0xb8;
	[tilespmem:$0x10C00] =	vst v63  }
0x1c3: {  	s25 =	simm.s32 $0x9400  }
0x1c4: {  	[tilespmem:s25], [sflag:$0x3] =	stream.indirect_vreg.gather [hbm4b:s7+s12], $0x80, v2, vm0, $0xb8;
	[tilespmem:$0x10C00] =	vst v63  }
0x1c5: {  	s26 =	simm.s32 $0x9C00  }
0x1c6: {  	[tilespmem:s26], [sflag:$0x3] =	stream.indirect_vreg.gather [hbm4b:s13+s12], $0x80, v2, vm0, $0xb8;
	[tilespmem:$0x10C00] =	vst v63  }
0x1c7: {  	s1 =	simm.s32 $0xA400  }
0x1c8: {  	[tilespmem:s1], [sflag:$0x3] =	stream.indirect_vreg.gather [hbm4b:s8+s12], $0x80, v2, vm0, $0xb8;
	[tilespmem:$0x10C00] =	vst v63  }
0x1c9: {  	s24 =	simm.s32 $0xAC00  }
0x1ca: {  	[tilespmem:s24], [sflag:$0x3] =	stream.indirect_vreg.gather [hbm4b:s9+s12], $0x80, v2, vm0, $0xb8;
	[tilespmem:$0x10C00] =	vst v63  }
0x1cb: {  	s25 =	simm.s32 $0xB400  }
0x1cc: {  	[tilespmem:s25], [sflag:$0x3] =	stream.indirect_vreg.gather [hbm4b:s10+s12], $0x80, v2, vm0, $0xb8;
	[tilespmem:$0x10C00] =	vst v63  }
0x1cd: {  	s26 =	simm.s32 $0xBC00  }
0x1ce: {  	[tilespmem:s26], [sflag:$0x3] =	stream.indirect_vreg.gather [hbm4b:s11+s12], $0x80, v2, vm0, $0xb8;
	[tilespmem:$0x10C00] =	vst v63  }
0x1cf: {  	s1 =	simm.s32 $0xC400  }
0x1d0: {  	[tilespmem:s1], [sflag:$0x3] =	stream.indirect_vreg.gather [hbm4b:s14+s12], $0x80, v2, vm0, $0xb8;
	[tilespmem:$0x10C00] =	vst v63  }
0x1d1: {  	_ =	swait.ge [sflag:s18], $0x4000  }
0x1d2: {  	[sflag:s18] =	ssyncset.done $0x0  }
0x1d3: {  	[sflag:s18] =	ssyncadd.s32 $0xFFFFC000  }
0x1d4: {  	_ =	swait.ge [sflag:s20], $0x4000  }
0x1d5: {  	[sflag:s20] =	ssyncset.done $0x0  }
0x1d6: {  	[sflag:s20] =	ssyncadd.s32 $0xFFFFC000  }
0x1d7: {  	v4 =	vld [tilespmem:$0x880]  }
0x1d8: {  	v5 =	vld [tilespmem:$0xA80];
	_ =	sdelay $0x1  }
0x1d9: {  	s24 =	sand.u32 $0x70, s12;
	s1 =	sand.u32 $0x3C00, s12  }
0x1da: {  	s30 =	sor.u32 s24, s1  }
0x1db: {  	v20 =	vld [tilespmem:s30+$0xCE00];
	v2 =	vbroadcast v4, $0x8  }
0x1dc: {  	v21 =	vld [tilespmem:s30+$0xCF00];
	v3 =	vbroadcast v5, $0x8;
	v8 =	vbroadcast v4, $0x9  }
0x1dd: {  	v26 =	vld [tilespmem:s30+$0x4E00];
	v10 =	vbroadcast v5, $0x9;
	v6 =	vbroadcast v4, $0xA  }
0x1de: {  	v27 =	vld [tilespmem:s30+$0x4D80];
	v7 =	vbroadcast v5, $0xA;
	v12 =	vbroadcast v4, $0xB  }
0x1df: {  	v18 =	vld [tilespmem:s30+$0xCC80];
	v13 =	vbroadcast v5, $0xB;
	v15 =	vbroadcast v4, $0xC  }
0x1e0: {  	v29 =	vld [tilespmem:s30+$0xCD80];
	v16 =	vbroadcast v5, $0xC;
	v9 =	vbroadcast v4, $0xD  }
0x1e1: {  	v24 =	vld [tilespmem:s30+$0x4F00];
	v11 =	vbroadcast v5, $0xD;
	v14 =	vbroadcast v4, $0xE  }
0x1e2: {  	v19 =	vld [tilespmem:s30+$0x4C80];
	v17 =	vbroadcast v5, $0xE;
	v4 =	vbroadcast v4, $0xF  }
0x1e3: {  	s25 =	sand.u32 $0x7, s12;
	v23 =	vld [tilespmem:s30+$0xCC00];
	v5 =	vbroadcast v5, $0xF;
	v25 =	vmul.f32 v20, v16  }
0x1e4: {  	s26 =	sshll.u32 s25, $0x4;
	v20 =	vld [tilespmem:s30+$0x4D00];
	v22 =	vmul.f32 v21, v17;
	v28 =	vmul.f32 v26, v15  }
0x1e5: {  	s0 =	simm.s32 $0x10;
	s31 =	sadd.s32 $0x0, s26;
	s1 =	simm.s32 $0x0;
	v21 =	vld [tilespmem:s30+$0xCD00];
	v26 =	vmul.f32 v27, v12;
	v27 =	vmul.f32 v29, v13  }
.LBB2_8:
0x1e6: {  	p0 =	sne.s32 s0, $0x7F0;
	v29 =	vld [tilespmem:s30+$0x4C00];
	v25 =	vadd.f32 v25, v28;
	v24 =	vmul.f32 v24, v14;
	s12 =	sadd.s32 $0x80, s12;
	s1 =	sadd.s32 $0x1, s1  }
0x1e7: {  	v18 =	vmul.f32 v18, v10;
	s25 =	smov.u32 s0;
	s0 =	sadd.s32 $0x10, s0;
	s24 =	sand.u32 $0x7, s1;
	v26 =	vadd.f32 v27, v26;
	v27 =	vld [tilespmem:s30+$0x4E80]  }
0x1e8: {  	s24 =	sshll.u32 s24, $0x4;
	[tilespmem:s30+$0x4E00] =	vst v25;
	v25 =	vld [tilespmem:s30+$0xCE80];
	v22 =	vadd.f32 v22, v24  }
0x1e9: {  	v20 =	vmul.f32 v20, v6;
	s24 =	sadd.s32 s24, s12  }
0x1ea: {  	v19 =	vmul.f32 v19, v8;
	v23 =	vmul.f32 v23, v3  }
0x1eb: {  	v24 =	vmul.f32 v29, v2  }
0x1ec: {  	v18 =	vadd.f32 v18, v19;
	v19 =	vmul.f32 v21, v7;
	[tilespmem:s30+$0x4D80] =	vst v26  }
0x1ed: {  	v21 =	vadd.f32 v23, v24;
	v23 =	vmul.f32 v27, v9;
	v24 =	vmul.f32 v25, v11;
	[tilespmem:s30+$0x4F00] =	vst v22  }
0x1ee: {  	[tilespmem:s30+$0x4C80] =	vst v18;
	v18 =	vadd.f32 v19, v20  }
0x1ef: {  	[tilespmem:s30+$0x4C00] =	vst v21;
	v19 =	vadd.f32 v24, v23  }
0x1f0: {  	[tilespmem:s30+$0x4D00] =	vst v18  }
0x1f1: {  	s26 =	sor.u32 $0x380, s31;
	s31 =	smov.u32 s24;
	[tilespmem:s30+$0x4E80] =	vst v19  }
0x1f2: {  	v18 =	vld [tilespmem:s26+$0x4C00]  }
0x1f3: {  	s24 =	sand.u32 $0x70, s25;
	s25 =	sand.u32 $0x3C00, s12;
	v19 =	vld [tilespmem:s26+$0xCC00]  }
0x1f4: {  	s30 =	sor.u32 s24, s25;
	_ =	sdelay $0x3  }
0x1f5: {  	v18 =	vmul.f32 v18, v4;
	v19 =	vmul.f32 v19, v5;
	_ =	sdelay $0x1  }
0x1f6: {  	v18 =	vadd.f32 v19, v18;
	_ =	sdelay $0x1  }
0x1f7: {  	[tilespmem:s26+$0x4C00] =	vst v18  }
0x1f8: {  	v19 =	vld [tilespmem:s30+$0xCE00]  }
0x1f9: {  	v20 =	vld [tilespmem:s30+$0xCF00]  }
0x1fa: {  	v21 =	vld [tilespmem:s30+$0x4E00]  }
0x1fb: {  	v26 =	vld [tilespmem:s30+$0x4D80]  }
0x1fc: {  	v18 =	vld [tilespmem:s30+$0xCC80]  }
0x1fd: {  	v27 =	vld [tilespmem:s30+$0xCD80]  }
.Ltmp3:
0x1fe: {  	v25 =	vmul.f32 v19, v16;
	v24 =	vld [tilespmem:s30+$0x4F00];
	v22 =	vmul.f32 v20, v17;
	(pc) =	sbr.rel @p0 .LBB2_8-.Ltmp3, $4  }
0x1ff: {  	v19 =	vld [tilespmem:s30+$0x4C80]  }
0x200: {  	v20 =	vld [tilespmem:s30+$0x4D00]  }
0x201: {  	v28 =	vmul.f32 v21, v15;
	v23 =	vld [tilespmem:s30+$0xCC00]  }
0x202: {  	v26 =	vmul.f32 v26, v12;
	v21 =	vld [tilespmem:s30+$0xCD00];
	v27 =	vmul.f32 v27, v13  }
0x203: {  	v12 =	vadd.f32 v25, v28;
	v13 =	vld [tilespmem:s30+$0x4C00]  }
0x204: {  	v15 =	vld [tilespmem:s30+$0x4E80]  }
0x205: {  	[tilespmem:s30+$0x4E00] =	vst v12;
	v12 =	vld [tilespmem:s30+$0xCE80]  }
0x206: {  	v14 =	vmul.f32 v24, v14  }
0x207: {  	v10 =	vmul.f32 v18, v10;
	v16 =	vadd.f32 v27, v26;
	v8 =	vmul.f32 v19, v8  }
0x208: {  	v14 =	vadd.f32 v22, v14;
	v3 =	vmul.f32 v23, v3;
	v2 =	vmul.f32 v13, v2  }
0x209: {  	v6 =	vmul.f32 v20, v6;
	v8 =	vadd.f32 v10, v8;
	[tilespmem:s30+$0x4D80] =	vst v16;
	v7 =	vmul.f32 v21, v7  }
0x20a: {  	[tilespmem:s30+$0x4F00] =	vst v14;
	v2 =	vadd.f32 v3, v2;
	v3 =	vmul.f32 v15, v9;
	v9 =	vmul.f32 v12, v11  }
0x20b: {  	[tilespmem:s30+$0x4C80] =	vst v8;
	v6 =	vadd.f32 v7, v6  }
0x20c: {  	[tilespmem:s30+$0x4C00] =	vst v2;
	v2 =	vadd.f32 v9, v3  }
0x20d: {  	[tilespmem:s30+$0x4D00] =	vst v6  }
0x20e: {  	s0 =	sor.u32 $0x380, s31;
	[tilespmem:s30+$0x4E80] =	vst v2  }
0x20f: {  	v2 =	vld [tilespmem:s0+$0x4C00]  }
0x210: {  	v3 =	vld [tilespmem:s0+$0xCC00];
	_ =	sdelay $0x4  }
0x211: {  	v2 =	vmul.f32 v2, v4;
	v3 =	vmul.f32 v3, v5;
	_ =	sdelay $0x1  }
0x212: {  	v2 =	vadd.f32 v3, v2;
	_ =	sdelay $0x1  }
0x213: {  	s12 =	simm.s32 $0x0;
	s24 =	rddreg [dreg:$0x9];
	[tilespmem:s0+$0x4C00] =	vst v2  }
0x214: {  	[hbm4b:s24+s12] =	stream.linear.scatter [tilespmem:s19], [sflag:$0x6], $0x4000, $0x38;
	[tilespmem:$0x10C00] =	vst v63  }
0x215: {  	_ =	swait.ge [sflag:s21], $0x4000  }
0x216: {  	[sflag:s21] =	ssyncset.done $0x0  }
0x217: {  	[sflag:s21] =	ssyncadd.s32 $0xFFFFC000  }
0x218: {  	v2 =	vld.msk [tilespmem:$0x280], $0xff;
	_ =	sdelay $0x4  }
0x219: {  	v3 =	vshll.u32 v2, $0x4  }
0x21a: {  	v2 =	vand.u32 $0x7, v2;
	v3 =	vand.u32 $0xFFFFFF80, v3  }
0x21b: {  	v2 =	vor.u32 v2, v3  }
0x21c: {  	v2 =	vperm.xlane v2, v0;
	_ =	sdelay $0x1  }
0x21d: {  	v2 =	vadd.s32 v1, v2;
	_ =	sdelay $0x4  }
0x21e: {  	[tilespmem:s19], [sflag:$0x2] =	stream.indirect_vreg.gather [hbm4b:s3+s12], $0x80, v2, vm0, $0xb8;
	[tilespmem:$0x10C00] =	vst v63  }
0x21f: {  	s25 =	simm.s32 $0x5400  }
0x220: {  	[tilespmem:s25], [sflag:$0x2] =	stream.indirect_vreg.gather [hbm4b:s7+s12], $0x80, v2, vm0, $0xb8;
	[tilespmem:$0x10C00] =	vst v63  }
0x221: {  	s26 =	simm.s32 $0x5C00  }
0x222: {  	[tilespmem:s26], [sflag:$0x2] =	stream.indirect_vreg.gather [hbm4b:s13+s12], $0x80, v2, vm0, $0xb8;
	[tilespmem:$0x10C00] =	vst v63  }
0x223: {  	s1 =	simm.s32 $0x6400  }
0x224: {  	[tilespmem:s1], [sflag:$0x2] =	stream.indirect_vreg.gather [hbm4b:s8+s12], $0x80, v2, vm0, $0xb8;
	[tilespmem:$0x10C00] =	vst v63  }
0x225: {  	s24 =	simm.s32 $0x6C00  }
0x226: {  	[tilespmem:s24], [sflag:$0x2] =	stream.indirect_vreg.gather [hbm4b:s9+s12], $0x80, v2, vm0, $0xb8;
	[tilespmem:$0x10C00] =	vst v63  }
0x227: {  	s25 =	simm.s32 $0x7400  }
0x228: {  	[tilespmem:s25], [sflag:$0x2] =	stream.indirect_vreg.gather [hbm4b:s10+s12], $0x80, v2, vm0, $0xb8;
	[tilespmem:$0x10C00] =	vst v63  }
0x229: {  	s26 =	simm.s32 $0x7C00  }
0x22a: {  	[tilespmem:s26], [sflag:$0x2] =	stream.indirect_vreg.gather [hbm4b:s11+s12], $0x80, v2, vm0, $0xb8;
	[tilespmem:$0x10C00] =	vst v63  }
0x22b: {  	s1 =	simm.s32 $0x8400  }
0x22c: {  	[tilespmem:s1], [sflag:$0x2] =	stream.indirect_vreg.gather [hbm4b:s14+s12], $0x80, v2, vm0, $0xb8;
	[tilespmem:$0x10C00] =	vst v63  }
0x22d: {  	v2 =	vld.msk [tilespmem:$0x680], $0xff;
	_ =	sdelay $0x4  }
0x22e: {  	v3 =	vshll.u32 v2, $0x4  }
0x22f: {  	v2 =	vand.u32 $0x7, v2;
	v3 =	vand.u32 $0xFFFFFF80, v3  }
0x230: {  	v2 =	vor.u32 v2, v3  }
0x231: {  	v2 =	vperm.xlane v2, v0;
	_ =	sdelay $0x1  }
0x232: {  	v2 =	vadd.s32 v1, v2;
	_ =	sdelay $0x3  }
0x233: {  	s24 =	simm.s32 $0xCC00  }
0x234: {  	[tilespmem:s24], [sflag:$0x4] =	stream.indirect_vreg.gather [hbm4b:s3+s12], $0x80, v2, vm0, $0xb8;
	[tilespmem:$0x10C00] =	vst v63  }
0x235: {  	s25 =	simm.s32 $0xD400  }
0x236: {  	[tilespmem:s25], [sflag:$0x4] =	stream.indirect_vreg.gather [hbm4b:s7+s12], $0x80, v2, vm0, $0xb8;
	[tilespmem:$0x10C00] =	vst v63  }
0x237: {  	s26 =	simm.s32 $0xDC00  }
0x238: {  	[tilespmem:s26], [sflag:$0x4] =	stream.indirect_vreg.gather [hbm4b:s13+s12], $0x80, v2, vm0, $0xb8;
	[tilespmem:$0x10C00] =	vst v63  }
0x239: {  	s1 =	simm.s32 $0xE400  }
0x23a: {  	[tilespmem:s1], [sflag:$0x4] =	stream.indirect_vreg.gather [hbm4b:s8+s12], $0x80, v2, vm0, $0xb8;
	[tilespmem:$0x10C00] =	vst v63  }
0x23b: {  	_ = 	snop  }
0x23c: {  	[tilespmem:s28], [sflag:$0x4] =	stream.indirect_vreg.gather [hbm4b:s9+s12], $0x80, v2, vm0, $0xb8;
	[tilespmem:$0x10C00] =	vst v63  }
0x23d: {  	_ = 	snop  }
0x23e: {  	[tilespmem:s4], [sflag:$0x4] =	stream.indirect_vreg.gather [hbm4b:s10+s12], $0x80, v2, vm0, $0xb8;
	[tilespmem:$0x10C00] =	vst v63  }
0x23f: {  	_ = 	snop  }
0x240: {  	[tilespmem:s5], [sflag:$0x4] =	stream.indirect_vreg.gather [hbm4b:s11+s12], $0x80, v2, vm0, $0xb8;
	[tilespmem:$0x10C00] =	vst v63  }
0x241: {  	_ = 	snop  }
0x242: {  	[tilespmem:s6], [sflag:$0x4] =	stream.indirect_vreg.gather [hbm4b:s14+s12], $0x80, v2, vm0, $0xb8;
	[tilespmem:$0x10C00] =	vst v63  }
0x243: {  	_ =	swait.ge [sflag:s15], $0x4000  }
0x244: {  	[sflag:s15] =	ssyncset.done $0x0  }
0x245: {  	[sflag:s15] =	ssyncadd.s32 $0xFFFFC000  }
0x246: {  	_ =	swait.ge [sflag:s16], $0x4000  }
0x247: {  	[sflag:s16] =	ssyncset.done $0x0  }
0x248: {  	[sflag:s16] =	ssyncadd.s32 $0xFFFFC000  }
0x249: {  	v4 =	vld [tilespmem:$0x900]  }
0x24a: {  	v5 =	vld [tilespmem:$0xB00];
	_ =	sdelay $0x1  }
0x24b: {  	s24 =	sand.u32 $0x70, s12;
	s1 =	sand.u32 $0x3C00, s12  }
0x24c: {  	s30 =	sor.u32 s24, s1  }
0x24d: {  	v20 =	vld [tilespmem:s30+$0x8E00];
	v2 =	vbroadcast v4, $0x0  }
0x24e: {  	v21 =	vld [tilespmem:s30+$0x8F00];
	v3 =	vbroadcast v5, $0x0;
	v8 =	vbroadcast v4, $0x1  }
0x24f: {  	v26 =	vld [tilespmem:s30+$0xE00];
	v10 =	vbroadcast v5, $0x1;
	v6 =	vbroadcast v4, $0x2  }
0x250: {  	v27 =	vld [tilespmem:s30+$0xD80];
	v7 =	vbroadcast v5, $0x2;
	v12 =	vbroadcast v4, $0x3  }
0x251: {  	v18 =	vld [tilespmem:s30+$0x8C80];
	v13 =	vbroadcast v5, $0x3;
	v15 =	vbroadcast v4, $0x4  }
0x252: {  	v29 =	vld [tilespmem:s30+$0x8D80];
	v16 =	vbroadcast v5, $0x4;
	v9 =	vbroadcast v4, $0x5  }
0x253: {  	v24 =	vld [tilespmem:s30+$0xF00];
	v11 =	vbroadcast v5, $0x5;
	v14 =	vbroadcast v4, $0x6  }
0x254: {  	v19 =	vld [tilespmem:s30+$0xC80];
	v17 =	vbroadcast v5, $0x6;
	v4 =	vbroadcast v4, $0x7  }
0x255: {  	s25 =	sand.u32 $0x7, s12;
	v23 =	vld [tilespmem:s30+$0x8C00];
	v5 =	vbroadcast v5, $0x7;
	v25 =	vmul.f32 v20, v16  }
0x256: {  	s26 =	sshll.u32 s25, $0x4;
	v20 =	vld [tilespmem:s30+$0xD00];
	v22 =	vmul.f32 v21, v17;
	v28 =	vmul.f32 v26, v15  }
0x257: {  	s0 =	simm.s32 $0x10;
	s31 =	sadd.s32 $0x0, s26;
	s1 =	simm.s32 $0x0;
	v21 =	vld [tilespmem:s30+$0x8D00];
	v26 =	vmul.f32 v27, v12;
	v27 =	vmul.f32 v29, v13  }
.LBB2_10:
0x258: {  	p0 =	sne.s32 s0, $0x7F0;
	v29 =	vld [tilespmem:s30+$0xC00];
	v25 =	vadd.f32 v25, v28;
	v24 =	vmul.f32 v24, v14;
	s12 =	sadd.s32 $0x80, s12;
	s1 =	sadd.s32 $0x1, s1  }
0x259: {  	v18 =	vmul.f32 v18, v10;
	s25 =	smov.u32 s0;
	s0 =	sadd.s32 $0x10, s0;
	s24 =	sand.u32 $0x7, s1;
	v26 =	vadd.f32 v27, v26;
	v27 =	vld [tilespmem:s30+$0xE80]  }
0x25a: {  	s24 =	sshll.u32 s24, $0x4;
	[tilespmem:s30+$0xE00] =	vst v25;
	v25 =	vld [tilespmem:s30+$0x8E80];
	v22 =	vadd.f32 v22, v24  }
0x25b: {  	v20 =	vmul.f32 v20, v6;
	s24 =	sadd.s32 s24, s12  }
0x25c: {  	v19 =	vmul.f32 v19, v8;
	v23 =	vmul.f32 v23, v3  }
0x25d: {  	v24 =	vmul.f32 v29, v2  }
0x25e: {  	v18 =	vadd.f32 v18, v19;
	v19 =	vmul.f32 v21, v7;
	[tilespmem:s30+$0xD80] =	vst v26  }
0x25f: {  	v21 =	vadd.f32 v23, v24;
	v23 =	vmul.f32 v27, v9;
	v24 =	vmul.f32 v25, v11;
	[tilespmem:s30+$0xF00] =	vst v22  }
0x260: {  	[tilespmem:s30+$0xC80] =	vst v18;
	v18 =	vadd.f32 v19, v20  }
0x261: {  	[tilespmem:s30+$0xC00] =	vst v21;
	v19 =	vadd.f32 v24, v23  }
0x262: {  	[tilespmem:s30+$0xD00] =	vst v18  }
0x263: {  	s26 =	sor.u32 $0x380, s31;
	s31 =	smov.u32 s24;
	[tilespmem:s30+$0xE80] =	vst v19  }
0x264: {  	v18 =	vld [tilespmem:s26+$0xC00]  }
0x265: {  	s24 =	sand.u32 $0x70, s25;
	s25 =	sand.u32 $0x3C00, s12;
	v19 =	vld [tilespmem:s26+$0x8C00]  }
0x266: {  	s30 =	sor.u32 s24, s25;
	_ =	sdelay $0x3  }
0x267: {  	v18 =	vmul.f32 v18, v4;
	v19 =	vmul.f32 v19, v5;
	_ =	sdelay $0x1  }
0x268: {  	v18 =	vadd.f32 v19, v18;
	_ =	sdelay $0x1  }
0x269: {  	[tilespmem:s26+$0xC00] =	vst v18  }
0x26a: {  	v19 =	vld [tilespmem:s30+$0x8E00]  }
0x26b: {  	v20 =	vld [tilespmem:s30+$0x8F00]  }
0x26c: {  	v21 =	vld [tilespmem:s30+$0xE00]  }
0x26d: {  	v26 =	vld [tilespmem:s30+$0xD80]  }
0x26e: {  	v18 =	vld [tilespmem:s30+$0x8C80]  }
0x26f: {  	v27 =	vld [tilespmem:s30+$0x8D80]  }
.Ltmp4:
0x270: {  	v25 =	vmul.f32 v19, v16;
	v24 =	vld [tilespmem:s30+$0xF00];
	v22 =	vmul.f32 v20, v17;
	(pc) =	sbr.rel @p0 .LBB2_10-.Ltmp4, $4  }
0x271: {  	v19 =	vld [tilespmem:s30+$0xC80]  }
0x272: {  	v20 =	vld [tilespmem:s30+$0xD00]  }
0x273: {  	v28 =	vmul.f32 v21, v15;
	v23 =	vld [tilespmem:s30+$0x8C00]  }
0x274: {  	v26 =	vmul.f32 v26, v12;
	v21 =	vld [tilespmem:s30+$0x8D00];
	v27 =	vmul.f32 v27, v13  }
0x275: {  	v12 =	vadd.f32 v25, v28;
	v13 =	vld [tilespmem:s30+$0xC00]  }
0x276: {  	v15 =	vld [tilespmem:s30+$0xE80]  }
0x277: {  	[tilespmem:s30+$0xE00] =	vst v12;
	v12 =	vld [tilespmem:s30+$0x8E80]  }
0x278: {  	v14 =	vmul.f32 v24, v14  }
0x279: {  	v10 =	vmul.f32 v18, v10;
	v16 =	vadd.f32 v27, v26;
	v8 =	vmul.f32 v19, v8  }
0x27a: {  	v14 =	vadd.f32 v22, v14;
	v3 =	vmul.f32 v23, v3;
	v2 =	vmul.f32 v13, v2  }
0x27b: {  	v6 =	vmul.f32 v20, v6;
	v8 =	vadd.f32 v10, v8;
	[tilespmem:s30+$0xD80] =	vst v16;
	v7 =	vmul.f32 v21, v7  }
0x27c: {  	[tilespmem:s30+$0xF00] =	vst v14;
	v2 =	vadd.f32 v3, v2;
	v3 =	vmul.f32 v15, v9;
	v9 =	vmul.f32 v12, v11  }
0x27d: {  	[tilespmem:s30+$0xC80] =	vst v8;
	v6 =	vadd.f32 v7, v6  }
0x27e: {  	[tilespmem:s30+$0xC00] =	vst v2;
	v2 =	vadd.f32 v9, v3  }
0x27f: {  	[tilespmem:s30+$0xD00] =	vst v6  }
0x280: {  	s0 =	sor.u32 $0x380, s31;
	[tilespmem:s30+$0xE80] =	vst v2  }
0x281: {  	v2 =	vld [tilespmem:s0+$0xC00]  }
0x282: {  	v3 =	vld [tilespmem:s0+$0x8C00];
	_ =	sdelay $0x4  }
0x283: {  	v2 =	vmul.f32 v2, v4;
	v3 =	vmul.f32 v3, v5;
	_ =	sdelay $0x1  }
0x284: {  	v2 =	vadd.f32 v3, v2;
	_ =	sdelay $0x1  }
0x285: {  	s12 =	simm.s32 $0x0;
	s24 =	rddreg [dreg:$0xa];
	[tilespmem:s0+$0xC00] =	vst v2  }
0x286: {  	[hbm4b:s24+s12] =	stream.linear.scatter [tilespmem:s29], [sflag:$0x5], $0x4000, $0x38;
	[tilespmem:$0x10C00] =	vst v63  }
0x287: {  	_ =	swait.ge [sflag:s17], $0x4000  }
0x288: {  	[sflag:s17] =	ssyncset.done $0x0  }
0x289: {  	[sflag:s17] =	ssyncadd.s32 $0xFFFFC000  }
0x28a: {  	v2 =	vld.msk [tilespmem:$0x300], $0xff;
	_ =	sdelay $0x4  }
0x28b: {  	v3 =	vshll.u32 v2, $0x4  }
0x28c: {  	v2 =	vand.u32 $0x7, v2;
	v3 =	vand.u32 $0xFFFFFF80, v3  }
0x28d: {  	v2 =	vor.u32 v2, v3  }
0x28e: {  	v2 =	vperm.xlane v2, v0;
	_ =	sdelay $0x1  }
0x28f: {  	v2 =	vadd.s32 v1, v2;
	_ =	sdelay $0x4  }
0x290: {  	[tilespmem:s29], [sflag:$0x1] =	stream.indirect_vreg.gather [hbm4b:s3+s12], $0x80, v2, vm0, $0xb8;
	[tilespmem:$0x10C00] =	vst v63  }
0x291: {  	s25 =	simm.s32 $0x1400  }
0x292: {  	[tilespmem:s25], [sflag:$0x1] =	stream.indirect_vreg.gather [hbm4b:s7+s12], $0x80, v2, vm0, $0xb8;
	[tilespmem:$0x10C00] =	vst v63  }
0x293: {  	s26 =	simm.s32 $0x1C00  }
0x294: {  	[tilespmem:s26], [sflag:$0x1] =	stream.indirect_vreg.gather [hbm4b:s13+s12], $0x80, v2, vm0, $0xb8;
	[tilespmem:$0x10C00] =	vst v63  }
0x295: {  	s1 =	simm.s32 $0x2400  }
0x296: {  	[tilespmem:s1], [sflag:$0x1] =	stream.indirect_vreg.gather [hbm4b:s8+s12], $0x80, v2, vm0, $0xb8;
	[tilespmem:$0x10C00] =	vst v63  }
0x297: {  	s24 =	simm.s32 $0x2C00  }
0x298: {  	[tilespmem:s24], [sflag:$0x1] =	stream.indirect_vreg.gather [hbm4b:s9+s12], $0x80, v2, vm0, $0xb8;
	[tilespmem:$0x10C00] =	vst v63  }
0x299: {  	s25 =	simm.s32 $0x3400  }
0x29a: {  	[tilespmem:s25], [sflag:$0x1] =	stream.indirect_vreg.gather [hbm4b:s10+s12], $0x80, v2, vm0, $0xb8;
	[tilespmem:$0x10C00] =	vst v63  }
0x29b: {  	s26 =	simm.s32 $0x3C00  }
0x29c: {  	[tilespmem:s26], [sflag:$0x1] =	stream.indirect_vreg.gather [hbm4b:s11+s12], $0x80, v2, vm0, $0xb8;
	[tilespmem:$0x10C00] =	vst v63  }
0x29d: {  	s1 =	simm.s32 $0x4400  }
0x29e: {  	[tilespmem:s1], [sflag:$0x1] =	stream.indirect_vreg.gather [hbm4b:s14+s12], $0x80, v2, vm0, $0xb8;
	[tilespmem:$0x10C00] =	vst v63  }
0x29f: {  	v2 =	vld.msk [tilespmem:$0x700], $0xff;
	_ =	sdelay $0x4  }
0x2a0: {  	v3 =	vshll.u32 v2, $0x4  }
0x2a1: {  	v2 =	vand.u32 $0x7, v2;
	v3 =	vand.u32 $0xFFFFFF80, v3  }
0x2a2: {  	v2 =	vor.u32 v2, v3  }
0x2a3: {  	v2 =	vperm.xlane v2, v0;
	_ =	sdelay $0x1  }
0x2a4: {  	v2 =	vadd.s32 v1, v2;
	_ =	sdelay $0x3  }
0x2a5: {  	s24 =	simm.s32 $0x8C00  }
0x2a6: {  	[tilespmem:s24], [sflag:$0x3] =	stream.indirect_vreg.gather [hbm4b:s3+s12], $0x80, v2, vm0, $0xb8;
	[tilespmem:$0x10C00] =	vst v63  }
0x2a7: {  	s25 =	simm.s32 $0x9400  }
0x2a8: {  	[tilespmem:s25], [sflag:$0x3] =	stream.indirect_vreg.gather [hbm4b:s7+s12], $0x80, v2, vm0, $0xb8;
	[tilespmem:$0x10C00] =	vst v63  }
0x2a9: {  	s26 =	simm.s32 $0x9C00  }
0x2aa: {  	[tilespmem:s26], [sflag:$0x3] =	stream.indirect_vreg.gather [hbm4b:s13+s12], $0x80, v2, vm0, $0xb8;
	[tilespmem:$0x10C00] =	vst v63  }
0x2ab: {  	s1 =	simm.s32 $0xA400  }
0x2ac: {  	[tilespmem:s1], [sflag:$0x3] =	stream.indirect_vreg.gather [hbm4b:s8+s12], $0x80, v2, vm0, $0xb8;
	[tilespmem:$0x10C00] =	vst v63  }
0x2ad: {  	s24 =	simm.s32 $0xAC00  }
0x2ae: {  	[tilespmem:s24], [sflag:$0x3] =	stream.indirect_vreg.gather [hbm4b:s9+s12], $0x80, v2, vm0, $0xb8;
	[tilespmem:$0x10C00] =	vst v63  }
0x2af: {  	s25 =	simm.s32 $0xB400  }
0x2b0: {  	[tilespmem:s25], [sflag:$0x3] =	stream.indirect_vreg.gather [hbm4b:s10+s12], $0x80, v2, vm0, $0xb8;
	[tilespmem:$0x10C00] =	vst v63  }
0x2b1: {  	s26 =	simm.s32 $0xBC00  }
0x2b2: {  	[tilespmem:s26], [sflag:$0x3] =	stream.indirect_vreg.gather [hbm4b:s11+s12], $0x80, v2, vm0, $0xb8;
	[tilespmem:$0x10C00] =	vst v63  }
0x2b3: {  	s1 =	simm.s32 $0xC400  }
0x2b4: {  	[tilespmem:s1], [sflag:$0x3] =	stream.indirect_vreg.gather [hbm4b:s14+s12], $0x80, v2, vm0, $0xb8;
	[tilespmem:$0x10C00] =	vst v63  }
0x2b5: {  	_ =	swait.ge [sflag:s18], $0x4000  }
0x2b6: {  	[sflag:s18] =	ssyncset.done $0x0  }
0x2b7: {  	[sflag:s18] =	ssyncadd.s32 $0xFFFFC000  }
0x2b8: {  	_ =	swait.ge [sflag:s20], $0x4000  }
0x2b9: {  	[sflag:s20] =	ssyncset.done $0x0  }
0x2ba: {  	[sflag:s20] =	ssyncadd.s32 $0xFFFFC000  }
0x2bb: {  	v4 =	vld [tilespmem:$0x900]  }
0x2bc: {  	v5 =	vld [tilespmem:$0xB00];
	_ =	sdelay $0x1  }
0x2bd: {  	s24 =	sand.u32 $0x70, s12;
	s1 =	sand.u32 $0x3C00, s12  }
0x2be: {  	s30 =	sor.u32 s24, s1  }
0x2bf: {  	v20 =	vld [tilespmem:s30+$0xCE00];
	v2 =	vbroadcast v4, $0x8  }
0x2c0: {  	v21 =	vld [tilespmem:s30+$0xCF00];
	v3 =	vbroadcast v5, $0x8;
	v8 =	vbroadcast v4, $0x9  }
0x2c1: {  	v26 =	vld [tilespmem:s30+$0x4E00];
	v10 =	vbroadcast v5, $0x9;
	v6 =	vbroadcast v4, $0xA  }
0x2c2: {  	v27 =	vld [tilespmem:s30+$0x4D80];
	v7 =	vbroadcast v5, $0xA;
	v12 =	vbroadcast v4, $0xB  }
0x2c3: {  	v18 =	vld [tilespmem:s30+$0xCC80];
	v13 =	vbroadcast v5, $0xB;
	v15 =	vbroadcast v4, $0xC  }
0x2c4: {  	v29 =	vld [tilespmem:s30+$0xCD80];
	v16 =	vbroadcast v5, $0xC;
	v9 =	vbroadcast v4, $0xD  }
0x2c5: {  	v24 =	vld [tilespmem:s30+$0x4F00];
	v11 =	vbroadcast v5, $0xD;
	v14 =	vbroadcast v4, $0xE  }
0x2c6: {  	v19 =	vld [tilespmem:s30+$0x4C80];
	v17 =	vbroadcast v5, $0xE;
	v4 =	vbroadcast v4, $0xF  }
0x2c7: {  	s25 =	sand.u32 $0x7, s12;
	v23 =	vld [tilespmem:s30+$0xCC00];
	v5 =	vbroadcast v5, $0xF;
	v25 =	vmul.f32 v20, v16  }
0x2c8: {  	s26 =	sshll.u32 s25, $0x4;
	v20 =	vld [tilespmem:s30+$0x4D00];
	v22 =	vmul.f32 v21, v17;
	v28 =	vmul.f32 v26, v15  }
0x2c9: {  	s0 =	simm.s32 $0x10;
	s31 =	sadd.s32 $0x0, s26;
	s1 =	simm.s32 $0x0;
	v21 =	vld [tilespmem:s30+$0xCD00];
	v26 =	vmul.f32 v27, v12;
	v27 =	vmul.f32 v29, v13  }
.LBB2_12:
0x2ca: {  	p0 =	sne.s32 s0, $0x7F0;
	v29 =	vld [tilespmem:s30+$0x4C00];
	v25 =	vadd.f32 v25, v28;
	v24 =	vmul.f32 v24, v14;
	s12 =	sadd.s32 $0x80, s12;
	s1 =	sadd.s32 $0x1, s1  }
0x2cb: {  	v18 =	vmul.f32 v18, v10;
	s25 =	smov.u32 s0;
	s0 =	sadd.s32 $0x10, s0;
	s24 =	sand.u32 $0x7, s1;
	v26 =	vadd.f32 v27, v26;
	v27 =	vld [tilespmem:s30+$0x4E80]  }
0x2cc: {  	s24 =	sshll.u32 s24, $0x4;
	[tilespmem:s30+$0x4E00] =	vst v25;
	v25 =	vld [tilespmem:s30+$0xCE80];
	v22 =	vadd.f32 v22, v24  }
0x2cd: {  	v20 =	vmul.f32 v20, v6;
	s24 =	sadd.s32 s24, s12  }
0x2ce: {  	v19 =	vmul.f32 v19, v8;
	v23 =	vmul.f32 v23, v3  }
0x2cf: {  	v24 =	vmul.f32 v29, v2  }
0x2d0: {  	v18 =	vadd.f32 v18, v19;
	v19 =	vmul.f32 v21, v7;
	[tilespmem:s30+$0x4D80] =	vst v26  }
0x2d1: {  	v21 =	vadd.f32 v23, v24;
	v23 =	vmul.f32 v27, v9;
	v24 =	vmul.f32 v25, v11;
	[tilespmem:s30+$0x4F00] =	vst v22  }
0x2d2: {  	[tilespmem:s30+$0x4C80] =	vst v18;
	v18 =	vadd.f32 v19, v20  }
0x2d3: {  	[tilespmem:s30+$0x4C00] =	vst v21;
	v19 =	vadd.f32 v24, v23  }
0x2d4: {  	[tilespmem:s30+$0x4D00] =	vst v18  }
0x2d5: {  	s26 =	sor.u32 $0x380, s31;
	s31 =	smov.u32 s24;
	[tilespmem:s30+$0x4E80] =	vst v19  }
0x2d6: {  	v18 =	vld [tilespmem:s26+$0x4C00]  }
0x2d7: {  	s24 =	sand.u32 $0x70, s25;
	s25 =	sand.u32 $0x3C00, s12;
	v19 =	vld [tilespmem:s26+$0xCC00]  }
0x2d8: {  	s30 =	sor.u32 s24, s25;
	_ =	sdelay $0x3  }
0x2d9: {  	v18 =	vmul.f32 v18, v4;
	v19 =	vmul.f32 v19, v5;
	_ =	sdelay $0x1  }
0x2da: {  	v18 =	vadd.f32 v19, v18;
	_ =	sdelay $0x1  }
0x2db: {  	[tilespmem:s26+$0x4C00] =	vst v18  }
0x2dc: {  	v19 =	vld [tilespmem:s30+$0xCE00]  }
0x2dd: {  	v20 =	vld [tilespmem:s30+$0xCF00]  }
0x2de: {  	v21 =	vld [tilespmem:s30+$0x4E00]  }
0x2df: {  	v26 =	vld [tilespmem:s30+$0x4D80]  }
0x2e0: {  	v18 =	vld [tilespmem:s30+$0xCC80]  }
0x2e1: {  	v27 =	vld [tilespmem:s30+$0xCD80]  }
.Ltmp5:
0x2e2: {  	v25 =	vmul.f32 v19, v16;
	v24 =	vld [tilespmem:s30+$0x4F00];
	v22 =	vmul.f32 v20, v17;
	(pc) =	sbr.rel @p0 .LBB2_12-.Ltmp5, $4  }
0x2e3: {  	v19 =	vld [tilespmem:s30+$0x4C80]  }
0x2e4: {  	v20 =	vld [tilespmem:s30+$0x4D00]  }
0x2e5: {  	v28 =	vmul.f32 v21, v15;
	v23 =	vld [tilespmem:s30+$0xCC00]  }
0x2e6: {  	v26 =	vmul.f32 v26, v12;
	v21 =	vld [tilespmem:s30+$0xCD00];
	v27 =	vmul.f32 v27, v13  }
0x2e7: {  	v12 =	vadd.f32 v25, v28;
	v13 =	vld [tilespmem:s30+$0x4C00]  }
0x2e8: {  	v15 =	vld [tilespmem:s30+$0x4E80]  }
0x2e9: {  	[tilespmem:s30+$0x4E00] =	vst v12;
	v12 =	vld [tilespmem:s30+$0xCE80]  }
0x2ea: {  	v14 =	vmul.f32 v24, v14  }
0x2eb: {  	v10 =	vmul.f32 v18, v10;
	v16 =	vadd.f32 v27, v26;
	v8 =	vmul.f32 v19, v8  }
0x2ec: {  	v14 =	vadd.f32 v22, v14;
	v3 =	vmul.f32 v23, v3;
	v2 =	vmul.f32 v13, v2  }
0x2ed: {  	v6 =	vmul.f32 v20, v6;
	v8 =	vadd.f32 v10, v8;
	[tilespmem:s30+$0x4D80] =	vst v16;
	v7 =	vmul.f32 v21, v7  }
0x2ee: {  	[tilespmem:s30+$0x4F00] =	vst v14;
	v2 =	vadd.f32 v3, v2;
	v3 =	vmul.f32 v15, v9;
	v9 =	vmul.f32 v12, v11  }
0x2ef: {  	[tilespmem:s30+$0x4C80] =	vst v8;
	v6 =	vadd.f32 v7, v6  }
0x2f0: {  	[tilespmem:s30+$0x4C00] =	vst v2;
	v2 =	vadd.f32 v9, v3  }
0x2f1: {  	[tilespmem:s30+$0x4D00] =	vst v6  }
0x2f2: {  	s0 =	sor.u32 $0x380, s31;
	[tilespmem:s30+$0x4E80] =	vst v2  }
0x2f3: {  	v2 =	vld [tilespmem:s0+$0x4C00]  }
0x2f4: {  	v3 =	vld [tilespmem:s0+$0xCC00];
	_ =	sdelay $0x4  }
0x2f5: {  	v2 =	vmul.f32 v2, v4;
	v3 =	vmul.f32 v3, v5;
	_ =	sdelay $0x1  }
0x2f6: {  	v2 =	vadd.f32 v3, v2;
	_ =	sdelay $0x1  }
0x2f7: {  	s12 =	simm.s32 $0x0;
	s24 =	rddreg [dreg:$0xb];
	[tilespmem:s0+$0x4C00] =	vst v2  }
0x2f8: {  	[hbm4b:s24+s12] =	stream.linear.scatter [tilespmem:s19], [sflag:$0x6], $0x4000, $0x38;
	[tilespmem:$0x10C00] =	vst v63  }
0x2f9: {  	_ =	swait.ge [sflag:s21], $0x4000  }
0x2fa: {  	[sflag:s21] =	ssyncset.done $0x0  }
0x2fb: {  	[sflag:s21] =	ssyncadd.s32 $0xFFFFC000  }
0x2fc: {  	v2 =	vld.msk [tilespmem:$0x380], $0xff;
	_ =	sdelay $0x4  }
0x2fd: {  	v3 =	vshll.u32 v2, $0x4  }
0x2fe: {  	v2 =	vand.u32 $0x7, v2;
	v3 =	vand.u32 $0xFFFFFF80, v3  }
0x2ff: {  	v2 =	vor.u32 v2, v3  }
0x300: {  	v2 =	vperm.xlane v2, v0;
	_ =	sdelay $0x1  }
0x301: {  	v2 =	vadd.s32 v1, v2;
	_ =	sdelay $0x4  }
0x302: {  	[tilespmem:s19], [sflag:$0x2] =	stream.indirect_vreg.gather [hbm4b:s3+s12], $0x80, v2, vm0, $0xb8;
	[tilespmem:$0x10C00] =	vst v63  }
0x303: {  	s25 =	simm.s32 $0x5400  }
0x304: {  	[tilespmem:s25], [sflag:$0x2] =	stream.indirect_vreg.gather [hbm4b:s7+s12], $0x80, v2, vm0, $0xb8;
	[tilespmem:$0x10C00] =	vst v63  }
0x305: {  	s26 =	simm.s32 $0x5C00  }
0x306: {  	[tilespmem:s26], [sflag:$0x2] =	stream.indirect_vreg.gather [hbm4b:s13+s12], $0x80, v2, vm0, $0xb8;
	[tilespmem:$0x10C00] =	vst v63  }
0x307: {  	s1 =	simm.s32 $0x6400  }
0x308: {  	[tilespmem:s1], [sflag:$0x2] =	stream.indirect_vreg.gather [hbm4b:s8+s12], $0x80, v2, vm0, $0xb8;
	[tilespmem:$0x10C00] =	vst v63  }
0x309: {  	s24 =	simm.s32 $0x6C00  }
0x30a: {  	[tilespmem:s24], [sflag:$0x2] =	stream.indirect_vreg.gather [hbm4b:s9+s12], $0x80, v2, vm0, $0xb8;
	[tilespmem:$0x10C00] =	vst v63  }
0x30b: {  	s25 =	simm.s32 $0x7400  }
0x30c: {  	[tilespmem:s25], [sflag:$0x2] =	stream.indirect_vreg.gather [hbm4b:s10+s12], $0x80, v2, vm0, $0xb8;
	[tilespmem:$0x10C00] =	vst v63  }
0x30d: {  	s26 =	simm.s32 $0x7C00  }
0x30e: {  	[tilespmem:s26], [sflag:$0x2] =	stream.indirect_vreg.gather [hbm4b:s11+s12], $0x80, v2, vm0, $0xb8;
	[tilespmem:$0x10C00] =	vst v63  }
0x30f: {  	s1 =	simm.s32 $0x8400  }
0x310: {  	[tilespmem:s1], [sflag:$0x2] =	stream.indirect_vreg.gather [hbm4b:s14+s12], $0x80, v2, vm0, $0xb8;
	[tilespmem:$0x10C00] =	vst v63  }
0x311: {  	v2 =	vld.msk [tilespmem:$0x780], $0xff;
	_ =	sdelay $0x4  }
0x312: {  	v3 =	vshll.u32 v2, $0x4  }
0x313: {  	v2 =	vand.u32 $0x7, v2;
	v3 =	vand.u32 $0xFFFFFF80, v3  }
0x314: {  	v2 =	vor.u32 v2, v3  }
0x315: {  	v2 =	vperm.xlane v2, v0;
	_ =	sdelay $0x1  }
0x316: {  	v2 =	vadd.s32 v1, v2;
	_ =	sdelay $0x3  }
0x317: {  	s24 =	simm.s32 $0xCC00  }
0x318: {  	[tilespmem:s24], [sflag:$0x4] =	stream.indirect_vreg.gather [hbm4b:s3+s12], $0x80, v2, vm0, $0xb8;
	[tilespmem:$0x10C00] =	vst v63  }
0x319: {  	s25 =	simm.s32 $0xD400  }
0x31a: {  	[tilespmem:s25], [sflag:$0x4] =	stream.indirect_vreg.gather [hbm4b:s7+s12], $0x80, v2, vm0, $0xb8;
	[tilespmem:$0x10C00] =	vst v63  }
0x31b: {  	s26 =	simm.s32 $0xDC00  }
0x31c: {  	[tilespmem:s26], [sflag:$0x4] =	stream.indirect_vreg.gather [hbm4b:s13+s12], $0x80, v2, vm0, $0xb8;
	[tilespmem:$0x10C00] =	vst v63  }
0x31d: {  	s1 =	simm.s32 $0xE400  }
0x31e: {  	[tilespmem:s1], [sflag:$0x4] =	stream.indirect_vreg.gather [hbm4b:s8+s12], $0x80, v2, vm0, $0xb8;
	[tilespmem:$0x10C00] =	vst v63  }
0x31f: {  	_ = 	snop  }
0x320: {  	[tilespmem:s28], [sflag:$0x4] =	stream.indirect_vreg.gather [hbm4b:s9+s12], $0x80, v2, vm0, $0xb8;
	[tilespmem:$0x10C00] =	vst v63  }
0x321: {  	_ = 	snop  }
0x322: {  	[tilespmem:s4], [sflag:$0x4] =	stream.indirect_vreg.gather [hbm4b:s10+s12], $0x80, v2, vm0, $0xb8;
	[tilespmem:$0x10C00] =	vst v63  }
0x323: {  	_ = 	snop  }
0x324: {  	[tilespmem:s5], [sflag:$0x4] =	stream.indirect_vreg.gather [hbm4b:s11+s12], $0x80, v2, vm0, $0xb8;
	[tilespmem:$0x10C00] =	vst v63  }
0x325: {  	_ = 	snop  }
0x326: {  	[tilespmem:s6], [sflag:$0x4] =	stream.indirect_vreg.gather [hbm4b:s14+s12], $0x80, v2, vm0, $0xb8;
	[tilespmem:$0x10C00] =	vst v63  }
0x327: {  	_ =	swait.ge [sflag:s15], $0x4000  }
0x328: {  	[sflag:s15] =	ssyncset.done $0x0  }
0x329: {  	[sflag:s15] =	ssyncadd.s32 $0xFFFFC000  }
0x32a: {  	_ =	swait.ge [sflag:s16], $0x4000  }
0x32b: {  	[sflag:s16] =	ssyncset.done $0x0  }
0x32c: {  	[sflag:s16] =	ssyncadd.s32 $0xFFFFC000  }
0x32d: {  	v4 =	vld [tilespmem:$0x980]  }
0x32e: {  	v5 =	vld [tilespmem:$0xB80];
	_ =	sdelay $0x1  }
0x32f: {  	s24 =	sand.u32 $0x70, s12;
	s1 =	sand.u32 $0x3C00, s12  }
0x330: {  	s30 =	sor.u32 s24, s1  }
0x331: {  	v20 =	vld [tilespmem:s30+$0x8E00];
	v2 =	vbroadcast v4, $0x0  }
0x332: {  	v21 =	vld [tilespmem:s30+$0x8F00];
	v3 =	vbroadcast v5, $0x0;
	v8 =	vbroadcast v4, $0x1  }
0x333: {  	v26 =	vld [tilespmem:s30+$0xE00];
	v10 =	vbroadcast v5, $0x1;
	v6 =	vbroadcast v4, $0x2  }
0x334: {  	v27 =	vld [tilespmem:s30+$0xD80];
	v7 =	vbroadcast v5, $0x2;
	v12 =	vbroadcast v4, $0x3  }
0x335: {  	v18 =	vld [tilespmem:s30+$0x8C80];
	v13 =	vbroadcast v5, $0x3;
	v15 =	vbroadcast v4, $0x4  }
0x336: {  	v29 =	vld [tilespmem:s30+$0x8D80];
	v16 =	vbroadcast v5, $0x4;
	v9 =	vbroadcast v4, $0x5  }
0x337: {  	v24 =	vld [tilespmem:s30+$0xF00];
	v11 =	vbroadcast v5, $0x5;
	v14 =	vbroadcast v4, $0x6  }
0x338: {  	v19 =	vld [tilespmem:s30+$0xC80];
	v17 =	vbroadcast v5, $0x6;
	v4 =	vbroadcast v4, $0x7  }
0x339: {  	s25 =	sand.u32 $0x7, s12;
	v23 =	vld [tilespmem:s30+$0x8C00];
	v5 =	vbroadcast v5, $0x7;
	v25 =	vmul.f32 v20, v16  }
0x33a: {  	s26 =	sshll.u32 s25, $0x4;
	v20 =	vld [tilespmem:s30+$0xD00];
	v22 =	vmul.f32 v21, v17;
	v28 =	vmul.f32 v26, v15  }
0x33b: {  	s0 =	simm.s32 $0x10;
	s31 =	sadd.s32 $0x0, s26;
	s1 =	simm.s32 $0x0;
	v21 =	vld [tilespmem:s30+$0x8D00];
	v26 =	vmul.f32 v27, v12;
	v27 =	vmul.f32 v29, v13  }
.LBB2_14:
0x33c: {  	p0 =	sne.s32 s0, $0x7F0;
	v29 =	vld [tilespmem:s30+$0xC00];
	v25 =	vadd.f32 v25, v28;
	v24 =	vmul.f32 v24, v14;
	s12 =	sadd.s32 $0x80, s12;
	s1 =	sadd.s32 $0x1, s1  }
0x33d: {  	v18 =	vmul.f32 v18, v10;
	s25 =	smov.u32 s0;
	s0 =	sadd.s32 $0x10, s0;
	s24 =	sand.u32 $0x7, s1;
	v26 =	vadd.f32 v27, v26;
	v27 =	vld [tilespmem:s30+$0xE80]  }
0x33e: {  	s24 =	sshll.u32 s24, $0x4;
	[tilespmem:s30+$0xE00] =	vst v25;
	v25 =	vld [tilespmem:s30+$0x8E80];
	v22 =	vadd.f32 v22, v24  }
0x33f: {  	v20 =	vmul.f32 v20, v6;
	s24 =	sadd.s32 s24, s12  }
0x340: {  	v19 =	vmul.f32 v19, v8;
	v23 =	vmul.f32 v23, v3  }
0x341: {  	v24 =	vmul.f32 v29, v2  }
0x342: {  	v18 =	vadd.f32 v18, v19;
	v19 =	vmul.f32 v21, v7;
	[tilespmem:s30+$0xD80] =	vst v26  }
0x343: {  	v21 =	vadd.f32 v23, v24;
	v23 =	vmul.f32 v27, v9;
	v24 =	vmul.f32 v25, v11;
	[tilespmem:s30+$0xF00] =	vst v22  }
0x344: {  	[tilespmem:s30+$0xC80] =	vst v18;
	v18 =	vadd.f32 v19, v20  }
0x345: {  	[tilespmem:s30+$0xC00] =	vst v21;
	v19 =	vadd.f32 v24, v23  }
0x346: {  	[tilespmem:s30+$0xD00] =	vst v18  }
0x347: {  	s26 =	sor.u32 $0x380, s31;
	s31 =	smov.u32 s24;
	[tilespmem:s30+$0xE80] =	vst v19  }
0x348: {  	v18 =	vld [tilespmem:s26+$0xC00]  }
0x349: {  	s24 =	sand.u32 $0x70, s25;
	s25 =	sand.u32 $0x3C00, s12;
	v19 =	vld [tilespmem:s26+$0x8C00]  }
0x34a: {  	s30 =	sor.u32 s24, s25;
	_ =	sdelay $0x3  }
0x34b: {  	v18 =	vmul.f32 v18, v4;
	v19 =	vmul.f32 v19, v5;
	_ =	sdelay $0x1  }
0x34c: {  	v18 =	vadd.f32 v19, v18;
	_ =	sdelay $0x1  }
0x34d: {  	[tilespmem:s26+$0xC00] =	vst v18  }
0x34e: {  	v19 =	vld [tilespmem:s30+$0x8E00]  }
0x34f: {  	v20 =	vld [tilespmem:s30+$0x8F00]  }
0x350: {  	v21 =	vld [tilespmem:s30+$0xE00]  }
0x351: {  	v26 =	vld [tilespmem:s30+$0xD80]  }
0x352: {  	v18 =	vld [tilespmem:s30+$0x8C80]  }
0x353: {  	v27 =	vld [tilespmem:s30+$0x8D80]  }
.Ltmp6:
0x354: {  	v25 =	vmul.f32 v19, v16;
	v24 =	vld [tilespmem:s30+$0xF00];
	v22 =	vmul.f32 v20, v17;
	(pc) =	sbr.rel @p0 .LBB2_14-.Ltmp6, $4  }
0x355: {  	v19 =	vld [tilespmem:s30+$0xC80]  }
0x356: {  	v20 =	vld [tilespmem:s30+$0xD00]  }
0x357: {  	v28 =	vmul.f32 v21, v15;
	v23 =	vld [tilespmem:s30+$0x8C00]  }
0x358: {  	v26 =	vmul.f32 v26, v12;
	v21 =	vld [tilespmem:s30+$0x8D00];
	v27 =	vmul.f32 v27, v13  }
0x359: {  	v12 =	vadd.f32 v25, v28;
	v13 =	vld [tilespmem:s30+$0xC00]  }
0x35a: {  	v15 =	vld [tilespmem:s30+$0xE80]  }
0x35b: {  	[tilespmem:s30+$0xE00] =	vst v12;
	v12 =	vld [tilespmem:s30+$0x8E80]  }
0x35c: {  	v14 =	vmul.f32 v24, v14  }
0x35d: {  	v10 =	vmul.f32 v18, v10;
	v16 =	vadd.f32 v27, v26;
	v8 =	vmul.f32 v19, v8  }
0x35e: {  	v14 =	vadd.f32 v22, v14;
	v3 =	vmul.f32 v23, v3;
	v2 =	vmul.f32 v13, v2  }
0x35f: {  	v6 =	vmul.f32 v20, v6;
	v8 =	vadd.f32 v10, v8;
	[tilespmem:s30+$0xD80] =	vst v16;
	v7 =	vmul.f32 v21, v7  }
0x360: {  	[tilespmem:s30+$0xF00] =	vst v14;
	v2 =	vadd.f32 v3, v2;
	v3 =	vmul.f32 v15, v9;
	v9 =	vmul.f32 v12, v11  }
0x361: {  	[tilespmem:s30+$0xC80] =	vst v8;
	v6 =	vadd.f32 v7, v6  }
0x362: {  	[tilespmem:s30+$0xC00] =	vst v2;
	v2 =	vadd.f32 v9, v3  }
0x363: {  	[tilespmem:s30+$0xD00] =	vst v6  }
0x364: {  	s0 =	sor.u32 $0x380, s31;
	[tilespmem:s30+$0xE80] =	vst v2  }
0x365: {  	v2 =	vld [tilespmem:s0+$0xC00]  }
0x366: {  	v3 =	vld [tilespmem:s0+$0x8C00];
	_ =	sdelay $0x4  }
0x367: {  	v2 =	vmul.f32 v2, v4;
	v3 =	vmul.f32 v3, v5;
	_ =	sdelay $0x1  }
0x368: {  	v2 =	vadd.f32 v3, v2;
	_ =	sdelay $0x1  }
0x369: {  	s12 =	rddreg [dreg:$0xc];
	s30 =	simm.s32 $0x0;
	[tilespmem:s0+$0xC00] =	vst v2  }
0x36a: {  	[hbm4b:s12+s30] =	stream.linear.scatter [tilespmem:s29], [sflag:$0x5], $0x4000, $0x38;
	[tilespmem:$0x10C00] =	vst v63  }
0x36b: {  	_ =	swait.ge [sflag:s18], $0x4000  }
0x36c: {  	[sflag:s18] =	ssyncset.done $0x0  }
0x36d: {  	[sflag:s18] =	ssyncadd.s32 $0xFFFFC000  }
0x36e: {  	_ =	swait.ge [sflag:s20], $0x4000  }
0x36f: {  	[sflag:s20] =	ssyncset.done $0x0  }
0x370: {  	[sflag:s20] =	ssyncadd.s32 $0xFFFFC000  }
0x371: {  	v4 =	vld [tilespmem:$0x980]  }
0x372: {  	v5 =	vld [tilespmem:$0xB80];
	_ =	sdelay $0x1  }
0x373: {  	s24 =	sand.u32 $0x70, s30;
	s1 =	sand.u32 $0x3C00, s30  }
0x374: {  	s12 =	sor.u32 s24, s1  }
0x375: {  	v20 =	vld [tilespmem:s12+$0xCE00];
	v2 =	vbroadcast v4, $0x8  }
0x376: {  	v21 =	vld [tilespmem:s12+$0xCF00];
	v3 =	vbroadcast v5, $0x8;
	v8 =	vbroadcast v4, $0x9  }
0x377: {  	v26 =	vld [tilespmem:s12+$0x4E00];
	v10 =	vbroadcast v5, $0x9;
	v6 =	vbroadcast v4, $0xA  }
0x378: {  	v27 =	vld [tilespmem:s12+$0x4D80];
	v7 =	vbroadcast v5, $0xA;
	v12 =	vbroadcast v4, $0xB  }
0x379: {  	v18 =	vld [tilespmem:s12+$0xCC80];
	v13 =	vbroadcast v5, $0xB;
	v15 =	vbroadcast v4, $0xC  }
0x37a: {  	v29 =	vld [tilespmem:s12+$0xCD80];
	v16 =	vbroadcast v5, $0xC;
	v9 =	vbroadcast v4, $0xD  }
0x37b: {  	v24 =	vld [tilespmem:s12+$0x4F00];
	v11 =	vbroadcast v5, $0xD;
	v14 =	vbroadcast v4, $0xE  }
0x37c: {  	v19 =	vld [tilespmem:s12+$0x4C80];
	v17 =	vbroadcast v5, $0xE;
	v4 =	vbroadcast v4, $0xF  }
0x37d: {  	s25 =	sand.u32 $0x7, s30;
	v23 =	vld [tilespmem:s12+$0xCC00];
	v5 =	vbroadcast v5, $0xF;
	v25 =	vmul.f32 v20, v16  }
0x37e: {  	s26 =	sshll.u32 s25, $0x4;
	v20 =	vld [tilespmem:s12+$0x4D00];
	v22 =	vmul.f32 v21, v17;
	v28 =	vmul.f32 v26, v15  }
0x37f: {  	s31 =	sadd.s32 $0x0, s26;
	s0 =	simm.s32 $0x10;
	s1 =	simm.s32 $0x0;
	v21 =	vld [tilespmem:s12+$0xCD00];
	v26 =	vmul.f32 v27, v12;
	v27 =	vmul.f32 v29, v13  }
.LBB2_16:
0x380: {  	p0 =	sne.s32 s0, $0x7F0;
	v29 =	vld [tilespmem:s12+$0x4C00];
	v25 =	vadd.f32 v25, v28;
	v24 =	vmul.f32 v24, v14;
	s30 =	sadd.s32 $0x80, s30;
	s1 =	sadd.s32 $0x1, s1  }
0x381: {  	v18 =	vmul.f32 v18, v10;
	s25 =	smov.u32 s0;
	s0 =	sadd.s32 $0x10, s0;
	s24 =	sand.u32 $0x7, s1;
	v26 =	vadd.f32 v27, v26;
	v27 =	vld [tilespmem:s12+$0x4E80]  }
0x382: {  	s24 =	sshll.u32 s24, $0x4;
	[tilespmem:s12+$0x4E00] =	vst v25;
	v25 =	vld [tilespmem:s12+$0xCE80];
	v22 =	vadd.f32 v22, v24  }
0x383: {  	v20 =	vmul.f32 v20, v6;
	s24 =	sadd.s32 s24, s30  }
0x384: {  	v19 =	vmul.f32 v19, v8;
	v23 =	vmul.f32 v23, v3  }
0x385: {  	v24 =	vmul.f32 v29, v2  }
0x386: {  	v18 =	vadd.f32 v18, v19;
	v19 =	vmul.f32 v21, v7;
	[tilespmem:s12+$0x4D80] =	vst v26  }
0x387: {  	v21 =	vadd.f32 v23, v24;
	v23 =	vmul.f32 v27, v9;
	v24 =	vmul.f32 v25, v11;
	[tilespmem:s12+$0x4F00] =	vst v22  }
0x388: {  	[tilespmem:s12+$0x4C80] =	vst v18;
	v18 =	vadd.f32 v19, v20  }
0x389: {  	[tilespmem:s12+$0x4C00] =	vst v21;
	v19 =	vadd.f32 v24, v23  }
0x38a: {  	[tilespmem:s12+$0x4D00] =	vst v18  }
0x38b: {  	s26 =	sor.u32 $0x380, s31;
	s31 =	smov.u32 s24;
	[tilespmem:s12+$0x4E80] =	vst v19  }
0x38c: {  	v18 =	vld [tilespmem:s26+$0x4C00]  }
0x38d: {  	s24 =	sand.u32 $0x3C00, s30;
	s12 =	sand.u32 $0x70, s25;
	v19 =	vld [tilespmem:s26+$0xCC00]  }
0x38e: {  	s12 =	sor.u32 s12, s24;
	_ =	sdelay $0x3  }
0x38f: {  	v18 =	vmul.f32 v18, v4;
	v19 =	vmul.f32 v19, v5;
	_ =	sdelay $0x1  }
0x390: {  	v18 =	vadd.f32 v19, v18;
	_ =	sdelay $0x1  }
0x391: {  	[tilespmem:s26+$0x4C00] =	vst v18  }
0x392: {  	v19 =	vld [tilespmem:s12+$0xCE00]  }
0x393: {  	v20 =	vld [tilespmem:s12+$0xCF00]  }
0x394: {  	v21 =	vld [tilespmem:s12+$0x4E00]  }
0x395: {  	v26 =	vld [tilespmem:s12+$0x4D80]  }
0x396: {  	v18 =	vld [tilespmem:s12+$0xCC80]  }
0x397: {  	v27 =	vld [tilespmem:s12+$0xCD80]  }
.Ltmp7:
0x398: {  	v25 =	vmul.f32 v19, v16;
	v24 =	vld [tilespmem:s12+$0x4F00];
	v22 =	vmul.f32 v20, v17;
	(pc) =	sbr.rel @p0 .LBB2_16-.Ltmp7, $4  }
0x399: {  	v19 =	vld [tilespmem:s12+$0x4C80]  }
0x39a: {  	v20 =	vld [tilespmem:s12+$0x4D00]  }
0x39b: {  	v28 =	vmul.f32 v21, v15;
	v23 =	vld [tilespmem:s12+$0xCC00]  }
0x39c: {  	v26 =	vmul.f32 v26, v12;
	v21 =	vld [tilespmem:s12+$0xCD00];
	v27 =	vmul.f32 v27, v13  }
0x39d: {  	v13 =	vld [tilespmem:s12+$0x4C00]  }
0x39e: {  	v15 =	vld [tilespmem:s12+$0x4E80]  }
0x39f: {  	v62 =	vld [tilespmem:s12+$0xCE80]  }
0x3a0: {  	v12 =	vadd.f32 v25, v28;
	v14 =	vmul.f32 v24, v14  }
0x3a1: {  	v10 =	vmul.f32 v18, v10;
	v16 =	vadd.f32 v27, v26;
	v8 =	vmul.f32 v19, v8  }
0x3a2: {  	[tilespmem:s12+$0x4E00] =	vst v12;
	v14 =	vadd.f32 v22, v14;
	v3 =	vmul.f32 v23, v3;
	v2 =	vmul.f32 v13, v2  }
0x3a3: {  	v6 =	vmul.f32 v20, v6;
	v8 =	vadd.f32 v10, v8;
	[tilespmem:s12+$0x4D80] =	vst v16;
	v7 =	vmul.f32 v21, v7  }
0x3a4: {  	[tilespmem:s12+$0x4F00] =	vst v14;
	v63 =	vmul.f32 v62, v11;
	v2 =	vadd.f32 v3, v2;
	v3 =	vmul.f32 v15, v9  }
0x3a5: {  	[tilespmem:s12+$0x4C80] =	vst v8;
	v6 =	vadd.f32 v7, v6  }
0x3a6: {  	[tilespmem:s12+$0x4C00] =	vst v2;
	v2 =	vadd.f32 v63, v3  }
0x3a7: {  	[tilespmem:s12+$0x4D00] =	vst v6  }
0x3a8: {  	s0 =	sor.u32 $0x380, s31;
	[tilespmem:s12+$0x4E80] =	vst v2  }
0x3a9: {  	v2 =	vld [tilespmem:s0+$0x4C00]  }
0x3aa: {  	v3 =	vld [tilespmem:s0+$0xCC00];
	_ =	sdelay $0x4  }
0x3ab: {  	v2 =	vmul.f32 v2, v4;
	v3 =	vmul.f32 v3, v5;
	_ =	sdelay $0x1  }
0x3ac: {  	v2 =	vadd.f32 v3, v2;
	_ =	sdelay $0x1  }
0x3ad: {  	s30 =	rddreg [dreg:$0xd];
	[tilespmem:s0+$0x4C00] =	vst v2  }
0x3ae: {  	[hbm4b:s30+s2] =	stream.linear.scatter [tilespmem:s19], [sflag:$0x6], $0x4000, $0x38;
	[tilespmem:$0x10C00] =	vst v63  }
0x3af: {  	_ =	swait.ge [sflag:s17], $0x4000  }
0x3b0: {  	[sflag:s17] =	ssyncset.done $0x0  }
0x3b1: {  	[sflag:s17] =	ssyncadd.s32 $0xFFFFC000  }
0x3b2: {  	_ =	swait.ge [sflag:s21], $0x4000  }
0x3b3: {  	s22 =	sadd.s32 $0x1, s22;
	s31 =	rddreg [dreg:$0xe]  }
0x3b4: {  	p0 =	sne.s32 s22, s31  }
.Ltmp8:
0x3b5: {  	_ = 	snop;
	(pc) =	sbr.rel @p0 .LBB2_1-.Ltmp8, $3  }
0x3b6: {  	_ =	sdelay $0x1  }
0x3b7: {  	[sflag:s21] =	ssyncset.done $0x0  }
0x3b8: {  	[sflag:s21] =	ssyncadd.s32 $0xFFFFC000  }
0x3b9: {  	_ =	sfence.sel $0x180000  }
0x3ba: {  	[bflag:$0x0] =	sbarrier.arrive $0xFFFF  }
0x3bb: {  	_ =	strace $0x9000004A  }
0x3bc: {  	s0 =	stileid.u32;
	[bflag:$0x2] =	sbarrier.arrive $0xFFFF  }
0x3bd: {  	p0 =	sne.s32 s0, $0x0;
	s0 =	rddreg [dreg:$0x2]  }
0x3be: {  	s0 =	sadd.s32 @!p0 $0x100000, s0  }
0x3bf: {  	[sflag:s0] =	ssyncadd.tile.s32 @!p0 $0x1;
	_ =	shalt  }
.Lfunc_end2:
_tile_overlayer_lowered:
.L_overlay_start_2:
0x3c0: {  	(tag) =	ssettag $0x2  }
0x3c1: {  	s0 =	rddreg [dreg:$0x0];
	s2 =	stileid.u32  }
0x3c2: {  	s1 =	rddreg [dreg:$0x1];
	p0 =	sne.s32 s2, $0x0  }
0x3c3: {  	s3 =	rddreg [dreg:$0x2];
	[bflag:$0x3] =	sbarrier.arrive $0xFFFF;
	s2 =	simm.s32 @!p0 $0x1C07  }
0x3c4: {  	[timem:s3], [sflag:s2] =	dma.local @!p0 [hbm:s0], s1  }
0x3c5: {  	s0 =	simm.s32 @!p0 $0x7  }
0x3c6: {  	_ =	swait.ge @!p0 [sflag:s0], s1  }
0x3c7: {  	s1 =	ssub.s32 @!p0 $0x0, s1;
	[sflag:s0] =	ssyncset.done @!p0 $0x0  }
0x3c8: {  	[sflag:s0] =	ssyncadd.s32 @!p0 s1  }
0x3c9: {  	[bflag:$0x3] =	sbarrier.arrive $0xFFFF  }
0x3ca: {  	_ =	shalt  }

</sc_bundles>
